<compile_context>
chip_gen: v7x
topology: tpu7x:2x2x1
jax: 0.10.2.dev20260603
libtpu: 0.0.44.dev20260713+nightly
codegen_flags: <defaults>
</compile_context>

<pallas_src>
import functools

import jax
import jax.numpy as jnp
from jax import lax
from jax.experimental import pallas as pl
from jax.experimental.pallas import tpu as pltpu
from jax.experimental.pallas import tpu_sc as plsc

N = 100000
D = 128
G = 64
NW = 32
B = 120
NB = 26
RPW = B * NB
TAIL = N - NW * RPW
TB = 32
NTW = TAIL // TB
HRW = N // NW
HRW_PAD = 3136
NV = HRW_PAD // 16

_mesh = plsc.VectorSubcoreMesh(core_axis_name="c", subcore_axis_name="s")


@functools.partial(
    pl.kernel,
    out_type=(
        jax.ShapeDtypeStruct((2, G, D), jnp.float32),
        jax.ShapeDtypeStruct((NW, G, 16), jnp.float32),
    ),
    mesh=_mesh,
    scratch_types=[
        pltpu.VMEM((2, B, D), jnp.float32),
        pltpu.VMEM((TB, D), jnp.float32),
        pltpu.SemaphoreType.DMA,
        pltpu.SemaphoreType.DMA,
        pltpu.VMEM((NB, B), jnp.int32),
        pltpu.VMEM((1, TB), jnp.int32),
        pltpu.VMEM((HRW_PAD,), jnp.int32),
        pltpu.VMEM((G, 16), jnp.float32),
        pltpu.VMEM_SHARED((G, D), jnp.float32),
    ],
)
def _seg_sum_sc(x_hbm, idx_hbm, idxt_hbm, idxf_hbm, sums_hbm, cnts_hbm,
                xbuf2, xtail, gsem, ssem, idxbuf, idxtail, idxflat, cntf,
                acc_sp):
    xbuf = xbuf2.at[0]
    c = lax.axis_index("c")
    s = lax.axis_index("s")
    wid = c * 16 + s
    zeros16 = jnp.zeros((16,), jnp.float32)
    rows_per_tile = G // 16

    for i in range(rows_per_tile):
        for g in range(D // 16):
            xbuf[i, pl.ds(g * 16, 16)] = zeros16
    pltpu.sync_copy(xbuf.at[pl.ds(0, rows_per_tile)],
                    acc_sp.at[pl.ds(s * rows_per_tile, rows_per_tile)])

    pltpu.sync_copy(idx_hbm.at[wid], idxbuf)
    pltpu.sync_copy(idxf_hbm.at[wid], idxflat)

    for k in range(G):
        cntf[k, :] = zeros16

    def hist_body(g, carry):
        gs = jnp.full((16,), g, jnp.int32)
        acc = jnp.zeros((16,), jnp.float32)
        one = jnp.ones((16,), jnp.float32)
        for j in range(NV):
            v = idxflat[pl.ds(j * 16, 16)]
            acc = acc + jnp.where(v == gs, one, zeros16)
        cntf[g, :] = acc
        return carry

    lax.fori_loop(0, G, hist_body, 0)
    pltpu.sync_copy(cntf, cnts_hbm.at[wid])
    plsc.subcore_barrier()

    base = wid * RPW
    pltpu.async_copy(x_hbm.at[pl.ds(base, B)], xbuf2.at[0], gsem)

    def sync_body(b, carry):
        buf = xbuf2.at[b % 2]
        pltpu.make_async_copy(x_hbm.at[pl.ds(base + b * B, B)], buf, gsem).wait()
        pltpu.async_copy(buf, acc_sp.at[idxbuf.at[b]], ssem, add=True)

        @pl.when(b >= 1)
        def _():
            pltpu.make_async_copy(xbuf2.at[(b + 1) % 2],
                                  acc_sp.at[idxbuf.at[b - 1]], ssem).wait()

        @pl.when(b + 1 < NB)
        def _():
            pltpu.async_copy(x_hbm.at[pl.ds(base + (b + 1) * B, B)],
                             xbuf2.at[(b + 1) % 2], gsem)

        return carry

    lax.fori_loop(0, NB, sync_body, 0)
    pltpu.make_async_copy(xbuf2.at[(NB - 1) % 2],
                          acc_sp.at[idxbuf.at[NB - 1]], ssem).wait()

    @pl.when(wid < NTW)
    def _():
        pltpu.sync_copy(idxt_hbm.at[wid], idxtail)
        pltpu.sync_copy(x_hbm.at[pl.ds(NW * RPW + wid * TB, TB)], xtail)
        pltpu.sync_copy(xtail, acc_sp.at[idxtail.at[0]], add=True)

    plsc.subcore_barrier()

    pltpu.sync_copy(acc_sp.at[pl.ds(s * rows_per_tile, rows_per_tile)],
                    xbuf.at[pl.ds(0, rows_per_tile)])
    pltpu.sync_copy(xbuf.at[pl.ds(0, rows_per_tile)],
                    sums_hbm.at[c, pl.ds(s * rows_per_tile, rows_per_tile)])


def _combine_tc(sums_ref, cnts_ref, out_ref):
    total = sums_ref[0] + sums_ref[1]
    cnt = jnp.sum(cnts_ref[...], axis=(0, 2))
    out_ref[...] = total / cnt[:, None]


def kernel(x, batch):
    seg = batch.astype(jnp.int32)
    segr = seg[:NW * RPW].reshape(NW, NB, B)
    segt = seg[NW * RPW:].reshape(NTW, 1, TB)
    segf = jnp.pad(seg.reshape(NW, HRW), ((0, 0), (0, HRW_PAD - HRW)),
                   constant_values=127)
    sums, cnts = _seg_sum_sc(x, segr, segt, segf)
    return pl.pallas_call(
        _combine_tc,
        out_shape=jax.ShapeDtypeStruct((G, D), jnp.float32),
    )(sums, cnts)

# --- scband reference (transcript-rebuilt; emitter-appended) ---
"""Pipeline reference for scband-graph-pooling-34815004901955 (READ-ONLY COPY).

The authoritative reference and input builder live on the scoring server;
editing this copy changes nothing except your own understanding.
"""

import jax, jax.numpy as jnp
import numpy as np

N = 100000
D = 128
NUM_GRAPHS = 64

def setup_inputs(seed: int = 0) -> dict:
    key = jax.random.key(seed)
    kx, kb = jax.random.split(key)
    x = jax.random.normal(kx, (N, D), dtype=jnp.float32)
    batch = jnp.sort(jax.random.randint(kb, (N,), 0, NUM_GRAPHS)).astype(jnp.int64)
    return {"x": x, "batch": batch}

def reference(x, batch):
    # GraphPooling(pooling_type='mean'): per-graph mean of node features.
    # Torch loops over graphs computing mean over masked nodes; equivalent
    # segment formulation: segment_sum / segment_count.
    num_graphs = NUM_GRAPHS
    seg = batch.astype(jnp.int32)
    sums = jax.ops.segment_sum(x, seg, num_segments=num_graphs)
    counts = jax.ops.segment_sum(jnp.ones((x.shape[0],), dtype=x.dtype), seg, num_segments=num_graphs)
    graph_emb = sums / counts[:, None]
    return graph_emb

if __name__ == "__main__":
    import jax
    _d = setup_inputs()
    print(jax.jit(kernel)(*tuple(_d.values())))

</pallas_src>

<mosaic_0001>
#map = affine_map<(d0, d1) -> (0, 0)>
#map1 = affine_map<(d0, d1) -> (0, 0, 0)>
module attributes {stable_mosaic.version = 14 : i64} {
  func.func @_seg_sum_sc(%arg0: i32, %arg1: i32, %arg2: memref<100000x128xf32, #tpu.memory_space<hbm>>, %arg3: memref<32x26x120xi32, #tpu.memory_space<hbm>>, %arg4: memref<5x1x32xi32, #tpu.memory_space<hbm>>, %arg5: memref<32x3136xi32, #tpu.memory_space<hbm>>, %arg6: memref<2x64x128xf32, #tpu.memory_space<hbm>>, %arg7: memref<32x64x16xf32, #tpu.memory_space<hbm>>, %arg8: memref<2x120x128xf32, #tpu.memory_space<vmem>>, %arg9: memref<32x128xf32, #tpu.memory_space<vmem>>, %arg10: memref<!tpu.dma_semaphore, #tpu.memory_space<semaphore_mem>>, %arg11: memref<!tpu.dma_semaphore, #tpu.memory_space<semaphore_mem>>, %arg12: memref<26x120xi32, #tpu.memory_space<vmem>>, %arg13: memref<1x32xi32, #tpu.memory_space<vmem>>, %arg14: memref<3136xi32, #tpu.memory_space<vmem>>, %arg15: memref<64x16xf32, #tpu.memory_space<vmem>>, %arg16: memref<64x128xf32, #tpu.memory_space<vmem_shared>>) attributes {dimension_semantics = [#tpu.dimension_semantics<core_parallel>, #tpu.dimension_semantics<subcore_parallel>], iteration_bounds = array<i64: 2, 16>, scalar_prefetch = 0 : i64, scratch_operands = 9 : i64, tpu.core_type = #tpu.core_type<sc_vector_subcore>, window_params = [{transform_indices = #map}, {transform_indices = #map1}, {transform_indices = #map1}, {transform_indices = #map}, {transform_indices = #map1}, {transform_indices = #map1}]} {
    %mul3A = arith.constant 16 : i32
    %mul3A_0 = arith.muli %arg0, %mul3A : i32
    %add3A = arith.addi %mul3A_0, %arg1 : i32
    %broadcast_in_dim3A = arith.constant 0.000000e+00 : f32
    %broadcast_in_dim3A_1 = vector.broadcast %broadcast_in_dim3A : f32 to vector<16xf32>
    %swap3A = arith.constant 0 : i32
    %swap3A_2 = arith.constant 0 : i32
    %swap3A_3 = arith.constant 0 : i32
    %swap3A_4 = arith.constant 0 : i32
    %swap3A_5 = tpu.memref_slice %arg8[%swap3A, %swap3A_3, %swap3A_4] : memref<2x120x128xf32, #tpu.memory_space<vmem>> -> memref<1x120x128xf32, #tpu.memory_space<vmem>>
    %swap3A_6 = tpu.memref_squeeze %swap3A_5 : memref<1x120x128xf32, #tpu.memory_space<vmem>> -> memref<120x128xf32, #tpu.memory_space<vmem>>
    %swap3A_7 = arith.index_cast %swap3A_2 : i32 to index
    %swap3A_8 = arith.constant 0 : index
    %swap3A_9 = tpu.vector_load %swap3A_6[%swap3A_7, %swap3A_8] {strides = array<i32>} : memref<120x128xf32, #tpu.memory_space<vmem>>, vector<1x16xf32>,
    %swap3A_10 = vector.shape_cast %swap3A_9 : vector<1x16xf32> to vector<16xf32>
    %swap3A_11 = vector.shape_cast %broadcast_in_dim3A_1 : vector<16xf32> to vector<1x16xf32>
    tpu.vector_store %swap3A_6[%swap3A_7, %swap3A_8], %swap3A_11 {strides = array<i32>} : memref<120x128xf32, #tpu.memory_space<vmem>>, vector<1x16xf32>,
    %swap3A_12 = arith.constant 0 : i32
    %swap3A_13 = arith.constant 0 : i32
    %swap3A_14 = arith.constant 0 : i32
    %swap3A_15 = arith.constant 0 : i32
    %swap3A_16 = tpu.memref_slice %arg8[%swap3A_12, %swap3A_14, %swap3A_15] : memref<2x120x128xf32, #tpu.memory_space<vmem>> -> memref<1x120x128xf32, #tpu.memory_space<vmem>>
    %swap3A_17 = tpu.memref_squeeze %swap3A_16 : memref<1x120x128xf32, #tpu.memory_space<vmem>> -> memref<120x128xf32, #tpu.memory_space<vmem>>
    %swap3A_18 = arith.index_cast %swap3A_13 : i32 to index
    %swap3A_19 = arith.constant 16 : index
    %swap3A_20 = tpu.vector_load %swap3A_17[%swap3A_18, %swap3A_19] {strides = array<i32>} : memref<120x128xf32, #tpu.memory_space<vmem>>, vector<1x16xf32>,
    %swap3A_21 = vector.shape_cast %swap3A_20 : vector<1x16xf32> to vector<16xf32>
    %swap3A_22 = vector.shape_cast %broadcast_in_dim3A_1 : vector<16xf32> to vector<1x16xf32>
    tpu.vector_store %swap3A_17[%swap3A_18, %swap3A_19], %swap3A_22 {strides = array<i32>} : memref<120x128xf32, #tpu.memory_space<vmem>>, vector<1x16xf32>,
    %swap3A_23 = arith.constant 0 : i32
    %swap3A_24 = arith.constant 0 : i32
    %swap3A_25 = arith.constant 0 : i32
    %swap3A_26 = arith.constant 0 : i32
    %swap3A_27 = tpu.memref_slice %arg8[%swap3A_23, %swap3A_25, %swap3A_26] : memref<2x120x128xf32, #tpu.memory_space<vmem>> -> memref<1x120x128xf32, #tpu.memory_space<vmem>>
    %swap3A_28 = tpu.memref_squeeze %swap3A_27 : memref<1x120x128xf32, #tpu.memory_space<vmem>> -> memref<120x128xf32, #tpu.memory_space<vmem>>
    %swap3A_29 = arith.index_cast %swap3A_24 : i32 to index
    %swap3A_30 = arith.constant 32 : index
    %swap3A_31 = tpu.vector_load %swap3A_28[%swap3A_29, %swap3A_30] {strides = array<i32>} : memref<120x128xf32, #tpu.memory_space<vmem>>, vector<1x16xf32>,
    %swap3A_32 = vector.shape_cast %swap3A_31 : vector<1x16xf32> to vector<16xf32>
    %swap3A_33 = vector.shape_cast %broadcast_in_dim3A_1 : vector<16xf32> to vector<1x16xf32>
    tpu.vector_store %swap3A_28[%swap3A_29, %swap3A_30], %swap3A_33 {strides = array<i32>} : memref<120x128xf32, #tpu.memory_space<vmem>>, vector<1x16xf32>,
    %swap3A_34 = arith.constant 0 : i32
    %swap3A_35 = arith.constant 0 : i32
    %swap3A_36 = arith.constant 0 : i32
    %swap3A_37 = arith.constant 0 : i32
    %swap3A_38 = tpu.memref_slice %arg8[%swap3A_34, %swap3A_36, %swap3A_37] : memref<2x120x128xf32, #tpu.memory_space<vmem>> -> memref<1x120x128xf32, #tpu.memory_space<vmem>>
    %swap3A_39 = tpu.memref_squeeze %swap3A_38 : memref<1x120x128xf32, #tpu.memory_space<vmem>> -> memref<120x128xf32, #tpu.memory_space<vmem>>
    %swap3A_40 = arith.index_cast %swap3A_35 : i32 to index
    %swap3A_41 = arith.constant 48 : index
    %swap3A_42 = tpu.vector_load %swap3A_39[%swap3A_40, %swap3A_41] {strides = array<i32>} : memref<120x128xf32, #tpu.memory_space<vmem>>, vector<1x16xf32>,
    %swap3A_43 = vector.shape_cast %swap3A_42 : vector<1x16xf32> to vector<16xf32>
    %swap3A_44 = vector.shape_cast %broadcast_in_dim3A_1 : vector<16xf32> to vector<1x16xf32>
    tpu.vector_store %swap3A_39[%swap3A_40, %swap3A_41], %swap3A_44 {strides = array<i32>} : memref<120x128xf32, #tpu.memory_space<vmem>>, vector<1x16xf32>,
    %swap3A_45 = arith.constant 0 : i32
    %swap3A_46 = arith.constant 0 : i32
    %swap3A_47 = arith.constant 0 : i32
    %swap3A_48 = arith.constant 0 : i32
    %swap3A_49 = tpu.memref_slice %arg8[%swap3A_45, %swap3A_47, %swap3A_48] : memref<2x120x128xf32, #tpu.memory_space<vmem>> -> memref<1x120x128xf32, #tpu.memory_space<vmem>>
    %swap3A_50 = tpu.memref_squeeze %swap3A_49 : memref<1x120x128xf32, #tpu.memory_space<vmem>> -> memref<120x128xf32, #tpu.memory_space<vmem>>
    %swap3A_51 = arith.index_cast %swap3A_46 : i32 to index
    %swap3A_52 = arith.constant 64 : index
    %swap3A_53 = tpu.vector_load %swap3A_50[%swap3A_51, %swap3A_52] {strides = array<i32>} : memref<120x128xf32, #tpu.memory_space<vmem>>, vector<1x16xf32>,
    %swap3A_54 = vector.shape_cast %swap3A_53 : vector<1x16xf32> to vector<16xf32>
    %swap3A_55 = vector.shape_cast %broadcast_in_dim3A_1 : vector<16xf32> to vector<1x16xf32>
    tpu.vector_store %swap3A_50[%swap3A_51, %swap3A_52], %swap3A_55 {strides = array<i32>} : memref<120x128xf32, #tpu.memory_space<vmem>>, vector<1x16xf32>,
    %swap3A_56 = arith.constant 0 : i32
    %swap3A_57 = arith.constant 0 : i32
    %swap3A_58 = arith.constant 0 : i32
    %swap3A_59 = arith.constant 0 : i32
    %swap3A_60 = tpu.memref_slice %arg8[%swap3A_56, %swap3A_58, %swap3A_59] : memref<2x120x128xf32, #tpu.memory_space<vmem>> -> memref<1x120x128xf32, #tpu.memory_space<vmem>>
    %swap3A_61 = tpu.memref_squeeze %swap3A_60 : memref<1x120x128xf32, #tpu.memory_space<vmem>> -> memref<120x128xf32, #tpu.memory_space<vmem>>
    %swap3A_62 = arith.index_cast %swap3A_57 : i32 to index
    %swap3A_63 = arith.constant 80 : index
    %swap3A_64 = tpu.vector_load %swap3A_61[%swap3A_62, %swap3A_63] {strides = array<i32>} : memref<120x128xf32, #tpu.memory_space<vmem>>, vector<1x16xf32>,
    %swap3A_65 = vector.shape_cast %swap3A_64 : vector<1x16xf32> to vector<16xf32>
    %swap3A_66 = vector.shape_cast %broadcast_in_dim3A_1 : vector<16xf32> to vector<1x16xf32>
    tpu.vector_store %swap3A_61[%swap3A_62, %swap3A_63], %swap3A_66 {strides = array<i32>} : memref<120x128xf32, #tpu.memory_space<vmem>>, vector<1x16xf32>,
    %swap3A_67 = arith.constant 0 : i32
    %swap3A_68 = arith.constant 0 : i32
    %swap3A_69 = arith.constant 0 : i32
    %swap3A_70 = arith.constant 0 : i32
    %swap3A_71 = tpu.memref_slice %arg8[%swap3A_67, %swap3A_69, %swap3A_70] : memref<2x120x128xf32, #tpu.memory_space<vmem>> -> memref<1x120x128xf32, #tpu.memory_space<vmem>>
    %swap3A_72 = tpu.memref_squeeze %swap3A_71 : memref<1x120x128xf32, #tpu.memory_space<vmem>> -> memref<120x128xf32, #tpu.memory_space<vmem>>
    %swap3A_73 = arith.index_cast %swap3A_68 : i32 to index
    %swap3A_74 = arith.constant 96 : index
    %swap3A_75 = tpu.vector_load %swap3A_72[%swap3A_73, %swap3A_74] {strides = array<i32>} : memref<120x128xf32, #tpu.memory_space<vmem>>, vector<1x16xf32>,
    %swap3A_76 = vector.shape_cast %swap3A_75 : vector<1x16xf32> to vector<16xf32>
    %swap3A_77 = vector.shape_cast %broadcast_in_dim3A_1 : vector<16xf32> to vector<1x16xf32>
    tpu.vector_store %swap3A_72[%swap3A_73, %swap3A_74], %swap3A_77 {strides = array<i32>} : memref<120x128xf32, #tpu.memory_space<vmem>>, vector<1x16xf32>,
    %swap3A_78 = arith.constant 0 : i32
    %swap3A_79 = arith.constant 0 : i32
    %swap3A_80 = arith.constant 0 : i32
    %swap3A_81 = arith.constant 0 : i32
    %swap3A_82 = tpu.memref_slice %arg8[%swap3A_78, %swap3A_80, %swap3A_81] : memref<2x120x128xf32, #tpu.memory_space<vmem>> -> memref<1x120x128xf32, #tpu.memory_space<vmem>>
    %swap3A_83 = tpu.memref_squeeze %swap3A_82 : memref<1x120x128xf32, #tpu.memory_space<vmem>> -> memref<120x128xf32, #tpu.memory_space<vmem>>
    %swap3A_84 = arith.index_cast %swap3A_79 : i32 to index
    %swap3A_85 = arith.constant 112 : index
    %swap3A_86 = tpu.vector_load %swap3A_83[%swap3A_84, %swap3A_85] {strides = array<i32>} : memref<120x128xf32, #tpu.memory_space<vmem>>, vector<1x16xf32>,
    %swap3A_87 = vector.shape_cast %swap3A_86 : vector<1x16xf32> to vector<16xf32>
    %swap3A_88 = vector.shape_cast %broadcast_in_dim3A_1 : vector<16xf32> to vector<1x16xf32>
    tpu.vector_store %swap3A_83[%swap3A_84, %swap3A_85], %swap3A_88 {strides = array<i32>} : memref<120x128xf32, #tpu.memory_space<vmem>>, vector<1x16xf32>,
    %swap3A_89 = arith.constant 0 : i32
    %swap3A_90 = arith.constant 1 : i32
    %swap3A_91 = arith.constant 0 : i32
    %swap3A_92 = arith.constant 0 : i32
    %swap3A_93 = tpu.memref_slice %arg8[%swap3A_89, %swap3A_91, %swap3A_92] : memref<2x120x128xf32, #tpu.memory_space<vmem>> -> memref<1x120x128xf32, #tpu.memory_space<vmem>>
    %swap3A_94 = tpu.memref_squeeze %swap3A_93 : memref<1x120x128xf32, #tpu.memory_space<vmem>> -> memref<120x128xf32, #tpu.memory_space<vmem>>
    %swap3A_95 = arith.index_cast %swap3A_90 : i32 to index
    %swap3A_96 = arith.constant 0 : index
    %swap3A_97 = tpu.vector_load %swap3A_94[%swap3A_95, %swap3A_96] {strides = array<i32>} : memref<120x128xf32, #tpu.memory_space<vmem>>, vector<1x16xf32>,
    %swap3A_98 = vector.shape_cast %swap3A_97 : vector<1x16xf32> to vector<16xf32>
    %swap3A_99 = vector.shape_cast %broadcast_in_dim3A_1 : vector<16xf32> to vector<1x16xf32>
    tpu.vector_store %swap3A_94[%swap3A_95, %swap3A_96], %swap3A_99 {strides = array<i32>} : memref<120x128xf32, #tpu.memory_space<vmem>>, vector<1x16xf32>,
    %swap3A_100 = arith.constant 0 : i32
    %swap3A_101 = arith.constant 1 : i32
    %swap3A_102 = arith.constant 0 : i32
    %swap3A_103 = arith.constant 0 : i32
    %swap3A_104 = tpu.memref_slice %arg8[%swap3A_100, %swap3A_102, %swap3A_103] : memref<2x120x128xf32, #tpu.memory_space<vmem>> -> memref<1x120x128xf32, #tpu.memory_space<vmem>>
    %swap3A_105 = tpu.memref_squeeze %swap3A_104 : memref<1x120x128xf32, #tpu.memory_space<vmem>> -> memref<120x128xf32, #tpu.memory_space<vmem>>
    %swap3A_106 = arith.index_cast %swap3A_101 : i32 to index
    %swap3A_107 = arith.constant 16 : index
    %swap3A_108 = tpu.vector_load %swap3A_105[%swap3A_106, %swap3A_107] {strides = array<i32>} : memref<120x128xf32, #tpu.memory_space<vmem>>, vector<1x16xf32>,
    %swap3A_109 = vector.shape_cast %swap3A_108 : vector<1x16xf32> to vector<16xf32>
    %swap3A_110 = vector.shape_cast %broadcast_in_dim3A_1 : vector<16xf32> to vector<1x16xf32>
    tpu.vector_store %swap3A_105[%swap3A_106, %swap3A_107], %swap3A_110 {strides = array<i32>} : memref<120x128xf32, #tpu.memory_space<vmem>>, vector<1x16xf32>,
    %swap3A_111 = arith.constant 0 : i32
    %swap3A_112 = arith.constant 1 : i32
    %swap3A_113 = arith.constant 0 : i32
    %swap3A_114 = arith.constant 0 : i32
    %swap3A_115 = tpu.memref_slice %arg8[%swap3A_111, %swap3A_113, %swap3A_114] : memref<2x120x128xf32, #tpu.memory_space<vmem>> -> memref<1x120x128xf32, #tpu.memory_space<vmem>>
    %swap3A_116 = tpu.memref_squeeze %swap3A_115 : memref<1x120x128xf32, #tpu.memory_space<vmem>> -> memref<120x128xf32, #tpu.memory_space<vmem>>
    %swap3A_117 = arith.index_cast %swap3A_112 : i32 to index
    %swap3A_118 = arith.constant 32 : index
    %swap3A_119 = tpu.vector_load %swap3A_116[%swap3A_117, %swap3A_118] {strides = array<i32>} : memref<120x128xf32, #tpu.memory_space<vmem>>, vector<1x16xf32>,
    %swap3A_120 = vector.shape_cast %swap3A_119 : vector<1x16xf32> to vector<16xf32>
    %swap3A_121 = vector.shape_cast %broadcast_in_dim3A_1 : vector<16xf32> to vector<1x16xf32>
    tpu.vector_store %swap3A_116[%swap3A_117, %swap3A_118], %swap3A_121 {strides = array<i32>} : memref<120x128xf32, #tpu.memory_space<vmem>>, vector<1x16xf32>,
    %swap3A_122 = arith.constant 0 : i32
    %swap3A_123 = arith.constant 1 : i32
    %swap3A_124 = arith.constant 0 : i32
    %swap3A_125 = arith.constant 0 : i32
    %swap3A_126 = tpu.memref_slice %arg8[%swap3A_122, %swap3A_124, %swap3A_125] : memref<2x120x128xf32, #tpu.memory_space<vmem>> -> memref<1x120x128xf32, #tpu.memory_space<vmem>>
    %swap3A_127 = tpu.memref_squeeze %swap3A_126 : memref<1x120x128xf32, #tpu.memory_space<vmem>> -> memref<120x128xf32, #tpu.memory_space<vmem>>
    %swap3A_128 = arith.index_cast %swap3A_123 : i32 to index
    %swap3A_129 = arith.constant 48 : index
    %swap3A_130 = tpu.vector_load %swap3A_127[%swap3A_128, %swap3A_129] {strides = array<i32>} : memref<120x128xf32, #tpu.memory_space<vmem>>, vector<1x16xf32>,
    %swap3A_131 = vector.shape_cast %swap3A_130 : vector<1x16xf32> to vector<16xf32>
    %swap3A_132 = vector.shape_cast %broadcast_in_dim3A_1 : vector<16xf32> to vector<1x16xf32>
    tpu.vector_store %swap3A_127[%swap3A_128, %swap3A_129], %swap3A_132 {strides = array<i32>} : memref<120x128xf32, #tpu.memory_space<vmem>>, vector<1x16xf32>,
    %swap3A_133 = arith.constant 0 : i32
    %swap3A_134 = arith.constant 1 : i32
    %swap3A_135 = arith.constant 0 : i32
    %swap3A_136 = arith.constant 0 : i32
    %swap3A_137 = tpu.memref_slice %arg8[%swap3A_133, %swap3A_135, %swap3A_136] : memref<2x120x128xf32, #tpu.memory_space<vmem>> -> memref<1x120x128xf32, #tpu.memory_space<vmem>>
    %swap3A_138 = tpu.memref_squeeze %swap3A_137 : memref<1x120x128xf32, #tpu.memory_space<vmem>> -> memref<120x128xf32, #tpu.memory_space<vmem>>
    %swap3A_139 = arith.index_cast %swap3A_134 : i32 to index
    %swap3A_140 = arith.constant 64 : index
    %swap3A_141 = tpu.vector_load %swap3A_138[%swap3A_139, %swap3A_140] {strides = array<i32>} : memref<120x128xf32, #tpu.memory_space<vmem>>, vector<1x16xf32>,
    %swap3A_142 = vector.shape_cast %swap3A_141 : vector<1x16xf32> to vector<16xf32>
    %swap3A_143 = vector.shape_cast %broadcast_in_dim3A_1 : vector<16xf32> to vector<1x16xf32>
    tpu.vector_store %swap3A_138[%swap3A_139, %swap3A_140], %swap3A_143 {strides = array<i32>} : memref<120x128xf32, #tpu.memory_space<vmem>>, vector<1x16xf32>,
    %swap3A_144 = arith.constant 0 : i32
    %swap3A_145 = arith.constant 1 : i32
    %swap3A_146 = arith.constant 0 : i32
    %swap3A_147 = arith.constant 0 : i32
    %swap3A_148 = tpu.memref_slice %arg8[%swap3A_144, %swap3A_146, %swap3A_147] : memref<2x120x128xf32, #tpu.memory_space<vmem>> -> memref<1x120x128xf32, #tpu.memory_space<vmem>>
    %swap3A_149 = tpu.memref_squeeze %swap3A_148 : memref<1x120x128xf32, #tpu.memory_space<vmem>> -> memref<120x128xf32, #tpu.memory_space<vmem>>
    %swap3A_150 = arith.index_cast %swap3A_145 : i32 to index
    %swap3A_151 = arith.constant 80 : index
    %swap3A_152 = tpu.vector_load %swap3A_149[%swap3A_150, %swap3A_151] {strides = array<i32>} : memref<120x128xf32, #tpu.memory_space<vmem>>, vector<1x16xf32>,
    %swap3A_153 = vector.shape_cast %swap3A_152 : vector<1x16xf32> to vector<16xf32>
    %swap3A_154 = vector.shape_cast %broadcast_in_dim3A_1 : vector<16xf32> to vector<1x16xf32>
    tpu.vector_store %swap3A_149[%swap3A_150, %swap3A_151], %swap3A_154 {strides = array<i32>} : memref<120x128xf32, #tpu.memory_space<vmem>>, vector<1x16xf32>,
    %swap3A_155 = arith.constant 0 : i32
    %swap3A_156 = arith.constant 1 : i32
    %swap3A_157 = arith.constant 0 : i32
    %swap3A_158 = arith.constant 0 : i32
    %swap3A_159 = tpu.memref_slice %arg8[%swap3A_155, %swap3A_157, %swap3A_158] : memref<2x120x128xf32, #tpu.memory_space<vmem>> -> memref<1x120x128xf32, #tpu.memory_space<vmem>>
    %swap3A_160 = tpu.memref_squeeze %swap3A_159 : memref<1x120x128xf32, #tpu.memory_space<vmem>> -> memref<120x128xf32, #tpu.memory_space<vmem>>
    %swap3A_161 = arith.index_cast %swap3A_156 : i32 to index
    %swap3A_162 = arith.constant 96 : index
    %swap3A_163 = tpu.vector_load %swap3A_160[%swap3A_161, %swap3A_162] {strides = array<i32>} : memref<120x128xf32, #tpu.memory_space<vmem>>, vector<1x16xf32>,
    %swap3A_164 = vector.shape_cast %swap3A_163 : vector<1x16xf32> to vector<16xf32>
    %swap3A_165 = vector.shape_cast %broadcast_in_dim3A_1 : vector<16xf32> to vector<1x16xf32>
    tpu.vector_store %swap3A_160[%swap3A_161, %swap3A_162], %swap3A_165 {strides = array<i32>} : memref<120x128xf32, #tpu.memory_space<vmem>>, vector<1x16xf32>,
    %swap3A_166 = arith.constant 0 : i32
    %swap3A_167 = arith.constant 1 : i32
    %swap3A_168 = arith.constant 0 : i32
    %swap3A_169 = arith.constant 0 : i32
    %swap3A_170 = tpu.memref_slice %arg8[%swap3A_166, %swap3A_168, %swap3A_169] : memref<2x120x128xf32, #tpu.memory_space<vmem>> -> memref<1x120x128xf32, #tpu.memory_space<vmem>>
    %swap3A_171 = tpu.memref_squeeze %swap3A_170 : memref<1x120x128xf32, #tpu.memory_space<vmem>> -> memref<120x128xf32, #tpu.memory_space<vmem>>
    %swap3A_172 = arith.index_cast %swap3A_167 : i32 to index
    %swap3A_173 = arith.constant 112 : index
    %swap3A_174 = tpu.vector_load %swap3A_171[%swap3A_172, %swap3A_173] {strides = array<i32>} : memref<120x128xf32, #tpu.memory_space<vmem>>, vector<1x16xf32>,
    %swap3A_175 = vector.shape_cast %swap3A_174 : vector<1x16xf32> to vector<16xf32>
    %swap3A_176 = vector.shape_cast %broadcast_in_dim3A_1 : vector<16xf32> to vector<1x16xf32>
    tpu.vector_store %swap3A_171[%swap3A_172, %swap3A_173], %swap3A_176 {strides = array<i32>} : memref<120x128xf32, #tpu.memory_space<vmem>>, vector<1x16xf32>,
    %swap3A_177 = arith.constant 0 : i32
    %swap3A_178 = arith.constant 2 : i32
    %swap3A_179 = arith.constant 0 : i32
    %swap3A_180 = arith.constant 0 : i32
    %swap3A_181 = tpu.memref_slice %arg8[%swap3A_177, %swap3A_179, %swap3A_180] : memref<2x120x128xf32, #tpu.memory_space<vmem>> -> memref<1x120x128xf32, #tpu.memory_space<vmem>>
    %swap3A_182 = tpu.memref_squeeze %swap3A_181 : memref<1x120x128xf32, #tpu.memory_space<vmem>> -> memref<120x128xf32, #tpu.memory_space<vmem>>
    %swap3A_183 = arith.index_cast %swap3A_178 : i32 to index
    %swap3A_184 = arith.constant 0 : index
    %swap3A_185 = tpu.vector_load %swap3A_182[%swap3A_183, %swap3A_184] {strides = array<i32>} : memref<120x128xf32, #tpu.memory_space<vmem>>, vector<1x16xf32>,
    %swap3A_186 = vector.shape_cast %swap3A_185 : vector<1x16xf32> to vector<16xf32>
    %swap3A_187 = vector.shape_cast %broadcast_in_dim3A_1 : vector<16xf32> to vector<1x16xf32>
    tpu.vector_store %swap3A_182[%swap3A_183, %swap3A_184], %swap3A_187 {strides = array<i32>} : memref<120x128xf32, #tpu.memory_space<vmem>>, vector<1x16xf32>,
    %swap3A_188 = arith.constant 0 : i32
    %swap3A_189 = arith.constant 2 : i32
    %swap3A_190 = arith.constant 0 : i32
    %swap3A_191 = arith.constant 0 : i32
    %swap3A_192 = tpu.memref_slice %arg8[%swap3A_188, %swap3A_190, %swap3A_191] : memref<2x120x128xf32, #tpu.memory_space<vmem>> -> memref<1x120x128xf32, #tpu.memory_space<vmem>>
    %swap3A_193 = tpu.memref_squeeze %swap3A_192 : memref<1x120x128xf32, #tpu.memory_space<vmem>> -> memref<120x128xf32, #tpu.memory_space<vmem>>
    %swap3A_194 = arith.index_cast %swap3A_189 : i32 to index
    %swap3A_195 = arith.constant 16 : index
    %swap3A_196 = tpu.vector_load %swap3A_193[%swap3A_194, %swap3A_195] {strides = array<i32>} : memref<120x128xf32, #tpu.memory_space<vmem>>, vector<1x16xf32>,
    %swap3A_197 = vector.shape_cast %swap3A_196 : vector<1x16xf32> to vector<16xf32>
    %swap3A_198 = vector.shape_cast %broadcast_in_dim3A_1 : vector<16xf32> to vector<1x16xf32>
    tpu.vector_store %swap3A_193[%swap3A_194, %swap3A_195], %swap3A_198 {strides = array<i32>} : memref<120x128xf32, #tpu.memory_space<vmem>>, vector<1x16xf32>,
    %swap3A_199 = arith.constant 0 : i32
    %swap3A_200 = arith.constant 2 : i32
    %swap3A_201 = arith.constant 0 : i32
    %swap3A_202 = arith.constant 0 : i32
    %swap3A_203 = tpu.memref_slice %arg8[%swap3A_199, %swap3A_201, %swap3A_202] : memref<2x120x128xf32, #tpu.memory_space<vmem>> -> memref<1x120x128xf32, #tpu.memory_space<vmem>>
    %swap3A_204 = tpu.memref_squeeze %swap3A_203 : memref<1x120x128xf32, #tpu.memory_space<vmem>> -> memref<120x128xf32, #tpu.memory_space<vmem>>
    %swap3A_205 = arith.index_cast %swap3A_200 : i32 to index
    %swap3A_206 = arith.constant 32 : index
    %swap3A_207 = tpu.vector_load %swap3A_204[%swap3A_205, %swap3A_206] {strides = array<i32>} : memref<120x128xf32, #tpu.memory_space<vmem>>, vector<1x16xf32>,
    %swap3A_208 = vector.shape_cast %swap3A_207 : vector<1x16xf32> to vector<16xf32>
    %swap3A_209 = vector.shape_cast %broadcast_in_dim3A_1 : vector<16xf32> to vector<1x16xf32>
    tpu.vector_store %swap3A_204[%swap3A_205, %swap3A_206], %swap3A_209 {strides = array<i32>} : memref<120x128xf32, #tpu.memory_space<vmem>>, vector<1x16xf32>,
    %swap3A_210 = arith.constant 0 : i32
    %swap3A_211 = arith.constant 2 : i32
    %swap3A_212 = arith.constant 0 : i32
    %swap3A_213 = arith.constant 0 : i32
    %swap3A_214 = tpu.memref_slice %arg8[%swap3A_210, %swap3A_212, %swap3A_213] : memref<2x120x128xf32, #tpu.memory_space<vmem>> -> memref<1x120x128xf32, #tpu.memory_space<vmem>>
    %swap3A_215 = tpu.memref_squeeze %swap3A_214 : memref<1x120x128xf32, #tpu.memory_space<vmem>> -> memref<120x128xf32, #tpu.memory_space<vmem>>
    %swap3A_216 = arith.index_cast %swap3A_211 : i32 to index
    %swap3A_217 = arith.constant 48 : index
    %swap3A_218 = tpu.vector_load %swap3A_215[%swap3A_216, %swap3A_217] {strides = array<i32>} : memref<120x128xf32, #tpu.memory_space<vmem>>, vector<1x16xf32>,
    %swap3A_219 = vector.shape_cast %swap3A_218 : vector<1x16xf32> to vector<16xf32>
    %swap3A_220 = vector.shape_cast %broadcast_in_dim3A_1 : vector<16xf32> to vector<1x16xf32>
    tpu.vector_store %swap3A_215[%swap3A_216, %swap3A_217], %swap3A_220 {strides = array<i32>} : memref<120x128xf32, #tpu.memory_space<vmem>>, vector<1x16xf32>,
    %swap3A_221 = arith.constant 0 : i32
    %swap3A_222 = arith.constant 2 : i32
    %swap3A_223 = arith.constant 0 : i32
    %swap3A_224 = arith.constant 0 : i32
    %swap3A_225 = tpu.memref_slice %arg8[%swap3A_221, %swap3A_223, %swap3A_224] : memref<2x120x128xf32, #tpu.memory_space<vmem>> -> memref<1x120x128xf32, #tpu.memory_space<vmem>>
    %swap3A_226 = tpu.memref_squeeze %swap3A_225 : memref<1x120x128xf32, #tpu.memory_space<vmem>> -> memref<120x128xf32, #tpu.memory_space<vmem>>
    %swap3A_227 = arith.index_cast %swap3A_222 : i32 to index
    %swap3A_228 = arith.constant 64 : index
    %swap3A_229 = tpu.vector_load %swap3A_226[%swap3A_227, %swap3A_228] {strides = array<i32>} : memref<120x128xf32, #tpu.memory_space<vmem>>, vector<1x16xf32>,
    %swap3A_230 = vector.shape_cast %swap3A_229 : vector<1x16xf32> to vector<16xf32>
    %swap3A_231 = vector.shape_cast %broadcast_in_dim3A_1 : vector<16xf32> to vector<1x16xf32>
    tpu.vector_store %swap3A_226[%swap3A_227, %swap3A_228], %swap3A_231 {strides = array<i32>} : memref<120x128xf32, #tpu.memory_space<vmem>>, vector<1x16xf32>,
    %swap3A_232 = arith.constant 0 : i32
    %swap3A_233 = arith.constant 2 : i32
    %swap3A_234 = arith.constant 0 : i32
    %swap3A_235 = arith.constant 0 : i32
    %swap3A_236 = tpu.memref_slice %arg8[%swap3A_232, %swap3A_234, %swap3A_235] : memref<2x120x128xf32, #tpu.memory_space<vmem>> -> memref<1x120x128xf32, #tpu.memory_space<vmem>>
    %swap3A_237 = tpu.memref_squeeze %swap3A_236 : memref<1x120x128xf32, #tpu.memory_space<vmem>> -> memref<120x128xf32, #tpu.memory_space<vmem>>
    %swap3A_238 = arith.index_cast %swap3A_233 : i32 to index
    %swap3A_239 = arith.constant 80 : index
    %swap3A_240 = tpu.vector_load %swap3A_237[%swap3A_238, %swap3A_239] {strides = array<i32>} : memref<120x128xf32, #tpu.memory_space<vmem>>, vector<1x16xf32>,
    %swap3A_241 = vector.shape_cast %swap3A_240 : vector<1x16xf32> to vector<16xf32>
    %swap3A_242 = vector.shape_cast %broadcast_in_dim3A_1 : vector<16xf32> to vector<1x16xf32>
    tpu.vector_store %swap3A_237[%swap3A_238, %swap3A_239], %swap3A_242 {strides = array<i32>} : memref<120x128xf32, #tpu.memory_space<vmem>>, vector<1x16xf32>,
    %swap3A_243 = arith.constant 0 : i32
    %swap3A_244 = arith.constant 2 : i32
    %swap3A_245 = arith.constant 0 : i32
    %swap3A_246 = arith.constant 0 : i32
    %swap3A_247 = tpu.memref_slice %arg8[%swap3A_243, %swap3A_245, %swap3A_246] : memref<2x120x128xf32, #tpu.memory_space<vmem>> -> memref<1x120x128xf32, #tpu.memory_space<vmem>>
    %swap3A_248 = tpu.memref_squeeze %swap3A_247 : memref<1x120x128xf32, #tpu.memory_space<vmem>> -> memref<120x128xf32, #tpu.memory_space<vmem>>
    %swap3A_249 = arith.index_cast %swap3A_244 : i32 to index
    %swap3A_250 = arith.constant 96 : index
    %swap3A_251 = tpu.vector_load %swap3A_248[%swap3A_249, %swap3A_250] {strides = array<i32>} : memref<120x128xf32, #tpu.memory_space<vmem>>, vector<1x16xf32>,
    %swap3A_252 = vector.shape_cast %swap3A_251 : vector<1x16xf32> to vector<16xf32>
    %swap3A_253 = vector.shape_cast %broadcast_in_dim3A_1 : vector<16xf32> to vector<1x16xf32>
    tpu.vector_store %swap3A_248[%swap3A_249, %swap3A_250], %swap3A_253 {strides = array<i32>} : memref<120x128xf32, #tpu.memory_space<vmem>>, vector<1x16xf32>,
    %swap3A_254 = arith.constant 0 : i32
    %swap3A_255 = arith.constant 2 : i32
    %swap3A_256 = arith.constant 0 : i32
    %swap3A_257 = arith.constant 0 : i32
    %swap3A_258 = tpu.memref_slice %arg8[%swap3A_254, %swap3A_256, %swap3A_257] : memref<2x120x128xf32, #tpu.memory_space<vmem>> -> memref<1x120x128xf32, #tpu.memory_space<vmem>>
    %swap3A_259 = tpu.memref_squeeze %swap3A_258 : memref<1x120x128xf32, #tpu.memory_space<vmem>> -> memref<120x128xf32, #tpu.memory_space<vmem>>
    %swap3A_260 = arith.index_cast %swap3A_255 : i32 to index
    %swap3A_261 = arith.constant 112 : index
    %swap3A_262 = tpu.vector_load %swap3A_259[%swap3A_260, %swap3A_261] {strides = array<i32>} : memref<120x128xf32, #tpu.memory_space<vmem>>, vector<1x16xf32>,
    %swap3A_263 = vector.shape_cast %swap3A_262 : vector<1x16xf32> to vector<16xf32>
    %swap3A_264 = vector.shape_cast %broadcast_in_dim3A_1 : vector<16xf32> to vector<1x16xf32>
    tpu.vector_store %swap3A_259[%swap3A_260, %swap3A_261], %swap3A_264 {strides = array<i32>} : memref<120x128xf32, #tpu.memory_space<vmem>>, vector<1x16xf32>,
    %swap3A_265 = arith.constant 0 : i32
    %swap3A_266 = arith.constant 3 : i32
    %swap3A_267 = arith.constant 0 : i32
    %swap3A_268 = arith.constant 0 : i32
    %swap3A_269 = tpu.memref_slice %arg8[%swap3A_265, %swap3A_267, %swap3A_268] : memref<2x120x128xf32, #tpu.memory_space<vmem>> -> memref<1x120x128xf32, #tpu.memory_space<vmem>>
    %swap3A_270 = tpu.memref_squeeze %swap3A_269 : memref<1x120x128xf32, #tpu.memory_space<vmem>> -> memref<120x128xf32, #tpu.memory_space<vmem>>
    %swap3A_271 = arith.index_cast %swap3A_266 : i32 to index
    %swap3A_272 = arith.constant 0 : index
    %swap3A_273 = tpu.vector_load %swap3A_270[%swap3A_271, %swap3A_272] {strides = array<i32>} : memref<120x128xf32, #tpu.memory_space<vmem>>, vector<1x16xf32>,
    %swap3A_274 = vector.shape_cast %swap3A_273 : vector<1x16xf32> to vector<16xf32>
    %swap3A_275 = vector.shape_cast %broadcast_in_dim3A_1 : vector<16xf32> to vector<1x16xf32>
    tpu.vector_store %swap3A_270[%swap3A_271, %swap3A_272], %swap3A_275 {strides = array<i32>} : memref<120x128xf32, #tpu.memory_space<vmem>>, vector<1x16xf32>,
    %swap3A_276 = arith.constant 0 : i32
    %swap3A_277 = arith.constant 3 : i32
    %swap3A_278 = arith.constant 0 : i32
    %swap3A_279 = arith.constant 0 : i32
    %swap3A_280 = tpu.memref_slice %arg8[%swap3A_276, %swap3A_278, %swap3A_279] : memref<2x120x128xf32, #tpu.memory_space<vmem>> -> memref<1x120x128xf32, #tpu.memory_space<vmem>>
    %swap3A_281 = tpu.memref_squeeze %swap3A_280 : memref<1x120x128xf32, #tpu.memory_space<vmem>> -> memref<120x128xf32, #tpu.memory_space<vmem>>
    %swap3A_282 = arith.index_cast %swap3A_277 : i32 to index
    %swap3A_283 = arith.constant 16 : index
    %swap3A_284 = tpu.vector_load %swap3A_281[%swap3A_282, %swap3A_283] {strides = array<i32>} : memref<120x128xf32, #tpu.memory_space<vmem>>, vector<1x16xf32>,
    %swap3A_285 = vector.shape_cast %swap3A_284 : vector<1x16xf32> to vector<16xf32>
    %swap3A_286 = vector.shape_cast %broadcast_in_dim3A_1 : vector<16xf32> to vector<1x16xf32>
    tpu.vector_store %swap3A_281[%swap3A_282, %swap3A_283], %swap3A_286 {strides = array<i32>} : memref<120x128xf32, #tpu.memory_space<vmem>>, vector<1x16xf32>,
    %swap3A_287 = arith.constant 0 : i32
    %swap3A_288 = arith.constant 3 : i32
    %swap3A_289 = arith.constant 0 : i32
    %swap3A_290 = arith.constant 0 : i32
    %swap3A_291 = tpu.memref_slice %arg8[%swap3A_287, %swap3A_289, %swap3A_290] : memref<2x120x128xf32, #tpu.memory_space<vmem>> -> memref<1x120x128xf32, #tpu.memory_space<vmem>>
    %swap3A_292 = tpu.memref_squeeze %swap3A_291 : memref<1x120x128xf32, #tpu.memory_space<vmem>> -> memref<120x128xf32, #tpu.memory_space<vmem>>
    %swap3A_293 = arith.index_cast %swap3A_288 : i32 to index
    %swap3A_294 = arith.constant 32 : index
    %swap3A_295 = tpu.vector_load %swap3A_292[%swap3A_293, %swap3A_294] {strides = array<i32>} : memref<120x128xf32, #tpu.memory_space<vmem>>, vector<1x16xf32>,
    %swap3A_296 = vector.shape_cast %swap3A_295 : vector<1x16xf32> to vector<16xf32>
    %swap3A_297 = vector.shape_cast %broadcast_in_dim3A_1 : vector<16xf32> to vector<1x16xf32>
    tpu.vector_store %swap3A_292[%swap3A_293, %swap3A_294], %swap3A_297 {strides = array<i32>} : memref<120x128xf32, #tpu.memory_space<vmem>>, vector<1x16xf32>,
    %swap3A_298 = arith.constant 0 : i32
    %swap3A_299 = arith.constant 3 : i32
    %swap3A_300 = arith.constant 0 : i32
    %swap3A_301 = arith.constant 0 : i32
    %swap3A_302 = tpu.memref_slice %arg8[%swap3A_298, %swap3A_300, %swap3A_301] : memref<2x120x128xf32, #tpu.memory_space<vmem>> -> memref<1x120x128xf32, #tpu.memory_space<vmem>>
    %swap3A_303 = tpu.memref_squeeze %swap3A_302 : memref<1x120x128xf32, #tpu.memory_space<vmem>> -> memref<120x128xf32, #tpu.memory_space<vmem>>
    %swap3A_304 = arith.index_cast %swap3A_299 : i32 to index
    %swap3A_305 = arith.constant 48 : index
    %swap3A_306 = tpu.vector_load %swap3A_303[%swap3A_304, %swap3A_305] {strides = array<i32>} : memref<120x128xf32, #tpu.memory_space<vmem>>, vector<1x16xf32>,
    %swap3A_307 = vector.shape_cast %swap3A_306 : vector<1x16xf32> to vector<16xf32>
    %swap3A_308 = vector.shape_cast %broadcast_in_dim3A_1 : vector<16xf32> to vector<1x16xf32>
    tpu.vector_store %swap3A_303[%swap3A_304, %swap3A_305], %swap3A_308 {strides = array<i32>} : memref<120x128xf32, #tpu.memory_space<vmem>>, vector<1x16xf32>,
    %swap3A_309 = arith.constant 0 : i32
    %swap3A_310 = arith.constant 3 : i32
    %swap3A_311 = arith.constant 0 : i32
    %swap3A_312 = arith.constant 0 : i32
    %swap3A_313 = tpu.memref_slice %arg8[%swap3A_309, %swap3A_311, %swap3A_312] : memref<2x120x128xf32, #tpu.memory_space<vmem>> -> memref<1x120x128xf32, #tpu.memory_space<vmem>>
    %swap3A_314 = tpu.memref_squeeze %swap3A_313 : memref<1x120x128xf32, #tpu.memory_space<vmem>> -> memref<120x128xf32, #tpu.memory_space<vmem>>
    %swap3A_315 = arith.index_cast %swap3A_310 : i32 to index
    %swap3A_316 = arith.constant 64 : index
    %swap3A_317 = tpu.vector_load %swap3A_314[%swap3A_315, %swap3A_316] {strides = array<i32>} : memref<120x128xf32, #tpu.memory_space<vmem>>, vector<1x16xf32>,
    %swap3A_318 = vector.shape_cast %swap3A_317 : vector<1x16xf32> to vector<16xf32>
    %swap3A_319 = vector.shape_cast %broadcast_in_dim3A_1 : vector<16xf32> to vector<1x16xf32>
    tpu.vector_store %swap3A_314[%swap3A_315, %swap3A_316], %swap3A_319 {strides = array<i32>} : memref<120x128xf32, #tpu.memory_space<vmem>>, vector<1x16xf32>,
    %swap3A_320 = arith.constant 0 : i32
    %swap3A_321 = arith.constant 3 : i32
    %swap3A_322 = arith.constant 0 : i32
    %swap3A_323 = arith.constant 0 : i32
    %swap3A_324 = tpu.memref_slice %arg8[%swap3A_320, %swap3A_322, %swap3A_323] : memref<2x120x128xf32, #tpu.memory_space<vmem>> -> memref<1x120x128xf32, #tpu.memory_space<vmem>>
    %swap3A_325 = tpu.memref_squeeze %swap3A_324 : memref<1x120x128xf32, #tpu.memory_space<vmem>> -> memref<120x128xf32, #tpu.memory_space<vmem>>
    %swap3A_326 = arith.index_cast %swap3A_321 : i32 to index
    %swap3A_327 = arith.constant 80 : index
    %swap3A_328 = tpu.vector_load %swap3A_325[%swap3A_326, %swap3A_327] {strides = array<i32>} : memref<120x128xf32, #tpu.memory_space<vmem>>, vector<1x16xf32>,
    %swap3A_329 = vector.shape_cast %swap3A_328 : vector<1x16xf32> to vector<16xf32>
    %swap3A_330 = vector.shape_cast %broadcast_in_dim3A_1 : vector<16xf32> to vector<1x16xf32>
    tpu.vector_store %swap3A_325[%swap3A_326, %swap3A_327], %swap3A_330 {strides = array<i32>} : memref<120x128xf32, #tpu.memory_space<vmem>>, vector<1x16xf32>,
    %swap3A_331 = arith.constant 0 : i32
    %swap3A_332 = arith.constant 3 : i32
    %swap3A_333 = arith.constant 0 : i32
    %swap3A_334 = arith.constant 0 : i32
    %swap3A_335 = tpu.memref_slice %arg8[%swap3A_331, %swap3A_333, %swap3A_334] : memref<2x120x128xf32, #tpu.memory_space<vmem>> -> memref<1x120x128xf32, #tpu.memory_space<vmem>>
    %swap3A_336 = tpu.memref_squeeze %swap3A_335 : memref<1x120x128xf32, #tpu.memory_space<vmem>> -> memref<120x128xf32, #tpu.memory_space<vmem>>
    %swap3A_337 = arith.index_cast %swap3A_332 : i32 to index
    %swap3A_338 = arith.constant 96 : index
    %swap3A_339 = tpu.vector_load %swap3A_336[%swap3A_337, %swap3A_338] {strides = array<i32>} : memref<120x128xf32, #tpu.memory_space<vmem>>, vector<1x16xf32>,
    %swap3A_340 = vector.shape_cast %swap3A_339 : vector<1x16xf32> to vector<16xf32>
    %swap3A_341 = vector.shape_cast %broadcast_in_dim3A_1 : vector<16xf32> to vector<1x16xf32>
    tpu.vector_store %swap3A_336[%swap3A_337, %swap3A_338], %swap3A_341 {strides = array<i32>} : memref<120x128xf32, #tpu.memory_space<vmem>>, vector<1x16xf32>,
    %swap3A_342 = arith.constant 0 : i32
    %swap3A_343 = arith.constant 3 : i32
    %swap3A_344 = arith.constant 0 : i32
    %swap3A_345 = arith.constant 0 : i32
    %swap3A_346 = tpu.memref_slice %arg8[%swap3A_342, %swap3A_344, %swap3A_345] : memref<2x120x128xf32, #tpu.memory_space<vmem>> -> memref<1x120x128xf32, #tpu.memory_space<vmem>>
    %swap3A_347 = tpu.memref_squeeze %swap3A_346 : memref<1x120x128xf32, #tpu.memory_space<vmem>> -> memref<120x128xf32, #tpu.memory_space<vmem>>
    %swap3A_348 = arith.index_cast %swap3A_343 : i32 to index
    %swap3A_349 = arith.constant 112 : index
    %swap3A_350 = tpu.vector_load %swap3A_347[%swap3A_348, %swap3A_349] {strides = array<i32>} : memref<120x128xf32, #tpu.memory_space<vmem>>, vector<1x16xf32>,
    %swap3A_351 = vector.shape_cast %swap3A_350 : vector<1x16xf32> to vector<16xf32>
    %swap3A_352 = vector.shape_cast %broadcast_in_dim3A_1 : vector<16xf32> to vector<1x16xf32>
    tpu.vector_store %swap3A_347[%swap3A_348, %swap3A_349], %swap3A_352 {strides = array<i32>} : memref<120x128xf32, #tpu.memory_space<vmem>>, vector<1x16xf32>,
    %mul3A_353 = arith.constant 4 : i32
    %mul3A_354 = arith.muli %arg1, %mul3A_353 : i32
    %run_scoped3A = arith.constant 0 : i32
    "tpu.region"() ({
      %run_scoped3A_784 = tpu.sem_alloc : memref<!tpu.dma_semaphore, #tpu.memory_space<semaphore_mem>>
      %dma_start3A_785 = arith.constant 0 : i32
      %dma_start3A_786 = arith.constant 0 : i32
      %dma_start3A_787 = tpu.memref_slice %arg8[%run_scoped3A, %dma_start3A_785, %dma_start3A_786] : memref<2x120x128xf32, #tpu.memory_space<vmem>> -> memref<1x120x128xf32, #tpu.memory_space<vmem>>
      %dma_start3A_788 = tpu.memref_squeeze %dma_start3A_787 : memref<1x120x128xf32, #tpu.memory_space<vmem>> -> memref<120x128xf32, #tpu.memory_space<vmem>>
      %dma_start3A_789 = arith.constant 0 : i32
      %dma_start3A_790 = arith.constant 0 : i32
      %dma_start3A_791 = tpu.memref_slice %dma_start3A_788[%dma_start3A_789, %dma_start3A_790] : memref<120x128xf32, #tpu.memory_space<vmem>> -> memref<4x128xf32, #tpu.memory_space<vmem>>
      %dma_start3A_792 = arith.constant 0 : i32
      %dma_start3A_793 = tpu.memref_slice %arg16[%mul3A_354, %dma_start3A_792] : memref<64x128xf32, #tpu.memory_space<vmem_shared>> -> memref<4x128xf32, #tpu.memory_space<vmem_shared>>
      %dma_start3A_794 = arith.constant 0 : i32
      %dma_start3A_795 = tpu.memref_slice %arg16[%mul3A_354, %dma_start3A_794] : memref<64x128xf32, #tpu.memory_space<vmem_shared>> -> memref<4x128xf32, #tpu.memory_space<vmem_shared>>
      %dma_start3A_796 = arith.constant 0 : i32
      %dma_start3A_797 = arith.constant 0 : i32
      %dma_start3A_798 = tpu.memref_slice %arg8[%run_scoped3A, %dma_start3A_796, %dma_start3A_797] : memref<2x120x128xf32, #tpu.memory_space<vmem>> -> memref<1x120x128xf32, #tpu.memory_space<vmem>>
      %dma_start3A_799 = tpu.memref_squeeze %dma_start3A_798 : memref<1x120x128xf32, #tpu.memory_space<vmem>> -> memref<120x128xf32, #tpu.memory_space<vmem>>
      %dma_start3A_800 = arith.constant 0 : i32
      %dma_start3A_801 = arith.constant 0 : i32
      %dma_start3A_802 = tpu.memref_slice %dma_start3A_799[%dma_start3A_800, %dma_start3A_801] : memref<120x128xf32, #tpu.memory_space<vmem>> -> memref<4x128xf32, #tpu.memory_space<vmem>>
      tpu.enqueue_dma source(%dma_start3A_802 : memref<4x128xf32, #tpu.memory_space<vmem>>) target(%dma_start3A_795 : memref<4x128xf32, #tpu.memory_space<vmem_shared>>) target_semaphore(%run_scoped3A_784 : memref<!tpu.dma_semaphore, #tpu.memory_space<semaphore_mem>>)
      %dma_wait3A_803 = arith.constant 0 : i32
      %dma_wait3A_804 = arith.constant 0 : i32
      %dma_wait3A_805 = tpu.memref_slice %arg8[%run_scoped3A, %dma_wait3A_803, %dma_wait3A_804] : memref<2x120x128xf32, #tpu.memory_space<vmem>> -> memref<1x120x128xf32, #tpu.memory_space<vmem>>
      %dma_wait3A_806 = tpu.memref_squeeze %dma_wait3A_805 : memref<1x120x128xf32, #tpu.memory_space<vmem>> -> memref<120x128xf32, #tpu.memory_space<vmem>>
      %dma_wait3A_807 = arith.constant 0 : i32
      %dma_wait3A_808 = arith.constant 0 : i32
      %dma_wait3A_809 = tpu.memref_slice %dma_wait3A_806[%dma_wait3A_807, %dma_wait3A_808] : memref<120x128xf32, #tpu.memory_space<vmem>> -> memref<4x128xf32, #tpu.memory_space<vmem>>
      %dma_wait3A_810 = arith.constant 0 : i32
      %dma_wait3A_811 = tpu.memref_slice %arg16[%mul3A_354, %dma_wait3A_810] : memref<64x128xf32, #tpu.memory_space<vmem_shared>> -> memref<4x128xf32, #tpu.memory_space<vmem_shared>>
      %dma_wait3A_812 = arith.constant 0 : i32
      %dma_wait3A_813 = tpu.memref_slice %arg16[%mul3A_354, %dma_wait3A_812] : memref<64x128xf32, #tpu.memory_space<vmem_shared>> -> memref<4x128xf32, #tpu.memory_space<vmem_shared>>
      %dma_wait3A_814 = arith.constant 0 : i32
      %dma_wait3A_815 = arith.constant 0 : i32
      %dma_wait3A_816 = tpu.memref_slice %arg8[%run_scoped3A, %dma_wait3A_814, %dma_wait3A_815] : memref<2x120x128xf32, #tpu.memory_space<vmem>> -> memref<1x120x128xf32, #tpu.memory_space<vmem>>
      %dma_wait3A_817 = tpu.memref_squeeze %dma_wait3A_816 : memref<1x120x128xf32, #tpu.memory_space<vmem>> -> memref<120x128xf32, #tpu.memory_space<vmem>>
      %dma_wait3A_818 = arith.constant 0 : i32
      %dma_wait3A_819 = arith.constant 0 : i32
      %dma_wait3A_820 = tpu.memref_slice %dma_wait3A_817[%dma_wait3A_818, %dma_wait3A_819] : memref<120x128xf32, #tpu.memory_space<vmem>> -> memref<4x128xf32, #tpu.memory_space<vmem>>
      tpu.wait_dma2 semaphore(%run_scoped3A_784 : memref<!tpu.dma_semaphore, #tpu.memory_space<semaphore_mem>>) src(%dma_wait3A_820 : memref<4x128xf32, #tpu.memory_space<vmem>>) dst(%dma_wait3A_813 : memref<4x128xf32, #tpu.memory_space<vmem_shared>>)
      tpu.yield
    }) : () -> ()
    "tpu.region"() ({
      %run_scoped3A_784 = tpu.sem_alloc : memref<!tpu.dma_semaphore, #tpu.memory_space<semaphore_mem>>
      %dma_start3A_785 = arith.constant 0 : i32
      %dma_start3A_786 = arith.constant 0 : i32
      %dma_start3A_787 = tpu.memref_slice %arg3[%add3A, %dma_start3A_785, %dma_start3A_786] : memref<32x26x120xi32, #tpu.memory_space<hbm>> -> memref<1x26x120xi32, #tpu.memory_space<hbm>>
      %dma_start3A_788 = tpu.memref_squeeze %dma_start3A_787 : memref<1x26x120xi32, #tpu.memory_space<hbm>> -> memref<26x120xi32, #tpu.memory_space<hbm>>
      %dma_start3A_789 = arith.constant 0 : i32
      %dma_start3A_790 = arith.constant 0 : i32
      %dma_start3A_791 = tpu.memref_slice %arg3[%add3A, %dma_start3A_789, %dma_start3A_790] : memref<32x26x120xi32, #tpu.memory_space<hbm>> -> memref<1x26x120xi32, #tpu.memory_space<hbm>>
      %dma_start3A_792 = tpu.memref_squeeze %dma_start3A_791 : memref<1x26x120xi32, #tpu.memory_space<hbm>> -> memref<26x120xi32, #tpu.memory_space<hbm>>
      tpu.enqueue_dma source(%dma_start3A_792 : memref<26x120xi32, #tpu.memory_space<hbm>>) target(%arg12 : memref<26x120xi32, #tpu.memory_space<vmem>>) target_semaphore(%run_scoped3A_784 : memref<!tpu.dma_semaphore, #tpu.memory_space<semaphore_mem>>)
      %dma_wait3A_793 = arith.constant 0 : i32
      %dma_wait3A_794 = arith.constant 0 : i32
      %dma_wait3A_795 = tpu.memref_slice %arg3[%add3A, %dma_wait3A_793, %dma_wait3A_794] : memref<32x26x120xi32, #tpu.memory_space<hbm>> -> memref<1x26x120xi32, #tpu.memory_space<hbm>>
      %dma_wait3A_796 = tpu.memref_squeeze %dma_wait3A_795 : memref<1x26x120xi32, #tpu.memory_space<hbm>> -> memref<26x120xi32, #tpu.memory_space<hbm>>
      %dma_wait3A_797 = arith.constant 0 : i32
      %dma_wait3A_798 = arith.constant 0 : i32
      %dma_wait3A_799 = tpu.memref_slice %arg3[%add3A, %dma_wait3A_797, %dma_wait3A_798] : memref<32x26x120xi32, #tpu.memory_space<hbm>> -> memref<1x26x120xi32, #tpu.memory_space<hbm>>
      %dma_wait3A_800 = tpu.memref_squeeze %dma_wait3A_799 : memref<1x26x120xi32, #tpu.memory_space<hbm>> -> memref<26x120xi32, #tpu.memory_space<hbm>>
      tpu.wait_dma2 semaphore(%run_scoped3A_784 : memref<!tpu.dma_semaphore, #tpu.memory_space<semaphore_mem>>) src(%dma_wait3A_800 : memref<26x120xi32, #tpu.memory_space<hbm>>) dst(%arg12 : memref<26x120xi32, #tpu.memory_space<vmem>>)
      tpu.yield
    }) : () -> ()
    "tpu.region"() ({
      %run_scoped3A_784 = tpu.sem_alloc : memref<!tpu.dma_semaphore, #tpu.memory_space<semaphore_mem>>
      %dma_start3A_785 = arith.constant 0 : i32
      %dma_start3A_786 = tpu.memref_slice %arg5[%add3A, %dma_start3A_785] : memref<32x3136xi32, #tpu.memory_space<hbm>> -> memref<1x3136xi32, #tpu.memory_space<hbm>>
      %dma_start3A_787 = tpu.memref_squeeze %dma_start3A_786 : memref<1x3136xi32, #tpu.memory_space<hbm>> -> memref<3136xi32, #tpu.memory_space<hbm>>
      %dma_start3A_788 = arith.constant 0 : i32
      %dma_start3A_789 = tpu.memref_slice %arg5[%add3A, %dma_start3A_788] : memref<32x3136xi32, #tpu.memory_space<hbm>> -> memref<1x3136xi32, #tpu.memory_space<hbm>>
      %dma_start3A_790 = tpu.memref_squeeze %dma_start3A_789 : memref<1x3136xi32, #tpu.memory_space<hbm>> -> memref<3136xi32, #tpu.memory_space<hbm>>
      tpu.enqueue_dma source(%dma_start3A_790 : memref<3136xi32, #tpu.memory_space<hbm>>) target(%arg14 : memref<3136xi32, #tpu.memory_space<vmem>>) target_semaphore(%run_scoped3A_784 : memref<!tpu.dma_semaphore, #tpu.memory_space<semaphore_mem>>)
      %dma_wait3A_791 = arith.constant 0 : i32
      %dma_wait3A_792 = tpu.memref_slice %arg5[%add3A, %dma_wait3A_791] : memref<32x3136xi32, #tpu.memory_space<hbm>> -> memref<1x3136xi32, #tpu.memory_space<hbm>>
      %dma_wait3A_793 = tpu.memref_squeeze %dma_wait3A_792 : memref<1x3136xi32, #tpu.memory_space<hbm>> -> memref<3136xi32, #tpu.memory_space<hbm>>
      %dma_wait3A_794 = arith.constant 0 : i32
      %dma_wait3A_795 = tpu.memref_slice %arg5[%add3A, %dma_wait3A_794] : memref<32x3136xi32, #tpu.memory_space<hbm>> -> memref<1x3136xi32, #tpu.memory_space<hbm>>
      %dma_wait3A_796 = tpu.memref_squeeze %dma_wait3A_795 : memref<1x3136xi32, #tpu.memory_space<hbm>> -> memref<3136xi32, #tpu.memory_space<hbm>>
      tpu.wait_dma2 semaphore(%run_scoped3A_784 : memref<!tpu.dma_semaphore, #tpu.memory_space<semaphore_mem>>) src(%dma_wait3A_796 : memref<3136xi32, #tpu.memory_space<hbm>>) dst(%arg14 : memref<3136xi32, #tpu.memory_space<vmem>>)
      tpu.yield
    }) : () -> ()
    %swap3A_355 = arith.constant 0 : i32
    %swap3A_356 = arith.index_cast %swap3A_355 : i32 to index
    %swap3A_357 = arith.constant 0 : index
    %swap3A_358 = tpu.vector_load %arg15[%swap3A_356, %swap3A_357] {strides = array<i32>} : memref<64x16xf32, #tpu.memory_space<vmem>>, vector<1x16xf32>,
    %swap3A_359 = vector.shape_cast %swap3A_358 : vector<1x16xf32> to vector<16xf32>
    %swap3A_360 = vector.shape_cast %broadcast_in_dim3A_1 : vector<16xf32> to vector<1x16xf32>
    tpu.vector_store %arg15[%swap3A_356, %swap3A_357], %swap3A_360 {strides = array<i32>} : memref<64x16xf32, #tpu.memory_space<vmem>>, vector<1x16xf32>,
    %swap3A_361 = arith.constant 1 : i32
    %swap3A_362 = arith.index_cast %swap3A_361 : i32 to index
    %swap3A_363 = arith.constant 0 : index
    %swap3A_364 = tpu.vector_load %arg15[%swap3A_362, %swap3A_363] {strides = array<i32>} : memref<64x16xf32, #tpu.memory_space<vmem>>, vector<1x16xf32>,
    %swap3A_365 = vector.shape_cast %swap3A_364 : vector<1x16xf32> to vector<16xf32>
    %swap3A_366 = vector.shape_cast %broadcast_in_dim3A_1 : vector<16xf32> to vector<1x16xf32>
    tpu.vector_store %arg15[%swap3A_362, %swap3A_363], %swap3A_366 {strides = array<i32>} : memref<64x16xf32, #tpu.memory_space<vmem>>, vector<1x16xf32>,
    %swap3A_367 = arith.constant 2 : i32
    %swap3A_368 = arith.index_cast %swap3A_367 : i32 to index
    %swap3A_369 = arith.constant 0 : index
    %swap3A_370 = tpu.vector_load %arg15[%swap3A_368, %swap3A_369] {strides = array<i32>} : memref<64x16xf32, #tpu.memory_space<vmem>>, vector<1x16xf32>,
    %swap3A_371 = vector.shape_cast %swap3A_370 : vector<1x16xf32> to vector<16xf32>
    %swap3A_372 = vector.shape_cast %broadcast_in_dim3A_1 : vector<16xf32> to vector<1x16xf32>
    tpu.vector_store %arg15[%swap3A_368, %swap3A_369], %swap3A_372 {strides = array<i32>} : memref<64x16xf32, #tpu.memory_space<vmem>>, vector<1x16xf32>,
    %swap3A_373 = arith.constant 3 : i32
    %swap3A_374 = arith.index_cast %swap3A_373 : i32 to index
    %swap3A_375 = arith.constant 0 : index
    %swap3A_376 = tpu.vector_load %arg15[%swap3A_374, %swap3A_375] {strides = array<i32>} : memref<64x16xf32, #tpu.memory_space<vmem>>, vector<1x16xf32>,
    %swap3A_377 = vector.shape_cast %swap3A_376 : vector<1x16xf32> to vector<16xf32>
    %swap3A_378 = vector.shape_cast %broadcast_in_dim3A_1 : vector<16xf32> to vector<1x16xf32>
    tpu.vector_store %arg15[%swap3A_374, %swap3A_375], %swap3A_378 {strides = array<i32>} : memref<64x16xf32, #tpu.memory_space<vmem>>, vector<1x16xf32>,
    %swap3A_379 = arith.constant 4 : i32
    %swap3A_380 = arith.index_cast %swap3A_379 : i32 to index
    %swap3A_381 = arith.constant 0 : index
    %swap3A_382 = tpu.vector_load %arg15[%swap3A_380, %swap3A_381] {strides = array<i32>} : memref<64x16xf32, #tpu.memory_space<vmem>>, vector<1x16xf32>,
    %swap3A_383 = vector.shape_cast %swap3A_382 : vector<1x16xf32> to vector<16xf32>
    %swap3A_384 = vector.shape_cast %broadcast_in_dim3A_1 : vector<16xf32> to vector<1x16xf32>
    tpu.vector_store %arg15[%swap3A_380, %swap3A_381], %swap3A_384 {strides = array<i32>} : memref<64x16xf32, #tpu.memory_space<vmem>>, vector<1x16xf32>,
    %swap3A_385 = arith.constant 5 : i32
    %swap3A_386 = arith.index_cast %swap3A_385 : i32 to index
    %swap3A_387 = arith.constant 0 : index
    %swap3A_388 = tpu.vector_load %arg15[%swap3A_386, %swap3A_387] {strides = array<i32>} : memref<64x16xf32, #tpu.memory_space<vmem>>, vector<1x16xf32>,
    %swap3A_389 = vector.shape_cast %swap3A_388 : vector<1x16xf32> to vector<16xf32>
    %swap3A_390 = vector.shape_cast %broadcast_in_dim3A_1 : vector<16xf32> to vector<1x16xf32>
    tpu.vector_store %arg15[%swap3A_386, %swap3A_387], %swap3A_390 {strides = array<i32>} : memref<64x16xf32, #tpu.memory_space<vmem>>, vector<1x16xf32>,
    %swap3A_391 = arith.constant 6 : i32
    %swap3A_392 = arith.index_cast %swap3A_391 : i32 to index
    %swap3A_393 = arith.constant 0 : index
    %swap3A_394 = tpu.vector_load %arg15[%swap3A_392, %swap3A_393] {strides = array<i32>} : memref<64x16xf32, #tpu.memory_space<vmem>>, vector<1x16xf32>,
    %swap3A_395 = vector.shape_cast %swap3A_394 : vector<1x16xf32> to vector<16xf32>
    %swap3A_396 = vector.shape_cast %broadcast_in_dim3A_1 : vector<16xf32> to vector<1x16xf32>
    tpu.vector_store %arg15[%swap3A_392, %swap3A_393], %swap3A_396 {strides = array<i32>} : memref<64x16xf32, #tpu.memory_space<vmem>>, vector<1x16xf32>,
    %swap3A_397 = arith.constant 7 : i32
    %swap3A_398 = arith.index_cast %swap3A_397 : i32 to index
    %swap3A_399 = arith.constant 0 : index
    %swap3A_400 = tpu.vector_load %arg15[%swap3A_398, %swap3A_399] {strides = array<i32>} : memref<64x16xf32, #tpu.memory_space<vmem>>, vector<1x16xf32>,
    %swap3A_401 = vector.shape_cast %swap3A_400 : vector<1x16xf32> to vector<16xf32>
    %swap3A_402 = vector.shape_cast %broadcast_in_dim3A_1 : vector<16xf32> to vector<1x16xf32>
    tpu.vector_store %arg15[%swap3A_398, %swap3A_399], %swap3A_402 {strides = array<i32>} : memref<64x16xf32, #tpu.memory_space<vmem>>, vector<1x16xf32>,
    %swap3A_403 = arith.constant 8 : i32
    %swap3A_404 = arith.index_cast %swap3A_403 : i32 to index
    %swap3A_405 = arith.constant 0 : index
    %swap3A_406 = tpu.vector_load %arg15[%swap3A_404, %swap3A_405] {strides = array<i32>} : memref<64x16xf32, #tpu.memory_space<vmem>>, vector<1x16xf32>,
    %swap3A_407 = vector.shape_cast %swap3A_406 : vector<1x16xf32> to vector<16xf32>
    %swap3A_408 = vector.shape_cast %broadcast_in_dim3A_1 : vector<16xf32> to vector<1x16xf32>
    tpu.vector_store %arg15[%swap3A_404, %swap3A_405], %swap3A_408 {strides = array<i32>} : memref<64x16xf32, #tpu.memory_space<vmem>>, vector<1x16xf32>,
    %swap3A_409 = arith.constant 9 : i32
    %swap3A_410 = arith.index_cast %swap3A_409 : i32 to index
    %swap3A_411 = arith.constant 0 : index
    %swap3A_412 = tpu.vector_load %arg15[%swap3A_410, %swap3A_411] {strides = array<i32>} : memref<64x16xf32, #tpu.memory_space<vmem>>, vector<1x16xf32>,
    %swap3A_413 = vector.shape_cast %swap3A_412 : vector<1x16xf32> to vector<16xf32>
    %swap3A_414 = vector.shape_cast %broadcast_in_dim3A_1 : vector<16xf32> to vector<1x16xf32>
    tpu.vector_store %arg15[%swap3A_410, %swap3A_411], %swap3A_414 {strides = array<i32>} : memref<64x16xf32, #tpu.memory_space<vmem>>, vector<1x16xf32>,
    %swap3A_415 = arith.constant 10 : i32
    %swap3A_416 = arith.index_cast %swap3A_415 : i32 to index
    %swap3A_417 = arith.constant 0 : index
    %swap3A_418 = tpu.vector_load %arg15[%swap3A_416, %swap3A_417] {strides = array<i32>} : memref<64x16xf32, #tpu.memory_space<vmem>>, vector<1x16xf32>,
    %swap3A_419 = vector.shape_cast %swap3A_418 : vector<1x16xf32> to vector<16xf32>
    %swap3A_420 = vector.shape_cast %broadcast_in_dim3A_1 : vector<16xf32> to vector<1x16xf32>
    tpu.vector_store %arg15[%swap3A_416, %swap3A_417], %swap3A_420 {strides = array<i32>} : memref<64x16xf32, #tpu.memory_space<vmem>>, vector<1x16xf32>,
    %swap3A_421 = arith.constant 11 : i32
    %swap3A_422 = arith.index_cast %swap3A_421 : i32 to index
    %swap3A_423 = arith.constant 0 : index
    %swap3A_424 = tpu.vector_load %arg15[%swap3A_422, %swap3A_423] {strides = array<i32>} : memref<64x16xf32, #tpu.memory_space<vmem>>, vector<1x16xf32>,
    %swap3A_425 = vector.shape_cast %swap3A_424 : vector<1x16xf32> to vector<16xf32>
    %swap3A_426 = vector.shape_cast %broadcast_in_dim3A_1 : vector<16xf32> to vector<1x16xf32>
    tpu.vector_store %arg15[%swap3A_422, %swap3A_423], %swap3A_426 {strides = array<i32>} : memref<64x16xf32, #tpu.memory_space<vmem>>, vector<1x16xf32>,
    %swap3A_427 = arith.constant 12 : i32
    %swap3A_428 = arith.index_cast %swap3A_427 : i32 to index
    %swap3A_429 = arith.constant 0 : index
    %swap3A_430 = tpu.vector_load %arg15[%swap3A_428, %swap3A_429] {strides = array<i32>} : memref<64x16xf32, #tpu.memory_space<vmem>>, vector<1x16xf32>,
    %swap3A_431 = vector.shape_cast %swap3A_430 : vector<1x16xf32> to vector<16xf32>
    %swap3A_432 = vector.shape_cast %broadcast_in_dim3A_1 : vector<16xf32> to vector<1x16xf32>
    tpu.vector_store %arg15[%swap3A_428, %swap3A_429], %swap3A_432 {strides = array<i32>} : memref<64x16xf32, #tpu.memory_space<vmem>>, vector<1x16xf32>,
    %swap3A_433 = arith.constant 13 : i32
    %swap3A_434 = arith.index_cast %swap3A_433 : i32 to index
    %swap3A_435 = arith.constant 0 : index
    %swap3A_436 = tpu.vector_load %arg15[%swap3A_434, %swap3A_435] {strides = array<i32>} : memref<64x16xf32, #tpu.memory_space<vmem>>, vector<1x16xf32>,
    %swap3A_437 = vector.shape_cast %swap3A_436 : vector<1x16xf32> to vector<16xf32>
    %swap3A_438 = vector.shape_cast %broadcast_in_dim3A_1 : vector<16xf32> to vector<1x16xf32>
    tpu.vector_store %arg15[%swap3A_434, %swap3A_435], %swap3A_438 {strides = array<i32>} : memref<64x16xf32, #tpu.memory_space<vmem>>, vector<1x16xf32>,
    %swap3A_439 = arith.constant 14 : i32
    %swap3A_440 = arith.index_cast %swap3A_439 : i32 to index
    %swap3A_441 = arith.constant 0 : index
    %swap3A_442 = tpu.vector_load %arg15[%swap3A_440, %swap3A_441] {strides = array<i32>} : memref<64x16xf32, #tpu.memory_space<vmem>>, vector<1x16xf32>,
    %swap3A_443 = vector.shape_cast %swap3A_442 : vector<1x16xf32> to vector<16xf32>
    %swap3A_444 = vector.shape_cast %broadcast_in_dim3A_1 : vector<16xf32> to vector<1x16xf32>
    tpu.vector_store %arg15[%swap3A_440, %swap3A_441], %swap3A_444 {strides = array<i32>} : memref<64x16xf32, #tpu.memory_space<vmem>>, vector<1x16xf32>,
    %swap3A_445 = arith.constant 15 : i32
    %swap3A_446 = arith.index_cast %swap3A_445 : i32 to index
    %swap3A_447 = arith.constant 0 : index
    %swap3A_448 = tpu.vector_load %arg15[%swap3A_446, %swap3A_447] {strides = array<i32>} : memref<64x16xf32, #tpu.memory_space<vmem>>, vector<1x16xf32>,
    %swap3A_449 = vector.shape_cast %swap3A_448 : vector<1x16xf32> to vector<16xf32>
    %swap3A_450 = vector.shape_cast %broadcast_in_dim3A_1 : vector<16xf32> to vector<1x16xf32>
    tpu.vector_store %arg15[%swap3A_446, %swap3A_447], %swap3A_450 {strides = array<i32>} : memref<64x16xf32, #tpu.memory_space<vmem>>, vector<1x16xf32>,
    %swap3A_451 = arith.constant 16 : i32
    %swap3A_452 = arith.index_cast %swap3A_451 : i32 to index
    %swap3A_453 = arith.constant 0 : index
    %swap3A_454 = tpu.vector_load %arg15[%swap3A_452, %swap3A_453] {strides = array<i32>} : memref<64x16xf32, #tpu.memory_space<vmem>>, vector<1x16xf32>,
    %swap3A_455 = vector.shape_cast %swap3A_454 : vector<1x16xf32> to vector<16xf32>
    %swap3A_456 = vector.shape_cast %broadcast_in_dim3A_1 : vector<16xf32> to vector<1x16xf32>
    tpu.vector_store %arg15[%swap3A_452, %swap3A_453], %swap3A_456 {strides = array<i32>} : memref<64x16xf32, #tpu.memory_space<vmem>>, vector<1x16xf32>,
    %swap3A_457 = arith.constant 17 : i32
    %swap3A_458 = arith.index_cast %swap3A_457 : i32 to index
    %swap3A_459 = arith.constant 0 : index
    %swap3A_460 = tpu.vector_load %arg15[%swap3A_458, %swap3A_459] {strides = array<i32>} : memref<64x16xf32, #tpu.memory_space<vmem>>, vector<1x16xf32>,
    %swap3A_461 = vector.shape_cast %swap3A_460 : vector<1x16xf32> to vector<16xf32>
    %swap3A_462 = vector.shape_cast %broadcast_in_dim3A_1 : vector<16xf32> to vector<1x16xf32>
    tpu.vector_store %arg15[%swap3A_458, %swap3A_459], %swap3A_462 {strides = array<i32>} : memref<64x16xf32, #tpu.memory_space<vmem>>, vector<1x16xf32>,
    %swap3A_463 = arith.constant 18 : i32
    %swap3A_464 = arith.index_cast %swap3A_463 : i32 to index
    %swap3A_465 = arith.constant 0 : index
    %swap3A_466 = tpu.vector_load %arg15[%swap3A_464, %swap3A_465] {strides = array<i32>} : memref<64x16xf32, #tpu.memory_space<vmem>>, vector<1x16xf32>,
    %swap3A_467 = vector.shape_cast %swap3A_466 : vector<1x16xf32> to vector<16xf32>
    %swap3A_468 = vector.shape_cast %broadcast_in_dim3A_1 : vector<16xf32> to vector<1x16xf32>
    tpu.vector_store %arg15[%swap3A_464, %swap3A_465], %swap3A_468 {strides = array<i32>} : memref<64x16xf32, #tpu.memory_space<vmem>>, vector<1x16xf32>,
    %swap3A_469 = arith.constant 19 : i32
    %swap3A_470 = arith.index_cast %swap3A_469 : i32 to index
    %swap3A_471 = arith.constant 0 : index
    %swap3A_472 = tpu.vector_load %arg15[%swap3A_470, %swap3A_471] {strides = array<i32>} : memref<64x16xf32, #tpu.memory_space<vmem>>, vector<1x16xf32>,
    %swap3A_473 = vector.shape_cast %swap3A_472 : vector<1x16xf32> to vector<16xf32>
    %swap3A_474 = vector.shape_cast %broadcast_in_dim3A_1 : vector<16xf32> to vector<1x16xf32>
    tpu.vector_store %arg15[%swap3A_470, %swap3A_471], %swap3A_474 {strides = array<i32>} : memref<64x16xf32, #tpu.memory_space<vmem>>, vector<1x16xf32>,
    %swap3A_475 = arith.constant 20 : i32
    %swap3A_476 = arith.index_cast %swap3A_475 : i32 to index
    %swap3A_477 = arith.constant 0 : index
    %swap3A_478 = tpu.vector_load %arg15[%swap3A_476, %swap3A_477] {strides = array<i32>} : memref<64x16xf32, #tpu.memory_space<vmem>>, vector<1x16xf32>,
    %swap3A_479 = vector.shape_cast %swap3A_478 : vector<1x16xf32> to vector<16xf32>
    %swap3A_480 = vector.shape_cast %broadcast_in_dim3A_1 : vector<16xf32> to vector<1x16xf32>
    tpu.vector_store %arg15[%swap3A_476, %swap3A_477], %swap3A_480 {strides = array<i32>} : memref<64x16xf32, #tpu.memory_space<vmem>>, vector<1x16xf32>,
    %swap3A_481 = arith.constant 21 : i32
    %swap3A_482 = arith.index_cast %swap3A_481 : i32 to index
    %swap3A_483 = arith.constant 0 : index
    %swap3A_484 = tpu.vector_load %arg15[%swap3A_482, %swap3A_483] {strides = array<i32>} : memref<64x16xf32, #tpu.memory_space<vmem>>, vector<1x16xf32>,
    %swap3A_485 = vector.shape_cast %swap3A_484 : vector<1x16xf32> to vector<16xf32>
    %swap3A_486 = vector.shape_cast %broadcast_in_dim3A_1 : vector<16xf32> to vector<1x16xf32>
    tpu.vector_store %arg15[%swap3A_482, %swap3A_483], %swap3A_486 {strides = array<i32>} : memref<64x16xf32, #tpu.memory_space<vmem>>, vector<1x16xf32>,
    %swap3A_487 = arith.constant 22 : i32
    %swap3A_488 = arith.index_cast %swap3A_487 : i32 to index
    %swap3A_489 = arith.constant 0 : index
    %swap3A_490 = tpu.vector_load %arg15[%swap3A_488, %swap3A_489] {strides = array<i32>} : memref<64x16xf32, #tpu.memory_space<vmem>>, vector<1x16xf32>,
    %swap3A_491 = vector.shape_cast %swap3A_490 : vector<1x16xf32> to vector<16xf32>
    %swap3A_492 = vector.shape_cast %broadcast_in_dim3A_1 : vector<16xf32> to vector<1x16xf32>
    tpu.vector_store %arg15[%swap3A_488, %swap3A_489], %swap3A_492 {strides = array<i32>} : memref<64x16xf32, #tpu.memory_space<vmem>>, vector<1x16xf32>,
    %swap3A_493 = arith.constant 23 : i32
    %swap3A_494 = arith.index_cast %swap3A_493 : i32 to index
    %swap3A_495 = arith.constant 0 : index
    %swap3A_496 = tpu.vector_load %arg15[%swap3A_494, %swap3A_495] {strides = array<i32>} : memref<64x16xf32, #tpu.memory_space<vmem>>, vector<1x16xf32>,
    %swap3A_497 = vector.shape_cast %swap3A_496 : vector<1x16xf32> to vector<16xf32>
    %swap3A_498 = vector.shape_cast %broadcast_in_dim3A_1 : vector<16xf32> to vector<1x16xf32>
    tpu.vector_store %arg15[%swap3A_494, %swap3A_495], %swap3A_498 {strides = array<i32>} : memref<64x16xf32, #tpu.memory_space<vmem>>, vector<1x16xf32>,
    %swap3A_499 = arith.constant 24 : i32
    %swap3A_500 = arith.index_cast %swap3A_499 : i32 to index
    %swap3A_501 = arith.constant 0 : index
    %swap3A_502 = tpu.vector_load %arg15[%swap3A_500, %swap3A_501] {strides = array<i32>} : memref<64x16xf32, #tpu.memory_space<vmem>>, vector<1x16xf32>,
    %swap3A_503 = vector.shape_cast %swap3A_502 : vector<1x16xf32> to vector<16xf32>
    %swap3A_504 = vector.shape_cast %broadcast_in_dim3A_1 : vector<16xf32> to vector<1x16xf32>
    tpu.vector_store %arg15[%swap3A_500, %swap3A_501], %swap3A_504 {strides = array<i32>} : memref<64x16xf32, #tpu.memory_space<vmem>>, vector<1x16xf32>,
    %swap3A_505 = arith.constant 25 : i32
    %swap3A_506 = arith.index_cast %swap3A_505 : i32 to index
    %swap3A_507 = arith.constant 0 : index
    %swap3A_508 = tpu.vector_load %arg15[%swap3A_506, %swap3A_507] {strides = array<i32>} : memref<64x16xf32, #tpu.memory_space<vmem>>, vector<1x16xf32>,
    %swap3A_509 = vector.shape_cast %swap3A_508 : vector<1x16xf32> to vector<16xf32>
    %swap3A_510 = vector.shape_cast %broadcast_in_dim3A_1 : vector<16xf32> to vector<1x16xf32>
    tpu.vector_store %arg15[%swap3A_506, %swap3A_507], %swap3A_510 {strides = array<i32>} : memref<64x16xf32, #tpu.memory_space<vmem>>, vector<1x16xf32>,
    %swap3A_511 = arith.constant 26 : i32
    %swap3A_512 = arith.index_cast %swap3A_511 : i32 to index
    %swap3A_513 = arith.constant 0 : index
    %swap3A_514 = tpu.vector_load %arg15[%swap3A_512, %swap3A_513] {strides = array<i32>} : memref<64x16xf32, #tpu.memory_space<vmem>>, vector<1x16xf32>,
    %swap3A_515 = vector.shape_cast %swap3A_514 : vector<1x16xf32> to vector<16xf32>
    %swap3A_516 = vector.shape_cast %broadcast_in_dim3A_1 : vector<16xf32> to vector<1x16xf32>
    tpu.vector_store %arg15[%swap3A_512, %swap3A_513], %swap3A_516 {strides = array<i32>} : memref<64x16xf32, #tpu.memory_space<vmem>>, vector<1x16xf32>,
    %swap3A_517 = arith.constant 27 : i32
    %swap3A_518 = arith.index_cast %swap3A_517 : i32 to index
    %swap3A_519 = arith.constant 0 : index
    %swap3A_520 = tpu.vector_load %arg15[%swap3A_518, %swap3A_519] {strides = array<i32>} : memref<64x16xf32, #tpu.memory_space<vmem>>, vector<1x16xf32>,
    %swap3A_521 = vector.shape_cast %swap3A_520 : vector<1x16xf32> to vector<16xf32>
    %swap3A_522 = vector.shape_cast %broadcast_in_dim3A_1 : vector<16xf32> to vector<1x16xf32>
    tpu.vector_store %arg15[%swap3A_518, %swap3A_519], %swap3A_522 {strides = array<i32>} : memref<64x16xf32, #tpu.memory_space<vmem>>, vector<1x16xf32>,
    %swap3A_523 = arith.constant 28 : i32
    %swap3A_524 = arith.index_cast %swap3A_523 : i32 to index
    %swap3A_525 = arith.constant 0 : index
    %swap3A_526 = tpu.vector_load %arg15[%swap3A_524, %swap3A_525] {strides = array<i32>} : memref<64x16xf32, #tpu.memory_space<vmem>>, vector<1x16xf32>,
    %swap3A_527 = vector.shape_cast %swap3A_526 : vector<1x16xf32> to vector<16xf32>
    %swap3A_528 = vector.shape_cast %broadcast_in_dim3A_1 : vector<16xf32> to vector<1x16xf32>
    tpu.vector_store %arg15[%swap3A_524, %swap3A_525], %swap3A_528 {strides = array<i32>} : memref<64x16xf32, #tpu.memory_space<vmem>>, vector<1x16xf32>,
    %swap3A_529 = arith.constant 29 : i32
    %swap3A_530 = arith.index_cast %swap3A_529 : i32 to index
    %swap3A_531 = arith.constant 0 : index
    %swap3A_532 = tpu.vector_load %arg15[%swap3A_530, %swap3A_531] {strides = array<i32>} : memref<64x16xf32, #tpu.memory_space<vmem>>, vector<1x16xf32>,
    %swap3A_533 = vector.shape_cast %swap3A_532 : vector<1x16xf32> to vector<16xf32>
    %swap3A_534 = vector.shape_cast %broadcast_in_dim3A_1 : vector<16xf32> to vector<1x16xf32>
    tpu.vector_store %arg15[%swap3A_530, %swap3A_531], %swap3A_534 {strides = array<i32>} : memref<64x16xf32, #tpu.memory_space<vmem>>, vector<1x16xf32>,
    %swap3A_535 = arith.constant 30 : i32
    %swap3A_536 = arith.index_cast %swap3A_535 : i32 to index
    %swap3A_537 = arith.constant 0 : index
    %swap3A_538 = tpu.vector_load %arg15[%swap3A_536, %swap3A_537] {strides = array<i32>} : memref<64x16xf32, #tpu.memory_space<vmem>>, vector<1x16xf32>,
    %swap3A_539 = vector.shape_cast %swap3A_538 : vector<1x16xf32> to vector<16xf32>
    %swap3A_540 = vector.shape_cast %broadcast_in_dim3A_1 : vector<16xf32> to vector<1x16xf32>
    tpu.vector_store %arg15[%swap3A_536, %swap3A_537], %swap3A_540 {strides = array<i32>} : memref<64x16xf32, #tpu.memory_space<vmem>>, vector<1x16xf32>,
    %swap3A_541 = arith.constant 31 : i32
    %swap3A_542 = arith.index_cast %swap3A_541 : i32 to index
    %swap3A_543 = arith.constant 0 : index
    %swap3A_544 = tpu.vector_load %arg15[%swap3A_542, %swap3A_543] {strides = array<i32>} : memref<64x16xf32, #tpu.memory_space<vmem>>, vector<1x16xf32>,
    %swap3A_545 = vector.shape_cast %swap3A_544 : vector<1x16xf32> to vector<16xf32>
    %swap3A_546 = vector.shape_cast %broadcast_in_dim3A_1 : vector<16xf32> to vector<1x16xf32>
    tpu.vector_store %arg15[%swap3A_542, %swap3A_543], %swap3A_546 {strides = array<i32>} : memref<64x16xf32, #tpu.memory_space<vmem>>, vector<1x16xf32>,
    %swap3A_547 = arith.constant 32 : i32
    %swap3A_548 = arith.index_cast %swap3A_547 : i32 to index
    %swap3A_549 = arith.constant 0 : index
    %swap3A_550 = tpu.vector_load %arg15[%swap3A_548, %swap3A_549] {strides = array<i32>} : memref<64x16xf32, #tpu.memory_space<vmem>>, vector<1x16xf32>,
    %swap3A_551 = vector.shape_cast %swap3A_550 : vector<1x16xf32> to vector<16xf32>
    %swap3A_552 = vector.shape_cast %broadcast_in_dim3A_1 : vector<16xf32> to vector<1x16xf32>
    tpu.vector_store %arg15[%swap3A_548, %swap3A_549], %swap3A_552 {strides = array<i32>} : memref<64x16xf32, #tpu.memory_space<vmem>>, vector<1x16xf32>,
    %swap3A_553 = arith.constant 33 : i32
    %swap3A_554 = arith.index_cast %swap3A_553 : i32 to index
    %swap3A_555 = arith.constant 0 : index
    %swap3A_556 = tpu.vector_load %arg15[%swap3A_554, %swap3A_555] {strides = array<i32>} : memref<64x16xf32, #tpu.memory_space<vmem>>, vector<1x16xf32>,
    %swap3A_557 = vector.shape_cast %swap3A_556 : vector<1x16xf32> to vector<16xf32>
    %swap3A_558 = vector.shape_cast %broadcast_in_dim3A_1 : vector<16xf32> to vector<1x16xf32>
    tpu.vector_store %arg15[%swap3A_554, %swap3A_555], %swap3A_558 {strides = array<i32>} : memref<64x16xf32, #tpu.memory_space<vmem>>, vector<1x16xf32>,
    %swap3A_559 = arith.constant 34 : i32
    %swap3A_560 = arith.index_cast %swap3A_559 : i32 to index
    %swap3A_561 = arith.constant 0 : index
    %swap3A_562 = tpu.vector_load %arg15[%swap3A_560, %swap3A_561] {strides = array<i32>} : memref<64x16xf32, #tpu.memory_space<vmem>>, vector<1x16xf32>,
    %swap3A_563 = vector.shape_cast %swap3A_562 : vector<1x16xf32> to vector<16xf32>
    %swap3A_564 = vector.shape_cast %broadcast_in_dim3A_1 : vector<16xf32> to vector<1x16xf32>
    tpu.vector_store %arg15[%swap3A_560, %swap3A_561], %swap3A_564 {strides = array<i32>} : memref<64x16xf32, #tpu.memory_space<vmem>>, vector<1x16xf32>,
    %swap3A_565 = arith.constant 35 : i32
    %swap3A_566 = arith.index_cast %swap3A_565 : i32 to index
    %swap3A_567 = arith.constant 0 : index
    %swap3A_568 = tpu.vector_load %arg15[%swap3A_566, %swap3A_567] {strides = array<i32>} : memref<64x16xf32, #tpu.memory_space<vmem>>, vector<1x16xf32>,
    %swap3A_569 = vector.shape_cast %swap3A_568 : vector<1x16xf32> to vector<16xf32>
    %swap3A_570 = vector.shape_cast %broadcast_in_dim3A_1 : vector<16xf32> to vector<1x16xf32>
    tpu.vector_store %arg15[%swap3A_566, %swap3A_567], %swap3A_570 {strides = array<i32>} : memref<64x16xf32, #tpu.memory_space<vmem>>, vector<1x16xf32>,
    %swap3A_571 = arith.constant 36 : i32
    %swap3A_572 = arith.index_cast %swap3A_571 : i32 to index
    %swap3A_573 = arith.constant 0 : index
    %swap3A_574 = tpu.vector_load %arg15[%swap3A_572, %swap3A_573] {strides = array<i32>} : memref<64x16xf32, #tpu.memory_space<vmem>>, vector<1x16xf32>,
    %swap3A_575 = vector.shape_cast %swap3A_574 : vector<1x16xf32> to vector<16xf32>
    %swap3A_576 = vector.shape_cast %broadcast_in_dim3A_1 : vector<16xf32> to vector<1x16xf32>
    tpu.vector_store %arg15[%swap3A_572, %swap3A_573], %swap3A_576 {strides = array<i32>} : memref<64x16xf32, #tpu.memory_space<vmem>>, vector<1x16xf32>,
    %swap3A_577 = arith.constant 37 : i32
    %swap3A_578 = arith.index_cast %swap3A_577 : i32 to index
    %swap3A_579 = arith.constant 0 : index
    %swap3A_580 = tpu.vector_load %arg15[%swap3A_578, %swap3A_579] {strides = array<i32>} : memref<64x16xf32, #tpu.memory_space<vmem>>, vector<1x16xf32>,
    %swap3A_581 = vector.shape_cast %swap3A_580 : vector<1x16xf32> to vector<16xf32>
    %swap3A_582 = vector.shape_cast %broadcast_in_dim3A_1 : vector<16xf32> to vector<1x16xf32>
    tpu.vector_store %arg15[%swap3A_578, %swap3A_579], %swap3A_582 {strides = array<i32>} : memref<64x16xf32, #tpu.memory_space<vmem>>, vector<1x16xf32>,
    %swap3A_583 = arith.constant 38 : i32
    %swap3A_584 = arith.index_cast %swap3A_583 : i32 to index
    %swap3A_585 = arith.constant 0 : index
    %swap3A_586 = tpu.vector_load %arg15[%swap3A_584, %swap3A_585] {strides = array<i32>} : memref<64x16xf32, #tpu.memory_space<vmem>>, vector<1x16xf32>,
    %swap3A_587 = vector.shape_cast %swap3A_586 : vector<1x16xf32> to vector<16xf32>
    %swap3A_588 = vector.shape_cast %broadcast_in_dim3A_1 : vector<16xf32> to vector<1x16xf32>
    tpu.vector_store %arg15[%swap3A_584, %swap3A_585], %swap3A_588 {strides = array<i32>} : memref<64x16xf32, #tpu.memory_space<vmem>>, vector<1x16xf32>,
    %swap3A_589 = arith.constant 39 : i32
    %swap3A_590 = arith.index_cast %swap3A_589 : i32 to index
    %swap3A_591 = arith.constant 0 : index
    %swap3A_592 = tpu.vector_load %arg15[%swap3A_590, %swap3A_591] {strides = array<i32>} : memref<64x16xf32, #tpu.memory_space<vmem>>, vector<1x16xf32>,
    %swap3A_593 = vector.shape_cast %swap3A_592 : vector<1x16xf32> to vector<16xf32>
    %swap3A_594 = vector.shape_cast %broadcast_in_dim3A_1 : vector<16xf32> to vector<1x16xf32>
    tpu.vector_store %arg15[%swap3A_590, %swap3A_591], %swap3A_594 {strides = array<i32>} : memref<64x16xf32, #tpu.memory_space<vmem>>, vector<1x16xf32>,
    %swap3A_595 = arith.constant 40 : i32
    %swap3A_596 = arith.index_cast %swap3A_595 : i32 to index
    %swap3A_597 = arith.constant 0 : index
    %swap3A_598 = tpu.vector_load %arg15[%swap3A_596, %swap3A_597] {strides = array<i32>} : memref<64x16xf32, #tpu.memory_space<vmem>>, vector<1x16xf32>,
    %swap3A_599 = vector.shape_cast %swap3A_598 : vector<1x16xf32> to vector<16xf32>
    %swap3A_600 = vector.shape_cast %broadcast_in_dim3A_1 : vector<16xf32> to vector<1x16xf32>
    tpu.vector_store %arg15[%swap3A_596, %swap3A_597], %swap3A_600 {strides = array<i32>} : memref<64x16xf32, #tpu.memory_space<vmem>>, vector<1x16xf32>,
    %swap3A_601 = arith.constant 41 : i32
    %swap3A_602 = arith.index_cast %swap3A_601 : i32 to index
    %swap3A_603 = arith.constant 0 : index
    %swap3A_604 = tpu.vector_load %arg15[%swap3A_602, %swap3A_603] {strides = array<i32>} : memref<64x16xf32, #tpu.memory_space<vmem>>, vector<1x16xf32>,
    %swap3A_605 = vector.shape_cast %swap3A_604 : vector<1x16xf32> to vector<16xf32>
    %swap3A_606 = vector.shape_cast %broadcast_in_dim3A_1 : vector<16xf32> to vector<1x16xf32>
    tpu.vector_store %arg15[%swap3A_602, %swap3A_603], %swap3A_606 {strides = array<i32>} : memref<64x16xf32, #tpu.memory_space<vmem>>, vector<1x16xf32>,
    %swap3A_607 = arith.constant 42 : i32
    %swap3A_608 = arith.index_cast %swap3A_607 : i32 to index
    %swap3A_609 = arith.constant 0 : index
    %swap3A_610 = tpu.vector_load %arg15[%swap3A_608, %swap3A_609] {strides = array<i32>} : memref<64x16xf32, #tpu.memory_space<vmem>>, vector<1x16xf32>,
    %swap3A_611 = vector.shape_cast %swap3A_610 : vector<1x16xf32> to vector<16xf32>
    %swap3A_612 = vector.shape_cast %broadcast_in_dim3A_1 : vector<16xf32> to vector<1x16xf32>
    tpu.vector_store %arg15[%swap3A_608, %swap3A_609], %swap3A_612 {strides = array<i32>} : memref<64x16xf32, #tpu.memory_space<vmem>>, vector<1x16xf32>,
    %swap3A_613 = arith.constant 43 : i32
    %swap3A_614 = arith.index_cast %swap3A_613 : i32 to index
    %swap3A_615 = arith.constant 0 : index
    %swap3A_616 = tpu.vector_load %arg15[%swap3A_614, %swap3A_615] {strides = array<i32>} : memref<64x16xf32, #tpu.memory_space<vmem>>, vector<1x16xf32>,
    %swap3A_617 = vector.shape_cast %swap3A_616 : vector<1x16xf32> to vector<16xf32>
    %swap3A_618 = vector.shape_cast %broadcast_in_dim3A_1 : vector<16xf32> to vector<1x16xf32>
    tpu.vector_store %arg15[%swap3A_614, %swap3A_615], %swap3A_618 {strides = array<i32>} : memref<64x16xf32, #tpu.memory_space<vmem>>, vector<1x16xf32>,
    %swap3A_619 = arith.constant 44 : i32
    %swap3A_620 = arith.index_cast %swap3A_619 : i32 to index
    %swap3A_621 = arith.constant 0 : index
    %swap3A_622 = tpu.vector_load %arg15[%swap3A_620, %swap3A_621] {strides = array<i32>} : memref<64x16xf32, #tpu.memory_space<vmem>>, vector<1x16xf32>,
    %swap3A_623 = vector.shape_cast %swap3A_622 : vector<1x16xf32> to vector<16xf32>
    %swap3A_624 = vector.shape_cast %broadcast_in_dim3A_1 : vector<16xf32> to vector<1x16xf32>
    tpu.vector_store %arg15[%swap3A_620, %swap3A_621], %swap3A_624 {strides = array<i32>} : memref<64x16xf32, #tpu.memory_space<vmem>>, vector<1x16xf32>,
    %swap3A_625 = arith.constant 45 : i32
    %swap3A_626 = arith.index_cast %swap3A_625 : i32 to index
    %swap3A_627 = arith.constant 0 : index
    %swap3A_628 = tpu.vector_load %arg15[%swap3A_626, %swap3A_627] {strides = array<i32>} : memref<64x16xf32, #tpu.memory_space<vmem>>, vector<1x16xf32>,
    %swap3A_629 = vector.shape_cast %swap3A_628 : vector<1x16xf32> to vector<16xf32>
    %swap3A_630 = vector.shape_cast %broadcast_in_dim3A_1 : vector<16xf32> to vector<1x16xf32>
    tpu.vector_store %arg15[%swap3A_626, %swap3A_627], %swap3A_630 {strides = array<i32>} : memref<64x16xf32, #tpu.memory_space<vmem>>, vector<1x16xf32>,
    %swap3A_631 = arith.constant 46 : i32
    %swap3A_632 = arith.index_cast %swap3A_631 : i32 to index
    %swap3A_633 = arith.constant 0 : index
    %swap3A_634 = tpu.vector_load %arg15[%swap3A_632, %swap3A_633] {strides = array<i32>} : memref<64x16xf32, #tpu.memory_space<vmem>>, vector<1x16xf32>,
    %swap3A_635 = vector.shape_cast %swap3A_634 : vector<1x16xf32> to vector<16xf32>
    %swap3A_636 = vector.shape_cast %broadcast_in_dim3A_1 : vector<16xf32> to vector<1x16xf32>
    tpu.vector_store %arg15[%swap3A_632, %swap3A_633], %swap3A_636 {strides = array<i32>} : memref<64x16xf32, #tpu.memory_space<vmem>>, vector<1x16xf32>,
    %swap3A_637 = arith.constant 47 : i32
    %swap3A_638 = arith.index_cast %swap3A_637 : i32 to index
    %swap3A_639 = arith.constant 0 : index
    %swap3A_640 = tpu.vector_load %arg15[%swap3A_638, %swap3A_639] {strides = array<i32>} : memref<64x16xf32, #tpu.memory_space<vmem>>, vector<1x16xf32>,
    %swap3A_641 = vector.shape_cast %swap3A_640 : vector<1x16xf32> to vector<16xf32>
    %swap3A_642 = vector.shape_cast %broadcast_in_dim3A_1 : vector<16xf32> to vector<1x16xf32>
    tpu.vector_store %arg15[%swap3A_638, %swap3A_639], %swap3A_642 {strides = array<i32>} : memref<64x16xf32, #tpu.memory_space<vmem>>, vector<1x16xf32>,
    %swap3A_643 = arith.constant 48 : i32
    %swap3A_644 = arith.index_cast %swap3A_643 : i32 to index
    %swap3A_645 = arith.constant 0 : index
    %swap3A_646 = tpu.vector_load %arg15[%swap3A_644, %swap3A_645] {strides = array<i32>} : memref<64x16xf32, #tpu.memory_space<vmem>>, vector<1x16xf32>,
    %swap3A_647 = vector.shape_cast %swap3A_646 : vector<1x16xf32> to vector<16xf32>
    %swap3A_648 = vector.shape_cast %broadcast_in_dim3A_1 : vector<16xf32> to vector<1x16xf32>
    tpu.vector_store %arg15[%swap3A_644, %swap3A_645], %swap3A_648 {strides = array<i32>} : memref<64x16xf32, #tpu.memory_space<vmem>>, vector<1x16xf32>,
    %swap3A_649 = arith.constant 49 : i32
    %swap3A_650 = arith.index_cast %swap3A_649 : i32 to index
    %swap3A_651 = arith.constant 0 : index
    %swap3A_652 = tpu.vector_load %arg15[%swap3A_650, %swap3A_651] {strides = array<i32>} : memref<64x16xf32, #tpu.memory_space<vmem>>, vector<1x16xf32>,
    %swap3A_653 = vector.shape_cast %swap3A_652 : vector<1x16xf32> to vector<16xf32>
    %swap3A_654 = vector.shape_cast %broadcast_in_dim3A_1 : vector<16xf32> to vector<1x16xf32>
    tpu.vector_store %arg15[%swap3A_650, %swap3A_651], %swap3A_654 {strides = array<i32>} : memref<64x16xf32, #tpu.memory_space<vmem>>, vector<1x16xf32>,
    %swap3A_655 = arith.constant 50 : i32
    %swap3A_656 = arith.index_cast %swap3A_655 : i32 to index
    %swap3A_657 = arith.constant 0 : index
    %swap3A_658 = tpu.vector_load %arg15[%swap3A_656, %swap3A_657] {strides = array<i32>} : memref<64x16xf32, #tpu.memory_space<vmem>>, vector<1x16xf32>,
    %swap3A_659 = vector.shape_cast %swap3A_658 : vector<1x16xf32> to vector<16xf32>
    %swap3A_660 = vector.shape_cast %broadcast_in_dim3A_1 : vector<16xf32> to vector<1x16xf32>
    tpu.vector_store %arg15[%swap3A_656, %swap3A_657], %swap3A_660 {strides = array<i32>} : memref<64x16xf32, #tpu.memory_space<vmem>>, vector<1x16xf32>,
    %swap3A_661 = arith.constant 51 : i32
    %swap3A_662 = arith.index_cast %swap3A_661 : i32 to index
    %swap3A_663 = arith.constant 0 : index
    %swap3A_664 = tpu.vector_load %arg15[%swap3A_662, %swap3A_663] {strides = array<i32>} : memref<64x16xf32, #tpu.memory_space<vmem>>, vector<1x16xf32>,
    %swap3A_665 = vector.shape_cast %swap3A_664 : vector<1x16xf32> to vector<16xf32>
    %swap3A_666 = vector.shape_cast %broadcast_in_dim3A_1 : vector<16xf32> to vector<1x16xf32>
    tpu.vector_store %arg15[%swap3A_662, %swap3A_663], %swap3A_666 {strides = array<i32>} : memref<64x16xf32, #tpu.memory_space<vmem>>, vector<1x16xf32>,
    %swap3A_667 = arith.constant 52 : i32
    %swap3A_668 = arith.index_cast %swap3A_667 : i32 to index
    %swap3A_669 = arith.constant 0 : index
    %swap3A_670 = tpu.vector_load %arg15[%swap3A_668, %swap3A_669] {strides = array<i32>} : memref<64x16xf32, #tpu.memory_space<vmem>>, vector<1x16xf32>,
    %swap3A_671 = vector.shape_cast %swap3A_670 : vector<1x16xf32> to vector<16xf32>
    %swap3A_672 = vector.shape_cast %broadcast_in_dim3A_1 : vector<16xf32> to vector<1x16xf32>
    tpu.vector_store %arg15[%swap3A_668, %swap3A_669], %swap3A_672 {strides = array<i32>} : memref<64x16xf32, #tpu.memory_space<vmem>>, vector<1x16xf32>,
    %swap3A_673 = arith.constant 53 : i32
    %swap3A_674 = arith.index_cast %swap3A_673 : i32 to index
    %swap3A_675 = arith.constant 0 : index
    %swap3A_676 = tpu.vector_load %arg15[%swap3A_674, %swap3A_675] {strides = array<i32>} : memref<64x16xf32, #tpu.memory_space<vmem>>, vector<1x16xf32>,
    %swap3A_677 = vector.shape_cast %swap3A_676 : vector<1x16xf32> to vector<16xf32>
    %swap3A_678 = vector.shape_cast %broadcast_in_dim3A_1 : vector<16xf32> to vector<1x16xf32>
    tpu.vector_store %arg15[%swap3A_674, %swap3A_675], %swap3A_678 {strides = array<i32>} : memref<64x16xf32, #tpu.memory_space<vmem>>, vector<1x16xf32>,
    %swap3A_679 = arith.constant 54 : i32
    %swap3A_680 = arith.index_cast %swap3A_679 : i32 to index
    %swap3A_681 = arith.constant 0 : index
    %swap3A_682 = tpu.vector_load %arg15[%swap3A_680, %swap3A_681] {strides = array<i32>} : memref<64x16xf32, #tpu.memory_space<vmem>>, vector<1x16xf32>,
    %swap3A_683 = vector.shape_cast %swap3A_682 : vector<1x16xf32> to vector<16xf32>
    %swap3A_684 = vector.shape_cast %broadcast_in_dim3A_1 : vector<16xf32> to vector<1x16xf32>
    tpu.vector_store %arg15[%swap3A_680, %swap3A_681], %swap3A_684 {strides = array<i32>} : memref<64x16xf32, #tpu.memory_space<vmem>>, vector<1x16xf32>,
    %swap3A_685 = arith.constant 55 : i32
    %swap3A_686 = arith.index_cast %swap3A_685 : i32 to index
    %swap3A_687 = arith.constant 0 : index
    %swap3A_688 = tpu.vector_load %arg15[%swap3A_686, %swap3A_687] {strides = array<i32>} : memref<64x16xf32, #tpu.memory_space<vmem>>, vector<1x16xf32>,
    %swap3A_689 = vector.shape_cast %swap3A_688 : vector<1x16xf32> to vector<16xf32>
    %swap3A_690 = vector.shape_cast %broadcast_in_dim3A_1 : vector<16xf32> to vector<1x16xf32>
    tpu.vector_store %arg15[%swap3A_686, %swap3A_687], %swap3A_690 {strides = array<i32>} : memref<64x16xf32, #tpu.memory_space<vmem>>, vector<1x16xf32>,
    %swap3A_691 = arith.constant 56 : i32
    %swap3A_692 = arith.index_cast %swap3A_691 : i32 to index
    %swap3A_693 = arith.constant 0 : index
    %swap3A_694 = tpu.vector_load %arg15[%swap3A_692, %swap3A_693] {strides = array<i32>} : memref<64x16xf32, #tpu.memory_space<vmem>>, vector<1x16xf32>,
    %swap3A_695 = vector.shape_cast %swap3A_694 : vector<1x16xf32> to vector<16xf32>
    %swap3A_696 = vector.shape_cast %broadcast_in_dim3A_1 : vector<16xf32> to vector<1x16xf32>
    tpu.vector_store %arg15[%swap3A_692, %swap3A_693], %swap3A_696 {strides = array<i32>} : memref<64x16xf32, #tpu.memory_space<vmem>>, vector<1x16xf32>,
    %swap3A_697 = arith.constant 57 : i32
    %swap3A_698 = arith.index_cast %swap3A_697 : i32 to index
    %swap3A_699 = arith.constant 0 : index
    %swap3A_700 = tpu.vector_load %arg15[%swap3A_698, %swap3A_699] {strides = array<i32>} : memref<64x16xf32, #tpu.memory_space<vmem>>, vector<1x16xf32>,
    %swap3A_701 = vector.shape_cast %swap3A_700 : vector<1x16xf32> to vector<16xf32>
    %swap3A_702 = vector.shape_cast %broadcast_in_dim3A_1 : vector<16xf32> to vector<1x16xf32>
    tpu.vector_store %arg15[%swap3A_698, %swap3A_699], %swap3A_702 {strides = array<i32>} : memref<64x16xf32, #tpu.memory_space<vmem>>, vector<1x16xf32>,
    %swap3A_703 = arith.constant 58 : i32
    %swap3A_704 = arith.index_cast %swap3A_703 : i32 to index
    %swap3A_705 = arith.constant 0 : index
    %swap3A_706 = tpu.vector_load %arg15[%swap3A_704, %swap3A_705] {strides = array<i32>} : memref<64x16xf32, #tpu.memory_space<vmem>>, vector<1x16xf32>,
    %swap3A_707 = vector.shape_cast %swap3A_706 : vector<1x16xf32> to vector<16xf32>
    %swap3A_708 = vector.shape_cast %broadcast_in_dim3A_1 : vector<16xf32> to vector<1x16xf32>
    tpu.vector_store %arg15[%swap3A_704, %swap3A_705], %swap3A_708 {strides = array<i32>} : memref<64x16xf32, #tpu.memory_space<vmem>>, vector<1x16xf32>,
    %swap3A_709 = arith.constant 59 : i32
    %swap3A_710 = arith.index_cast %swap3A_709 : i32 to index
    %swap3A_711 = arith.constant 0 : index
    %swap3A_712 = tpu.vector_load %arg15[%swap3A_710, %swap3A_711] {strides = array<i32>} : memref<64x16xf32, #tpu.memory_space<vmem>>, vector<1x16xf32>,
    %swap3A_713 = vector.shape_cast %swap3A_712 : vector<1x16xf32> to vector<16xf32>
    %swap3A_714 = vector.shape_cast %broadcast_in_dim3A_1 : vector<16xf32> to vector<1x16xf32>
    tpu.vector_store %arg15[%swap3A_710, %swap3A_711], %swap3A_714 {strides = array<i32>} : memref<64x16xf32, #tpu.memory_space<vmem>>, vector<1x16xf32>,
    %swap3A_715 = arith.constant 60 : i32
    %swap3A_716 = arith.index_cast %swap3A_715 : i32 to index
    %swap3A_717 = arith.constant 0 : index
    %swap3A_718 = tpu.vector_load %arg15[%swap3A_716, %swap3A_717] {strides = array<i32>} : memref<64x16xf32, #tpu.memory_space<vmem>>, vector<1x16xf32>,
    %swap3A_719 = vector.shape_cast %swap3A_718 : vector<1x16xf32> to vector<16xf32>
    %swap3A_720 = vector.shape_cast %broadcast_in_dim3A_1 : vector<16xf32> to vector<1x16xf32>
    tpu.vector_store %arg15[%swap3A_716, %swap3A_717], %swap3A_720 {strides = array<i32>} : memref<64x16xf32, #tpu.memory_space<vmem>>, vector<1x16xf32>,
    %swap3A_721 = arith.constant 61 : i32
    %swap3A_722 = arith.index_cast %swap3A_721 : i32 to index
    %swap3A_723 = arith.constant 0 : index
    %swap3A_724 = tpu.vector_load %arg15[%swap3A_722, %swap3A_723] {strides = array<i32>} : memref<64x16xf32, #tpu.memory_space<vmem>>, vector<1x16xf32>,
    %swap3A_725 = vector.shape_cast %swap3A_724 : vector<1x16xf32> to vector<16xf32>
    %swap3A_726 = vector.shape_cast %broadcast_in_dim3A_1 : vector<16xf32> to vector<1x16xf32>
    tpu.vector_store %arg15[%swap3A_722, %swap3A_723], %swap3A_726 {strides = array<i32>} : memref<64x16xf32, #tpu.memory_space<vmem>>, vector<1x16xf32>,
    %swap3A_727 = arith.constant 62 : i32
    %swap3A_728 = arith.index_cast %swap3A_727 : i32 to index
    %swap3A_729 = arith.constant 0 : index
    %swap3A_730 = tpu.vector_load %arg15[%swap3A_728, %swap3A_729] {strides = array<i32>} : memref<64x16xf32, #tpu.memory_space<vmem>>, vector<1x16xf32>,
    %swap3A_731 = vector.shape_cast %swap3A_730 : vector<1x16xf32> to vector<16xf32>
    %swap3A_732 = vector.shape_cast %broadcast_in_dim3A_1 : vector<16xf32> to vector<1x16xf32>
    tpu.vector_store %arg15[%swap3A_728, %swap3A_729], %swap3A_732 {strides = array<i32>} : memref<64x16xf32, #tpu.memory_space<vmem>>, vector<1x16xf32>,
    %swap3A_733 = arith.constant 63 : i32
    %swap3A_734 = arith.index_cast %swap3A_733 : i32 to index
    %swap3A_735 = arith.constant 0 : index
    %swap3A_736 = tpu.vector_load %arg15[%swap3A_734, %swap3A_735] {strides = array<i32>} : memref<64x16xf32, #tpu.memory_space<vmem>>, vector<1x16xf32>,
    %swap3A_737 = vector.shape_cast %swap3A_736 : vector<1x16xf32> to vector<16xf32>
    %swap3A_738 = vector.shape_cast %broadcast_in_dim3A_1 : vector<16xf32> to vector<1x16xf32>
    tpu.vector_store %arg15[%swap3A_734, %swap3A_735], %swap3A_738 {strides = array<i32>} : memref<64x16xf32, #tpu.memory_space<vmem>>, vector<1x16xf32>,
    %scan3A = arith.constant 0 : i32
    %scan3A_739 = arith.constant 0 : i32
    %scan3A_740 = arith.constant 64 : i32
    %scan3A_741 = arith.addi %scan3A_739, %scan3A_740 : i32
    %scan3A_742 = arith.constant 1 : i32
    scf.for %scan3A_784 = %scan3A_739 to %scan3A_741 step %scan3A_742  : i32 {
      %broadcast_in_dim3A_785 = vector.broadcast %scan3A_784 : i32 to vector<16xi32>
      %broadcast_in_dim3A_786 = arith.constant 0.000000e+00 : f32
      %broadcast_in_dim3A_787 = vector.broadcast %broadcast_in_dim3A_786 : f32 to vector<16xf32>
      %broadcast_in_dim3A_788 = arith.constant 1.000000e+00 : f32
      %broadcast_in_dim3A_789 = vector.broadcast %broadcast_in_dim3A_788 : f32 to vector<16xf32>
      %get3A = arith.constant 0 : index
      %get3A_790 = tpu.vector_load %arg14[%get3A] {strides = array<i32>} : memref<3136xi32, #tpu.memory_space<vmem>>, vector<16xi32>,
      %get3A_791 = vector.shape_cast %get3A_790 : vector<16xi32> to vector<16xi32>
      %eq3A = arith.cmpi eq, %get3A_791, %broadcast_in_dim3A_785 : vector<16xi32>
      %select_n3A = arith.select %eq3A, %broadcast_in_dim3A_789, %broadcast_in_dim3A_1 : vector<16xi1>, vector<16xf32>
      %add3A_792 = arith.addf %broadcast_in_dim3A_787, %select_n3A : vector<16xf32>
      %get3A_793 = arith.constant 16 : index
      %get3A_794 = tpu.vector_load %arg14[%get3A_793] {strides = array<i32>} : memref<3136xi32, #tpu.memory_space<vmem>>, vector<16xi32>,
      %get3A_795 = vector.shape_cast %get3A_794 : vector<16xi32> to vector<16xi32>
      %eq3A_796 = arith.cmpi eq, %get3A_795, %broadcast_in_dim3A_785 : vector<16xi32>
      %select_n3A_797 = arith.select %eq3A_796, %broadcast_in_dim3A_789, %broadcast_in_dim3A_1 : vector<16xi1>, vector<16xf32>
      %add3A_798 = arith.addf %add3A_792, %select_n3A_797 : vector<16xf32>
      %get3A_799 = arith.constant 32 : index
      %get3A_800 = tpu.vector_load %arg14[%get3A_799] {strides = array<i32>} : memref<3136xi32, #tpu.memory_space<vmem>>, vector<16xi32>,
      %get3A_801 = vector.shape_cast %get3A_800 : vector<16xi32> to vector<16xi32>
      %eq3A_802 = arith.cmpi eq, %get3A_801, %broadcast_in_dim3A_785 : vector<16xi32>
      %select_n3A_803 = arith.select %eq3A_802, %broadcast_in_dim3A_789, %broadcast_in_dim3A_1 : vector<16xi1>, vector<16xf32>
      %add3A_804 = arith.addf %add3A_798, %select_n3A_803 : vector<16xf32>
      %get3A_805 = arith.constant 48 : index
      %get3A_806 = tpu.vector_load %arg14[%get3A_805] {strides = array<i32>} : memref<3136xi32, #tpu.memory_space<vmem>>, vector<16xi32>,
      %get3A_807 = vector.shape_cast %get3A_806 : vector<16xi32> to vector<16xi32>
      %eq3A_808 = arith.cmpi eq, %get3A_807, %broadcast_in_dim3A_785 : vector<16xi32>
      %select_n3A_809 = arith.select %eq3A_808, %broadcast_in_dim3A_789, %broadcast_in_dim3A_1 : vector<16xi1>, vector<16xf32>
      %add3A_810 = arith.addf %add3A_804, %select_n3A_809 : vector<16xf32>
      %get3A_811 = arith.constant 64 : index
      %get3A_812 = tpu.vector_load %arg14[%get3A_811] {strides = array<i32>} : memref<3136xi32, #tpu.memory_space<vmem>>, vector<16xi32>,
      %get3A_813 = vector.shape_cast %get3A_812 : vector<16xi32> to vector<16xi32>
      %eq3A_814 = arith.cmpi eq, %get3A_813, %broadcast_in_dim3A_785 : vector<16xi32>
      %select_n3A_815 = arith.select %eq3A_814, %broadcast_in_dim3A_789, %broadcast_in_dim3A_1 : vector<16xi1>, vector<16xf32>
      %add3A_816 = arith.addf %add3A_810, %select_n3A_815 : vector<16xf32>
      %get3A_817 = arith.constant 80 : index
      %get3A_818 = tpu.vector_load %arg14[%get3A_817] {strides = array<i32>} : memref<3136xi32, #tpu.memory_space<vmem>>, vector<16xi32>,
      %get3A_819 = vector.shape_cast %get3A_818 : vector<16xi32> to vector<16xi32>
      %eq3A_820 = arith.cmpi eq, %get3A_819, %broadcast_in_dim3A_785 : vector<16xi32>
      %select_n3A_821 = arith.select %eq3A_820, %broadcast_in_dim3A_789, %broadcast_in_dim3A_1 : vector<16xi1>, vector<16xf32>
      %add3A_822 = arith.addf %add3A_816, %select_n3A_821 : vector<16xf32>
      %get3A_823 = arith.constant 96 : index
      %get3A_824 = tpu.vector_load %arg14[%get3A_823] {strides = array<i32>} : memref<3136xi32, #tpu.memory_space<vmem>>, vector<16xi32>,
      %get3A_825 = vector.shape_cast %get3A_824 : vector<16xi32> to vector<16xi32>
      %eq3A_826 = arith.cmpi eq, %get3A_825, %broadcast_in_dim3A_785 : vector<16xi32>
      %select_n3A_827 = arith.select %eq3A_826, %broadcast_in_dim3A_789, %broadcast_in_dim3A_1 : vector<16xi1>, vector<16xf32>
      %add3A_828 = arith.addf %add3A_822, %select_n3A_827 : vector<16xf32>
      %get3A_829 = arith.constant 112 : index
      %get3A_830 = tpu.vector_load %arg14[%get3A_829] {strides = array<i32>} : memref<3136xi32, #tpu.memory_space<vmem>>, vector<16xi32>,
      %get3A_831 = vector.shape_cast %get3A_830 : vector<16xi32> to vector<16xi32>
      %eq3A_832 = arith.cmpi eq, %get3A_831, %broadcast_in_dim3A_785 : vector<16xi32>
      %select_n3A_833 = arith.select %eq3A_832, %broadcast_in_dim3A_789, %broadcast_in_dim3A_1 : vector<16xi1>, vector<16xf32>
      %add3A_834 = arith.addf %add3A_828, %select_n3A_833 : vector<16xf32>
      %get3A_835 = arith.constant 128 : index
      %get3A_836 = tpu.vector_load %arg14[%get3A_835] {strides = array<i32>} : memref<3136xi32, #tpu.memory_space<vmem>>, vector<16xi32>,
      %get3A_837 = vector.shape_cast %get3A_836 : vector<16xi32> to vector<16xi32>
      %eq3A_838 = arith.cmpi eq, %get3A_837, %broadcast_in_dim3A_785 : vector<16xi32>
      %select_n3A_839 = arith.select %eq3A_838, %broadcast_in_dim3A_789, %broadcast_in_dim3A_1 : vector<16xi1>, vector<16xf32>
      %add3A_840 = arith.addf %add3A_834, %select_n3A_839 : vector<16xf32>
      %get3A_841 = arith.constant 144 : index
      %get3A_842 = tpu.vector_load %arg14[%get3A_841] {strides = array<i32>} : memref<3136xi32, #tpu.memory_space<vmem>>, vector<16xi32>,
      %get3A_843 = vector.shape_cast %get3A_842 : vector<16xi32> to vector<16xi32>
      %eq3A_844 = arith.cmpi eq, %get3A_843, %broadcast_in_dim3A_785 : vector<16xi32>
      %select_n3A_845 = arith.select %eq3A_844, %broadcast_in_dim3A_789, %broadcast_in_dim3A_1 : vector<16xi1>, vector<16xf32>
      %add3A_846 = arith.addf %add3A_840, %select_n3A_845 : vector<16xf32>
      %get3A_847 = arith.constant 160 : index
      %get3A_848 = tpu.vector_load %arg14[%get3A_847] {strides = array<i32>} : memref<3136xi32, #tpu.memory_space<vmem>>, vector<16xi32>,
      %get3A_849 = vector.shape_cast %get3A_848 : vector<16xi32> to vector<16xi32>
      %eq3A_850 = arith.cmpi eq, %get3A_849, %broadcast_in_dim3A_785 : vector<16xi32>
      %select_n3A_851 = arith.select %eq3A_850, %broadcast_in_dim3A_789, %broadcast_in_dim3A_1 : vector<16xi1>, vector<16xf32>
      %add3A_852 = arith.addf %add3A_846, %select_n3A_851 : vector<16xf32>
      %get3A_853 = arith.constant 176 : index
      %get3A_854 = tpu.vector_load %arg14[%get3A_853] {strides = array<i32>} : memref<3136xi32, #tpu.memory_space<vmem>>, vector<16xi32>,
      %get3A_855 = vector.shape_cast %get3A_854 : vector<16xi32> to vector<16xi32>
      %eq3A_856 = arith.cmpi eq, %get3A_855, %broadcast_in_dim3A_785 : vector<16xi32>
      %select_n3A_857 = arith.select %eq3A_856, %broadcast_in_dim3A_789, %broadcast_in_dim3A_1 : vector<16xi1>, vector<16xf32>
      %add3A_858 = arith.addf %add3A_852, %select_n3A_857 : vector<16xf32>
      %get3A_859 = arith.constant 192 : index
      %get3A_860 = tpu.vector_load %arg14[%get3A_859] {strides = array<i32>} : memref<3136xi32, #tpu.memory_space<vmem>>, vector<16xi32>,
      %get3A_861 = vector.shape_cast %get3A_860 : vector<16xi32> to vector<16xi32>
      %eq3A_862 = arith.cmpi eq, %get3A_861, %broadcast_in_dim3A_785 : vector<16xi32>
      %select_n3A_863 = arith.select %eq3A_862, %broadcast_in_dim3A_789, %broadcast_in_dim3A_1 : vector<16xi1>, vector<16xf32>
      %add3A_864 = arith.addf %add3A_858, %select_n3A_863 : vector<16xf32>
      %get3A_865 = arith.constant 208 : index
      %get3A_866 = tpu.vector_load %arg14[%get3A_865] {strides = array<i32>} : memref<3136xi32, #tpu.memory_space<vmem>>, vector<16xi32>,
      %get3A_867 = vector.shape_cast %get3A_866 : vector<16xi32> to vector<16xi32>
      %eq3A_868 = arith.cmpi eq, %get3A_867, %broadcast_in_dim3A_785 : vector<16xi32>
      %select_n3A_869 = arith.select %eq3A_868, %broadcast_in_dim3A_789, %broadcast_in_dim3A_1 : vector<16xi1>, vector<16xf32>
      %add3A_870 = arith.addf %add3A_864, %select_n3A_869 : vector<16xf32>
      %get3A_871 = arith.constant 224 : index
      %get3A_872 = tpu.vector_load %arg14[%get3A_871] {strides = array<i32>} : memref<3136xi32, #tpu.memory_space<vmem>>, vector<16xi32>,
      %get3A_873 = vector.shape_cast %get3A_872 : vector<16xi32> to vector<16xi32>
      %eq3A_874 = arith.cmpi eq, %get3A_873, %broadcast_in_dim3A_785 : vector<16xi32>
      %select_n3A_875 = arith.select %eq3A_874, %broadcast_in_dim3A_789, %broadcast_in_dim3A_1 : vector<16xi1>, vector<16xf32>
      %add3A_876 = arith.addf %add3A_870, %select_n3A_875 : vector<16xf32>
      %get3A_877 = arith.constant 240 : index
      %get3A_878 = tpu.vector_load %arg14[%get3A_877] {strides = array<i32>} : memref<3136xi32, #tpu.memory_space<vmem>>, vector<16xi32>,
      %get3A_879 = vector.shape_cast %get3A_878 : vector<16xi32> to vector<16xi32>
      %eq3A_880 = arith.cmpi eq, %get3A_879, %broadcast_in_dim3A_785 : vector<16xi32>
      %select_n3A_881 = arith.select %eq3A_880, %broadcast_in_dim3A_789, %broadcast_in_dim3A_1 : vector<16xi1>, vector<16xf32>
      %add3A_882 = arith.addf %add3A_876, %select_n3A_881 : vector<16xf32>
      %get3A_883 = arith.constant 256 : index
      %get3A_884 = tpu.vector_load %arg14[%get3A_883] {strides = array<i32>} : memref<3136xi32, #tpu.memory_space<vmem>>, vector<16xi32>,
      %get3A_885 = vector.shape_cast %get3A_884 : vector<16xi32> to vector<16xi32>
      %eq3A_886 = arith.cmpi eq, %get3A_885, %broadcast_in_dim3A_785 : vector<16xi32>
      %select_n3A_887 = arith.select %eq3A_886, %broadcast_in_dim3A_789, %broadcast_in_dim3A_1 : vector<16xi1>, vector<16xf32>
      %add3A_888 = arith.addf %add3A_882, %select_n3A_887 : vector<16xf32>
      %get3A_889 = arith.constant 272 : index
      %get3A_890 = tpu.vector_load %arg14[%get3A_889] {strides = array<i32>} : memref<3136xi32, #tpu.memory_space<vmem>>, vector<16xi32>,
      %get3A_891 = vector.shape_cast %get3A_890 : vector<16xi32> to vector<16xi32>
      %eq3A_892 = arith.cmpi eq, %get3A_891, %broadcast_in_dim3A_785 : vector<16xi32>
      %select_n3A_893 = arith.select %eq3A_892, %broadcast_in_dim3A_789, %broadcast_in_dim3A_1 : vector<16xi1>, vector<16xf32>
      %add3A_894 = arith.addf %add3A_888, %select_n3A_893 : vector<16xf32>
      %get3A_895 = arith.constant 288 : index
      %get3A_896 = tpu.vector_load %arg14[%get3A_895] {strides = array<i32>} : memref<3136xi32, #tpu.memory_space<vmem>>, vector<16xi32>,
      %get3A_897 = vector.shape_cast %get3A_896 : vector<16xi32> to vector<16xi32>
      %eq3A_898 = arith.cmpi eq, %get3A_897, %broadcast_in_dim3A_785 : vector<16xi32>
      %select_n3A_899 = arith.select %eq3A_898, %broadcast_in_dim3A_789, %broadcast_in_dim3A_1 : vector<16xi1>, vector<16xf32>
      %add3A_900 = arith.addf %add3A_894, %select_n3A_899 : vector<16xf32>
      %get3A_901 = arith.constant 304 : index
      %get3A_902 = tpu.vector_load %arg14[%get3A_901] {strides = array<i32>} : memref<3136xi32, #tpu.memory_space<vmem>>, vector<16xi32>,
      %get3A_903 = vector.shape_cast %get3A_902 : vector<16xi32> to vector<16xi32>
      %eq3A_904 = arith.cmpi eq, %get3A_903, %broadcast_in_dim3A_785 : vector<16xi32>
      %select_n3A_905 = arith.select %eq3A_904, %broadcast_in_dim3A_789, %broadcast_in_dim3A_1 : vector<16xi1>, vector<16xf32>
      %add3A_906 = arith.addf %add3A_900, %select_n3A_905 : vector<16xf32>
      %get3A_907 = arith.constant 320 : index
      %get3A_908 = tpu.vector_load %arg14[%get3A_907] {strides = array<i32>} : memref<3136xi32, #tpu.memory_space<vmem>>, vector<16xi32>,
      %get3A_909 = vector.shape_cast %get3A_908 : vector<16xi32> to vector<16xi32>
      %eq3A_910 = arith.cmpi eq, %get3A_909, %broadcast_in_dim3A_785 : vector<16xi32>
      %select_n3A_911 = arith.select %eq3A_910, %broadcast_in_dim3A_789, %broadcast_in_dim3A_1 : vector<16xi1>, vector<16xf32>
      %add3A_912 = arith.addf %add3A_906, %select_n3A_911 : vector<16xf32>
      %get3A_913 = arith.constant 336 : index
      %get3A_914 = tpu.vector_load %arg14[%get3A_913] {strides = array<i32>} : memref<3136xi32, #tpu.memory_space<vmem>>, vector<16xi32>,
      %get3A_915 = vector.shape_cast %get3A_914 : vector<16xi32> to vector<16xi32>
      %eq3A_916 = arith.cmpi eq, %get3A_915, %broadcast_in_dim3A_785 : vector<16xi32>
      %select_n3A_917 = arith.select %eq3A_916, %broadcast_in_dim3A_789, %broadcast_in_dim3A_1 : vector<16xi1>, vector<16xf32>
      %add3A_918 = arith.addf %add3A_912, %select_n3A_917 : vector<16xf32>
      %get3A_919 = arith.constant 352 : index
      %get3A_920 = tpu.vector_load %arg14[%get3A_919] {strides = array<i32>} : memref<3136xi32, #tpu.memory_space<vmem>>, vector<16xi32>,
      %get3A_921 = vector.shape_cast %get3A_920 : vector<16xi32> to vector<16xi32>
      %eq3A_922 = arith.cmpi eq, %get3A_921, %broadcast_in_dim3A_785 : vector<16xi32>
      %select_n3A_923 = arith.select %eq3A_922, %broadcast_in_dim3A_789, %broadcast_in_dim3A_1 : vector<16xi1>, vector<16xf32>
      %add3A_924 = arith.addf %add3A_918, %select_n3A_923 : vector<16xf32>
      %get3A_925 = arith.constant 368 : index
      %get3A_926 = tpu.vector_load %arg14[%get3A_925] {strides = array<i32>} : memref<3136xi32, #tpu.memory_space<vmem>>, vector<16xi32>,
      %get3A_927 = vector.shape_cast %get3A_926 : vector<16xi32> to vector<16xi32>
      %eq3A_928 = arith.cmpi eq, %get3A_927, %broadcast_in_dim3A_785 : vector<16xi32>
      %select_n3A_929 = arith.select %eq3A_928, %broadcast_in_dim3A_789, %broadcast_in_dim3A_1 : vector<16xi1>, vector<16xf32>
      %add3A_930 = arith.addf %add3A_924, %select_n3A_929 : vector<16xf32>
      %get3A_931 = arith.constant 384 : index
      %get3A_932 = tpu.vector_load %arg14[%get3A_931] {strides = array<i32>} : memref<3136xi32, #tpu.memory_space<vmem>>, vector<16xi32>,
      %get3A_933 = vector.shape_cast %get3A_932 : vector<16xi32> to vector<16xi32>
      %eq3A_934 = arith.cmpi eq, %get3A_933, %broadcast_in_dim3A_785 : vector<16xi32>
      %select_n3A_935 = arith.select %eq3A_934, %broadcast_in_dim3A_789, %broadcast_in_dim3A_1 : vector<16xi1>, vector<16xf32>
      %add3A_936 = arith.addf %add3A_930, %select_n3A_935 : vector<16xf32>
      %get3A_937 = arith.constant 400 : index
      %get3A_938 = tpu.vector_load %arg14[%get3A_937] {strides = array<i32>} : memref<3136xi32, #tpu.memory_space<vmem>>, vector<16xi32>,
      %get3A_939 = vector.shape_cast %get3A_938 : vector<16xi32> to vector<16xi32>
      %eq3A_940 = arith.cmpi eq, %get3A_939, %broadcast_in_dim3A_785 : vector<16xi32>
      %select_n3A_941 = arith.select %eq3A_940, %broadcast_in_dim3A_789, %broadcast_in_dim3A_1 : vector<16xi1>, vector<16xf32>
      %add3A_942 = arith.addf %add3A_936, %select_n3A_941 : vector<16xf32>
      %get3A_943 = arith.constant 416 : index
      %get3A_944 = tpu.vector_load %arg14[%get3A_943] {strides = array<i32>} : memref<3136xi32, #tpu.memory_space<vmem>>, vector<16xi32>,
      %get3A_945 = vector.shape_cast %get3A_944 : vector<16xi32> to vector<16xi32>
      %eq3A_946 = arith.cmpi eq, %get3A_945, %broadcast_in_dim3A_785 : vector<16xi32>
      %select_n3A_947 = arith.select %eq3A_946, %broadcast_in_dim3A_789, %broadcast_in_dim3A_1 : vector<16xi1>, vector<16xf32>
      %add3A_948 = arith.addf %add3A_942, %select_n3A_947 : vector<16xf32>
      %get3A_949 = arith.constant 432 : index
      %get3A_950 = tpu.vector_load %arg14[%get3A_949] {strides = array<i32>} : memref<3136xi32, #tpu.memory_space<vmem>>, vector<16xi32>,
      %get3A_951 = vector.shape_cast %get3A_950 : vector<16xi32> to vector<16xi32>
      %eq3A_952 = arith.cmpi eq, %get3A_951, %broadcast_in_dim3A_785 : vector<16xi32>
      %select_n3A_953 = arith.select %eq3A_952, %broadcast_in_dim3A_789, %broadcast_in_dim3A_1 : vector<16xi1>, vector<16xf32>
      %add3A_954 = arith.addf %add3A_948, %select_n3A_953 : vector<16xf32>
      %get3A_955 = arith.constant 448 : index
      %get3A_956 = tpu.vector_load %arg14[%get3A_955] {strides = array<i32>} : memref<3136xi32, #tpu.memory_space<vmem>>, vector<16xi32>,
      %get3A_957 = vector.shape_cast %get3A_956 : vector<16xi32> to vector<16xi32>
      %eq3A_958 = arith.cmpi eq, %get3A_957, %broadcast_in_dim3A_785 : vector<16xi32>
      %select_n3A_959 = arith.select %eq3A_958, %broadcast_in_dim3A_789, %broadcast_in_dim3A_1 : vector<16xi1>, vector<16xf32>
      %add3A_960 = arith.addf %add3A_954, %select_n3A_959 : vector<16xf32>
      %get3A_961 = arith.constant 464 : index
      %get3A_962 = tpu.vector_load %arg14[%get3A_961] {strides = array<i32>} : memref<3136xi32, #tpu.memory_space<vmem>>, vector<16xi32>,
      %get3A_963 = vector.shape_cast %get3A_962 : vector<16xi32> to vector<16xi32>
      %eq3A_964 = arith.cmpi eq, %get3A_963, %broadcast_in_dim3A_785 : vector<16xi32>
      %select_n3A_965 = arith.select %eq3A_964, %broadcast_in_dim3A_789, %broadcast_in_dim3A_1 : vector<16xi1>, vector<16xf32>
      %add3A_966 = arith.addf %add3A_960, %select_n3A_965 : vector<16xf32>
      %get3A_967 = arith.constant 480 : index
      %get3A_968 = tpu.vector_load %arg14[%get3A_967] {strides = array<i32>} : memref<3136xi32, #tpu.memory_space<vmem>>, vector<16xi32>,
      %get3A_969 = vector.shape_cast %get3A_968 : vector<16xi32> to vector<16xi32>
      %eq3A_970 = arith.cmpi eq, %get3A_969, %broadcast_in_dim3A_785 : vector<16xi32>
      %select_n3A_971 = arith.select %eq3A_970, %broadcast_in_dim3A_789, %broadcast_in_dim3A_1 : vector<16xi1>, vector<16xf32>
      %add3A_972 = arith.addf %add3A_966, %select_n3A_971 : vector<16xf32>
      %get3A_973 = arith.constant 496 : index
      %get3A_974 = tpu.vector_load %arg14[%get3A_973] {strides = array<i32>} : memref<3136xi32, #tpu.memory_space<vmem>>, vector<16xi32>,
      %get3A_975 = vector.shape_cast %get3A_974 : vector<16xi32> to vector<16xi32>
      %eq3A_976 = arith.cmpi eq, %get3A_975, %broadcast_in_dim3A_785 : vector<16xi32>
      %select_n3A_977 = arith.select %eq3A_976, %broadcast_in_dim3A_789, %broadcast_in_dim3A_1 : vector<16xi1>, vector<16xf32>
      %add3A_978 = arith.addf %add3A_972, %select_n3A_977 : vector<16xf32>
      %get3A_979 = arith.constant 512 : index
      %get3A_980 = tpu.vector_load %arg14[%get3A_979] {strides = array<i32>} : memref<3136xi32, #tpu.memory_space<vmem>>, vector<16xi32>,
      %get3A_981 = vector.shape_cast %get3A_980 : vector<16xi32> to vector<16xi32>
      %eq3A_982 = arith.cmpi eq, %get3A_981, %broadcast_in_dim3A_785 : vector<16xi32>
      %select_n3A_983 = arith.select %eq3A_982, %broadcast_in_dim3A_789, %broadcast_in_dim3A_1 : vector<16xi1>, vector<16xf32>
      %add3A_984 = arith.addf %add3A_978, %select_n3A_983 : vector<16xf32>
      %get3A_985 = arith.constant 528 : index
      %get3A_986 = tpu.vector_load %arg14[%get3A_985] {strides = array<i32>} : memref<3136xi32, #tpu.memory_space<vmem>>, vector<16xi32>,
      %get3A_987 = vector.shape_cast %get3A_986 : vector<16xi32> to vector<16xi32>
      %eq3A_988 = arith.cmpi eq, %get3A_987, %broadcast_in_dim3A_785 : vector<16xi32>
      %select_n3A_989 = arith.select %eq3A_988, %broadcast_in_dim3A_789, %broadcast_in_dim3A_1 : vector<16xi1>, vector<16xf32>
      %add3A_990 = arith.addf %add3A_984, %select_n3A_989 : vector<16xf32>
      %get3A_991 = arith.constant 544 : index
      %get3A_992 = tpu.vector_load %arg14[%get3A_991] {strides = array<i32>} : memref<3136xi32, #tpu.memory_space<vmem>>, vector<16xi32>,
      %get3A_993 = vector.shape_cast %get3A_992 : vector<16xi32> to vector<16xi32>
      %eq3A_994 = arith.cmpi eq, %get3A_993, %broadcast_in_dim3A_785 : vector<16xi32>
      %select_n3A_995 = arith.select %eq3A_994, %broadcast_in_dim3A_789, %broadcast_in_dim3A_1 : vector<16xi1>, vector<16xf32>
      %add3A_996 = arith.addf %add3A_990, %select_n3A_995 : vector<16xf32>
      %get3A_997 = arith.constant 560 : index
      %get3A_998 = tpu.vector_load %arg14[%get3A_997] {strides = array<i32>} : memref<3136xi32, #tpu.memory_space<vmem>>, vector<16xi32>,
      %get3A_999 = vector.shape_cast %get3A_998 : vector<16xi32> to vector<16xi32>
      %eq3A_1000 = arith.cmpi eq, %get3A_999, %broadcast_in_dim3A_785 : vector<16xi32>
      %select_n3A_1001 = arith.select %eq3A_1000, %broadcast_in_dim3A_789, %broadcast_in_dim3A_1 : vector<16xi1>, vector<16xf32>
      %add3A_1002 = arith.addf %add3A_996, %select_n3A_1001 : vector<16xf32>
      %get3A_1003 = arith.constant 576 : index
      %get3A_1004 = tpu.vector_load %arg14[%get3A_1003] {strides = array<i32>} : memref<3136xi32, #tpu.memory_space<vmem>>, vector<16xi32>,
      %get3A_1005 = vector.shape_cast %get3A_1004 : vector<16xi32> to vector<16xi32>
      %eq3A_1006 = arith.cmpi eq, %get3A_1005, %broadcast_in_dim3A_785 : vector<16xi32>
      %select_n3A_1007 = arith.select %eq3A_1006, %broadcast_in_dim3A_789, %broadcast_in_dim3A_1 : vector<16xi1>, vector<16xf32>
      %add3A_1008 = arith.addf %add3A_1002, %select_n3A_1007 : vector<16xf32>
      %get3A_1009 = arith.constant 592 : index
      %get3A_1010 = tpu.vector_load %arg14[%get3A_1009] {strides = array<i32>} : memref<3136xi32, #tpu.memory_space<vmem>>, vector<16xi32>,
      %get3A_1011 = vector.shape_cast %get3A_1010 : vector<16xi32> to vector<16xi32>
      %eq3A_1012 = arith.cmpi eq, %get3A_1011, %broadcast_in_dim3A_785 : vector<16xi32>
      %select_n3A_1013 = arith.select %eq3A_1012, %broadcast_in_dim3A_789, %broadcast_in_dim3A_1 : vector<16xi1>, vector<16xf32>
      %add3A_1014 = arith.addf %add3A_1008, %select_n3A_1013 : vector<16xf32>
      %get3A_1015 = arith.constant 608 : index
      %get3A_1016 = tpu.vector_load %arg14[%get3A_1015] {strides = array<i32>} : memref<3136xi32, #tpu.memory_space<vmem>>, vector<16xi32>,
      %get3A_1017 = vector.shape_cast %get3A_1016 : vector<16xi32> to vector<16xi32>
      %eq3A_1018 = arith.cmpi eq, %get3A_1017, %broadcast_in_dim3A_785 : vector<16xi32>
      %select_n3A_1019 = arith.select %eq3A_1018, %broadcast_in_dim3A_789, %broadcast_in_dim3A_1 : vector<16xi1>, vector<16xf32>
      %add3A_1020 = arith.addf %add3A_1014, %select_n3A_1019 : vector<16xf32>
      %get3A_1021 = arith.constant 624 : index
      %get3A_1022 = tpu.vector_load %arg14[%get3A_1021] {strides = array<i32>} : memref<3136xi32, #tpu.memory_space<vmem>>, vector<16xi32>,
      %get3A_1023 = vector.shape_cast %get3A_1022 : vector<16xi32> to vector<16xi32>
      %eq3A_1024 = arith.cmpi eq, %get3A_1023, %broadcast_in_dim3A_785 : vector<16xi32>
      %select_n3A_1025 = arith.select %eq3A_1024, %broadcast_in_dim3A_789, %broadcast_in_dim3A_1 : vector<16xi1>, vector<16xf32>
      %add3A_1026 = arith.addf %add3A_1020, %select_n3A_1025 : vector<16xf32>
      %get3A_1027 = arith.constant 640 : index
      %get3A_1028 = tpu.vector_load %arg14[%get3A_1027] {strides = array<i32>} : memref<3136xi32, #tpu.memory_space<vmem>>, vector<16xi32>,
      %get3A_1029 = vector.shape_cast %get3A_1028 : vector<16xi32> to vector<16xi32>
      %eq3A_1030 = arith.cmpi eq, %get3A_1029, %broadcast_in_dim3A_785 : vector<16xi32>
      %select_n3A_1031 = arith.select %eq3A_1030, %broadcast_in_dim3A_789, %broadcast_in_dim3A_1 : vector<16xi1>, vector<16xf32>
      %add3A_1032 = arith.addf %add3A_1026, %select_n3A_1031 : vector<16xf32>
      %get3A_1033 = arith.constant 656 : index
      %get3A_1034 = tpu.vector_load %arg14[%get3A_1033] {strides = array<i32>} : memref<3136xi32, #tpu.memory_space<vmem>>, vector<16xi32>,
      %get3A_1035 = vector.shape_cast %get3A_1034 : vector<16xi32> to vector<16xi32>
      %eq3A_1036 = arith.cmpi eq, %get3A_1035, %broadcast_in_dim3A_785 : vector<16xi32>
      %select_n3A_1037 = arith.select %eq3A_1036, %broadcast_in_dim3A_789, %broadcast_in_dim3A_1 : vector<16xi1>, vector<16xf32>
      %add3A_1038 = arith.addf %add3A_1032, %select_n3A_1037 : vector<16xf32>
      %get3A_1039 = arith.constant 672 : index
      %get3A_1040 = tpu.vector_load %arg14[%get3A_1039] {strides = array<i32>} : memref<3136xi32, #tpu.memory_space<vmem>>, vector<16xi32>,
      %get3A_1041 = vector.shape_cast %get3A_1040 : vector<16xi32> to vector<16xi32>
      %eq3A_1042 = arith.cmpi eq, %get3A_1041, %broadcast_in_dim3A_785 : vector<16xi32>
      %select_n3A_1043 = arith.select %eq3A_1042, %broadcast_in_dim3A_789, %broadcast_in_dim3A_1 : vector<16xi1>, vector<16xf32>
      %add3A_1044 = arith.addf %add3A_1038, %select_n3A_1043 : vector<16xf32>
      %get3A_1045 = arith.constant 688 : index
      %get3A_1046 = tpu.vector_load %arg14[%get3A_1045] {strides = array<i32>} : memref<3136xi32, #tpu.memory_space<vmem>>, vector<16xi32>,
      %get3A_1047 = vector.shape_cast %get3A_1046 : vector<16xi32> to vector<16xi32>
      %eq3A_1048 = arith.cmpi eq, %get3A_1047, %broadcast_in_dim3A_785 : vector<16xi32>
      %select_n3A_1049 = arith.select %eq3A_1048, %broadcast_in_dim3A_789, %broadcast_in_dim3A_1 : vector<16xi1>, vector<16xf32>
      %add3A_1050 = arith.addf %add3A_1044, %select_n3A_1049 : vector<16xf32>
      %get3A_1051 = arith.constant 704 : index
      %get3A_1052 = tpu.vector_load %arg14[%get3A_1051] {strides = array<i32>} : memref<3136xi32, #tpu.memory_space<vmem>>, vector<16xi32>,
      %get3A_1053 = vector.shape_cast %get3A_1052 : vector<16xi32> to vector<16xi32>
      %eq3A_1054 = arith.cmpi eq, %get3A_1053, %broadcast_in_dim3A_785 : vector<16xi32>
      %select_n3A_1055 = arith.select %eq3A_1054, %broadcast_in_dim3A_789, %broadcast_in_dim3A_1 : vector<16xi1>, vector<16xf32>
      %add3A_1056 = arith.addf %add3A_1050, %select_n3A_1055 : vector<16xf32>
      %get3A_1057 = arith.constant 720 : index
      %get3A_1058 = tpu.vector_load %arg14[%get3A_1057] {strides = array<i32>} : memref<3136xi32, #tpu.memory_space<vmem>>, vector<16xi32>,
      %get3A_1059 = vector.shape_cast %get3A_1058 : vector<16xi32> to vector<16xi32>
      %eq3A_1060 = arith.cmpi eq, %get3A_1059, %broadcast_in_dim3A_785 : vector<16xi32>
      %select_n3A_1061 = arith.select %eq3A_1060, %broadcast_in_dim3A_789, %broadcast_in_dim3A_1 : vector<16xi1>, vector<16xf32>
      %add3A_1062 = arith.addf %add3A_1056, %select_n3A_1061 : vector<16xf32>
      %get3A_1063 = arith.constant 736 : index
      %get3A_1064 = tpu.vector_load %arg14[%get3A_1063] {strides = array<i32>} : memref<3136xi32, #tpu.memory_space<vmem>>, vector<16xi32>,
      %get3A_1065 = vector.shape_cast %get3A_1064 : vector<16xi32> to vector<16xi32>
      %eq3A_1066 = arith.cmpi eq, %get3A_1065, %broadcast_in_dim3A_785 : vector<16xi32>
      %select_n3A_1067 = arith.select %eq3A_1066, %broadcast_in_dim3A_789, %broadcast_in_dim3A_1 : vector<16xi1>, vector<16xf32>
      %add3A_1068 = arith.addf %add3A_1062, %select_n3A_1067 : vector<16xf32>
      %get3A_1069 = arith.constant 752 : index
      %get3A_1070 = tpu.vector_load %arg14[%get3A_1069] {strides = array<i32>} : memref<3136xi32, #tpu.memory_space<vmem>>, vector<16xi32>,
      %get3A_1071 = vector.shape_cast %get3A_1070 : vector<16xi32> to vector<16xi32>
      %eq3A_1072 = arith.cmpi eq, %get3A_1071, %broadcast_in_dim3A_785 : vector<16xi32>
      %select_n3A_1073 = arith.select %eq3A_1072, %broadcast_in_dim3A_789, %broadcast_in_dim3A_1 : vector<16xi1>, vector<16xf32>
      %add3A_1074 = arith.addf %add3A_1068, %select_n3A_1073 : vector<16xf32>
      %get3A_1075 = arith.constant 768 : index
      %get3A_1076 = tpu.vector_load %arg14[%get3A_1075] {strides = array<i32>} : memref<3136xi32, #tpu.memory_space<vmem>>, vector<16xi32>,
      %get3A_1077 = vector.shape_cast %get3A_1076 : vector<16xi32> to vector<16xi32>
      %eq3A_1078 = arith.cmpi eq, %get3A_1077, %broadcast_in_dim3A_785 : vector<16xi32>
      %select_n3A_1079 = arith.select %eq3A_1078, %broadcast_in_dim3A_789, %broadcast_in_dim3A_1 : vector<16xi1>, vector<16xf32>
      %add3A_1080 = arith.addf %add3A_1074, %select_n3A_1079 : vector<16xf32>
      %get3A_1081 = arith.constant 784 : index
      %get3A_1082 = tpu.vector_load %arg14[%get3A_1081] {strides = array<i32>} : memref<3136xi32, #tpu.memory_space<vmem>>, vector<16xi32>,
      %get3A_1083 = vector.shape_cast %get3A_1082 : vector<16xi32> to vector<16xi32>
      %eq3A_1084 = arith.cmpi eq, %get3A_1083, %broadcast_in_dim3A_785 : vector<16xi32>
      %select_n3A_1085 = arith.select %eq3A_1084, %broadcast_in_dim3A_789, %broadcast_in_dim3A_1 : vector<16xi1>, vector<16xf32>
      %add3A_1086 = arith.addf %add3A_1080, %select_n3A_1085 : vector<16xf32>
      %get3A_1087 = arith.constant 800 : index
      %get3A_1088 = tpu.vector_load %arg14[%get3A_1087] {strides = array<i32>} : memref<3136xi32, #tpu.memory_space<vmem>>, vector<16xi32>,
      %get3A_1089 = vector.shape_cast %get3A_1088 : vector<16xi32> to vector<16xi32>
      %eq3A_1090 = arith.cmpi eq, %get3A_1089, %broadcast_in_dim3A_785 : vector<16xi32>
      %select_n3A_1091 = arith.select %eq3A_1090, %broadcast_in_dim3A_789, %broadcast_in_dim3A_1 : vector<16xi1>, vector<16xf32>
      %add3A_1092 = arith.addf %add3A_1086, %select_n3A_1091 : vector<16xf32>
      %get3A_1093 = arith.constant 816 : index
      %get3A_1094 = tpu.vector_load %arg14[%get3A_1093] {strides = array<i32>} : memref<3136xi32, #tpu.memory_space<vmem>>, vector<16xi32>,
      %get3A_1095 = vector.shape_cast %get3A_1094 : vector<16xi32> to vector<16xi32>
      %eq3A_1096 = arith.cmpi eq, %get3A_1095, %broadcast_in_dim3A_785 : vector<16xi32>
      %select_n3A_1097 = arith.select %eq3A_1096, %broadcast_in_dim3A_789, %broadcast_in_dim3A_1 : vector<16xi1>, vector<16xf32>
      %add3A_1098 = arith.addf %add3A_1092, %select_n3A_1097 : vector<16xf32>
      %get3A_1099 = arith.constant 832 : index
      %get3A_1100 = tpu.vector_load %arg14[%get3A_1099] {strides = array<i32>} : memref<3136xi32, #tpu.memory_space<vmem>>, vector<16xi32>,
      %get3A_1101 = vector.shape_cast %get3A_1100 : vector<16xi32> to vector<16xi32>
      %eq3A_1102 = arith.cmpi eq, %get3A_1101, %broadcast_in_dim3A_785 : vector<16xi32>
      %select_n3A_1103 = arith.select %eq3A_1102, %broadcast_in_dim3A_789, %broadcast_in_dim3A_1 : vector<16xi1>, vector<16xf32>
      %add3A_1104 = arith.addf %add3A_1098, %select_n3A_1103 : vector<16xf32>
      %get3A_1105 = arith.constant 848 : index
      %get3A_1106 = tpu.vector_load %arg14[%get3A_1105] {strides = array<i32>} : memref<3136xi32, #tpu.memory_space<vmem>>, vector<16xi32>,
      %get3A_1107 = vector.shape_cast %get3A_1106 : vector<16xi32> to vector<16xi32>
      %eq3A_1108 = arith.cmpi eq, %get3A_1107, %broadcast_in_dim3A_785 : vector<16xi32>
      %select_n3A_1109 = arith.select %eq3A_1108, %broadcast_in_dim3A_789, %broadcast_in_dim3A_1 : vector<16xi1>, vector<16xf32>
      %add3A_1110 = arith.addf %add3A_1104, %select_n3A_1109 : vector<16xf32>
      %get3A_1111 = arith.constant 864 : index
      %get3A_1112 = tpu.vector_load %arg14[%get3A_1111] {strides = array<i32>} : memref<3136xi32, #tpu.memory_space<vmem>>, vector<16xi32>,
      %get3A_1113 = vector.shape_cast %get3A_1112 : vector<16xi32> to vector<16xi32>
      %eq3A_1114 = arith.cmpi eq, %get3A_1113, %broadcast_in_dim3A_785 : vector<16xi32>
      %select_n3A_1115 = arith.select %eq3A_1114, %broadcast_in_dim3A_789, %broadcast_in_dim3A_1 : vector<16xi1>, vector<16xf32>
      %add3A_1116 = arith.addf %add3A_1110, %select_n3A_1115 : vector<16xf32>
      %get3A_1117 = arith.constant 880 : index
      %get3A_1118 = tpu.vector_load %arg14[%get3A_1117] {strides = array<i32>} : memref<3136xi32, #tpu.memory_space<vmem>>, vector<16xi32>,
      %get3A_1119 = vector.shape_cast %get3A_1118 : vector<16xi32> to vector<16xi32>
      %eq3A_1120 = arith.cmpi eq, %get3A_1119, %broadcast_in_dim3A_785 : vector<16xi32>
      %select_n3A_1121 = arith.select %eq3A_1120, %broadcast_in_dim3A_789, %broadcast_in_dim3A_1 : vector<16xi1>, vector<16xf32>
      %add3A_1122 = arith.addf %add3A_1116, %select_n3A_1121 : vector<16xf32>
      %get3A_1123 = arith.constant 896 : index
      %get3A_1124 = tpu.vector_load %arg14[%get3A_1123] {strides = array<i32>} : memref<3136xi32, #tpu.memory_space<vmem>>, vector<16xi32>,
      %get3A_1125 = vector.shape_cast %get3A_1124 : vector<16xi32> to vector<16xi32>
      %eq3A_1126 = arith.cmpi eq, %get3A_1125, %broadcast_in_dim3A_785 : vector<16xi32>
      %select_n3A_1127 = arith.select %eq3A_1126, %broadcast_in_dim3A_789, %broadcast_in_dim3A_1 : vector<16xi1>, vector<16xf32>
      %add3A_1128 = arith.addf %add3A_1122, %select_n3A_1127 : vector<16xf32>
      %get3A_1129 = arith.constant 912 : index
      %get3A_1130 = tpu.vector_load %arg14[%get3A_1129] {strides = array<i32>} : memref<3136xi32, #tpu.memory_space<vmem>>, vector<16xi32>,
      %get3A_1131 = vector.shape_cast %get3A_1130 : vector<16xi32> to vector<16xi32>
      %eq3A_1132 = arith.cmpi eq, %get3A_1131, %broadcast_in_dim3A_785 : vector<16xi32>
      %select_n3A_1133 = arith.select %eq3A_1132, %broadcast_in_dim3A_789, %broadcast_in_dim3A_1 : vector<16xi1>, vector<16xf32>
      %add3A_1134 = arith.addf %add3A_1128, %select_n3A_1133 : vector<16xf32>
      %get3A_1135 = arith.constant 928 : index
      %get3A_1136 = tpu.vector_load %arg14[%get3A_1135] {strides = array<i32>} : memref<3136xi32, #tpu.memory_space<vmem>>, vector<16xi32>,
      %get3A_1137 = vector.shape_cast %get3A_1136 : vector<16xi32> to vector<16xi32>
      %eq3A_1138 = arith.cmpi eq, %get3A_1137, %broadcast_in_dim3A_785 : vector<16xi32>
      %select_n3A_1139 = arith.select %eq3A_1138, %broadcast_in_dim3A_789, %broadcast_in_dim3A_1 : vector<16xi1>, vector<16xf32>
      %add3A_1140 = arith.addf %add3A_1134, %select_n3A_1139 : vector<16xf32>
      %get3A_1141 = arith.constant 944 : index
      %get3A_1142 = tpu.vector_load %arg14[%get3A_1141] {strides = array<i32>} : memref<3136xi32, #tpu.memory_space<vmem>>, vector<16xi32>,
      %get3A_1143 = vector.shape_cast %get3A_1142 : vector<16xi32> to vector<16xi32>
      %eq3A_1144 = arith.cmpi eq, %get3A_1143, %broadcast_in_dim3A_785 : vector<16xi32>
      %select_n3A_1145 = arith.select %eq3A_1144, %broadcast_in_dim3A_789, %broadcast_in_dim3A_1 : vector<16xi1>, vector<16xf32>
      %add3A_1146 = arith.addf %add3A_1140, %select_n3A_1145 : vector<16xf32>
      %get3A_1147 = arith.constant 960 : index
      %get3A_1148 = tpu.vector_load %arg14[%get3A_1147] {strides = array<i32>} : memref<3136xi32, #tpu.memory_space<vmem>>, vector<16xi32>,
      %get3A_1149 = vector.shape_cast %get3A_1148 : vector<16xi32> to vector<16xi32>
      %eq3A_1150 = arith.cmpi eq, %get3A_1149, %broadcast_in_dim3A_785 : vector<16xi32>
      %select_n3A_1151 = arith.select %eq3A_1150, %broadcast_in_dim3A_789, %broadcast_in_dim3A_1 : vector<16xi1>, vector<16xf32>
      %add3A_1152 = arith.addf %add3A_1146, %select_n3A_1151 : vector<16xf32>
      %get3A_1153 = arith.constant 976 : index
      %get3A_1154 = tpu.vector_load %arg14[%get3A_1153] {strides = array<i32>} : memref<3136xi32, #tpu.memory_space<vmem>>, vector<16xi32>,
      %get3A_1155 = vector.shape_cast %get3A_1154 : vector<16xi32> to vector<16xi32>
      %eq3A_1156 = arith.cmpi eq, %get3A_1155, %broadcast_in_dim3A_785 : vector<16xi32>
      %select_n3A_1157 = arith.select %eq3A_1156, %broadcast_in_dim3A_789, %broadcast_in_dim3A_1 : vector<16xi1>, vector<16xf32>
      %add3A_1158 = arith.addf %add3A_1152, %select_n3A_1157 : vector<16xf32>
      %get3A_1159 = arith.constant 992 : index
      %get3A_1160 = tpu.vector_load %arg14[%get3A_1159] {strides = array<i32>} : memref<3136xi32, #tpu.memory_space<vmem>>, vector<16xi32>,
      %get3A_1161 = vector.shape_cast %get3A_1160 : vector<16xi32> to vector<16xi32>
      %eq3A_1162 = arith.cmpi eq, %get3A_1161, %broadcast_in_dim3A_785 : vector<16xi32>
      %select_n3A_1163 = arith.select %eq3A_1162, %broadcast_in_dim3A_789, %broadcast_in_dim3A_1 : vector<16xi1>, vector<16xf32>
      %add3A_1164 = arith.addf %add3A_1158, %select_n3A_1163 : vector<16xf32>
      %get3A_1165 = arith.constant 1008 : index
      %get3A_1166 = tpu.vector_load %arg14[%get3A_1165] {strides = array<i32>} : memref<3136xi32, #tpu.memory_space<vmem>>, vector<16xi32>,
      %get3A_1167 = vector.shape_cast %get3A_1166 : vector<16xi32> to vector<16xi32>
      %eq3A_1168 = arith.cmpi eq, %get3A_1167, %broadcast_in_dim3A_785 : vector<16xi32>
      %select_n3A_1169 = arith.select %eq3A_1168, %broadcast_in_dim3A_789, %broadcast_in_dim3A_1 : vector<16xi1>, vector<16xf32>
      %add3A_1170 = arith.addf %add3A_1164, %select_n3A_1169 : vector<16xf32>
      %get3A_1171 = arith.constant 1024 : index
      %get3A_1172 = tpu.vector_load %arg14[%get3A_1171] {strides = array<i32>} : memref<3136xi32, #tpu.memory_space<vmem>>, vector<16xi32>,
      %get3A_1173 = vector.shape_cast %get3A_1172 : vector<16xi32> to vector<16xi32>
      %eq3A_1174 = arith.cmpi eq, %get3A_1173, %broadcast_in_dim3A_785 : vector<16xi32>
      %select_n3A_1175 = arith.select %eq3A_1174, %broadcast_in_dim3A_789, %broadcast_in_dim3A_1 : vector<16xi1>, vector<16xf32>
      %add3A_1176 = arith.addf %add3A_1170, %select_n3A_1175 : vector<16xf32>
      %get3A_1177 = arith.constant 1040 : index
      %get3A_1178 = tpu.vector_load %arg14[%get3A_1177] {strides = array<i32>} : memref<3136xi32, #tpu.memory_space<vmem>>, vector<16xi32>,
      %get3A_1179 = vector.shape_cast %get3A_1178 : vector<16xi32> to vector<16xi32>
      %eq3A_1180 = arith.cmpi eq, %get3A_1179, %broadcast_in_dim3A_785 : vector<16xi32>
      %select_n3A_1181 = arith.select %eq3A_1180, %broadcast_in_dim3A_789, %broadcast_in_dim3A_1 : vector<16xi1>, vector<16xf32>
      %add3A_1182 = arith.addf %add3A_1176, %select_n3A_1181 : vector<16xf32>
      %get3A_1183 = arith.constant 1056 : index
      %get3A_1184 = tpu.vector_load %arg14[%get3A_1183] {strides = array<i32>} : memref<3136xi32, #tpu.memory_space<vmem>>, vector<16xi32>,
      %get3A_1185 = vector.shape_cast %get3A_1184 : vector<16xi32> to vector<16xi32>
      %eq3A_1186 = arith.cmpi eq, %get3A_1185, %broadcast_in_dim3A_785 : vector<16xi32>
      %select_n3A_1187 = arith.select %eq3A_1186, %broadcast_in_dim3A_789, %broadcast_in_dim3A_1 : vector<16xi1>, vector<16xf32>
      %add3A_1188 = arith.addf %add3A_1182, %select_n3A_1187 : vector<16xf32>
      %get3A_1189 = arith.constant 1072 : index
      %get3A_1190 = tpu.vector_load %arg14[%get3A_1189] {strides = array<i32>} : memref<3136xi32, #tpu.memory_space<vmem>>, vector<16xi32>,
      %get3A_1191 = vector.shape_cast %get3A_1190 : vector<16xi32> to vector<16xi32>
      %eq3A_1192 = arith.cmpi eq, %get3A_1191, %broadcast_in_dim3A_785 : vector<16xi32>
      %select_n3A_1193 = arith.select %eq3A_1192, %broadcast_in_dim3A_789, %broadcast_in_dim3A_1 : vector<16xi1>, vector<16xf32>
      %add3A_1194 = arith.addf %add3A_1188, %select_n3A_1193 : vector<16xf32>
      %get3A_1195 = arith.constant 1088 : index
      %get3A_1196 = tpu.vector_load %arg14[%get3A_1195] {strides = array<i32>} : memref<3136xi32, #tpu.memory_space<vmem>>, vector<16xi32>,
      %get3A_1197 = vector.shape_cast %get3A_1196 : vector<16xi32> to vector<16xi32>
      %eq3A_1198 = arith.cmpi eq, %get3A_1197, %broadcast_in_dim3A_785 : vector<16xi32>
      %select_n3A_1199 = arith.select %eq3A_1198, %broadcast_in_dim3A_789, %broadcast_in_dim3A_1 : vector<16xi1>, vector<16xf32>
      %add3A_1200 = arith.addf %add3A_1194, %select_n3A_1199 : vector<16xf32>
      %get3A_1201 = arith.constant 1104 : index
      %get3A_1202 = tpu.vector_load %arg14[%get3A_1201] {strides = array<i32>} : memref<3136xi32, #tpu.memory_space<vmem>>, vector<16xi32>,
      %get3A_1203 = vector.shape_cast %get3A_1202 : vector<16xi32> to vector<16xi32>
      %eq3A_1204 = arith.cmpi eq, %get3A_1203, %broadcast_in_dim3A_785 : vector<16xi32>
      %select_n3A_1205 = arith.select %eq3A_1204, %broadcast_in_dim3A_789, %broadcast_in_dim3A_1 : vector<16xi1>, vector<16xf32>
      %add3A_1206 = arith.addf %add3A_1200, %select_n3A_1205 : vector<16xf32>
      %get3A_1207 = arith.constant 1120 : index
      %get3A_1208 = tpu.vector_load %arg14[%get3A_1207] {strides = array<i32>} : memref<3136xi32, #tpu.memory_space<vmem>>, vector<16xi32>,
      %get3A_1209 = vector.shape_cast %get3A_1208 : vector<16xi32> to vector<16xi32>
      %eq3A_1210 = arith.cmpi eq, %get3A_1209, %broadcast_in_dim3A_785 : vector<16xi32>
      %select_n3A_1211 = arith.select %eq3A_1210, %broadcast_in_dim3A_789, %broadcast_in_dim3A_1 : vector<16xi1>, vector<16xf32>
      %add3A_1212 = arith.addf %add3A_1206, %select_n3A_1211 : vector<16xf32>
      %get3A_1213 = arith.constant 1136 : index
      %get3A_1214 = tpu.vector_load %arg14[%get3A_1213] {strides = array<i32>} : memref<3136xi32, #tpu.memory_space<vmem>>, vector<16xi32>,
      %get3A_1215 = vector.shape_cast %get3A_1214 : vector<16xi32> to vector<16xi32>
      %eq3A_1216 = arith.cmpi eq, %get3A_1215, %broadcast_in_dim3A_785 : vector<16xi32>
      %select_n3A_1217 = arith.select %eq3A_1216, %broadcast_in_dim3A_789, %broadcast_in_dim3A_1 : vector<16xi1>, vector<16xf32>
      %add3A_1218 = arith.addf %add3A_1212, %select_n3A_1217 : vector<16xf32>
      %get3A_1219 = arith.constant 1152 : index
      %get3A_1220 = tpu.vector_load %arg14[%get3A_1219] {strides = array<i32>} : memref<3136xi32, #tpu.memory_space<vmem>>, vector<16xi32>,
      %get3A_1221 = vector.shape_cast %get3A_1220 : vector<16xi32> to vector<16xi32>
      %eq3A_1222 = arith.cmpi eq, %get3A_1221, %broadcast_in_dim3A_785 : vector<16xi32>
      %select_n3A_1223 = arith.select %eq3A_1222, %broadcast_in_dim3A_789, %broadcast_in_dim3A_1 : vector<16xi1>, vector<16xf32>
      %add3A_1224 = arith.addf %add3A_1218, %select_n3A_1223 : vector<16xf32>
      %get3A_1225 = arith.constant 1168 : index
      %get3A_1226 = tpu.vector_load %arg14[%get3A_1225] {strides = array<i32>} : memref<3136xi32, #tpu.memory_space<vmem>>, vector<16xi32>,
      %get3A_1227 = vector.shape_cast %get3A_1226 : vector<16xi32> to vector<16xi32>
      %eq3A_1228 = arith.cmpi eq, %get3A_1227, %broadcast_in_dim3A_785 : vector<16xi32>
      %select_n3A_1229 = arith.select %eq3A_1228, %broadcast_in_dim3A_789, %broadcast_in_dim3A_1 : vector<16xi1>, vector<16xf32>
      %add3A_1230 = arith.addf %add3A_1224, %select_n3A_1229 : vector<16xf32>
      %get3A_1231 = arith.constant 1184 : index
      %get3A_1232 = tpu.vector_load %arg14[%get3A_1231] {strides = array<i32>} : memref<3136xi32, #tpu.memory_space<vmem>>, vector<16xi32>,
      %get3A_1233 = vector.shape_cast %get3A_1232 : vector<16xi32> to vector<16xi32>
      %eq3A_1234 = arith.cmpi eq, %get3A_1233, %broadcast_in_dim3A_785 : vector<16xi32>
      %select_n3A_1235 = arith.select %eq3A_1234, %broadcast_in_dim3A_789, %broadcast_in_dim3A_1 : vector<16xi1>, vector<16xf32>
      %add3A_1236 = arith.addf %add3A_1230, %select_n3A_1235 : vector<16xf32>
      %get3A_1237 = arith.constant 1200 : index
      %get3A_1238 = tpu.vector_load %arg14[%get3A_1237] {strides = array<i32>} : memref<3136xi32, #tpu.memory_space<vmem>>, vector<16xi32>,
      %get3A_1239 = vector.shape_cast %get3A_1238 : vector<16xi32> to vector<16xi32>
      %eq3A_1240 = arith.cmpi eq, %get3A_1239, %broadcast_in_dim3A_785 : vector<16xi32>
      %select_n3A_1241 = arith.select %eq3A_1240, %broadcast_in_dim3A_789, %broadcast_in_dim3A_1 : vector<16xi1>, vector<16xf32>
      %add3A_1242 = arith.addf %add3A_1236, %select_n3A_1241 : vector<16xf32>
      %get3A_1243 = arith.constant 1216 : index
      %get3A_1244 = tpu.vector_load %arg14[%get3A_1243] {strides = array<i32>} : memref<3136xi32, #tpu.memory_space<vmem>>, vector<16xi32>,
      %get3A_1245 = vector.shape_cast %get3A_1244 : vector<16xi32> to vector<16xi32>
      %eq3A_1246 = arith.cmpi eq, %get3A_1245, %broadcast_in_dim3A_785 : vector<16xi32>
      %select_n3A_1247 = arith.select %eq3A_1246, %broadcast_in_dim3A_789, %broadcast_in_dim3A_1 : vector<16xi1>, vector<16xf32>
      %add3A_1248 = arith.addf %add3A_1242, %select_n3A_1247 : vector<16xf32>
      %get3A_1249 = arith.constant 1232 : index
      %get3A_1250 = tpu.vector_load %arg14[%get3A_1249] {strides = array<i32>} : memref<3136xi32, #tpu.memory_space<vmem>>, vector<16xi32>,
      %get3A_1251 = vector.shape_cast %get3A_1250 : vector<16xi32> to vector<16xi32>
      %eq3A_1252 = arith.cmpi eq, %get3A_1251, %broadcast_in_dim3A_785 : vector<16xi32>
      %select_n3A_1253 = arith.select %eq3A_1252, %broadcast_in_dim3A_789, %broadcast_in_dim3A_1 : vector<16xi1>, vector<16xf32>
      %add3A_1254 = arith.addf %add3A_1248, %select_n3A_1253 : vector<16xf32>
      %get3A_1255 = arith.constant 1248 : index
      %get3A_1256 = tpu.vector_load %arg14[%get3A_1255] {strides = array<i32>} : memref<3136xi32, #tpu.memory_space<vmem>>, vector<16xi32>,
      %get3A_1257 = vector.shape_cast %get3A_1256 : vector<16xi32> to vector<16xi32>
      %eq3A_1258 = arith.cmpi eq, %get3A_1257, %broadcast_in_dim3A_785 : vector<16xi32>
      %select_n3A_1259 = arith.select %eq3A_1258, %broadcast_in_dim3A_789, %broadcast_in_dim3A_1 : vector<16xi1>, vector<16xf32>
      %add3A_1260 = arith.addf %add3A_1254, %select_n3A_1259 : vector<16xf32>
      %get3A_1261 = arith.constant 1264 : index
      %get3A_1262 = tpu.vector_load %arg14[%get3A_1261] {strides = array<i32>} : memref<3136xi32, #tpu.memory_space<vmem>>, vector<16xi32>,
      %get3A_1263 = vector.shape_cast %get3A_1262 : vector<16xi32> to vector<16xi32>
      %eq3A_1264 = arith.cmpi eq, %get3A_1263, %broadcast_in_dim3A_785 : vector<16xi32>
      %select_n3A_1265 = arith.select %eq3A_1264, %broadcast_in_dim3A_789, %broadcast_in_dim3A_1 : vector<16xi1>, vector<16xf32>
      %add3A_1266 = arith.addf %add3A_1260, %select_n3A_1265 : vector<16xf32>
      %get3A_1267 = arith.constant 1280 : index
      %get3A_1268 = tpu.vector_load %arg14[%get3A_1267] {strides = array<i32>} : memref<3136xi32, #tpu.memory_space<vmem>>, vector<16xi32>,
      %get3A_1269 = vector.shape_cast %get3A_1268 : vector<16xi32> to vector<16xi32>
      %eq3A_1270 = arith.cmpi eq, %get3A_1269, %broadcast_in_dim3A_785 : vector<16xi32>
      %select_n3A_1271 = arith.select %eq3A_1270, %broadcast_in_dim3A_789, %broadcast_in_dim3A_1 : vector<16xi1>, vector<16xf32>
      %add3A_1272 = arith.addf %add3A_1266, %select_n3A_1271 : vector<16xf32>
      %get3A_1273 = arith.constant 1296 : index
      %get3A_1274 = tpu.vector_load %arg14[%get3A_1273] {strides = array<i32>} : memref<3136xi32, #tpu.memory_space<vmem>>, vector<16xi32>,
      %get3A_1275 = vector.shape_cast %get3A_1274 : vector<16xi32> to vector<16xi32>
      %eq3A_1276 = arith.cmpi eq, %get3A_1275, %broadcast_in_dim3A_785 : vector<16xi32>
      %select_n3A_1277 = arith.select %eq3A_1276, %broadcast_in_dim3A_789, %broadcast_in_dim3A_1 : vector<16xi1>, vector<16xf32>
      %add3A_1278 = arith.addf %add3A_1272, %select_n3A_1277 : vector<16xf32>
      %get3A_1279 = arith.constant 1312 : index
      %get3A_1280 = tpu.vector_load %arg14[%get3A_1279] {strides = array<i32>} : memref<3136xi32, #tpu.memory_space<vmem>>, vector<16xi32>,
      %get3A_1281 = vector.shape_cast %get3A_1280 : vector<16xi32> to vector<16xi32>
      %eq3A_1282 = arith.cmpi eq, %get3A_1281, %broadcast_in_dim3A_785 : vector<16xi32>
      %select_n3A_1283 = arith.select %eq3A_1282, %broadcast_in_dim3A_789, %broadcast_in_dim3A_1 : vector<16xi1>, vector<16xf32>
      %add3A_1284 = arith.addf %add3A_1278, %select_n3A_1283 : vector<16xf32>
      %get3A_1285 = arith.constant 1328 : index
      %get3A_1286 = tpu.vector_load %arg14[%get3A_1285] {strides = array<i32>} : memref<3136xi32, #tpu.memory_space<vmem>>, vector<16xi32>,
      %get3A_1287 = vector.shape_cast %get3A_1286 : vector<16xi32> to vector<16xi32>
      %eq3A_1288 = arith.cmpi eq, %get3A_1287, %broadcast_in_dim3A_785 : vector<16xi32>
      %select_n3A_1289 = arith.select %eq3A_1288, %broadcast_in_dim3A_789, %broadcast_in_dim3A_1 : vector<16xi1>, vector<16xf32>
      %add3A_1290 = arith.addf %add3A_1284, %select_n3A_1289 : vector<16xf32>
      %get3A_1291 = arith.constant 1344 : index
      %get3A_1292 = tpu.vector_load %arg14[%get3A_1291] {strides = array<i32>} : memref<3136xi32, #tpu.memory_space<vmem>>, vector<16xi32>,
      %get3A_1293 = vector.shape_cast %get3A_1292 : vector<16xi32> to vector<16xi32>
      %eq3A_1294 = arith.cmpi eq, %get3A_1293, %broadcast_in_dim3A_785 : vector<16xi32>
      %select_n3A_1295 = arith.select %eq3A_1294, %broadcast_in_dim3A_789, %broadcast_in_dim3A_1 : vector<16xi1>, vector<16xf32>
      %add3A_1296 = arith.addf %add3A_1290, %select_n3A_1295 : vector<16xf32>
      %get3A_1297 = arith.constant 1360 : index
      %get3A_1298 = tpu.vector_load %arg14[%get3A_1297] {strides = array<i32>} : memref<3136xi32, #tpu.memory_space<vmem>>, vector<16xi32>,
      %get3A_1299 = vector.shape_cast %get3A_1298 : vector<16xi32> to vector<16xi32>
      %eq3A_1300 = arith.cmpi eq, %get3A_1299, %broadcast_in_dim3A_785 : vector<16xi32>
      %select_n3A_1301 = arith.select %eq3A_1300, %broadcast_in_dim3A_789, %broadcast_in_dim3A_1 : vector<16xi1>, vector<16xf32>
      %add3A_1302 = arith.addf %add3A_1296, %select_n3A_1301 : vector<16xf32>
      %get3A_1303 = arith.constant 1376 : index
      %get3A_1304 = tpu.vector_load %arg14[%get3A_1303] {strides = array<i32>} : memref<3136xi32, #tpu.memory_space<vmem>>, vector<16xi32>,
      %get3A_1305 = vector.shape_cast %get3A_1304 : vector<16xi32> to vector<16xi32>
      %eq3A_1306 = arith.cmpi eq, %get3A_1305, %broadcast_in_dim3A_785 : vector<16xi32>
      %select_n3A_1307 = arith.select %eq3A_1306, %broadcast_in_dim3A_789, %broadcast_in_dim3A_1 : vector<16xi1>, vector<16xf32>
      %add3A_1308 = arith.addf %add3A_1302, %select_n3A_1307 : vector<16xf32>
      %get3A_1309 = arith.constant 1392 : index
      %get3A_1310 = tpu.vector_load %arg14[%get3A_1309] {strides = array<i32>} : memref<3136xi32, #tpu.memory_space<vmem>>, vector<16xi32>,
      %get3A_1311 = vector.shape_cast %get3A_1310 : vector<16xi32> to vector<16xi32>
      %eq3A_1312 = arith.cmpi eq, %get3A_1311, %broadcast_in_dim3A_785 : vector<16xi32>
      %select_n3A_1313 = arith.select %eq3A_1312, %broadcast_in_dim3A_789, %broadcast_in_dim3A_1 : vector<16xi1>, vector<16xf32>
      %add3A_1314 = arith.addf %add3A_1308, %select_n3A_1313 : vector<16xf32>
      %get3A_1315 = arith.constant 1408 : index
      %get3A_1316 = tpu.vector_load %arg14[%get3A_1315] {strides = array<i32>} : memref<3136xi32, #tpu.memory_space<vmem>>, vector<16xi32>,
      %get3A_1317 = vector.shape_cast %get3A_1316 : vector<16xi32> to vector<16xi32>
      %eq3A_1318 = arith.cmpi eq, %get3A_1317, %broadcast_in_dim3A_785 : vector<16xi32>
      %select_n3A_1319 = arith.select %eq3A_1318, %broadcast_in_dim3A_789, %broadcast_in_dim3A_1 : vector<16xi1>, vector<16xf32>
      %add3A_1320 = arith.addf %add3A_1314, %select_n3A_1319 : vector<16xf32>
      %get3A_1321 = arith.constant 1424 : index
      %get3A_1322 = tpu.vector_load %arg14[%get3A_1321] {strides = array<i32>} : memref<3136xi32, #tpu.memory_space<vmem>>, vector<16xi32>,
      %get3A_1323 = vector.shape_cast %get3A_1322 : vector<16xi32> to vector<16xi32>
      %eq3A_1324 = arith.cmpi eq, %get3A_1323, %broadcast_in_dim3A_785 : vector<16xi32>
      %select_n3A_1325 = arith.select %eq3A_1324, %broadcast_in_dim3A_789, %broadcast_in_dim3A_1 : vector<16xi1>, vector<16xf32>
      %add3A_1326 = arith.addf %add3A_1320, %select_n3A_1325 : vector<16xf32>
      %get3A_1327 = arith.constant 1440 : index
      %get3A_1328 = tpu.vector_load %arg14[%get3A_1327] {strides = array<i32>} : memref<3136xi32, #tpu.memory_space<vmem>>, vector<16xi32>,
      %get3A_1329 = vector.shape_cast %get3A_1328 : vector<16xi32> to vector<16xi32>
      %eq3A_1330 = arith.cmpi eq, %get3A_1329, %broadcast_in_dim3A_785 : vector<16xi32>
      %select_n3A_1331 = arith.select %eq3A_1330, %broadcast_in_dim3A_789, %broadcast_in_dim3A_1 : vector<16xi1>, vector<16xf32>
      %add3A_1332 = arith.addf %add3A_1326, %select_n3A_1331 : vector<16xf32>
      %get3A_1333 = arith.constant 1456 : index
      %get3A_1334 = tpu.vector_load %arg14[%get3A_1333] {strides = array<i32>} : memref<3136xi32, #tpu.memory_space<vmem>>, vector<16xi32>,
      %get3A_1335 = vector.shape_cast %get3A_1334 : vector<16xi32> to vector<16xi32>
      %eq3A_1336 = arith.cmpi eq, %get3A_1335, %broadcast_in_dim3A_785 : vector<16xi32>
      %select_n3A_1337 = arith.select %eq3A_1336, %broadcast_in_dim3A_789, %broadcast_in_dim3A_1 : vector<16xi1>, vector<16xf32>
      %add3A_1338 = arith.addf %add3A_1332, %select_n3A_1337 : vector<16xf32>
      %get3A_1339 = arith.constant 1472 : index
      %get3A_1340 = tpu.vector_load %arg14[%get3A_1339] {strides = array<i32>} : memref<3136xi32, #tpu.memory_space<vmem>>, vector<16xi32>,
      %get3A_1341 = vector.shape_cast %get3A_1340 : vector<16xi32> to vector<16xi32>
      %eq3A_1342 = arith.cmpi eq, %get3A_1341, %broadcast_in_dim3A_785 : vector<16xi32>
      %select_n3A_1343 = arith.select %eq3A_1342, %broadcast_in_dim3A_789, %broadcast_in_dim3A_1 : vector<16xi1>, vector<16xf32>
      %add3A_1344 = arith.addf %add3A_1338, %select_n3A_1343 : vector<16xf32>
      %get3A_1345 = arith.constant 1488 : index
      %get3A_1346 = tpu.vector_load %arg14[%get3A_1345] {strides = array<i32>} : memref<3136xi32, #tpu.memory_space<vmem>>, vector<16xi32>,
      %get3A_1347 = vector.shape_cast %get3A_1346 : vector<16xi32> to vector<16xi32>
      %eq3A_1348 = arith.cmpi eq, %get3A_1347, %broadcast_in_dim3A_785 : vector<16xi32>
      %select_n3A_1349 = arith.select %eq3A_1348, %broadcast_in_dim3A_789, %broadcast_in_dim3A_1 : vector<16xi1>, vector<16xf32>
      %add3A_1350 = arith.addf %add3A_1344, %select_n3A_1349 : vector<16xf32>
      %get3A_1351 = arith.constant 1504 : index
      %get3A_1352 = tpu.vector_load %arg14[%get3A_1351] {strides = array<i32>} : memref<3136xi32, #tpu.memory_space<vmem>>, vector<16xi32>,
      %get3A_1353 = vector.shape_cast %get3A_1352 : vector<16xi32> to vector<16xi32>
      %eq3A_1354 = arith.cmpi eq, %get3A_1353, %broadcast_in_dim3A_785 : vector<16xi32>
      %select_n3A_1355 = arith.select %eq3A_1354, %broadcast_in_dim3A_789, %broadcast_in_dim3A_1 : vector<16xi1>, vector<16xf32>
      %add3A_1356 = arith.addf %add3A_1350, %select_n3A_1355 : vector<16xf32>
      %get3A_1357 = arith.constant 1520 : index
      %get3A_1358 = tpu.vector_load %arg14[%get3A_1357] {strides = array<i32>} : memref<3136xi32, #tpu.memory_space<vmem>>, vector<16xi32>,
      %get3A_1359 = vector.shape_cast %get3A_1358 : vector<16xi32> to vector<16xi32>
      %eq3A_1360 = arith.cmpi eq, %get3A_1359, %broadcast_in_dim3A_785 : vector<16xi32>
      %select_n3A_1361 = arith.select %eq3A_1360, %broadcast_in_dim3A_789, %broadcast_in_dim3A_1 : vector<16xi1>, vector<16xf32>
      %add3A_1362 = arith.addf %add3A_1356, %select_n3A_1361 : vector<16xf32>
      %get3A_1363 = arith.constant 1536 : index
      %get3A_1364 = tpu.vector_load %arg14[%get3A_1363] {strides = array<i32>} : memref<3136xi32, #tpu.memory_space<vmem>>, vector<16xi32>,
      %get3A_1365 = vector.shape_cast %get3A_1364 : vector<16xi32> to vector<16xi32>
      %eq3A_1366 = arith.cmpi eq, %get3A_1365, %broadcast_in_dim3A_785 : vector<16xi32>
      %select_n3A_1367 = arith.select %eq3A_1366, %broadcast_in_dim3A_789, %broadcast_in_dim3A_1 : vector<16xi1>, vector<16xf32>
      %add3A_1368 = arith.addf %add3A_1362, %select_n3A_1367 : vector<16xf32>
      %get3A_1369 = arith.constant 1552 : index
      %get3A_1370 = tpu.vector_load %arg14[%get3A_1369] {strides = array<i32>} : memref<3136xi32, #tpu.memory_space<vmem>>, vector<16xi32>,
      %get3A_1371 = vector.shape_cast %get3A_1370 : vector<16xi32> to vector<16xi32>
      %eq3A_1372 = arith.cmpi eq, %get3A_1371, %broadcast_in_dim3A_785 : vector<16xi32>
      %select_n3A_1373 = arith.select %eq3A_1372, %broadcast_in_dim3A_789, %broadcast_in_dim3A_1 : vector<16xi1>, vector<16xf32>
      %add3A_1374 = arith.addf %add3A_1368, %select_n3A_1373 : vector<16xf32>
      %get3A_1375 = arith.constant 1568 : index
      %get3A_1376 = tpu.vector_load %arg14[%get3A_1375] {strides = array<i32>} : memref<3136xi32, #tpu.memory_space<vmem>>, vector<16xi32>,
      %get3A_1377 = vector.shape_cast %get3A_1376 : vector<16xi32> to vector<16xi32>
      %eq3A_1378 = arith.cmpi eq, %get3A_1377, %broadcast_in_dim3A_785 : vector<16xi32>
      %select_n3A_1379 = arith.select %eq3A_1378, %broadcast_in_dim3A_789, %broadcast_in_dim3A_1 : vector<16xi1>, vector<16xf32>
      %add3A_1380 = arith.addf %add3A_1374, %select_n3A_1379 : vector<16xf32>
      %get3A_1381 = arith.constant 1584 : index
      %get3A_1382 = tpu.vector_load %arg14[%get3A_1381] {strides = array<i32>} : memref<3136xi32, #tpu.memory_space<vmem>>, vector<16xi32>,
      %get3A_1383 = vector.shape_cast %get3A_1382 : vector<16xi32> to vector<16xi32>
      %eq3A_1384 = arith.cmpi eq, %get3A_1383, %broadcast_in_dim3A_785 : vector<16xi32>
      %select_n3A_1385 = arith.select %eq3A_1384, %broadcast_in_dim3A_789, %broadcast_in_dim3A_1 : vector<16xi1>, vector<16xf32>
      %add3A_1386 = arith.addf %add3A_1380, %select_n3A_1385 : vector<16xf32>
      %get3A_1387 = arith.constant 1600 : index
      %get3A_1388 = tpu.vector_load %arg14[%get3A_1387] {strides = array<i32>} : memref<3136xi32, #tpu.memory_space<vmem>>, vector<16xi32>,
      %get3A_1389 = vector.shape_cast %get3A_1388 : vector<16xi32> to vector<16xi32>
      %eq3A_1390 = arith.cmpi eq, %get3A_1389, %broadcast_in_dim3A_785 : vector<16xi32>
      %select_n3A_1391 = arith.select %eq3A_1390, %broadcast_in_dim3A_789, %broadcast_in_dim3A_1 : vector<16xi1>, vector<16xf32>
      %add3A_1392 = arith.addf %add3A_1386, %select_n3A_1391 : vector<16xf32>
      %get3A_1393 = arith.constant 1616 : index
      %get3A_1394 = tpu.vector_load %arg14[%get3A_1393] {strides = array<i32>} : memref<3136xi32, #tpu.memory_space<vmem>>, vector<16xi32>,
      %get3A_1395 = vector.shape_cast %get3A_1394 : vector<16xi32> to vector<16xi32>
      %eq3A_1396 = arith.cmpi eq, %get3A_1395, %broadcast_in_dim3A_785 : vector<16xi32>
      %select_n3A_1397 = arith.select %eq3A_1396, %broadcast_in_dim3A_789, %broadcast_in_dim3A_1 : vector<16xi1>, vector<16xf32>
      %add3A_1398 = arith.addf %add3A_1392, %select_n3A_1397 : vector<16xf32>
      %get3A_1399 = arith.constant 1632 : index
      %get3A_1400 = tpu.vector_load %arg14[%get3A_1399] {strides = array<i32>} : memref<3136xi32, #tpu.memory_space<vmem>>, vector<16xi32>,
      %get3A_1401 = vector.shape_cast %get3A_1400 : vector<16xi32> to vector<16xi32>
      %eq3A_1402 = arith.cmpi eq, %get3A_1401, %broadcast_in_dim3A_785 : vector<16xi32>
      %select_n3A_1403 = arith.select %eq3A_1402, %broadcast_in_dim3A_789, %broadcast_in_dim3A_1 : vector<16xi1>, vector<16xf32>
      %add3A_1404 = arith.addf %add3A_1398, %select_n3A_1403 : vector<16xf32>
      %get3A_1405 = arith.constant 1648 : index
      %get3A_1406 = tpu.vector_load %arg14[%get3A_1405] {strides = array<i32>} : memref<3136xi32, #tpu.memory_space<vmem>>, vector<16xi32>,
      %get3A_1407 = vector.shape_cast %get3A_1406 : vector<16xi32> to vector<16xi32>
      %eq3A_1408 = arith.cmpi eq, %get3A_1407, %broadcast_in_dim3A_785 : vector<16xi32>
      %select_n3A_1409 = arith.select %eq3A_1408, %broadcast_in_dim3A_789, %broadcast_in_dim3A_1 : vector<16xi1>, vector<16xf32>
      %add3A_1410 = arith.addf %add3A_1404, %select_n3A_1409 : vector<16xf32>
      %get3A_1411 = arith.constant 1664 : index
      %get3A_1412 = tpu.vector_load %arg14[%get3A_1411] {strides = array<i32>} : memref<3136xi32, #tpu.memory_space<vmem>>, vector<16xi32>,
      %get3A_1413 = vector.shape_cast %get3A_1412 : vector<16xi32> to vector<16xi32>
      %eq3A_1414 = arith.cmpi eq, %get3A_1413, %broadcast_in_dim3A_785 : vector<16xi32>
      %select_n3A_1415 = arith.select %eq3A_1414, %broadcast_in_dim3A_789, %broadcast_in_dim3A_1 : vector<16xi1>, vector<16xf32>
      %add3A_1416 = arith.addf %add3A_1410, %select_n3A_1415 : vector<16xf32>
      %get3A_1417 = arith.constant 1680 : index
      %get3A_1418 = tpu.vector_load %arg14[%get3A_1417] {strides = array<i32>} : memref<3136xi32, #tpu.memory_space<vmem>>, vector<16xi32>,
      %get3A_1419 = vector.shape_cast %get3A_1418 : vector<16xi32> to vector<16xi32>
      %eq3A_1420 = arith.cmpi eq, %get3A_1419, %broadcast_in_dim3A_785 : vector<16xi32>
      %select_n3A_1421 = arith.select %eq3A_1420, %broadcast_in_dim3A_789, %broadcast_in_dim3A_1 : vector<16xi1>, vector<16xf32>
      %add3A_1422 = arith.addf %add3A_1416, %select_n3A_1421 : vector<16xf32>
      %get3A_1423 = arith.constant 1696 : index
      %get3A_1424 = tpu.vector_load %arg14[%get3A_1423] {strides = array<i32>} : memref<3136xi32, #tpu.memory_space<vmem>>, vector<16xi32>,
      %get3A_1425 = vector.shape_cast %get3A_1424 : vector<16xi32> to vector<16xi32>
      %eq3A_1426 = arith.cmpi eq, %get3A_1425, %broadcast_in_dim3A_785 : vector<16xi32>
      %select_n3A_1427 = arith.select %eq3A_1426, %broadcast_in_dim3A_789, %broadcast_in_dim3A_1 : vector<16xi1>, vector<16xf32>
      %add3A_1428 = arith.addf %add3A_1422, %select_n3A_1427 : vector<16xf32>
      %get3A_1429 = arith.constant 1712 : index
      %get3A_1430 = tpu.vector_load %arg14[%get3A_1429] {strides = array<i32>} : memref<3136xi32, #tpu.memory_space<vmem>>, vector<16xi32>,
      %get3A_1431 = vector.shape_cast %get3A_1430 : vector<16xi32> to vector<16xi32>
      %eq3A_1432 = arith.cmpi eq, %get3A_1431, %broadcast_in_dim3A_785 : vector<16xi32>
      %select_n3A_1433 = arith.select %eq3A_1432, %broadcast_in_dim3A_789, %broadcast_in_dim3A_1 : vector<16xi1>, vector<16xf32>
      %add3A_1434 = arith.addf %add3A_1428, %select_n3A_1433 : vector<16xf32>
      %get3A_1435 = arith.constant 1728 : index
      %get3A_1436 = tpu.vector_load %arg14[%get3A_1435] {strides = array<i32>} : memref<3136xi32, #tpu.memory_space<vmem>>, vector<16xi32>,
      %get3A_1437 = vector.shape_cast %get3A_1436 : vector<16xi32> to vector<16xi32>
      %eq3A_1438 = arith.cmpi eq, %get3A_1437, %broadcast_in_dim3A_785 : vector<16xi32>
      %select_n3A_1439 = arith.select %eq3A_1438, %broadcast_in_dim3A_789, %broadcast_in_dim3A_1 : vector<16xi1>, vector<16xf32>
      %add3A_1440 = arith.addf %add3A_1434, %select_n3A_1439 : vector<16xf32>
      %get3A_1441 = arith.constant 1744 : index
      %get3A_1442 = tpu.vector_load %arg14[%get3A_1441] {strides = array<i32>} : memref<3136xi32, #tpu.memory_space<vmem>>, vector<16xi32>,
      %get3A_1443 = vector.shape_cast %get3A_1442 : vector<16xi32> to vector<16xi32>
      %eq3A_1444 = arith.cmpi eq, %get3A_1443, %broadcast_in_dim3A_785 : vector<16xi32>
      %select_n3A_1445 = arith.select %eq3A_1444, %broadcast_in_dim3A_789, %broadcast_in_dim3A_1 : vector<16xi1>, vector<16xf32>
      %add3A_1446 = arith.addf %add3A_1440, %select_n3A_1445 : vector<16xf32>
      %get3A_1447 = arith.constant 1760 : index
      %get3A_1448 = tpu.vector_load %arg14[%get3A_1447] {strides = array<i32>} : memref<3136xi32, #tpu.memory_space<vmem>>, vector<16xi32>,
      %get3A_1449 = vector.shape_cast %get3A_1448 : vector<16xi32> to vector<16xi32>
      %eq3A_1450 = arith.cmpi eq, %get3A_1449, %broadcast_in_dim3A_785 : vector<16xi32>
      %select_n3A_1451 = arith.select %eq3A_1450, %broadcast_in_dim3A_789, %broadcast_in_dim3A_1 : vector<16xi1>, vector<16xf32>
      %add3A_1452 = arith.addf %add3A_1446, %select_n3A_1451 : vector<16xf32>
      %get3A_1453 = arith.constant 1776 : index
      %get3A_1454 = tpu.vector_load %arg14[%get3A_1453] {strides = array<i32>} : memref<3136xi32, #tpu.memory_space<vmem>>, vector<16xi32>,
      %get3A_1455 = vector.shape_cast %get3A_1454 : vector<16xi32> to vector<16xi32>
      %eq3A_1456 = arith.cmpi eq, %get3A_1455, %broadcast_in_dim3A_785 : vector<16xi32>
      %select_n3A_1457 = arith.select %eq3A_1456, %broadcast_in_dim3A_789, %broadcast_in_dim3A_1 : vector<16xi1>, vector<16xf32>
      %add3A_1458 = arith.addf %add3A_1452, %select_n3A_1457 : vector<16xf32>
      %get3A_1459 = arith.constant 1792 : index
      %get3A_1460 = tpu.vector_load %arg14[%get3A_1459] {strides = array<i32>} : memref<3136xi32, #tpu.memory_space<vmem>>, vector<16xi32>,
      %get3A_1461 = vector.shape_cast %get3A_1460 : vector<16xi32> to vector<16xi32>
      %eq3A_1462 = arith.cmpi eq, %get3A_1461, %broadcast_in_dim3A_785 : vector<16xi32>
      %select_n3A_1463 = arith.select %eq3A_1462, %broadcast_in_dim3A_789, %broadcast_in_dim3A_1 : vector<16xi1>, vector<16xf32>
      %add3A_1464 = arith.addf %add3A_1458, %select_n3A_1463 : vector<16xf32>
      %get3A_1465 = arith.constant 1808 : index
      %get3A_1466 = tpu.vector_load %arg14[%get3A_1465] {strides = array<i32>} : memref<3136xi32, #tpu.memory_space<vmem>>, vector<16xi32>,
      %get3A_1467 = vector.shape_cast %get3A_1466 : vector<16xi32> to vector<16xi32>
      %eq3A_1468 = arith.cmpi eq, %get3A_1467, %broadcast_in_dim3A_785 : vector<16xi32>
      %select_n3A_1469 = arith.select %eq3A_1468, %broadcast_in_dim3A_789, %broadcast_in_dim3A_1 : vector<16xi1>, vector<16xf32>
      %add3A_1470 = arith.addf %add3A_1464, %select_n3A_1469 : vector<16xf32>
      %get3A_1471 = arith.constant 1824 : index
      %get3A_1472 = tpu.vector_load %arg14[%get3A_1471] {strides = array<i32>} : memref<3136xi32, #tpu.memory_space<vmem>>, vector<16xi32>,
      %get3A_1473 = vector.shape_cast %get3A_1472 : vector<16xi32> to vector<16xi32>
      %eq3A_1474 = arith.cmpi eq, %get3A_1473, %broadcast_in_dim3A_785 : vector<16xi32>
      %select_n3A_1475 = arith.select %eq3A_1474, %broadcast_in_dim3A_789, %broadcast_in_dim3A_1 : vector<16xi1>, vector<16xf32>
      %add3A_1476 = arith.addf %add3A_1470, %select_n3A_1475 : vector<16xf32>
      %get3A_1477 = arith.constant 1840 : index
      %get3A_1478 = tpu.vector_load %arg14[%get3A_1477] {strides = array<i32>} : memref<3136xi32, #tpu.memory_space<vmem>>, vector<16xi32>,
      %get3A_1479 = vector.shape_cast %get3A_1478 : vector<16xi32> to vector<16xi32>
      %eq3A_1480 = arith.cmpi eq, %get3A_1479, %broadcast_in_dim3A_785 : vector<16xi32>
      %select_n3A_1481 = arith.select %eq3A_1480, %broadcast_in_dim3A_789, %broadcast_in_dim3A_1 : vector<16xi1>, vector<16xf32>
      %add3A_1482 = arith.addf %add3A_1476, %select_n3A_1481 : vector<16xf32>
      %get3A_1483 = arith.constant 1856 : index
      %get3A_1484 = tpu.vector_load %arg14[%get3A_1483] {strides = array<i32>} : memref<3136xi32, #tpu.memory_space<vmem>>, vector<16xi32>,
      %get3A_1485 = vector.shape_cast %get3A_1484 : vector<16xi32> to vector<16xi32>
      %eq3A_1486 = arith.cmpi eq, %get3A_1485, %broadcast_in_dim3A_785 : vector<16xi32>
      %select_n3A_1487 = arith.select %eq3A_1486, %broadcast_in_dim3A_789, %broadcast_in_dim3A_1 : vector<16xi1>, vector<16xf32>
      %add3A_1488 = arith.addf %add3A_1482, %select_n3A_1487 : vector<16xf32>
      %get3A_1489 = arith.constant 1872 : index
      %get3A_1490 = tpu.vector_load %arg14[%get3A_1489] {strides = array<i32>} : memref<3136xi32, #tpu.memory_space<vmem>>, vector<16xi32>,
      %get3A_1491 = vector.shape_cast %get3A_1490 : vector<16xi32> to vector<16xi32>
      %eq3A_1492 = arith.cmpi eq, %get3A_1491, %broadcast_in_dim3A_785 : vector<16xi32>
      %select_n3A_1493 = arith.select %eq3A_1492, %broadcast_in_dim3A_789, %broadcast_in_dim3A_1 : vector<16xi1>, vector<16xf32>
      %add3A_1494 = arith.addf %add3A_1488, %select_n3A_1493 : vector<16xf32>
      %get3A_1495 = arith.constant 1888 : index
      %get3A_1496 = tpu.vector_load %arg14[%get3A_1495] {strides = array<i32>} : memref<3136xi32, #tpu.memory_space<vmem>>, vector<16xi32>,
      %get3A_1497 = vector.shape_cast %get3A_1496 : vector<16xi32> to vector<16xi32>
      %eq3A_1498 = arith.cmpi eq, %get3A_1497, %broadcast_in_dim3A_785 : vector<16xi32>
      %select_n3A_1499 = arith.select %eq3A_1498, %broadcast_in_dim3A_789, %broadcast_in_dim3A_1 : vector<16xi1>, vector<16xf32>
      %add3A_1500 = arith.addf %add3A_1494, %select_n3A_1499 : vector<16xf32>
      %get3A_1501 = arith.constant 1904 : index
      %get3A_1502 = tpu.vector_load %arg14[%get3A_1501] {strides = array<i32>} : memref<3136xi32, #tpu.memory_space<vmem>>, vector<16xi32>,
      %get3A_1503 = vector.shape_cast %get3A_1502 : vector<16xi32> to vector<16xi32>
      %eq3A_1504 = arith.cmpi eq, %get3A_1503, %broadcast_in_dim3A_785 : vector<16xi32>
      %select_n3A_1505 = arith.select %eq3A_1504, %broadcast_in_dim3A_789, %broadcast_in_dim3A_1 : vector<16xi1>, vector<16xf32>
      %add3A_1506 = arith.addf %add3A_1500, %select_n3A_1505 : vector<16xf32>
      %get3A_1507 = arith.constant 1920 : index
      %get3A_1508 = tpu.vector_load %arg14[%get3A_1507] {strides = array<i32>} : memref<3136xi32, #tpu.memory_space<vmem>>, vector<16xi32>,
      %get3A_1509 = vector.shape_cast %get3A_1508 : vector<16xi32> to vector<16xi32>
      %eq3A_1510 = arith.cmpi eq, %get3A_1509, %broadcast_in_dim3A_785 : vector<16xi32>
      %select_n3A_1511 = arith.select %eq3A_1510, %broadcast_in_dim3A_789, %broadcast_in_dim3A_1 : vector<16xi1>, vector<16xf32>
      %add3A_1512 = arith.addf %add3A_1506, %select_n3A_1511 : vector<16xf32>
      %get3A_1513 = arith.constant 1936 : index
      %get3A_1514 = tpu.vector_load %arg14[%get3A_1513] {strides = array<i32>} : memref<3136xi32, #tpu.memory_space<vmem>>, vector<16xi32>,
      %get3A_1515 = vector.shape_cast %get3A_1514 : vector<16xi32> to vector<16xi32>
      %eq3A_1516 = arith.cmpi eq, %get3A_1515, %broadcast_in_dim3A_785 : vector<16xi32>
      %select_n3A_1517 = arith.select %eq3A_1516, %broadcast_in_dim3A_789, %broadcast_in_dim3A_1 : vector<16xi1>, vector<16xf32>
      %add3A_1518 = arith.addf %add3A_1512, %select_n3A_1517 : vector<16xf32>
      %get3A_1519 = arith.constant 1952 : index
      %get3A_1520 = tpu.vector_load %arg14[%get3A_1519] {strides = array<i32>} : memref<3136xi32, #tpu.memory_space<vmem>>, vector<16xi32>,
      %get3A_1521 = vector.shape_cast %get3A_1520 : vector<16xi32> to vector<16xi32>
      %eq3A_1522 = arith.cmpi eq, %get3A_1521, %broadcast_in_dim3A_785 : vector<16xi32>
      %select_n3A_1523 = arith.select %eq3A_1522, %broadcast_in_dim3A_789, %broadcast_in_dim3A_1 : vector<16xi1>, vector<16xf32>
      %add3A_1524 = arith.addf %add3A_1518, %select_n3A_1523 : vector<16xf32>
      %get3A_1525 = arith.constant 1968 : index
      %get3A_1526 = tpu.vector_load %arg14[%get3A_1525] {strides = array<i32>} : memref<3136xi32, #tpu.memory_space<vmem>>, vector<16xi32>,
      %get3A_1527 = vector.shape_cast %get3A_1526 : vector<16xi32> to vector<16xi32>
      %eq3A_1528 = arith.cmpi eq, %get3A_1527, %broadcast_in_dim3A_785 : vector<16xi32>
      %select_n3A_1529 = arith.select %eq3A_1528, %broadcast_in_dim3A_789, %broadcast_in_dim3A_1 : vector<16xi1>, vector<16xf32>
      %add3A_1530 = arith.addf %add3A_1524, %select_n3A_1529 : vector<16xf32>
      %get3A_1531 = arith.constant 1984 : index
      %get3A_1532 = tpu.vector_load %arg14[%get3A_1531] {strides = array<i32>} : memref<3136xi32, #tpu.memory_space<vmem>>, vector<16xi32>,
      %get3A_1533 = vector.shape_cast %get3A_1532 : vector<16xi32> to vector<16xi32>
      %eq3A_1534 = arith.cmpi eq, %get3A_1533, %broadcast_in_dim3A_785 : vector<16xi32>
      %select_n3A_1535 = arith.select %eq3A_1534, %broadcast_in_dim3A_789, %broadcast_in_dim3A_1 : vector<16xi1>, vector<16xf32>
      %add3A_1536 = arith.addf %add3A_1530, %select_n3A_1535 : vector<16xf32>
      %get3A_1537 = arith.constant 2000 : index
      %get3A_1538 = tpu.vector_load %arg14[%get3A_1537] {strides = array<i32>} : memref<3136xi32, #tpu.memory_space<vmem>>, vector<16xi32>,
      %get3A_1539 = vector.shape_cast %get3A_1538 : vector<16xi32> to vector<16xi32>
      %eq3A_1540 = arith.cmpi eq, %get3A_1539, %broadcast_in_dim3A_785 : vector<16xi32>
      %select_n3A_1541 = arith.select %eq3A_1540, %broadcast_in_dim3A_789, %broadcast_in_dim3A_1 : vector<16xi1>, vector<16xf32>
      %add3A_1542 = arith.addf %add3A_1536, %select_n3A_1541 : vector<16xf32>
      %get3A_1543 = arith.constant 2016 : index
      %get3A_1544 = tpu.vector_load %arg14[%get3A_1543] {strides = array<i32>} : memref<3136xi32, #tpu.memory_space<vmem>>, vector<16xi32>,
      %get3A_1545 = vector.shape_cast %get3A_1544 : vector<16xi32> to vector<16xi32>
      %eq3A_1546 = arith.cmpi eq, %get3A_1545, %broadcast_in_dim3A_785 : vector<16xi32>
      %select_n3A_1547 = arith.select %eq3A_1546, %broadcast_in_dim3A_789, %broadcast_in_dim3A_1 : vector<16xi1>, vector<16xf32>
      %add3A_1548 = arith.addf %add3A_1542, %select_n3A_1547 : vector<16xf32>
      %get3A_1549 = arith.constant 2032 : index
      %get3A_1550 = tpu.vector_load %arg14[%get3A_1549] {strides = array<i32>} : memref<3136xi32, #tpu.memory_space<vmem>>, vector<16xi32>,
      %get3A_1551 = vector.shape_cast %get3A_1550 : vector<16xi32> to vector<16xi32>
      %eq3A_1552 = arith.cmpi eq, %get3A_1551, %broadcast_in_dim3A_785 : vector<16xi32>
      %select_n3A_1553 = arith.select %eq3A_1552, %broadcast_in_dim3A_789, %broadcast_in_dim3A_1 : vector<16xi1>, vector<16xf32>
      %add3A_1554 = arith.addf %add3A_1548, %select_n3A_1553 : vector<16xf32>
      %get3A_1555 = arith.constant 2048 : index
      %get3A_1556 = tpu.vector_load %arg14[%get3A_1555] {strides = array<i32>} : memref<3136xi32, #tpu.memory_space<vmem>>, vector<16xi32>,
      %get3A_1557 = vector.shape_cast %get3A_1556 : vector<16xi32> to vector<16xi32>
      %eq3A_1558 = arith.cmpi eq, %get3A_1557, %broadcast_in_dim3A_785 : vector<16xi32>
      %select_n3A_1559 = arith.select %eq3A_1558, %broadcast_in_dim3A_789, %broadcast_in_dim3A_1 : vector<16xi1>, vector<16xf32>
      %add3A_1560 = arith.addf %add3A_1554, %select_n3A_1559 : vector<16xf32>
      %get3A_1561 = arith.constant 2064 : index
      %get3A_1562 = tpu.vector_load %arg14[%get3A_1561] {strides = array<i32>} : memref<3136xi32, #tpu.memory_space<vmem>>, vector<16xi32>,
      %get3A_1563 = vector.shape_cast %get3A_1562 : vector<16xi32> to vector<16xi32>
      %eq3A_1564 = arith.cmpi eq, %get3A_1563, %broadcast_in_dim3A_785 : vector<16xi32>
      %select_n3A_1565 = arith.select %eq3A_1564, %broadcast_in_dim3A_789, %broadcast_in_dim3A_1 : vector<16xi1>, vector<16xf32>
      %add3A_1566 = arith.addf %add3A_1560, %select_n3A_1565 : vector<16xf32>
      %get3A_1567 = arith.constant 2080 : index
      %get3A_1568 = tpu.vector_load %arg14[%get3A_1567] {strides = array<i32>} : memref<3136xi32, #tpu.memory_space<vmem>>, vector<16xi32>,
      %get3A_1569 = vector.shape_cast %get3A_1568 : vector<16xi32> to vector<16xi32>
      %eq3A_1570 = arith.cmpi eq, %get3A_1569, %broadcast_in_dim3A_785 : vector<16xi32>
      %select_n3A_1571 = arith.select %eq3A_1570, %broadcast_in_dim3A_789, %broadcast_in_dim3A_1 : vector<16xi1>, vector<16xf32>
      %add3A_1572 = arith.addf %add3A_1566, %select_n3A_1571 : vector<16xf32>
      %get3A_1573 = arith.constant 2096 : index
      %get3A_1574 = tpu.vector_load %arg14[%get3A_1573] {strides = array<i32>} : memref<3136xi32, #tpu.memory_space<vmem>>, vector<16xi32>,
      %get3A_1575 = vector.shape_cast %get3A_1574 : vector<16xi32> to vector<16xi32>
      %eq3A_1576 = arith.cmpi eq, %get3A_1575, %broadcast_in_dim3A_785 : vector<16xi32>
      %select_n3A_1577 = arith.select %eq3A_1576, %broadcast_in_dim3A_789, %broadcast_in_dim3A_1 : vector<16xi1>, vector<16xf32>
      %add3A_1578 = arith.addf %add3A_1572, %select_n3A_1577 : vector<16xf32>
      %get3A_1579 = arith.constant 2112 : index
      %get3A_1580 = tpu.vector_load %arg14[%get3A_1579] {strides = array<i32>} : memref<3136xi32, #tpu.memory_space<vmem>>, vector<16xi32>,
      %get3A_1581 = vector.shape_cast %get3A_1580 : vector<16xi32> to vector<16xi32>
      %eq3A_1582 = arith.cmpi eq, %get3A_1581, %broadcast_in_dim3A_785 : vector<16xi32>
      %select_n3A_1583 = arith.select %eq3A_1582, %broadcast_in_dim3A_789, %broadcast_in_dim3A_1 : vector<16xi1>, vector<16xf32>
      %add3A_1584 = arith.addf %add3A_1578, %select_n3A_1583 : vector<16xf32>
      %get3A_1585 = arith.constant 2128 : index
      %get3A_1586 = tpu.vector_load %arg14[%get3A_1585] {strides = array<i32>} : memref<3136xi32, #tpu.memory_space<vmem>>, vector<16xi32>,
      %get3A_1587 = vector.shape_cast %get3A_1586 : vector<16xi32> to vector<16xi32>
      %eq3A_1588 = arith.cmpi eq, %get3A_1587, %broadcast_in_dim3A_785 : vector<16xi32>
      %select_n3A_1589 = arith.select %eq3A_1588, %broadcast_in_dim3A_789, %broadcast_in_dim3A_1 : vector<16xi1>, vector<16xf32>
      %add3A_1590 = arith.addf %add3A_1584, %select_n3A_1589 : vector<16xf32>
      %get3A_1591 = arith.constant 2144 : index
      %get3A_1592 = tpu.vector_load %arg14[%get3A_1591] {strides = array<i32>} : memref<3136xi32, #tpu.memory_space<vmem>>, vector<16xi32>,
      %get3A_1593 = vector.shape_cast %get3A_1592 : vector<16xi32> to vector<16xi32>
      %eq3A_1594 = arith.cmpi eq, %get3A_1593, %broadcast_in_dim3A_785 : vector<16xi32>
      %select_n3A_1595 = arith.select %eq3A_1594, %broadcast_in_dim3A_789, %broadcast_in_dim3A_1 : vector<16xi1>, vector<16xf32>
      %add3A_1596 = arith.addf %add3A_1590, %select_n3A_1595 : vector<16xf32>
      %get3A_1597 = arith.constant 2160 : index
      %get3A_1598 = tpu.vector_load %arg14[%get3A_1597] {strides = array<i32>} : memref<3136xi32, #tpu.memory_space<vmem>>, vector<16xi32>,
      %get3A_1599 = vector.shape_cast %get3A_1598 : vector<16xi32> to vector<16xi32>
      %eq3A_1600 = arith.cmpi eq, %get3A_1599, %broadcast_in_dim3A_785 : vector<16xi32>
      %select_n3A_1601 = arith.select %eq3A_1600, %broadcast_in_dim3A_789, %broadcast_in_dim3A_1 : vector<16xi1>, vector<16xf32>
      %add3A_1602 = arith.addf %add3A_1596, %select_n3A_1601 : vector<16xf32>
      %get3A_1603 = arith.constant 2176 : index
      %get3A_1604 = tpu.vector_load %arg14[%get3A_1603] {strides = array<i32>} : memref<3136xi32, #tpu.memory_space<vmem>>, vector<16xi32>,
      %get3A_1605 = vector.shape_cast %get3A_1604 : vector<16xi32> to vector<16xi32>
      %eq3A_1606 = arith.cmpi eq, %get3A_1605, %broadcast_in_dim3A_785 : vector<16xi32>
      %select_n3A_1607 = arith.select %eq3A_1606, %broadcast_in_dim3A_789, %broadcast_in_dim3A_1 : vector<16xi1>, vector<16xf32>
      %add3A_1608 = arith.addf %add3A_1602, %select_n3A_1607 : vector<16xf32>
      %get3A_1609 = arith.constant 2192 : index
      %get3A_1610 = tpu.vector_load %arg14[%get3A_1609] {strides = array<i32>} : memref<3136xi32, #tpu.memory_space<vmem>>, vector<16xi32>,
      %get3A_1611 = vector.shape_cast %get3A_1610 : vector<16xi32> to vector<16xi32>
      %eq3A_1612 = arith.cmpi eq, %get3A_1611, %broadcast_in_dim3A_785 : vector<16xi32>
      %select_n3A_1613 = arith.select %eq3A_1612, %broadcast_in_dim3A_789, %broadcast_in_dim3A_1 : vector<16xi1>, vector<16xf32>
      %add3A_1614 = arith.addf %add3A_1608, %select_n3A_1613 : vector<16xf32>
      %get3A_1615 = arith.constant 2208 : index
      %get3A_1616 = tpu.vector_load %arg14[%get3A_1615] {strides = array<i32>} : memref<3136xi32, #tpu.memory_space<vmem>>, vector<16xi32>,
      %get3A_1617 = vector.shape_cast %get3A_1616 : vector<16xi32> to vector<16xi32>
      %eq3A_1618 = arith.cmpi eq, %get3A_1617, %broadcast_in_dim3A_785 : vector<16xi32>
      %select_n3A_1619 = arith.select %eq3A_1618, %broadcast_in_dim3A_789, %broadcast_in_dim3A_1 : vector<16xi1>, vector<16xf32>
      %add3A_1620 = arith.addf %add3A_1614, %select_n3A_1619 : vector<16xf32>
      %get3A_1621 = arith.constant 2224 : index
      %get3A_1622 = tpu.vector_load %arg14[%get3A_1621] {strides = array<i32>} : memref<3136xi32, #tpu.memory_space<vmem>>, vector<16xi32>,
      %get3A_1623 = vector.shape_cast %get3A_1622 : vector<16xi32> to vector<16xi32>
      %eq3A_1624 = arith.cmpi eq, %get3A_1623, %broadcast_in_dim3A_785 : vector<16xi32>
      %select_n3A_1625 = arith.select %eq3A_1624, %broadcast_in_dim3A_789, %broadcast_in_dim3A_1 : vector<16xi1>, vector<16xf32>
      %add3A_1626 = arith.addf %add3A_1620, %select_n3A_1625 : vector<16xf32>
      %get3A_1627 = arith.constant 2240 : index
      %get3A_1628 = tpu.vector_load %arg14[%get3A_1627] {strides = array<i32>} : memref<3136xi32, #tpu.memory_space<vmem>>, vector<16xi32>,
      %get3A_1629 = vector.shape_cast %get3A_1628 : vector<16xi32> to vector<16xi32>
      %eq3A_1630 = arith.cmpi eq, %get3A_1629, %broadcast_in_dim3A_785 : vector<16xi32>
      %select_n3A_1631 = arith.select %eq3A_1630, %broadcast_in_dim3A_789, %broadcast_in_dim3A_1 : vector<16xi1>, vector<16xf32>
      %add3A_1632 = arith.addf %add3A_1626, %select_n3A_1631 : vector<16xf32>
      %get3A_1633 = arith.constant 2256 : index
      %get3A_1634 = tpu.vector_load %arg14[%get3A_1633] {strides = array<i32>} : memref<3136xi32, #tpu.memory_space<vmem>>, vector<16xi32>,
      %get3A_1635 = vector.shape_cast %get3A_1634 : vector<16xi32> to vector<16xi32>
      %eq3A_1636 = arith.cmpi eq, %get3A_1635, %broadcast_in_dim3A_785 : vector<16xi32>
      %select_n3A_1637 = arith.select %eq3A_1636, %broadcast_in_dim3A_789, %broadcast_in_dim3A_1 : vector<16xi1>, vector<16xf32>
      %add3A_1638 = arith.addf %add3A_1632, %select_n3A_1637 : vector<16xf32>
      %get3A_1639 = arith.constant 2272 : index
      %get3A_1640 = tpu.vector_load %arg14[%get3A_1639] {strides = array<i32>} : memref<3136xi32, #tpu.memory_space<vmem>>, vector<16xi32>,
      %get3A_1641 = vector.shape_cast %get3A_1640 : vector<16xi32> to vector<16xi32>
      %eq3A_1642 = arith.cmpi eq, %get3A_1641, %broadcast_in_dim3A_785 : vector<16xi32>
      %select_n3A_1643 = arith.select %eq3A_1642, %broadcast_in_dim3A_789, %broadcast_in_dim3A_1 : vector<16xi1>, vector<16xf32>
      %add3A_1644 = arith.addf %add3A_1638, %select_n3A_1643 : vector<16xf32>
      %get3A_1645 = arith.constant 2288 : index
      %get3A_1646 = tpu.vector_load %arg14[%get3A_1645] {strides = array<i32>} : memref<3136xi32, #tpu.memory_space<vmem>>, vector<16xi32>,
      %get3A_1647 = vector.shape_cast %get3A_1646 : vector<16xi32> to vector<16xi32>
      %eq3A_1648 = arith.cmpi eq, %get3A_1647, %broadcast_in_dim3A_785 : vector<16xi32>
      %select_n3A_1649 = arith.select %eq3A_1648, %broadcast_in_dim3A_789, %broadcast_in_dim3A_1 : vector<16xi1>, vector<16xf32>
      %add3A_1650 = arith.addf %add3A_1644, %select_n3A_1649 : vector<16xf32>
      %get3A_1651 = arith.constant 2304 : index
      %get3A_1652 = tpu.vector_load %arg14[%get3A_1651] {strides = array<i32>} : memref<3136xi32, #tpu.memory_space<vmem>>, vector<16xi32>,
      %get3A_1653 = vector.shape_cast %get3A_1652 : vector<16xi32> to vector<16xi32>
      %eq3A_1654 = arith.cmpi eq, %get3A_1653, %broadcast_in_dim3A_785 : vector<16xi32>
      %select_n3A_1655 = arith.select %eq3A_1654, %broadcast_in_dim3A_789, %broadcast_in_dim3A_1 : vector<16xi1>, vector<16xf32>
      %add3A_1656 = arith.addf %add3A_1650, %select_n3A_1655 : vector<16xf32>
      %get3A_1657 = arith.constant 2320 : index
      %get3A_1658 = tpu.vector_load %arg14[%get3A_1657] {strides = array<i32>} : memref<3136xi32, #tpu.memory_space<vmem>>, vector<16xi32>,
      %get3A_1659 = vector.shape_cast %get3A_1658 : vector<16xi32> to vector<16xi32>
      %eq3A_1660 = arith.cmpi eq, %get3A_1659, %broadcast_in_dim3A_785 : vector<16xi32>
      %select_n3A_1661 = arith.select %eq3A_1660, %broadcast_in_dim3A_789, %broadcast_in_dim3A_1 : vector<16xi1>, vector<16xf32>
      %add3A_1662 = arith.addf %add3A_1656, %select_n3A_1661 : vector<16xf32>
      %get3A_1663 = arith.constant 2336 : index
      %get3A_1664 = tpu.vector_load %arg14[%get3A_1663] {strides = array<i32>} : memref<3136xi32, #tpu.memory_space<vmem>>, vector<16xi32>,
      %get3A_1665 = vector.shape_cast %get3A_1664 : vector<16xi32> to vector<16xi32>
      %eq3A_1666 = arith.cmpi eq, %get3A_1665, %broadcast_in_dim3A_785 : vector<16xi32>
      %select_n3A_1667 = arith.select %eq3A_1666, %broadcast_in_dim3A_789, %broadcast_in_dim3A_1 : vector<16xi1>, vector<16xf32>
      %add3A_1668 = arith.addf %add3A_1662, %select_n3A_1667 : vector<16xf32>
      %get3A_1669 = arith.constant 2352 : index
      %get3A_1670 = tpu.vector_load %arg14[%get3A_1669] {strides = array<i32>} : memref<3136xi32, #tpu.memory_space<vmem>>, vector<16xi32>,
      %get3A_1671 = vector.shape_cast %get3A_1670 : vector<16xi32> to vector<16xi32>
      %eq3A_1672 = arith.cmpi eq, %get3A_1671, %broadcast_in_dim3A_785 : vector<16xi32>
      %select_n3A_1673 = arith.select %eq3A_1672, %broadcast_in_dim3A_789, %broadcast_in_dim3A_1 : vector<16xi1>, vector<16xf32>
      %add3A_1674 = arith.addf %add3A_1668, %select_n3A_1673 : vector<16xf32>
      %get3A_1675 = arith.constant 2368 : index
      %get3A_1676 = tpu.vector_load %arg14[%get3A_1675] {strides = array<i32>} : memref<3136xi32, #tpu.memory_space<vmem>>, vector<16xi32>,
      %get3A_1677 = vector.shape_cast %get3A_1676 : vector<16xi32> to vector<16xi32>
      %eq3A_1678 = arith.cmpi eq, %get3A_1677, %broadcast_in_dim3A_785 : vector<16xi32>
      %select_n3A_1679 = arith.select %eq3A_1678, %broadcast_in_dim3A_789, %broadcast_in_dim3A_1 : vector<16xi1>, vector<16xf32>
      %add3A_1680 = arith.addf %add3A_1674, %select_n3A_1679 : vector<16xf32>
      %get3A_1681 = arith.constant 2384 : index
      %get3A_1682 = tpu.vector_load %arg14[%get3A_1681] {strides = array<i32>} : memref<3136xi32, #tpu.memory_space<vmem>>, vector<16xi32>,
      %get3A_1683 = vector.shape_cast %get3A_1682 : vector<16xi32> to vector<16xi32>
      %eq3A_1684 = arith.cmpi eq, %get3A_1683, %broadcast_in_dim3A_785 : vector<16xi32>
      %select_n3A_1685 = arith.select %eq3A_1684, %broadcast_in_dim3A_789, %broadcast_in_dim3A_1 : vector<16xi1>, vector<16xf32>
      %add3A_1686 = arith.addf %add3A_1680, %select_n3A_1685 : vector<16xf32>
      %get3A_1687 = arith.constant 2400 : index
      %get3A_1688 = tpu.vector_load %arg14[%get3A_1687] {strides = array<i32>} : memref<3136xi32, #tpu.memory_space<vmem>>, vector<16xi32>,
      %get3A_1689 = vector.shape_cast %get3A_1688 : vector<16xi32> to vector<16xi32>
      %eq3A_1690 = arith.cmpi eq, %get3A_1689, %broadcast_in_dim3A_785 : vector<16xi32>
      %select_n3A_1691 = arith.select %eq3A_1690, %broadcast_in_dim3A_789, %broadcast_in_dim3A_1 : vector<16xi1>, vector<16xf32>
      %add3A_1692 = arith.addf %add3A_1686, %select_n3A_1691 : vector<16xf32>
      %get3A_1693 = arith.constant 2416 : index
      %get3A_1694 = tpu.vector_load %arg14[%get3A_1693] {strides = array<i32>} : memref<3136xi32, #tpu.memory_space<vmem>>, vector<16xi32>,
      %get3A_1695 = vector.shape_cast %get3A_1694 : vector<16xi32> to vector<16xi32>
      %eq3A_1696 = arith.cmpi eq, %get3A_1695, %broadcast_in_dim3A_785 : vector<16xi32>
      %select_n3A_1697 = arith.select %eq3A_1696, %broadcast_in_dim3A_789, %broadcast_in_dim3A_1 : vector<16xi1>, vector<16xf32>
      %add3A_1698 = arith.addf %add3A_1692, %select_n3A_1697 : vector<16xf32>
      %get3A_1699 = arith.constant 2432 : index
      %get3A_1700 = tpu.vector_load %arg14[%get3A_1699] {strides = array<i32>} : memref<3136xi32, #tpu.memory_space<vmem>>, vector<16xi32>,
      %get3A_1701 = vector.shape_cast %get3A_1700 : vector<16xi32> to vector<16xi32>
      %eq3A_1702 = arith.cmpi eq, %get3A_1701, %broadcast_in_dim3A_785 : vector<16xi32>
      %select_n3A_1703 = arith.select %eq3A_1702, %broadcast_in_dim3A_789, %broadcast_in_dim3A_1 : vector<16xi1>, vector<16xf32>
      %add3A_1704 = arith.addf %add3A_1698, %select_n3A_1703 : vector<16xf32>
      %get3A_1705 = arith.constant 2448 : index
      %get3A_1706 = tpu.vector_load %arg14[%get3A_1705] {strides = array<i32>} : memref<3136xi32, #tpu.memory_space<vmem>>, vector<16xi32>,
      %get3A_1707 = vector.shape_cast %get3A_1706 : vector<16xi32> to vector<16xi32>
      %eq3A_1708 = arith.cmpi eq, %get3A_1707, %broadcast_in_dim3A_785 : vector<16xi32>
      %select_n3A_1709 = arith.select %eq3A_1708, %broadcast_in_dim3A_789, %broadcast_in_dim3A_1 : vector<16xi1>, vector<16xf32>
      %add3A_1710 = arith.addf %add3A_1704, %select_n3A_1709 : vector<16xf32>
      %get3A_1711 = arith.constant 2464 : index
      %get3A_1712 = tpu.vector_load %arg14[%get3A_1711] {strides = array<i32>} : memref<3136xi32, #tpu.memory_space<vmem>>, vector<16xi32>,
      %get3A_1713 = vector.shape_cast %get3A_1712 : vector<16xi32> to vector<16xi32>
      %eq3A_1714 = arith.cmpi eq, %get3A_1713, %broadcast_in_dim3A_785 : vector<16xi32>
      %select_n3A_1715 = arith.select %eq3A_1714, %broadcast_in_dim3A_789, %broadcast_in_dim3A_1 : vector<16xi1>, vector<16xf32>
      %add3A_1716 = arith.addf %add3A_1710, %select_n3A_1715 : vector<16xf32>
      %get3A_1717 = arith.constant 2480 : index
      %get3A_1718 = tpu.vector_load %arg14[%get3A_1717] {strides = array<i32>} : memref<3136xi32, #tpu.memory_space<vmem>>, vector<16xi32>,
      %get3A_1719 = vector.shape_cast %get3A_1718 : vector<16xi32> to vector<16xi32>
      %eq3A_1720 = arith.cmpi eq, %get3A_1719, %broadcast_in_dim3A_785 : vector<16xi32>
      %select_n3A_1721 = arith.select %eq3A_1720, %broadcast_in_dim3A_789, %broadcast_in_dim3A_1 : vector<16xi1>, vector<16xf32>
      %add3A_1722 = arith.addf %add3A_1716, %select_n3A_1721 : vector<16xf32>
      %get3A_1723 = arith.constant 2496 : index
      %get3A_1724 = tpu.vector_load %arg14[%get3A_1723] {strides = array<i32>} : memref<3136xi32, #tpu.memory_space<vmem>>, vector<16xi32>,
      %get3A_1725 = vector.shape_cast %get3A_1724 : vector<16xi32> to vector<16xi32>
      %eq3A_1726 = arith.cmpi eq, %get3A_1725, %broadcast_in_dim3A_785 : vector<16xi32>
      %select_n3A_1727 = arith.select %eq3A_1726, %broadcast_in_dim3A_789, %broadcast_in_dim3A_1 : vector<16xi1>, vector<16xf32>
      %add3A_1728 = arith.addf %add3A_1722, %select_n3A_1727 : vector<16xf32>
      %get3A_1729 = arith.constant 2512 : index
      %get3A_1730 = tpu.vector_load %arg14[%get3A_1729] {strides = array<i32>} : memref<3136xi32, #tpu.memory_space<vmem>>, vector<16xi32>,
      %get3A_1731 = vector.shape_cast %get3A_1730 : vector<16xi32> to vector<16xi32>
      %eq3A_1732 = arith.cmpi eq, %get3A_1731, %broadcast_in_dim3A_785 : vector<16xi32>
      %select_n3A_1733 = arith.select %eq3A_1732, %broadcast_in_dim3A_789, %broadcast_in_dim3A_1 : vector<16xi1>, vector<16xf32>
      %add3A_1734 = arith.addf %add3A_1728, %select_n3A_1733 : vector<16xf32>
      %get3A_1735 = arith.constant 2528 : index
      %get3A_1736 = tpu.vector_load %arg14[%get3A_1735] {strides = array<i32>} : memref<3136xi32, #tpu.memory_space<vmem>>, vector<16xi32>,
      %get3A_1737 = vector.shape_cast %get3A_1736 : vector<16xi32> to vector<16xi32>
      %eq3A_1738 = arith.cmpi eq, %get3A_1737, %broadcast_in_dim3A_785 : vector<16xi32>
      %select_n3A_1739 = arith.select %eq3A_1738, %broadcast_in_dim3A_789, %broadcast_in_dim3A_1 : vector<16xi1>, vector<16xf32>
      %add3A_1740 = arith.addf %add3A_1734, %select_n3A_1739 : vector<16xf32>
      %get3A_1741 = arith.constant 2544 : index
      %get3A_1742 = tpu.vector_load %arg14[%get3A_1741] {strides = array<i32>} : memref<3136xi32, #tpu.memory_space<vmem>>, vector<16xi32>,
      %get3A_1743 = vector.shape_cast %get3A_1742 : vector<16xi32> to vector<16xi32>
      %eq3A_1744 = arith.cmpi eq, %get3A_1743, %broadcast_in_dim3A_785 : vector<16xi32>
      %select_n3A_1745 = arith.select %eq3A_1744, %broadcast_in_dim3A_789, %broadcast_in_dim3A_1 : vector<16xi1>, vector<16xf32>
      %add3A_1746 = arith.addf %add3A_1740, %select_n3A_1745 : vector<16xf32>
      %get3A_1747 = arith.constant 2560 : index
      %get3A_1748 = tpu.vector_load %arg14[%get3A_1747] {strides = array<i32>} : memref<3136xi32, #tpu.memory_space<vmem>>, vector<16xi32>,
      %get3A_1749 = vector.shape_cast %get3A_1748 : vector<16xi32> to vector<16xi32>
      %eq3A_1750 = arith.cmpi eq, %get3A_1749, %broadcast_in_dim3A_785 : vector<16xi32>
      %select_n3A_1751 = arith.select %eq3A_1750, %broadcast_in_dim3A_789, %broadcast_in_dim3A_1 : vector<16xi1>, vector<16xf32>
      %add3A_1752 = arith.addf %add3A_1746, %select_n3A_1751 : vector<16xf32>
      %get3A_1753 = arith.constant 2576 : index
      %get3A_1754 = tpu.vector_load %arg14[%get3A_1753] {strides = array<i32>} : memref<3136xi32, #tpu.memory_space<vmem>>, vector<16xi32>,
      %get3A_1755 = vector.shape_cast %get3A_1754 : vector<16xi32> to vector<16xi32>
      %eq3A_1756 = arith.cmpi eq, %get3A_1755, %broadcast_in_dim3A_785 : vector<16xi32>
      %select_n3A_1757 = arith.select %eq3A_1756, %broadcast_in_dim3A_789, %broadcast_in_dim3A_1 : vector<16xi1>, vector<16xf32>
      %add3A_1758 = arith.addf %add3A_1752, %select_n3A_1757 : vector<16xf32>
      %get3A_1759 = arith.constant 2592 : index
      %get3A_1760 = tpu.vector_load %arg14[%get3A_1759] {strides = array<i32>} : memref<3136xi32, #tpu.memory_space<vmem>>, vector<16xi32>,
      %get3A_1761 = vector.shape_cast %get3A_1760 : vector<16xi32> to vector<16xi32>
      %eq3A_1762 = arith.cmpi eq, %get3A_1761, %broadcast_in_dim3A_785 : vector<16xi32>
      %select_n3A_1763 = arith.select %eq3A_1762, %broadcast_in_dim3A_789, %broadcast_in_dim3A_1 : vector<16xi1>, vector<16xf32>
      %add3A_1764 = arith.addf %add3A_1758, %select_n3A_1763 : vector<16xf32>
      %get3A_1765 = arith.constant 2608 : index
      %get3A_1766 = tpu.vector_load %arg14[%get3A_1765] {strides = array<i32>} : memref<3136xi32, #tpu.memory_space<vmem>>, vector<16xi32>,
      %get3A_1767 = vector.shape_cast %get3A_1766 : vector<16xi32> to vector<16xi32>
      %eq3A_1768 = arith.cmpi eq, %get3A_1767, %broadcast_in_dim3A_785 : vector<16xi32>
      %select_n3A_1769 = arith.select %eq3A_1768, %broadcast_in_dim3A_789, %broadcast_in_dim3A_1 : vector<16xi1>, vector<16xf32>
      %add3A_1770 = arith.addf %add3A_1764, %select_n3A_1769 : vector<16xf32>
      %get3A_1771 = arith.constant 2624 : index
      %get3A_1772 = tpu.vector_load %arg14[%get3A_1771] {strides = array<i32>} : memref<3136xi32, #tpu.memory_space<vmem>>, vector<16xi32>,
      %get3A_1773 = vector.shape_cast %get3A_1772 : vector<16xi32> to vector<16xi32>
      %eq3A_1774 = arith.cmpi eq, %get3A_1773, %broadcast_in_dim3A_785 : vector<16xi32>
      %select_n3A_1775 = arith.select %eq3A_1774, %broadcast_in_dim3A_789, %broadcast_in_dim3A_1 : vector<16xi1>, vector<16xf32>
      %add3A_1776 = arith.addf %add3A_1770, %select_n3A_1775 : vector<16xf32>
      %get3A_1777 = arith.constant 2640 : index
      %get3A_1778 = tpu.vector_load %arg14[%get3A_1777] {strides = array<i32>} : memref<3136xi32, #tpu.memory_space<vmem>>, vector<16xi32>,
      %get3A_1779 = vector.shape_cast %get3A_1778 : vector<16xi32> to vector<16xi32>
      %eq3A_1780 = arith.cmpi eq, %get3A_1779, %broadcast_in_dim3A_785 : vector<16xi32>
      %select_n3A_1781 = arith.select %eq3A_1780, %broadcast_in_dim3A_789, %broadcast_in_dim3A_1 : vector<16xi1>, vector<16xf32>
      %add3A_1782 = arith.addf %add3A_1776, %select_n3A_1781 : vector<16xf32>
      %get3A_1783 = arith.constant 2656 : index
      %get3A_1784 = tpu.vector_load %arg14[%get3A_1783] {strides = array<i32>} : memref<3136xi32, #tpu.memory_space<vmem>>, vector<16xi32>,
      %get3A_1785 = vector.shape_cast %get3A_1784 : vector<16xi32> to vector<16xi32>
      %eq3A_1786 = arith.cmpi eq, %get3A_1785, %broadcast_in_dim3A_785 : vector<16xi32>
      %select_n3A_1787 = arith.select %eq3A_1786, %broadcast_in_dim3A_789, %broadcast_in_dim3A_1 : vector<16xi1>, vector<16xf32>
      %add3A_1788 = arith.addf %add3A_1782, %select_n3A_1787 : vector<16xf32>
      %get3A_1789 = arith.constant 2672 : index
      %get3A_1790 = tpu.vector_load %arg14[%get3A_1789] {strides = array<i32>} : memref<3136xi32, #tpu.memory_space<vmem>>, vector<16xi32>,
      %get3A_1791 = vector.shape_cast %get3A_1790 : vector<16xi32> to vector<16xi32>
      %eq3A_1792 = arith.cmpi eq, %get3A_1791, %broadcast_in_dim3A_785 : vector<16xi32>
      %select_n3A_1793 = arith.select %eq3A_1792, %broadcast_in_dim3A_789, %broadcast_in_dim3A_1 : vector<16xi1>, vector<16xf32>
      %add3A_1794 = arith.addf %add3A_1788, %select_n3A_1793 : vector<16xf32>
      %get3A_1795 = arith.constant 2688 : index
      %get3A_1796 = tpu.vector_load %arg14[%get3A_1795] {strides = array<i32>} : memref<3136xi32, #tpu.memory_space<vmem>>, vector<16xi32>,
      %get3A_1797 = vector.shape_cast %get3A_1796 : vector<16xi32> to vector<16xi32>
      %eq3A_1798 = arith.cmpi eq, %get3A_1797, %broadcast_in_dim3A_785 : vector<16xi32>
      %select_n3A_1799 = arith.select %eq3A_1798, %broadcast_in_dim3A_789, %broadcast_in_dim3A_1 : vector<16xi1>, vector<16xf32>
      %add3A_1800 = arith.addf %add3A_1794, %select_n3A_1799 : vector<16xf32>
      %get3A_1801 = arith.constant 2704 : index
      %get3A_1802 = tpu.vector_load %arg14[%get3A_1801] {strides = array<i32>} : memref<3136xi32, #tpu.memory_space<vmem>>, vector<16xi32>,
      %get3A_1803 = vector.shape_cast %get3A_1802 : vector<16xi32> to vector<16xi32>
      %eq3A_1804 = arith.cmpi eq, %get3A_1803, %broadcast_in_dim3A_785 : vector<16xi32>
      %select_n3A_1805 = arith.select %eq3A_1804, %broadcast_in_dim3A_789, %broadcast_in_dim3A_1 : vector<16xi1>, vector<16xf32>
      %add3A_1806 = arith.addf %add3A_1800, %select_n3A_1805 : vector<16xf32>
      %get3A_1807 = arith.constant 2720 : index
      %get3A_1808 = tpu.vector_load %arg14[%get3A_1807] {strides = array<i32>} : memref<3136xi32, #tpu.memory_space<vmem>>, vector<16xi32>,
      %get3A_1809 = vector.shape_cast %get3A_1808 : vector<16xi32> to vector<16xi32>
      %eq3A_1810 = arith.cmpi eq, %get3A_1809, %broadcast_in_dim3A_785 : vector<16xi32>
      %select_n3A_1811 = arith.select %eq3A_1810, %broadcast_in_dim3A_789, %broadcast_in_dim3A_1 : vector<16xi1>, vector<16xf32>
      %add3A_1812 = arith.addf %add3A_1806, %select_n3A_1811 : vector<16xf32>
      %get3A_1813 = arith.constant 2736 : index
      %get3A_1814 = tpu.vector_load %arg14[%get3A_1813] {strides = array<i32>} : memref<3136xi32, #tpu.memory_space<vmem>>, vector<16xi32>,
      %get3A_1815 = vector.shape_cast %get3A_1814 : vector<16xi32> to vector<16xi32>
      %eq3A_1816 = arith.cmpi eq, %get3A_1815, %broadcast_in_dim3A_785 : vector<16xi32>
      %select_n3A_1817 = arith.select %eq3A_1816, %broadcast_in_dim3A_789, %broadcast_in_dim3A_1 : vector<16xi1>, vector<16xf32>
      %add3A_1818 = arith.addf %add3A_1812, %select_n3A_1817 : vector<16xf32>
      %get3A_1819 = arith.constant 2752 : index
      %get3A_1820 = tpu.vector_load %arg14[%get3A_1819] {strides = array<i32>} : memref<3136xi32, #tpu.memory_space<vmem>>, vector<16xi32>,
      %get3A_1821 = vector.shape_cast %get3A_1820 : vector<16xi32> to vector<16xi32>
      %eq3A_1822 = arith.cmpi eq, %get3A_1821, %broadcast_in_dim3A_785 : vector<16xi32>
      %select_n3A_1823 = arith.select %eq3A_1822, %broadcast_in_dim3A_789, %broadcast_in_dim3A_1 : vector<16xi1>, vector<16xf32>
      %add3A_1824 = arith.addf %add3A_1818, %select_n3A_1823 : vector<16xf32>
      %get3A_1825 = arith.constant 2768 : index
      %get3A_1826 = tpu.vector_load %arg14[%get3A_1825] {strides = array<i32>} : memref<3136xi32, #tpu.memory_space<vmem>>, vector<16xi32>,
      %get3A_1827 = vector.shape_cast %get3A_1826 : vector<16xi32> to vector<16xi32>
      %eq3A_1828 = arith.cmpi eq, %get3A_1827, %broadcast_in_dim3A_785 : vector<16xi32>
      %select_n3A_1829 = arith.select %eq3A_1828, %broadcast_in_dim3A_789, %broadcast_in_dim3A_1 : vector<16xi1>, vector<16xf32>
      %add3A_1830 = arith.addf %add3A_1824, %select_n3A_1829 : vector<16xf32>
      %get3A_1831 = arith.constant 2784 : index
      %get3A_1832 = tpu.vector_load %arg14[%get3A_1831] {strides = array<i32>} : memref<3136xi32, #tpu.memory_space<vmem>>, vector<16xi32>,
      %get3A_1833 = vector.shape_cast %get3A_1832 : vector<16xi32> to vector<16xi32>
      %eq3A_1834 = arith.cmpi eq, %get3A_1833, %broadcast_in_dim3A_785 : vector<16xi32>
      %select_n3A_1835 = arith.select %eq3A_1834, %broadcast_in_dim3A_789, %broadcast_in_dim3A_1 : vector<16xi1>, vector<16xf32>
      %add3A_1836 = arith.addf %add3A_1830, %select_n3A_1835 : vector<16xf32>
      %get3A_1837 = arith.constant 2800 : index
      %get3A_1838 = tpu.vector_load %arg14[%get3A_1837] {strides = array<i32>} : memref<3136xi32, #tpu.memory_space<vmem>>, vector<16xi32>,
      %get3A_1839 = vector.shape_cast %get3A_1838 : vector<16xi32> to vector<16xi32>
      %eq3A_1840 = arith.cmpi eq, %get3A_1839, %broadcast_in_dim3A_785 : vector<16xi32>
      %select_n3A_1841 = arith.select %eq3A_1840, %broadcast_in_dim3A_789, %broadcast_in_dim3A_1 : vector<16xi1>, vector<16xf32>
      %add3A_1842 = arith.addf %add3A_1836, %select_n3A_1841 : vector<16xf32>
      %get3A_1843 = arith.constant 2816 : index
      %get3A_1844 = tpu.vector_load %arg14[%get3A_1843] {strides = array<i32>} : memref<3136xi32, #tpu.memory_space<vmem>>, vector<16xi32>,
      %get3A_1845 = vector.shape_cast %get3A_1844 : vector<16xi32> to vector<16xi32>
      %eq3A_1846 = arith.cmpi eq, %get3A_1845, %broadcast_in_dim3A_785 : vector<16xi32>
      %select_n3A_1847 = arith.select %eq3A_1846, %broadcast_in_dim3A_789, %broadcast_in_dim3A_1 : vector<16xi1>, vector<16xf32>
      %add3A_1848 = arith.addf %add3A_1842, %select_n3A_1847 : vector<16xf32>
      %get3A_1849 = arith.constant 2832 : index
      %get3A_1850 = tpu.vector_load %arg14[%get3A_1849] {strides = array<i32>} : memref<3136xi32, #tpu.memory_space<vmem>>, vector<16xi32>,
      %get3A_1851 = vector.shape_cast %get3A_1850 : vector<16xi32> to vector<16xi32>
      %eq3A_1852 = arith.cmpi eq, %get3A_1851, %broadcast_in_dim3A_785 : vector<16xi32>
      %select_n3A_1853 = arith.select %eq3A_1852, %broadcast_in_dim3A_789, %broadcast_in_dim3A_1 : vector<16xi1>, vector<16xf32>
      %add3A_1854 = arith.addf %add3A_1848, %select_n3A_1853 : vector<16xf32>
      %get3A_1855 = arith.constant 2848 : index
      %get3A_1856 = tpu.vector_load %arg14[%get3A_1855] {strides = array<i32>} : memref<3136xi32, #tpu.memory_space<vmem>>, vector<16xi32>,
      %get3A_1857 = vector.shape_cast %get3A_1856 : vector<16xi32> to vector<16xi32>
      %eq3A_1858 = arith.cmpi eq, %get3A_1857, %broadcast_in_dim3A_785 : vector<16xi32>
      %select_n3A_1859 = arith.select %eq3A_1858, %broadcast_in_dim3A_789, %broadcast_in_dim3A_1 : vector<16xi1>, vector<16xf32>
      %add3A_1860 = arith.addf %add3A_1854, %select_n3A_1859 : vector<16xf32>
      %get3A_1861 = arith.constant 2864 : index
      %get3A_1862 = tpu.vector_load %arg14[%get3A_1861] {strides = array<i32>} : memref<3136xi32, #tpu.memory_space<vmem>>, vector<16xi32>,
      %get3A_1863 = vector.shape_cast %get3A_1862 : vector<16xi32> to vector<16xi32>
      %eq3A_1864 = arith.cmpi eq, %get3A_1863, %broadcast_in_dim3A_785 : vector<16xi32>
      %select_n3A_1865 = arith.select %eq3A_1864, %broadcast_in_dim3A_789, %broadcast_in_dim3A_1 : vector<16xi1>, vector<16xf32>
      %add3A_1866 = arith.addf %add3A_1860, %select_n3A_1865 : vector<16xf32>
      %get3A_1867 = arith.constant 2880 : index
      %get3A_1868 = tpu.vector_load %arg14[%get3A_1867] {strides = array<i32>} : memref<3136xi32, #tpu.memory_space<vmem>>, vector<16xi32>,
      %get3A_1869 = vector.shape_cast %get3A_1868 : vector<16xi32> to vector<16xi32>
      %eq3A_1870 = arith.cmpi eq, %get3A_1869, %broadcast_in_dim3A_785 : vector<16xi32>
      %select_n3A_1871 = arith.select %eq3A_1870, %broadcast_in_dim3A_789, %broadcast_in_dim3A_1 : vector<16xi1>, vector<16xf32>
      %add3A_1872 = arith.addf %add3A_1866, %select_n3A_1871 : vector<16xf32>
      %get3A_1873 = arith.constant 2896 : index
      %get3A_1874 = tpu.vector_load %arg14[%get3A_1873] {strides = array<i32>} : memref<3136xi32, #tpu.memory_space<vmem>>, vector<16xi32>,
      %get3A_1875 = vector.shape_cast %get3A_1874 : vector<16xi32> to vector<16xi32>
      %eq3A_1876 = arith.cmpi eq, %get3A_1875, %broadcast_in_dim3A_785 : vector<16xi32>
      %select_n3A_1877 = arith.select %eq3A_1876, %broadcast_in_dim3A_789, %broadcast_in_dim3A_1 : vector<16xi1>, vector<16xf32>
      %add3A_1878 = arith.addf %add3A_1872, %select_n3A_1877 : vector<16xf32>
      %get3A_1879 = arith.constant 2912 : index
      %get3A_1880 = tpu.vector_load %arg14[%get3A_1879] {strides = array<i32>} : memref<3136xi32, #tpu.memory_space<vmem>>, vector<16xi32>,
      %get3A_1881 = vector.shape_cast %get3A_1880 : vector<16xi32> to vector<16xi32>
      %eq3A_1882 = arith.cmpi eq, %get3A_1881, %broadcast_in_dim3A_785 : vector<16xi32>
      %select_n3A_1883 = arith.select %eq3A_1882, %broadcast_in_dim3A_789, %broadcast_in_dim3A_1 : vector<16xi1>, vector<16xf32>
      %add3A_1884 = arith.addf %add3A_1878, %select_n3A_1883 : vector<16xf32>
      %get3A_1885 = arith.constant 2928 : index
      %get3A_1886 = tpu.vector_load %arg14[%get3A_1885] {strides = array<i32>} : memref<3136xi32, #tpu.memory_space<vmem>>, vector<16xi32>,
      %get3A_1887 = vector.shape_cast %get3A_1886 : vector<16xi32> to vector<16xi32>
      %eq3A_1888 = arith.cmpi eq, %get3A_1887, %broadcast_in_dim3A_785 : vector<16xi32>
      %select_n3A_1889 = arith.select %eq3A_1888, %broadcast_in_dim3A_789, %broadcast_in_dim3A_1 : vector<16xi1>, vector<16xf32>
      %add3A_1890 = arith.addf %add3A_1884, %select_n3A_1889 : vector<16xf32>
      %get3A_1891 = arith.constant 2944 : index
      %get3A_1892 = tpu.vector_load %arg14[%get3A_1891] {strides = array<i32>} : memref<3136xi32, #tpu.memory_space<vmem>>, vector<16xi32>,
      %get3A_1893 = vector.shape_cast %get3A_1892 : vector<16xi32> to vector<16xi32>
      %eq3A_1894 = arith.cmpi eq, %get3A_1893, %broadcast_in_dim3A_785 : vector<16xi32>
      %select_n3A_1895 = arith.select %eq3A_1894, %broadcast_in_dim3A_789, %broadcast_in_dim3A_1 : vector<16xi1>, vector<16xf32>
      %add3A_1896 = arith.addf %add3A_1890, %select_n3A_1895 : vector<16xf32>
      %get3A_1897 = arith.constant 2960 : index
      %get3A_1898 = tpu.vector_load %arg14[%get3A_1897] {strides = array<i32>} : memref<3136xi32, #tpu.memory_space<vmem>>, vector<16xi32>,
      %get3A_1899 = vector.shape_cast %get3A_1898 : vector<16xi32> to vector<16xi32>
      %eq3A_1900 = arith.cmpi eq, %get3A_1899, %broadcast_in_dim3A_785 : vector<16xi32>
      %select_n3A_1901 = arith.select %eq3A_1900, %broadcast_in_dim3A_789, %broadcast_in_dim3A_1 : vector<16xi1>, vector<16xf32>
      %add3A_1902 = arith.addf %add3A_1896, %select_n3A_1901 : vector<16xf32>
      %get3A_1903 = arith.constant 2976 : index
      %get3A_1904 = tpu.vector_load %arg14[%get3A_1903] {strides = array<i32>} : memref<3136xi32, #tpu.memory_space<vmem>>, vector<16xi32>,
      %get3A_1905 = vector.shape_cast %get3A_1904 : vector<16xi32> to vector<16xi32>
      %eq3A_1906 = arith.cmpi eq, %get3A_1905, %broadcast_in_dim3A_785 : vector<16xi32>
      %select_n3A_1907 = arith.select %eq3A_1906, %broadcast_in_dim3A_789, %broadcast_in_dim3A_1 : vector<16xi1>, vector<16xf32>
      %add3A_1908 = arith.addf %add3A_1902, %select_n3A_1907 : vector<16xf32>
      %get3A_1909 = arith.constant 2992 : index
      %get3A_1910 = tpu.vector_load %arg14[%get3A_1909] {strides = array<i32>} : memref<3136xi32, #tpu.memory_space<vmem>>, vector<16xi32>,
      %get3A_1911 = vector.shape_cast %get3A_1910 : vector<16xi32> to vector<16xi32>
      %eq3A_1912 = arith.cmpi eq, %get3A_1911, %broadcast_in_dim3A_785 : vector<16xi32>
      %select_n3A_1913 = arith.select %eq3A_1912, %broadcast_in_dim3A_789, %broadcast_in_dim3A_1 : vector<16xi1>, vector<16xf32>
      %add3A_1914 = arith.addf %add3A_1908, %select_n3A_1913 : vector<16xf32>
      %get3A_1915 = arith.constant 3008 : index
      %get3A_1916 = tpu.vector_load %arg14[%get3A_1915] {strides = array<i32>} : memref<3136xi32, #tpu.memory_space<vmem>>, vector<16xi32>,
      %get3A_1917 = vector.shape_cast %get3A_1916 : vector<16xi32> to vector<16xi32>
      %eq3A_1918 = arith.cmpi eq, %get3A_1917, %broadcast_in_dim3A_785 : vector<16xi32>
      %select_n3A_1919 = arith.select %eq3A_1918, %broadcast_in_dim3A_789, %broadcast_in_dim3A_1 : vector<16xi1>, vector<16xf32>
      %add3A_1920 = arith.addf %add3A_1914, %select_n3A_1919 : vector<16xf32>
      %get3A_1921 = arith.constant 3024 : index
      %get3A_1922 = tpu.vector_load %arg14[%get3A_1921] {strides = array<i32>} : memref<3136xi32, #tpu.memory_space<vmem>>, vector<16xi32>,
      %get3A_1923 = vector.shape_cast %get3A_1922 : vector<16xi32> to vector<16xi32>
      %eq3A_1924 = arith.cmpi eq, %get3A_1923, %broadcast_in_dim3A_785 : vector<16xi32>
      %select_n3A_1925 = arith.select %eq3A_1924, %broadcast_in_dim3A_789, %broadcast_in_dim3A_1 : vector<16xi1>, vector<16xf32>
      %add3A_1926 = arith.addf %add3A_1920, %select_n3A_1925 : vector<16xf32>
      %get3A_1927 = arith.constant 3040 : index
      %get3A_1928 = tpu.vector_load %arg14[%get3A_1927] {strides = array<i32>} : memref<3136xi32, #tpu.memory_space<vmem>>, vector<16xi32>,
      %get3A_1929 = vector.shape_cast %get3A_1928 : vector<16xi32> to vector<16xi32>
      %eq3A_1930 = arith.cmpi eq, %get3A_1929, %broadcast_in_dim3A_785 : vector<16xi32>
      %select_n3A_1931 = arith.select %eq3A_1930, %broadcast_in_dim3A_789, %broadcast_in_dim3A_1 : vector<16xi1>, vector<16xf32>
      %add3A_1932 = arith.addf %add3A_1926, %select_n3A_1931 : vector<16xf32>
      %get3A_1933 = arith.constant 3056 : index
      %get3A_1934 = tpu.vector_load %arg14[%get3A_1933] {strides = array<i32>} : memref<3136xi32, #tpu.memory_space<vmem>>, vector<16xi32>,
      %get3A_1935 = vector.shape_cast %get3A_1934 : vector<16xi32> to vector<16xi32>
      %eq3A_1936 = arith.cmpi eq, %get3A_1935, %broadcast_in_dim3A_785 : vector<16xi32>
      %select_n3A_1937 = arith.select %eq3A_1936, %broadcast_in_dim3A_789, %broadcast_in_dim3A_1 : vector<16xi1>, vector<16xf32>
      %add3A_1938 = arith.addf %add3A_1932, %select_n3A_1937 : vector<16xf32>
      %get3A_1939 = arith.constant 3072 : index
      %get3A_1940 = tpu.vector_load %arg14[%get3A_1939] {strides = array<i32>} : memref<3136xi32, #tpu.memory_space<vmem>>, vector<16xi32>,
      %get3A_1941 = vector.shape_cast %get3A_1940 : vector<16xi32> to vector<16xi32>
      %eq3A_1942 = arith.cmpi eq, %get3A_1941, %broadcast_in_dim3A_785 : vector<16xi32>
      %select_n3A_1943 = arith.select %eq3A_1942, %broadcast_in_dim3A_789, %broadcast_in_dim3A_1 : vector<16xi1>, vector<16xf32>
      %add3A_1944 = arith.addf %add3A_1938, %select_n3A_1943 : vector<16xf32>
      %get3A_1945 = arith.constant 3088 : index
      %get3A_1946 = tpu.vector_load %arg14[%get3A_1945] {strides = array<i32>} : memref<3136xi32, #tpu.memory_space<vmem>>, vector<16xi32>,
      %get3A_1947 = vector.shape_cast %get3A_1946 : vector<16xi32> to vector<16xi32>
      %eq3A_1948 = arith.cmpi eq, %get3A_1947, %broadcast_in_dim3A_785 : vector<16xi32>
      %select_n3A_1949 = arith.select %eq3A_1948, %broadcast_in_dim3A_789, %broadcast_in_dim3A_1 : vector<16xi1>, vector<16xf32>
      %add3A_1950 = arith.addf %add3A_1944, %select_n3A_1949 : vector<16xf32>
      %get3A_1951 = arith.constant 3104 : index
      %get3A_1952 = tpu.vector_load %arg14[%get3A_1951] {strides = array<i32>} : memref<3136xi32, #tpu.memory_space<vmem>>, vector<16xi32>,
      %get3A_1953 = vector.shape_cast %get3A_1952 : vector<16xi32> to vector<16xi32>
      %eq3A_1954 = arith.cmpi eq, %get3A_1953, %broadcast_in_dim3A_785 : vector<16xi32>
      %select_n3A_1955 = arith.select %eq3A_1954, %broadcast_in_dim3A_789, %broadcast_in_dim3A_1 : vector<16xi1>, vector<16xf32>
      %add3A_1956 = arith.addf %add3A_1950, %select_n3A_1955 : vector<16xf32>
      %get3A_1957 = arith.constant 3120 : index
      %get3A_1958 = tpu.vector_load %arg14[%get3A_1957] {strides = array<i32>} : memref<3136xi32, #tpu.memory_space<vmem>>, vector<16xi32>,
      %get3A_1959 = vector.shape_cast %get3A_1958 : vector<16xi32> to vector<16xi32>
      %eq3A_1960 = arith.cmpi eq, %get3A_1959, %broadcast_in_dim3A_785 : vector<16xi32>
      %select_n3A_1961 = arith.select %eq3A_1960, %broadcast_in_dim3A_789, %broadcast_in_dim3A_1 : vector<16xi1>, vector<16xf32>
      %add3A_1962 = arith.addf %add3A_1956, %select_n3A_1961 : vector<16xf32>
      %swap3A_1963 = arith.index_cast %scan3A_784 : i32 to index
      %swap3A_1964 = arith.constant 0 : index
      %swap3A_1965 = tpu.vector_load %arg15[%swap3A_1963, %swap3A_1964] {strides = array<i32>} : memref<64x16xf32, #tpu.memory_space<vmem>>, vector<1x16xf32>,
      %swap3A_1966 = vector.shape_cast %swap3A_1965 : vector<1x16xf32> to vector<16xf32>
      %swap3A_1967 = vector.shape_cast %add3A_1962 : vector<16xf32> to vector<1x16xf32>
      tpu.vector_store %arg15[%swap3A_1963, %swap3A_1964], %swap3A_1967 {strides = array<i32>} : memref<64x16xf32, #tpu.memory_space<vmem>>, vector<1x16xf32>,
    }
    %scan3A_743 = arith.constant 64 : i32
    "tpu.region"() ({
      %run_scoped3A_784 = tpu.sem_alloc : memref<!tpu.dma_semaphore, #tpu.memory_space<semaphore_mem>>
      %dma_start3A_785 = arith.constant 0 : i32
      %dma_start3A_786 = arith.constant 0 : i32
      %dma_start3A_787 = tpu.memref_slice %arg7[%add3A, %dma_start3A_785, %dma_start3A_786] : memref<32x64x16xf32, #tpu.memory_space<hbm>> -> memref<1x64x16xf32, #tpu.memory_space<hbm>>
      %dma_start3A_788 = tpu.memref_squeeze %dma_start3A_787 : memref<1x64x16xf32, #tpu.memory_space<hbm>> -> memref<64x16xf32, #tpu.memory_space<hbm>>
      %dma_start3A_789 = arith.constant 0 : i32
      %dma_start3A_790 = arith.constant 0 : i32
      %dma_start3A_791 = tpu.memref_slice %arg7[%add3A, %dma_start3A_789, %dma_start3A_790] : memref<32x64x16xf32, #tpu.memory_space<hbm>> -> memref<1x64x16xf32, #tpu.memory_space<hbm>>
      %dma_start3A_792 = tpu.memref_squeeze %dma_start3A_791 : memref<1x64x16xf32, #tpu.memory_space<hbm>> -> memref<64x16xf32, #tpu.memory_space<hbm>>
      tpu.enqueue_dma source(%arg15 : memref<64x16xf32, #tpu.memory_space<vmem>>) target(%dma_start3A_792 : memref<64x16xf32, #tpu.memory_space<hbm>>) target_semaphore(%run_scoped3A_784 : memref<!tpu.dma_semaphore, #tpu.memory_space<semaphore_mem>>)
      %dma_wait3A_793 = arith.constant 0 : i32
      %dma_wait3A_794 = arith.constant 0 : i32
      %dma_wait3A_795 = tpu.memref_slice %arg7[%add3A, %dma_wait3A_793, %dma_wait3A_794] : memref<32x64x16xf32, #tpu.memory_space<hbm>> -> memref<1x64x16xf32, #tpu.memory_space<hbm>>
      %dma_wait3A_796 = tpu.memref_squeeze %dma_wait3A_795 : memref<1x64x16xf32, #tpu.memory_space<hbm>> -> memref<64x16xf32, #tpu.memory_space<hbm>>
      %dma_wait3A_797 = arith.constant 0 : i32
      %dma_wait3A_798 = arith.constant 0 : i32
      %dma_wait3A_799 = tpu.memref_slice %arg7[%add3A, %dma_wait3A_797, %dma_wait3A_798] : memref<32x64x16xf32, #tpu.memory_space<hbm>> -> memref<1x64x16xf32, #tpu.memory_space<hbm>>
      %dma_wait3A_800 = tpu.memref_squeeze %dma_wait3A_799 : memref<1x64x16xf32, #tpu.memory_space<hbm>> -> memref<64x16xf32, #tpu.memory_space<hbm>>
      tpu.wait_dma2 semaphore(%run_scoped3A_784 : memref<!tpu.dma_semaphore, #tpu.memory_space<semaphore_mem>>) src(%arg15 : memref<64x16xf32, #tpu.memory_space<vmem>>) dst(%dma_wait3A_800 : memref<64x16xf32, #tpu.memory_space<hbm>>)
      tpu.yield
    }) : () -> ()
    %barrier3A = arith.constant 0 : index
    tpu.barrier barrier_id(%barrier3A)
    %mul3A_744 = arith.constant 3120 : i32
    %mul3A_745 = arith.muli %add3A, %mul3A_744 : i32
    %dma_start3A = arith.constant 0 : i32
    %dma_start3A_746 = arith.constant 0 : i32
    %dma_start3A_747 = arith.constant 0 : i32
    %dma_start3A_748 = tpu.memref_slice %arg8[%dma_start3A, %dma_start3A_746, %dma_start3A_747] : memref<2x120x128xf32, #tpu.memory_space<vmem>> -> memref<1x120x128xf32, #tpu.memory_space<vmem>>
    %dma_start3A_749 = tpu.memref_squeeze %dma_start3A_748 : memref<1x120x128xf32, #tpu.memory_space<vmem>> -> memref<120x128xf32, #tpu.memory_space<vmem>>
    %dma_start3A_750 = arith.constant 0 : i32
    %dma_start3A_751 = tpu.memref_slice %arg2[%mul3A_745, %dma_start3A_750] : memref<100000x128xf32, #tpu.memory_space<hbm>> -> memref<120x128xf32, #tpu.memory_space<hbm>>
    %dma_start3A_752 = arith.constant 0 : i32
    %dma_start3A_753 = arith.constant 0 : i32
    %dma_start3A_754 = tpu.memref_slice %arg8[%dma_start3A, %dma_start3A_752, %dma_start3A_753] : memref<2x120x128xf32, #tpu.memory_space<vmem>> -> memref<1x120x128xf32, #tpu.memory_space<vmem>>
    %dma_start3A_755 = tpu.memref_squeeze %dma_start3A_754 : memref<1x120x128xf32, #tpu.memory_space<vmem>> -> memref<120x128xf32, #tpu.memory_space<vmem>>
    %dma_start3A_756 = arith.constant 0 : i32
    %dma_start3A_757 = tpu.memref_slice %arg2[%mul3A_745, %dma_start3A_756] : memref<100000x128xf32, #tpu.memory_space<hbm>> -> memref<120x128xf32, #tpu.memory_space<hbm>>
    tpu.enqueue_dma source(%dma_start3A_757 : memref<120x128xf32, #tpu.memory_space<hbm>>) target(%dma_start3A_755 : memref<120x128xf32, #tpu.memory_space<vmem>>) target_semaphore(%arg10 : memref<!tpu.dma_semaphore, #tpu.memory_space<semaphore_mem>>)
    %scan3A_758 = arith.constant 0 : i32
    %scan3A_759 = arith.constant 0 : i32
    %scan3A_760 = arith.constant 26 : i32
    %scan3A_761 = arith.addi %scan3A_759, %scan3A_760 : i32
    %scan3A_762 = arith.constant 1 : i32
    scf.for %scan3A_784 = %scan3A_759 to %scan3A_761 step %scan3A_762  : i32 {
      %jit3A = arith.constant 2 : i32
      %eq3A = arith.constant 0 : i32
      %eq3A_785 = arith.cmpi eq, %jit3A, %eq3A : i32
      %jit3A_786 = arith.constant 1 : i32
      %select_n3A = arith.select %eq3A_785, %jit3A_786, %jit3A : i32
      %rem3A = arith.remsi %scan3A_784, %select_n3A : i32
      %ne3A = arith.constant 0 : i32
      %ne3A_787 = arith.cmpi ne, %rem3A, %ne3A : i32
      %lt3A_788 = arith.constant 0 : i32
      %lt3A_789 = arith.cmpi slt, %rem3A, %lt3A_788 : i32
      %lt3A_790 = arith.constant 0 : i32
      %lt3A_791 = arith.cmpi slt, %select_n3A, %lt3A_790 : i32
      %ne3A_792 = arith.xori %lt3A_789, %lt3A_791 : i1
      %and3A = arith.andi %ne3A_792, %ne3A_787 : i1
      %add3A_793 = arith.addi %rem3A, %select_n3A : i32
      %select_n3A_794 = arith.select %and3A, %add3A_793, %rem3A : i32
      %mul3A_795 = arith.constant 120 : i32
      %mul3A_796 = arith.muli %scan3A_784, %mul3A_795 : i32
      %add3A_797 = arith.addi %mul3A_745, %mul3A_796 : i32
      %dma_wait3A_798 = arith.constant 0 : i32
      %dma_wait3A_799 = arith.constant 0 : i32
      %dma_wait3A_800 = tpu.memref_slice %arg8[%select_n3A_794, %dma_wait3A_798, %dma_wait3A_799] : memref<2x120x128xf32, #tpu.memory_space<vmem>> -> memref<1x120x128xf32, #tpu.memory_space<vmem>>
      %dma_wait3A_801 = tpu.memref_squeeze %dma_wait3A_800 : memref<1x120x128xf32, #tpu.memory_space<vmem>> -> memref<120x128xf32, #tpu.memory_space<vmem>>
      %dma_wait3A_802 = arith.constant 0 : i32
      %dma_wait3A_803 = tpu.memref_slice %arg2[%add3A_797, %dma_wait3A_802] : memref<100000x128xf32, #tpu.memory_space<hbm>> -> memref<120x128xf32, #tpu.memory_space<hbm>>
      %dma_wait3A_804 = arith.constant 0 : i32
      %dma_wait3A_805 = arith.constant 0 : i32
      %dma_wait3A_806 = tpu.memref_slice %arg8[%select_n3A_794, %dma_wait3A_804, %dma_wait3A_805] : memref<2x120x128xf32, #tpu.memory_space<vmem>> -> memref<1x120x128xf32, #tpu.memory_space<vmem>>
      %dma_wait3A_807 = tpu.memref_squeeze %dma_wait3A_806 : memref<1x120x128xf32, #tpu.memory_space<vmem>> -> memref<120x128xf32, #tpu.memory_space<vmem>>
      %dma_wait3A_808 = arith.constant 0 : i32
      %dma_wait3A_809 = tpu.memref_slice %arg2[%add3A_797, %dma_wait3A_808] : memref<100000x128xf32, #tpu.memory_space<hbm>> -> memref<120x128xf32, #tpu.memory_space<hbm>>
      tpu.wait_dma2 semaphore(%arg10 : memref<!tpu.dma_semaphore, #tpu.memory_space<semaphore_mem>>) src(%dma_wait3A_809 : memref<120x128xf32, #tpu.memory_space<hbm>>) dst(%dma_wait3A_807 : memref<120x128xf32, #tpu.memory_space<vmem>>)
      %dma_start3A_810 = arith.constant 0 : i32
      %dma_start3A_811 = arith.constant 0 : i32
      %dma_start3A_812 = tpu.memref_slice %arg8[%select_n3A_794, %dma_start3A_810, %dma_start3A_811] : memref<2x120x128xf32, #tpu.memory_space<vmem>> -> memref<1x120x128xf32, #tpu.memory_space<vmem>>
      %dma_start3A_813 = tpu.memref_squeeze %dma_start3A_812 : memref<1x120x128xf32, #tpu.memory_space<vmem>> -> memref<120x128xf32, #tpu.memory_space<vmem>>
      %dma_start3A_814 = arith.constant 0 : i32
      %dma_start3A_815 = tpu.memref_slice %arg12[%scan3A_784, %dma_start3A_814] : memref<26x120xi32, #tpu.memory_space<vmem>> -> memref<1x120xi32, #tpu.memory_space<vmem>>
      %dma_start3A_816 = tpu.memref_squeeze %dma_start3A_815 : memref<1x120xi32, #tpu.memory_space<vmem>> -> memref<120xi32, #tpu.memory_space<vmem>>
      %dma_start3A_817 = arith.constant 0 : i32
      %dma_start3A_818 = arith.constant 0 : i32
      %dma_start3A_819 = tpu.memref_slice %arg16[%dma_start3A_817, %dma_start3A_818] : memref<64x128xf32, #tpu.memory_space<vmem_shared>> -> memref<64x128xf32, #tpu.memory_space<vmem_shared>>
      tpu.enqueue_indirect_dma source(%dma_start3A_813 : memref<120x128xf32, #tpu.memory_space<vmem>>) target(%dma_start3A_819 : memref<64x128xf32, #tpu.memory_space<vmem_shared>>) offsets(%dma_start3A_816 : memref<120xi32, #tpu.memory_space<vmem>>) semaphore(%arg11 : memref<!tpu.dma_semaphore, #tpu.memory_space<semaphore_mem>>) {add = true}
      %ge3A = arith.constant 1 : i32
      %ge3A_820 = arith.cmpi sge, %scan3A_784, %ge3A : i32
      %convert_element_type3A_821 = arith.extui %ge3A_820 : i1 to i32
      %cond3A_822 = arith.constant 0 : i32
      %cond3A_823 = arith.cmpi ne, %convert_element_type3A_821, %cond3A_822 : i32
      scf.if %cond3A_823 {
        %add3A_831 = arith.constant 1 : i32
        %add3A_832 = arith.addi %scan3A_784, %add3A_831 : i32
        %jit3A_833 = arith.constant 2 : i32
        %eq3A_834 = arith.constant 0 : i32
        %eq3A_835 = arith.cmpi eq, %jit3A_833, %eq3A_834 : i32
        %jit3A_836 = arith.constant 1 : i32
        %select_n3A_837 = arith.select %eq3A_835, %jit3A_836, %jit3A_833 : i32
        %rem3A_838 = arith.remsi %add3A_832, %select_n3A_837 : i32
        %ne3A_839 = arith.constant 0 : i32
        %ne3A_840 = arith.cmpi ne, %rem3A_838, %ne3A_839 : i32
        %lt3A_841 = arith.constant 0 : i32
        %lt3A_842 = arith.cmpi slt, %rem3A_838, %lt3A_841 : i32
        %lt3A_843 = arith.constant 0 : i32
        %lt3A_844 = arith.cmpi slt, %select_n3A_837, %lt3A_843 : i32
        %ne3A_845 = arith.xori %lt3A_842, %lt3A_844 : i1
        %and3A_846 = arith.andi %ne3A_845, %ne3A_840 : i1
        %add3A_847 = arith.addi %rem3A_838, %select_n3A_837 : i32
        %select_n3A_848 = arith.select %and3A_846, %add3A_847, %rem3A_838 : i32
        %sub3A = arith.constant 1 : i32
        %sub3A_849 = arith.subi %scan3A_784, %sub3A : i32
        %dma_wait3A_850 = arith.constant 0 : i32
        %dma_wait3A_851 = arith.constant 0 : i32
        %dma_wait3A_852 = tpu.memref_slice %arg8[%select_n3A_848, %dma_wait3A_850, %dma_wait3A_851] : memref<2x120x128xf32, #tpu.memory_space<vmem>> -> memref<1x120x128xf32, #tpu.memory_space<vmem>>
        %dma_wait3A_853 = tpu.memref_squeeze %dma_wait3A_852 : memref<1x120x128xf32, #tpu.memory_space<vmem>> -> memref<120x128xf32, #tpu.memory_space<vmem>>
        %dma_wait3A_854 = arith.constant 0 : i32
        %dma_wait3A_855 = tpu.memref_slice %arg12[%sub3A_849, %dma_wait3A_854] : memref<26x120xi32, #tpu.memory_space<vmem>> -> memref<1x120xi32, #tpu.memory_space<vmem>>
        %dma_wait3A_856 = tpu.memref_squeeze %dma_wait3A_855 : memref<1x120xi32, #tpu.memory_space<vmem>> -> memref<120xi32, #tpu.memory_space<vmem>>
        %dma_wait3A_857 = arith.constant 0 : i32
        %dma_wait3A_858 = arith.constant 0 : i32
        %dma_wait3A_859 = tpu.memref_slice %arg16[%dma_wait3A_857, %dma_wait3A_858] : memref<64x128xf32, #tpu.memory_space<vmem_shared>> -> memref<64x128xf32, #tpu.memory_space<vmem_shared>>
        tpu.wait_indirect_dma semaphore(%arg11 : memref<!tpu.dma_semaphore, #tpu.memory_space<semaphore_mem>>) src(%dma_wait3A_853 : memref<120x128xf32, #tpu.memory_space<vmem>>) dst(%dma_wait3A_859 : memref<64x128xf32, #tpu.memory_space<vmem_shared>>)
      } else {
      }
      %add3A_824 = arith.constant 1 : i32
      %add3A_825 = arith.addi %scan3A_784, %add3A_824 : i32
      %lt3A_826 = arith.constant 26 : i32
      %lt3A_827 = arith.cmpi slt, %add3A_825, %lt3A_826 : i32
      %convert_element_type3A_828 = arith.extui %lt3A_827 : i1 to i32
      %cond3A_829 = arith.constant 0 : i32
      %cond3A_830 = arith.cmpi ne, %convert_element_type3A_828, %cond3A_829 : i32
      scf.if %cond3A_830 {
        %add3A_831 = arith.constant 1 : i32
        %add3A_832 = arith.addi %scan3A_784, %add3A_831 : i32
        %mul3A_833 = arith.constant 120 : i32
        %mul3A_834 = arith.muli %add3A_832, %mul3A_833 : i32
        %add3A_835 = arith.addi %mul3A_745, %mul3A_834 : i32
        %add3A_836 = arith.constant 1 : i32
        %add3A_837 = arith.addi %scan3A_784, %add3A_836 : i32
        %jit3A_838 = arith.constant 2 : i32
        %eq3A_839 = arith.constant 0 : i32
        %eq3A_840 = arith.cmpi eq, %jit3A_838, %eq3A_839 : i32
        %jit3A_841 = arith.constant 1 : i32
        %select_n3A_842 = arith.select %eq3A_840, %jit3A_841, %jit3A_838 : i32
        %rem3A_843 = arith.remsi %add3A_837, %select_n3A_842 : i32
        %ne3A_844 = arith.constant 0 : i32
        %ne3A_845 = arith.cmpi ne, %rem3A_843, %ne3A_844 : i32
        %lt3A_846 = arith.constant 0 : i32
        %lt3A_847 = arith.cmpi slt, %rem3A_843, %lt3A_846 : i32
        %lt3A_848 = arith.constant 0 : i32
        %lt3A_849 = arith.cmpi slt, %select_n3A_842, %lt3A_848 : i32
        %ne3A_850 = arith.xori %lt3A_847, %lt3A_849 : i1
        %and3A_851 = arith.andi %ne3A_850, %ne3A_845 : i1
        %add3A_852 = arith.addi %rem3A_843, %select_n3A_842 : i32
        %select_n3A_853 = arith.select %and3A_851, %add3A_852, %rem3A_843 : i32
        %dma_start3A_854 = arith.constant 0 : i32
        %dma_start3A_855 = arith.constant 0 : i32
        %dma_start3A_856 = tpu.memref_slice %arg8[%select_n3A_853, %dma_start3A_854, %dma_start3A_855] : memref<2x120x128xf32, #tpu.memory_space<vmem>> -> memref<1x120x128xf32, #tpu.memory_space<vmem>>
        %dma_start3A_857 = tpu.memref_squeeze %dma_start3A_856 : memref<1x120x128xf32, #tpu.memory_space<vmem>> -> memref<120x128xf32, #tpu.memory_space<vmem>>
        %dma_start3A_858 = arith.constant 0 : i32
        %dma_start3A_859 = tpu.memref_slice %arg2[%add3A_835, %dma_start3A_858] : memref<100000x128xf32, #tpu.memory_space<hbm>> -> memref<120x128xf32, #tpu.memory_space<hbm>>
        %dma_start3A_860 = arith.constant 0 : i32
        %dma_start3A_861 = arith.constant 0 : i32
        %dma_start3A_862 = tpu.memref_slice %arg8[%select_n3A_853, %dma_start3A_860, %dma_start3A_861] : memref<2x120x128xf32, #tpu.memory_space<vmem>> -> memref<1x120x128xf32, #tpu.memory_space<vmem>>
        %dma_start3A_863 = tpu.memref_squeeze %dma_start3A_862 : memref<1x120x128xf32, #tpu.memory_space<vmem>> -> memref<120x128xf32, #tpu.memory_space<vmem>>
        %dma_start3A_864 = arith.constant 0 : i32
        %dma_start3A_865 = tpu.memref_slice %arg2[%add3A_835, %dma_start3A_864] : memref<100000x128xf32, #tpu.memory_space<hbm>> -> memref<120x128xf32, #tpu.memory_space<hbm>>
        tpu.enqueue_dma source(%dma_start3A_865 : memref<120x128xf32, #tpu.memory_space<hbm>>) target(%dma_start3A_863 : memref<120x128xf32, #tpu.memory_space<vmem>>) target_semaphore(%arg10 : memref<!tpu.dma_semaphore, #tpu.memory_space<semaphore_mem>>)
      } else {
      }
    }
    %scan3A_763 = arith.constant 26 : i32
    %dma_wait3A = arith.constant 1 : i32
    %dma_wait3A_764 = arith.constant 25 : i32
    %dma_wait3A_765 = arith.constant 0 : i32
    %dma_wait3A_766 = arith.constant 0 : i32
    %dma_wait3A_767 = tpu.memref_slice %arg8[%dma_wait3A, %dma_wait3A_765, %dma_wait3A_766] : memref<2x120x128xf32, #tpu.memory_space<vmem>> -> memref<1x120x128xf32, #tpu.memory_space<vmem>>
    %dma_wait3A_768 = tpu.memref_squeeze %dma_wait3A_767 : memref<1x120x128xf32, #tpu.memory_space<vmem>> -> memref<120x128xf32, #tpu.memory_space<vmem>>
    %dma_wait3A_769 = arith.constant 0 : i32
    %dma_wait3A_770 = tpu.memref_slice %arg12[%dma_wait3A_764, %dma_wait3A_769] : memref<26x120xi32, #tpu.memory_space<vmem>> -> memref<1x120xi32, #tpu.memory_space<vmem>>
    %dma_wait3A_771 = tpu.memref_squeeze %dma_wait3A_770 : memref<1x120xi32, #tpu.memory_space<vmem>> -> memref<120xi32, #tpu.memory_space<vmem>>
    %dma_wait3A_772 = arith.constant 0 : i32
    %dma_wait3A_773 = arith.constant 0 : i32
    %dma_wait3A_774 = tpu.memref_slice %arg16[%dma_wait3A_772, %dma_wait3A_773] : memref<64x128xf32, #tpu.memory_space<vmem_shared>> -> memref<64x128xf32, #tpu.memory_space<vmem_shared>>
    tpu.wait_indirect_dma semaphore(%arg11 : memref<!tpu.dma_semaphore, #tpu.memory_space<semaphore_mem>>) src(%dma_wait3A_768 : memref<120x128xf32, #tpu.memory_space<vmem>>) dst(%dma_wait3A_774 : memref<64x128xf32, #tpu.memory_space<vmem_shared>>)
    %lt3A = arith.constant 5 : i32
    %lt3A_775 = arith.cmpi slt, %add3A, %lt3A : i32
    %convert_element_type3A = arith.extui %lt3A_775 : i1 to i32
    %cond3A = arith.constant 0 : i32
    %cond3A_776 = arith.cmpi ne, %convert_element_type3A, %cond3A : i32
    scf.if %cond3A_776 {
      "tpu.region"() ({
        %run_scoped3A_789 = tpu.sem_alloc : memref<!tpu.dma_semaphore, #tpu.memory_space<semaphore_mem>>
        %dma_start3A_790 = arith.constant 0 : i32
        %dma_start3A_791 = arith.constant 0 : i32
        %dma_start3A_792 = tpu.memref_slice %arg4[%add3A, %dma_start3A_790, %dma_start3A_791] : memref<5x1x32xi32, #tpu.memory_space<hbm>> -> memref<1x1x32xi32, #tpu.memory_space<hbm>>
        %dma_start3A_793 = tpu.memref_squeeze %dma_start3A_792 : memref<1x1x32xi32, #tpu.memory_space<hbm>> -> memref<1x32xi32, #tpu.memory_space<hbm>>
        %dma_start3A_794 = arith.constant 0 : i32
        %dma_start3A_795 = arith.constant 0 : i32
        %dma_start3A_796 = tpu.memref_slice %arg4[%add3A, %dma_start3A_794, %dma_start3A_795] : memref<5x1x32xi32, #tpu.memory_space<hbm>> -> memref<1x1x32xi32, #tpu.memory_space<hbm>>
        %dma_start3A_797 = tpu.memref_squeeze %dma_start3A_796 : memref<1x1x32xi32, #tpu.memory_space<hbm>> -> memref<1x32xi32, #tpu.memory_space<hbm>>
        tpu.enqueue_dma source(%dma_start3A_797 : memref<1x32xi32, #tpu.memory_space<hbm>>) target(%arg13 : memref<1x32xi32, #tpu.memory_space<vmem>>) target_semaphore(%run_scoped3A_789 : memref<!tpu.dma_semaphore, #tpu.memory_space<semaphore_mem>>)
        %dma_wait3A_798 = arith.constant 0 : i32
        %dma_wait3A_799 = arith.constant 0 : i32
        %dma_wait3A_800 = tpu.memref_slice %arg4[%add3A, %dma_wait3A_798, %dma_wait3A_799] : memref<5x1x32xi32, #tpu.memory_space<hbm>> -> memref<1x1x32xi32, #tpu.memory_space<hbm>>
        %dma_wait3A_801 = tpu.memref_squeeze %dma_wait3A_800 : memref<1x1x32xi32, #tpu.memory_space<hbm>> -> memref<1x32xi32, #tpu.memory_space<hbm>>
        %dma_wait3A_802 = arith.constant 0 : i32
        %dma_wait3A_803 = arith.constant 0 : i32
        %dma_wait3A_804 = tpu.memref_slice %arg4[%add3A, %dma_wait3A_802, %dma_wait3A_803] : memref<5x1x32xi32, #tpu.memory_space<hbm>> -> memref<1x1x32xi32, #tpu.memory_space<hbm>>
        %dma_wait3A_805 = tpu.memref_squeeze %dma_wait3A_804 : memref<1x1x32xi32, #tpu.memory_space<hbm>> -> memref<1x32xi32, #tpu.memory_space<hbm>>
        tpu.wait_dma2 semaphore(%run_scoped3A_789 : memref<!tpu.dma_semaphore, #tpu.memory_space<semaphore_mem>>) src(%dma_wait3A_805 : memref<1x32xi32, #tpu.memory_space<hbm>>) dst(%arg13 : memref<1x32xi32, #tpu.memory_space<vmem>>)
        tpu.yield
      }) : () -> ()
      %mul3A_784 = arith.constant 32 : i32
      %mul3A_785 = arith.muli %add3A, %mul3A_784 : i32
      %add3A_786 = arith.constant 99840 : i32
      %add3A_787 = arith.addi %add3A_786, %mul3A_785 : i32
      "tpu.region"() ({
        %run_scoped3A_789 = tpu.sem_alloc : memref<!tpu.dma_semaphore, #tpu.memory_space<semaphore_mem>>
        %dma_start3A_790 = arith.constant 0 : i32
        %dma_start3A_791 = tpu.memref_slice %arg2[%add3A_787, %dma_start3A_790] : memref<100000x128xf32, #tpu.memory_space<hbm>> -> memref<32x128xf32, #tpu.memory_space<hbm>>
        %dma_start3A_792 = arith.constant 0 : i32
        %dma_start3A_793 = tpu.memref_slice %arg2[%add3A_787, %dma_start3A_792] : memref<100000x128xf32, #tpu.memory_space<hbm>> -> memref<32x128xf32, #tpu.memory_space<hbm>>
        tpu.enqueue_dma source(%dma_start3A_793 : memref<32x128xf32, #tpu.memory_space<hbm>>) target(%arg9 : memref<32x128xf32, #tpu.memory_space<vmem>>) target_semaphore(%run_scoped3A_789 : memref<!tpu.dma_semaphore, #tpu.memory_space<semaphore_mem>>)
        %dma_wait3A_794 = arith.constant 0 : i32
        %dma_wait3A_795 = tpu.memref_slice %arg2[%add3A_787, %dma_wait3A_794] : memref<100000x128xf32, #tpu.memory_space<hbm>> -> memref<32x128xf32, #tpu.memory_space<hbm>>
        %dma_wait3A_796 = arith.constant 0 : i32
        %dma_wait3A_797 = tpu.memref_slice %arg2[%add3A_787, %dma_wait3A_796] : memref<100000x128xf32, #tpu.memory_space<hbm>> -> memref<32x128xf32, #tpu.memory_space<hbm>>
        tpu.wait_dma2 semaphore(%run_scoped3A_789 : memref<!tpu.dma_semaphore, #tpu.memory_space<semaphore_mem>>) src(%dma_wait3A_797 : memref<32x128xf32, #tpu.memory_space<hbm>>) dst(%arg9 : memref<32x128xf32, #tpu.memory_space<vmem>>)
        tpu.yield
      }) : () -> ()
      %run_scoped3A_788 = arith.constant 0 : i32
      "tpu.region"() ({
        %run_scoped3A_789 = tpu.sem_alloc : memref<!tpu.dma_semaphore, #tpu.memory_space<semaphore_mem>>
        %dma_start3A_790 = arith.constant 0 : i32
        %dma_start3A_791 = tpu.memref_slice %arg13[%run_scoped3A_788, %dma_start3A_790] : memref<1x32xi32, #tpu.memory_space<vmem>> -> memref<1x32xi32, #tpu.memory_space<vmem>>
        %dma_start3A_792 = tpu.memref_squeeze %dma_start3A_791 : memref<1x32xi32, #tpu.memory_space<vmem>> -> memref<32xi32, #tpu.memory_space<vmem>>
        %dma_start3A_793 = arith.constant 0 : i32
        %dma_start3A_794 = arith.constant 0 : i32
        %dma_start3A_795 = tpu.memref_slice %arg16[%dma_start3A_793, %dma_start3A_794] : memref<64x128xf32, #tpu.memory_space<vmem_shared>> -> memref<64x128xf32, #tpu.memory_space<vmem_shared>>
        tpu.enqueue_indirect_dma source(%arg9 : memref<32x128xf32, #tpu.memory_space<vmem>>) target(%dma_start3A_795 : memref<64x128xf32, #tpu.memory_space<vmem_shared>>) offsets(%dma_start3A_792 : memref<32xi32, #tpu.memory_space<vmem>>) semaphore(%run_scoped3A_789 : memref<!tpu.dma_semaphore, #tpu.memory_space<semaphore_mem>>) {add = true}
        %dma_wait3A_796 = arith.constant 0 : i32
        %dma_wait3A_797 = tpu.memref_slice %arg13[%run_scoped3A_788, %dma_wait3A_796] : memref<1x32xi32, #tpu.memory_space<vmem>> -> memref<1x32xi32, #tpu.memory_space<vmem>>
        %dma_wait3A_798 = tpu.memref_squeeze %dma_wait3A_797 : memref<1x32xi32, #tpu.memory_space<vmem>> -> memref<32xi32, #tpu.memory_space<vmem>>
        %dma_wait3A_799 = arith.constant 0 : i32
        %dma_wait3A_800 = arith.constant 0 : i32
        %dma_wait3A_801 = tpu.memref_slice %arg16[%dma_wait3A_799, %dma_wait3A_800] : memref<64x128xf32, #tpu.memory_space<vmem_shared>> -> memref<64x128xf32, #tpu.memory_space<vmem_shared>>
        tpu.wait_indirect_dma semaphore(%run_scoped3A_789 : memref<!tpu.dma_semaphore, #tpu.memory_space<semaphore_mem>>) src(%arg9 : memref<32x128xf32, #tpu.memory_space<vmem>>) dst(%dma_wait3A_801 : memref<64x128xf32, #tpu.memory_space<vmem_shared>>)
        tpu.yield
      }) : () -> ()
    } else {
    }
    %barrier3A_777 = arith.constant 0 : index
    tpu.barrier barrier_id(%barrier3A_777)
    %mul3A_778 = arith.constant 4 : i32
    %mul3A_779 = arith.muli %arg1, %mul3A_778 : i32
    %run_scoped3A_780 = arith.constant 0 : i32
    "tpu.region"() ({
      %run_scoped3A_784 = tpu.sem_alloc : memref<!tpu.dma_semaphore, #tpu.memory_space<semaphore_mem>>
      %dma_start3A_785 = arith.constant 0 : i32
      %dma_start3A_786 = arith.constant 0 : i32
      %dma_start3A_787 = tpu.memref_slice %arg8[%run_scoped3A_780, %dma_start3A_785, %dma_start3A_786] : memref<2x120x128xf32, #tpu.memory_space<vmem>> -> memref<1x120x128xf32, #tpu.memory_space<vmem>>
      %dma_start3A_788 = tpu.memref_squeeze %dma_start3A_787 : memref<1x120x128xf32, #tpu.memory_space<vmem>> -> memref<120x128xf32, #tpu.memory_space<vmem>>
      %dma_start3A_789 = arith.constant 0 : i32
      %dma_start3A_790 = arith.constant 0 : i32
      %dma_start3A_791 = tpu.memref_slice %dma_start3A_788[%dma_start3A_789, %dma_start3A_790] : memref<120x128xf32, #tpu.memory_space<vmem>> -> memref<4x128xf32, #tpu.memory_space<vmem>>
      %dma_start3A_792 = arith.constant 0 : i32
      %dma_start3A_793 = tpu.memref_slice %arg16[%mul3A_779, %dma_start3A_792] : memref<64x128xf32, #tpu.memory_space<vmem_shared>> -> memref<4x128xf32, #tpu.memory_space<vmem_shared>>
      %dma_start3A_794 = arith.constant 0 : i32
      %dma_start3A_795 = arith.constant 0 : i32
      %dma_start3A_796 = tpu.memref_slice %arg8[%run_scoped3A_780, %dma_start3A_794, %dma_start3A_795] : memref<2x120x128xf32, #tpu.memory_space<vmem>> -> memref<1x120x128xf32, #tpu.memory_space<vmem>>
      %dma_start3A_797 = tpu.memref_squeeze %dma_start3A_796 : memref<1x120x128xf32, #tpu.memory_space<vmem>> -> memref<120x128xf32, #tpu.memory_space<vmem>>
      %dma_start3A_798 = arith.constant 0 : i32
      %dma_start3A_799 = arith.constant 0 : i32
      %dma_start3A_800 = tpu.memref_slice %dma_start3A_797[%dma_start3A_798, %dma_start3A_799] : memref<120x128xf32, #tpu.memory_space<vmem>> -> memref<4x128xf32, #tpu.memory_space<vmem>>
      %dma_start3A_801 = arith.constant 0 : i32
      %dma_start3A_802 = tpu.memref_slice %arg16[%mul3A_779, %dma_start3A_801] : memref<64x128xf32, #tpu.memory_space<vmem_shared>> -> memref<4x128xf32, #tpu.memory_space<vmem_shared>>
      tpu.enqueue_dma source(%dma_start3A_802 : memref<4x128xf32, #tpu.memory_space<vmem_shared>>) target(%dma_start3A_800 : memref<4x128xf32, #tpu.memory_space<vmem>>) target_semaphore(%run_scoped3A_784 : memref<!tpu.dma_semaphore, #tpu.memory_space<semaphore_mem>>)
      %dma_wait3A_803 = arith.constant 0 : i32
      %dma_wait3A_804 = arith.constant 0 : i32
      %dma_wait3A_805 = tpu.memref_slice %arg8[%run_scoped3A_780, %dma_wait3A_803, %dma_wait3A_804] : memref<2x120x128xf32, #tpu.memory_space<vmem>> -> memref<1x120x128xf32, #tpu.memory_space<vmem>>
      %dma_wait3A_806 = tpu.memref_squeeze %dma_wait3A_805 : memref<1x120x128xf32, #tpu.memory_space<vmem>> -> memref<120x128xf32, #tpu.memory_space<vmem>>
      %dma_wait3A_807 = arith.constant 0 : i32
      %dma_wait3A_808 = arith.constant 0 : i32
      %dma_wait3A_809 = tpu.memref_slice %dma_wait3A_806[%dma_wait3A_807, %dma_wait3A_808] : memref<120x128xf32, #tpu.memory_space<vmem>> -> memref<4x128xf32, #tpu.memory_space<vmem>>
      %dma_wait3A_810 = arith.constant 0 : i32
      %dma_wait3A_811 = tpu.memref_slice %arg16[%mul3A_779, %dma_wait3A_810] : memref<64x128xf32, #tpu.memory_space<vmem_shared>> -> memref<4x128xf32, #tpu.memory_space<vmem_shared>>
      %dma_wait3A_812 = arith.constant 0 : i32
      %dma_wait3A_813 = arith.constant 0 : i32
      %dma_wait3A_814 = tpu.memref_slice %arg8[%run_scoped3A_780, %dma_wait3A_812, %dma_wait3A_813] : memref<2x120x128xf32, #tpu.memory_space<vmem>> -> memref<1x120x128xf32, #tpu.memory_space<vmem>>
      %dma_wait3A_815 = tpu.memref_squeeze %dma_wait3A_814 : memref<1x120x128xf32, #tpu.memory_space<vmem>> -> memref<120x128xf32, #tpu.memory_space<vmem>>
      %dma_wait3A_816 = arith.constant 0 : i32
      %dma_wait3A_817 = arith.constant 0 : i32
      %dma_wait3A_818 = tpu.memref_slice %dma_wait3A_815[%dma_wait3A_816, %dma_wait3A_817] : memref<120x128xf32, #tpu.memory_space<vmem>> -> memref<4x128xf32, #tpu.memory_space<vmem>>
      %dma_wait3A_819 = arith.constant 0 : i32
      %dma_wait3A_820 = tpu.memref_slice %arg16[%mul3A_779, %dma_wait3A_819] : memref<64x128xf32, #tpu.memory_space<vmem_shared>> -> memref<4x128xf32, #tpu.memory_space<vmem_shared>>
      tpu.wait_dma2 semaphore(%run_scoped3A_784 : memref<!tpu.dma_semaphore, #tpu.memory_space<semaphore_mem>>) src(%dma_wait3A_820 : memref<4x128xf32, #tpu.memory_space<vmem_shared>>) dst(%dma_wait3A_818 : memref<4x128xf32, #tpu.memory_space<vmem>>)
      tpu.yield
    }) : () -> ()
    %mul3A_781 = arith.constant 4 : i32
    %mul3A_782 = arith.muli %arg1, %mul3A_781 : i32
    %run_scoped3A_783 = arith.constant 0 : i32
    "tpu.region"() ({
      %run_scoped3A_784 = tpu.sem_alloc : memref<!tpu.dma_semaphore, #tpu.memory_space<semaphore_mem>>
      %dma_start3A_785 = arith.constant 0 : i32
      %dma_start3A_786 = arith.constant 0 : i32
      %dma_start3A_787 = tpu.memref_slice %arg8[%run_scoped3A_783, %dma_start3A_785, %dma_start3A_786] : memref<2x120x128xf32, #tpu.memory_space<vmem>> -> memref<1x120x128xf32, #tpu.memory_space<vmem>>
      %dma_start3A_788 = tpu.memref_squeeze %dma_start3A_787 : memref<1x120x128xf32, #tpu.memory_space<vmem>> -> memref<120x128xf32, #tpu.memory_space<vmem>>
      %dma_start3A_789 = arith.constant 0 : i32
      %dma_start3A_790 = arith.constant 0 : i32
      %dma_start3A_791 = tpu.memref_slice %dma_start3A_788[%dma_start3A_789, %dma_start3A_790] : memref<120x128xf32, #tpu.memory_space<vmem>> -> memref<4x128xf32, #tpu.memory_space<vmem>>
      %dma_start3A_792 = arith.constant 0 : i32
      %dma_start3A_793 = tpu.memref_slice %arg6[%arg0, %mul3A_782, %dma_start3A_792] : memref<2x64x128xf32, #tpu.memory_space<hbm>> -> memref<1x4x128xf32, #tpu.memory_space<hbm>>
      %dma_start3A_794 = tpu.memref_squeeze %dma_start3A_793 : memref<1x4x128xf32, #tpu.memory_space<hbm>> -> memref<4x128xf32, #tpu.memory_space<hbm>>
      %dma_start3A_795 = arith.constant 0 : i32
      %dma_start3A_796 = tpu.memref_slice %arg6[%arg0, %mul3A_782, %dma_start3A_795] : memref<2x64x128xf32, #tpu.memory_space<hbm>> -> memref<1x4x128xf32, #tpu.memory_space<hbm>>
      %dma_start3A_797 = tpu.memref_squeeze %dma_start3A_796 : memref<1x4x128xf32, #tpu.memory_space<hbm>> -> memref<4x128xf32, #tpu.memory_space<hbm>>
      %dma_start3A_798 = arith.constant 0 : i32
      %dma_start3A_799 = arith.constant 0 : i32
      %dma_start3A_800 = tpu.memref_slice %arg8[%run_scoped3A_783, %dma_start3A_798, %dma_start3A_799] : memref<2x120x128xf32, #tpu.memory_space<vmem>> -> memref<1x120x128xf32, #tpu.memory_space<vmem>>
      %dma_start3A_801 = tpu.memref_squeeze %dma_start3A_800 : memref<1x120x128xf32, #tpu.memory_space<vmem>> -> memref<120x128xf32, #tpu.memory_space<vmem>>
      %dma_start3A_802 = arith.constant 0 : i32
      %dma_start3A_803 = arith.constant 0 : i32
      %dma_start3A_804 = tpu.memref_slice %dma_start3A_801[%dma_start3A_802, %dma_start3A_803] : memref<120x128xf32, #tpu.memory_space<vmem>> -> memref<4x128xf32, #tpu.memory_space<vmem>>
      tpu.enqueue_dma source(%dma_start3A_804 : memref<4x128xf32, #tpu.memory_space<vmem>>) target(%dma_start3A_797 : memref<4x128xf32, #tpu.memory_space<hbm>>) target_semaphore(%run_scoped3A_784 : memref<!tpu.dma_semaphore, #tpu.memory_space<semaphore_mem>>)
      %dma_wait3A_805 = arith.constant 0 : i32
      %dma_wait3A_806 = arith.constant 0 : i32
      %dma_wait3A_807 = tpu.memref_slice %arg8[%run_scoped3A_783, %dma_wait3A_805, %dma_wait3A_806] : memref<2x120x128xf32, #tpu.memory_space<vmem>> -> memref<1x120x128xf32, #tpu.memory_space<vmem>>
      %dma_wait3A_808 = tpu.memref_squeeze %dma_wait3A_807 : memref<1x120x128xf32, #tpu.memory_space<vmem>> -> memref<120x128xf32, #tpu.memory_space<vmem>>
      %dma_wait3A_809 = arith.constant 0 : i32
      %dma_wait3A_810 = arith.constant 0 : i32
      %dma_wait3A_811 = tpu.memref_slice %dma_wait3A_808[%dma_wait3A_809, %dma_wait3A_810] : memref<120x128xf32, #tpu.memory_space<vmem>> -> memref<4x128xf32, #tpu.memory_space<vmem>>
      %dma_wait3A_812 = arith.constant 0 : i32
      %dma_wait3A_813 = tpu.memref_slice %arg6[%arg0, %mul3A_782, %dma_wait3A_812] : memref<2x64x128xf32, #tpu.memory_space<hbm>> -> memref<1x4x128xf32, #tpu.memory_space<hbm>>
      %dma_wait3A_814 = tpu.memref_squeeze %dma_wait3A_813 : memref<1x4x128xf32, #tpu.memory_space<hbm>> -> memref<4x128xf32, #tpu.memory_space<hbm>>
      %dma_wait3A_815 = arith.constant 0 : i32
      %dma_wait3A_816 = tpu.memref_slice %arg6[%arg0, %mul3A_782, %dma_wait3A_815] : memref<2x64x128xf32, #tpu.memory_space<hbm>> -> memref<1x4x128xf32, #tpu.memory_space<hbm>>
      %dma_wait3A_817 = tpu.memref_squeeze %dma_wait3A_816 : memref<1x4x128xf32, #tpu.memory_space<hbm>> -> memref<4x128xf32, #tpu.memory_space<hbm>>
      %dma_wait3A_818 = arith.constant 0 : i32
      %dma_wait3A_819 = arith.constant 0 : i32
      %dma_wait3A_820 = tpu.memref_slice %arg8[%run_scoped3A_783, %dma_wait3A_818, %dma_wait3A_819] : memref<2x120x128xf32, #tpu.memory_space<vmem>> -> memref<1x120x128xf32, #tpu.memory_space<vmem>>
      %dma_wait3A_821 = tpu.memref_squeeze %dma_wait3A_820 : memref<1x120x128xf32, #tpu.memory_space<vmem>> -> memref<120x128xf32, #tpu.memory_space<vmem>>
      %dma_wait3A_822 = arith.constant 0 : i32
      %dma_wait3A_823 = arith.constant 0 : i32
      %dma_wait3A_824 = tpu.memref_slice %dma_wait3A_821[%dma_wait3A_822, %dma_wait3A_823] : memref<120x128xf32, #tpu.memory_space<vmem>> -> memref<4x128xf32, #tpu.memory_space<vmem>>
      tpu.wait_dma2 semaphore(%run_scoped3A_784 : memref<!tpu.dma_semaphore, #tpu.memory_space<semaphore_mem>>) src(%dma_wait3A_824 : memref<4x128xf32, #tpu.memory_space<vmem>>) dst(%dma_wait3A_817 : memref<4x128xf32, #tpu.memory_space<hbm>>)
      tpu.yield
    }) : () -> ()
    return
  }
}

module attributes {stable_mosaic.version = 14 : i64} {
  func.func @_combine_tc(%arg0: memref<2x64x128xf32, #tpu.memory_space<vmem>>, %arg1: memref<32x64x16xf32, #tpu.memory_space<vmem>>, %arg2: memref<64x128xf32, #tpu.memory_space<vmem>>) attributes {dimension_semantics = [], scalar_prefetch = 0 : i64, scratch_operands = 0 : i64, tpu.core_type = #tpu.core_type<tc>} {
    %get3A = arith.constant 0 : index
    %get3A_0 = arith.constant 0 : index
    %get3A_1 = arith.constant 0 : index
    %get3A_2 = vector.load %arg0[%get3A, %get3A_0, %get3A_1] : memref<2x64x128xf32, #tpu.memory_space<vmem>>, vector<1x64x128xf32>
    %get3A_3 = vector.shape_cast %get3A_2 : vector<1x64x128xf32> to vector<64x128xf32>
    %get3A_4 = arith.constant 1 : index
    %get3A_5 = arith.constant 0 : index
    %get3A_6 = arith.constant 0 : index
    %get3A_7 = vector.load %arg0[%get3A_4, %get3A_5, %get3A_6] : memref<2x64x128xf32, #tpu.memory_space<vmem>>, vector<1x64x128xf32>
    %get3A_8 = vector.shape_cast %get3A_7 : vector<1x64x128xf32> to vector<64x128xf32>
    %add3A = arith.addf %get3A_3, %get3A_8 : vector<64x128xf32>
    %get3A_9 = arith.constant 0 : index
    %get3A_10 = arith.constant 0 : index
    %get3A_11 = arith.constant 0 : index
    %get3A_12 = vector.load %arg1[%get3A_9, %get3A_10, %get3A_11] : memref<32x64x16xf32, #tpu.memory_space<vmem>>, vector<32x64x16xf32>
    %reduce_sum3A = arith.constant dense<0.000000e+00> : vector<64xf32>
    %reduce_sum3A_13 = vector.multi_reduction <add>, %get3A_12, %reduce_sum3A [0, 2] : vector<32x64x16xf32> to vector<64xf32>
    %broadcast_in_dim3A = vector.shape_cast %reduce_sum3A_13 : vector<64xf32> to vector<64x1xf32>
    %div3A = vector.broadcast %broadcast_in_dim3A : vector<64x1xf32> to vector<64x128xf32>
    %div3A_14 = arith.divf %add3A, %div3A : vector<64x128xf32>
    %swap3A = arith.constant 0 : index
    %swap3A_15 = arith.constant 0 : index
    %swap3A_16 = vector.load %arg2[%swap3A, %swap3A_15] : memref<64x128xf32, #tpu.memory_space<vmem>>, vector<64x128xf32>
    tpu.vector_store %arg2[%swap3A, %swap3A_15], %div3A_14 {strides = array<i32>} : memref<64x128xf32, #tpu.memory_space<vmem>>, vector<64x128xf32>,
    return
  }
}

</mosaic_0001>

<sc_bundles>
// kernel: kernel.4.cloned.1.call-start
scs
__scs_entry_jumppad:
0x0: {  	(pc) =	sbr.rel $0x88, $3  }
0x1: {  	(tag) =	ssettag $0x0;
	lr =	simm.s32 $0x1  }
0x2: {  	[smem:$0x3F9F] =	sst lr;
	_ =	strace $0xD0000000  }
0x3: {  	_ = 	snop  }
0x4: {  	_ = 	snop  }
0x5: {  	_ = 	snop  }
0x6: {  	_ = 	snop  }
0x7: {  	_ = 	snop  }
__scs_overlays_trampoline_lowered:
0x8: {  	[smem:$0x3FAE] =	sst s0  }
0x9: {  	[smem:$0x3FAF] =	sst s1  }
0xa: {  	[smem:$0x3FB0] =	sst s2  }
0xb: {  	[smem:$0x3FB1] =	sst s3  }
0xc: {  	[smem:$0x3FB2] =	sst s4  }
0xd: {  	[smem:$0x3FB3] =	sst s5  }
0xe: {  	[smem:$0x3FB4] =	sst s6  }
0xf: {  	[smem:$0x3FB5] =	sst s7  }
0x10: {  	[smem:$0x3FB6] =	sst s8  }
0x11: {  	[smem:$0x3FB7] =	sst s9;
	s0 =	simm.s32 @!p0 $0x0  }
0x12: {  	s1 =	sld [smem:$0x3F9D];
	s0 =	simm.s32 @p0 $0x1  }
0x13: {  	[smem:$0x3FB8] =	sst s0;
	s0 =	simm.s32 @!p1 $0x0  }
0x14: {  	s2 =	sld [smem:$0x3F9C];
	s0 =	simm.s32 @p1 $0x1  }
0x15: {  	[smem:$0x3FB9] =	sst s0;
	s0 =	simm.s32 @!p2 $0x0  }
0x16: {  	s3 =	sld [smem:$0x3FDB];
	s0 =	simm.s32 @p2 $0x1  }
0x17: {  	s4 =	simm.s32 $0x1BF5;
	[smem:$0x3FBB] =	sst s0  }
0x18: {  	s0 =	sld [smem:$0x3F9E];
	_ =	swait.ge [sflag:s4], $0x0  }
0x19: {  	s7 =	sld [smem:$0x3F9F]  }
0x1a: {  	s8 =	sadd.s32 $0xFFFFE003, lr  }
0x1b: {  	s9 =	sadd.s32 $0xFFFFFEF7, lr;
	s5 =	simm.s32 $0xFFFFFFFF;
	p2 =	slt.u32 s8, $0xFFFFF086  }
0x1c: {  	p1 =	slt.u32 s9, $0xF7A;
	s5 =	simm.s32 @!p2 $0x0  }
0x1d: {  	s5 =	simm.s32 @p1 $0x1;
	p0 =	seq.s32 s7, s2  }
0x1e: {  	s7 =	smul.u32 @!p0 $0xF7A, s2;
	p2 =	seq.s32 @!p0 s5, $0x0  }
0x1f: {  	s9 =	smul.u32 $0xF7A, s1;
	s8 =	simm.s32 @!p0 $0x1BF5;
	p2 =	por !p2, p0  }
0x20: {  	[sflag:s8] =	ssyncset.s32 @!p0 $0xFFFFF086;
	s6 =	sadd.s32 @!p0 s3, s7;
	s7 =	simm.s32 @!p0 $0x108  }
0x21: {  	s3 =	sadd.s32 s3, s9;
	s6 =	sadd.s32 @!p0 $0x88, s6;
	s7 =	simm.s32 @p2 $0x1082  }
0x22: {  	[simem:s7], [sflag:s8] =	dma.local @!p0 [hbm:s6], $0xF7A  }
0x23: {  	s9 =	sor.u32 $0xD0000000, s2;
	s6 =	simm.s32 $0x108;
	_ =	swait.ge @!p0 [sflag:s8], $0x0  }
0x24: {  	s3 =	sadd.s32 $0x88, s3;
	s6 =	simm.s32 @!p1 $0x1082;
	[sflag:s4] =	ssyncset.s32 $0xFFFFF086  }
0x25: {  	[simem:s6], [sflag:s4] =	dma.local [hbm:s3], $0xF7A  }
0x26: {  	[smem:$0x3F9F] =	sst s1;
	(tag) =	ssettag s2;
	_ =	strace s9  }
0x27: {  	s1 =	sld [smem:$0x3FAF]  }
0x28: {  	s2 =	sld [smem:$0x3FB0]  }
0x29: {  	s4 =	sld [smem:$0x3FB2]  }
0x2a: {  	p0 =	seq.s32 s5, $0x0;
	s5 =	sld [smem:$0x3FB3]  }
0x2b: {  	s6 =	sld [smem:$0x3FB4]  }
0x2c: {  	s7 =	sld [smem:$0x3FB5]  }
0x2d: {  	s3 =	simm.s32 $0x108;
	s8 =	sld [smem:$0x3FB6]  }
0x2e: {  	s3 =	simm.s32 @!p0 $0x1082;
	s9 =	sld [smem:$0x3FB7]  }
0x2f: {  	lr =	sadd.s32 s0, s3;
	s0 =	sld [smem:$0x3FAE]  }
0x30: {  	s3 =	sld [smem:$0x3FB1]  }
0x31: {  	[smem:$0x3FBA] =	sst s10  }
0x32: {  	s10 =	sld [smem:$0x3FB8];
	_ =	sdelay $0x3  }
0x33: {  	p0 =	seq.s32 s10, $0x1;
	s10 =	sld [smem:$0x3FBA];
	_ =	sdelay $0x3  }
0x34: {  	[smem:$0x3FBA] =	sst s10  }
0x35: {  	s10 =	sld [smem:$0x3FB9];
	_ =	sdelay $0x3  }
0x36: {  	p1 =	seq.s32 s10, $0x1;
	s10 =	sld [smem:$0x3FBA];
	_ =	sdelay $0x3  }
0x37: {  	[smem:$0x3FBA] =	sst s10  }
0x38: {  	s10 =	sld [smem:$0x3FBB]  }
0x39: {  	_ = 	snop;
	(pc) =	sbr.ind lr, $3  }
0x3a: {  	_ = 	snop  }
0x3b: {  	_ = 	snop  }
0x3c: {  	p2 =	seq.s32 s10, $0x1;
	s10 =	sld [smem:$0x3FBA]  }
0x3d: {  	_ =	shalt  }
0x3e: {  	_ =	shalt  }
0x3f: {  	_ =	shalt  }
0x40: {  	_ =	shalt  }
0x41: {  	_ =	shalt  }
0x42: {  	_ =	shalt  }
0x43: {  	_ =	shalt  }
0x44: {  	_ =	shalt  }
0x45: {  	_ =	shalt  }
0x46: {  	_ =	shalt  }
0x47: {  	_ =	shalt  }
0x48: {  	_ =	shalt  }
0x49: {  	_ =	shalt  }
0x4a: {  	_ =	shalt  }
0x4b: {  	_ =	shalt  }
0x4c: {  	_ =	shalt  }
0x4d: {  	_ =	shalt  }
0x4e: {  	_ =	shalt  }
0x4f: {  	_ =	shalt  }
0x50: {  	_ =	shalt  }
0x51: {  	_ =	shalt  }
0x52: {  	_ =	shalt  }
0x53: {  	_ =	shalt  }
0x54: {  	_ =	shalt  }
0x55: {  	_ =	shalt  }
0x56: {  	_ =	shalt  }
0x57: {  	_ =	shalt  }
0x58: {  	_ =	shalt  }
0x59: {  	_ =	shalt  }
0x5a: {  	_ =	shalt  }
0x5b: {  	_ =	shalt  }
0x5c: {  	_ =	shalt  }
0x5d: {  	_ =	shalt  }
0x5e: {  	_ =	shalt  }
0x5f: {  	_ =	shalt  }
0x60: {  	_ =	shalt  }
0x61: {  	_ =	shalt  }
0x62: {  	_ =	shalt  }
0x63: {  	_ =	shalt  }
0x64: {  	_ =	shalt  }
0x65: {  	_ =	shalt  }
0x66: {  	_ =	shalt  }
0x67: {  	_ =	shalt  }
0x68: {  	_ =	shalt  }
0x69: {  	_ =	shalt  }
0x6a: {  	_ =	shalt  }
0x6b: {  	_ =	shalt  }
0x6c: {  	_ =	shalt  }
0x6d: {  	_ =	shalt  }
0x6e: {  	_ =	shalt  }
0x6f: {  	_ =	shalt  }
0x70: {  	_ =	shalt  }
0x71: {  	_ =	shalt  }
0x72: {  	_ =	shalt  }
0x73: {  	_ =	shalt  }
0x74: {  	_ =	shalt  }
0x75: {  	_ =	shalt  }
0x76: {  	_ =	shalt  }
0x77: {  	_ =	shalt  }
0x78: {  	_ =	shalt  }
0x79: {  	_ =	shalt  }
0x7a: {  	_ =	shalt  }
0x7b: {  	_ =	shalt  }
0x7c: {  	_ =	shalt  }
0x7d: {  	_ =	shalt  }
0x7e: {  	_ =	shalt  }
0x7f: {  	_ =	shalt  }
0x80: {  	_ =	shalt  }
0x81: {  	_ =	shalt  }
0x82: {  	_ =	shalt  }
0x83: {  	_ =	shalt  }
0x84: {  	_ =	shalt  }
0x85: {  	_ =	shalt  }
0x86: {  	_ =	shalt  }
0x87: {  	_ =	shalt  }
.Lfunc_end0:
.L_simem_size_0:
called_computation_lowered:
.L_overlay_start_0:
0x88: {  	s2 =	sld [smem:$0x3FD9]  }
0x89: {  	s3 =	sld [smem:$0x3FFE];
	_ =	sdelay $0x1  }
0x8a: {  	s1 =	srdreg.scid  }
0x8b: {  	s0 =	sand.u32 $0x1, s1  }
0x8c: {  	s17 =	sshll.u32 s0, $0xA;
	s2 =	sadd.s32 s3, s2  }
0x8d: {  	s2 =	sadd.s32 s2, s17  }
0x8e: {  	[smem:$0x3FC6] =	sst s2  }
0x8f: {  	_ = 	snop  }
0x90: {  	s2 =	sld [smem:$0x3FC9]  }
0x91: {  	s18 =	sld [smem:$0x3FD0];
	(tm) =	ssettm $0x1  }
0x92: {  	s4 =	sld [smem:$0x3FFB];
	_ =	sdelay $0x3  }
0x93: {  	_ =	strace s4  }
0x94: {  	s4 =	sld [smem:$0x3FFC];
	_ =	sdelay $0x3  }
0x95: {  	_ =	strace s4  }
0x96: {  	s4 =	sld [smem:$0x3FFD];
	_ =	sdelay $0x3  }
0x97: {  	_ =	strace s4  }
0x98: {  	_ =	strace $0x8FFFFFFF  }
0x99: {  	s19 =	sld [smem:$0x3FDB];
	_ =	sdelay $0x1  }
0x9a: {  	s5 =	simm.s32 $_scs_section_size  }
0x9b: {  	s6 =	simm.s32 $_size__tile_overlayer_lowered;
	s7 =	simm.s32 $_tile_overlayer_lowered  }
0x9c: {  	s22 =	simm.s32 $0x1BFF;
	s21 =	sshll.u32 s7, $0x1;
	s4 =	sadd.s32 s5, s19  }
0x9d: {  	s8 =	simm.s32 $0x0;
	s20 =	sshll.u32 s6, $0x1;
	s6 =	sadd.s32 s21, s4  }
0x9e: {  	[timem:s8], [sflag:s22] =	dma.local [hbm:s6], s20  }
0x9f: {  	_ =	swait.ge [sflag:s22], s20  }
0xa0: {  	s5 =	ssub.s32 $0x0, s20;
	[sflag:s22] =	ssyncset.done $0x0  }
0xa1: {  	[sflag:s22] =	ssyncadd.s32 s5;
	_ =	sdelay $0x1  }
0xa2: {  	s23 =	simm.s32 $0x1B8B  }
0xa3: {  	_ =	swait.ge [sflag:s23], $0x1  }
0xa4: {  	[sflag:s23] =	ssyncset.done $0x0  }
0xa5: {  	s25 =	simm.s32 $0x1B8E;
	s24 =	sld [smem:$0x3FFE];
	[sflag:s23] =	ssyncadd.s32 $0xFFFFFFFF  }
0xa6: {  	s26 =	simm.s32 $execute0_lowered;
	[smem:$0x3FD2] =	sst s25  }
0xa7: {  	s6 =	sshll.u32 s26, $0x1;
	_ =	strace $0x80000046;
	[dreg:$0x1] =	wrdreg $0xFFFFFFFF  }
0xa8: {  	s28 =	simm.s32 $_size_execute0_lowered;
	s4 =	sadd.s32 s4, s6;
	[dreg:$0x0] =	wrdreg $0x0  }
0xa9: {  	s6 =	sshll.u32 s28, $0x1;
	[dreg:$0x2] =	wrdreg s4  }
0xaa: {  	[dreg:$0x3] =	wrdreg s6  }
0xab: {  	[dreg:$0x4] =	wrdreg $0xC0  }
0xac: {  	_ =	task [dreg:s8], $0x5FFFF  }
0xad: {  	[dreg:$0x1] =	wrdreg $0xFFFFFFFF  }
0xae: {  	[dreg:$0x0] =	wrdreg $0x60  }
0xaf: {  	[dreg:$0x2] =	wrdreg s2  }
0xb0: {  	[dreg:$0x3] =	wrdreg s24  }
0xb1: {  	[dreg:$0x4] =	wrdreg s18  }
0xb2: {  	[dreg:$0x5] =	wrdreg $0xC5000  }
0xb3: {  	[dreg:$0x6] =	wrdreg $0x9  }
0xb4: {  	_ =	task.clear_ibuf [dreg:s8], $0x7FFFF;
	_ =	strace $0x90000046  }
0xb5: {  	s29 =	simm.s32 $0x9;
	_ =	strace $0x80000048  }
0xb6: {  	_ =	swait.ge [sflag:s29], $0x1  }
0xb7: {  	[sflag:s29] =	ssyncadd.s32 $0xFFFFFFFF  }
0xb8: {  	_ =	strace $0x90000048  }
0xb9: {  	_ =	sfence  }
0xba: {  	s30 =	sld [smem:$0x0];
	_ =	sdelay $0x2  }
0xbb: {  	s31 =	sshll.u32 s1, $0xD;
	s1 =	sshrl.u32 s1, $0x2  }
0xbc: {  	s3 =	sand.u32 $0x4000, s31;
	s1 =	sadd.s32 s1, s30  }
0xbd: {  	s0 =	sor.u32 s3, s0;
	s1 =	sshll.u32 s1, $0x11  }
0xbe: {  	s0 =	sor.u32 s1, s0  }
0xbf: {  	s0 =	sadd.s32 $0x8F2B, s0  }
0xc0: {  	[sflag:s0] =	ssyncadd.remote.s32 $0x1  }
0xc1: {  	_ =	sfence.sel $0xFFFF  }
0xc2: {  	[dreg:$0x0] =	wrdreg $0xFFFFFFFF;
	(pc) =	sbr.abs _section_cstart, $3  }
0xc3: {  	[dreg:$0x1] =	wrdreg $0xFFFFFFFF  }
0xc4: {  	_ =	task.clear_ibuf [dreg:s8], $0x2FFFF;
	_ =	strace $0x9FFFFFFF  }
0xc5: {  	(tm) =	ssettm $0x7FFFFFFF  }
tec
execute0_lowered:
.L_overlay_start_1:
0x0: {  	(tag) =	ssettag $0x1  }
0x1: {  	s12 =	rddreg [dreg:$0x0]  }
0x2: {  	s4 =	rddreg [dreg:$0x1]  }
0x3: {  	s0 =	srdreg.scid;
	s8 =	rddreg [dreg:$0x2]  }
0x4: {  	s2 =	rddreg [dreg:$0x3];
	s3 =	simm.s32 $0x0;
	s16 =	simm.s32 $0x400  }
0x5: {  	s17 =	simm.s32 $0x9880;
	s18 =	simm.s32 $0xA500;
	s19 =	simm.s32 $0x1  }
0x6: {  	s20 =	simm.s32 $0x78;
	s9 =	sand.u32 $0x1, s0;
	s0 =	stileid.u32  }
0x7: {  	[smem:$0x7FF] =	sst s3;
	s1 =	sshll.u32 s9, $0x4;
	s6 =	sshll.u32 s0, $0x7  }
0x8: {  	s24 =	sshll.u32 s0, $0x6;
	s10 =	ssub.s32 $0x2, s9;
	s26 =	sshll.u32 s0, $0x9  }
0x9: {  	s15 =	sshll.u32 s0, $0x4;
	s28 =	sshll.u32 s9, $0xA;
	s29 =	smul.u32 $0xC3000, s9  }
0xa: {  	s31 =	smul.u32 $0xC300, s0;
	s21 =	sor.u32 s0, s1;
	s6 =	sand.u32 $0x380, s6  }
0xb: {  	s11 =	sadd.s32 s24, s4;
	s13 =	sshrl.u32 s10, $0x1;
	s8 =	sadd.s32 s8, s15  }
0xc: {  	s15 =	simm.s32 $0x80;
	s1 =	sshrl.u32 s21, $0x3;
	s7 =	sshll.u32 s21, $0x9  }
0xd: {  	s25 =	sshll.u32 s21, $0xA;
	s13 =	ssub.s32 s10, s13;
	s10 =	sadd.s32 s26, s12  }
0xe: {  	s30 =	sadd.s32 s28, s11;
	s12 =	sadd.s32 s29, s12;
	p0 =	sgt.u32 s21, $0x4  }
0xf: {  	s21 =	simm.s32 $0x2;
	s5 =	smul.u32 $0x6400, s1;
	s1 =	rddreg [dreg:$0x4]  }
0x10: {  	_ =	strace $0x80000047;
	s22 =	sadd.s32 s7, s4;
	s14 =	sadd.s32 s25, s4  }
.Ltmp0:
0x11: {  	s9 =	sadd.s32 $0x186000, s10;
	s10 =	sadd.s32 $0xFE00, s30;
	(pc) =	sbr.rel .LBB2_1-.Ltmp0, $4  }
0x12: {  	s11 =	smax.u32 s13, $0x1;
	s12 =	sadd.s32 s31, s12;
	s5 =	sor.u32 s6, s5  }
0x13: {  	s13 =	simm.s32 $0x3;
	s7 =	sadd.s32 $0x7E00, s14;
	s5 =	sshrl.u32 s5, $0x3  }
0x14: {  	s14 =	simm.s32 $0x8800;
	s23 =	sadd.s32 s5, s4;
	s4 =	sadd.s32 s26, s2  }
0x15: {  	v0 =	vimm.f32 $0.0e+00;
	s5 =	sadd.s32 $0xC00, s22;
	s22 =	simm.s32 $0x0;
	s6 =	sadd.s32 $0x4C00, s23  }
.LBB2_6:
0x16: {  	_ =	swait.ge [sflag:s21], $0x3C00  }
0x17: {  	s23 =	simm.s32 @!p0 $0x0;
	[sflag:s21] =	ssyncset.done $0x0  }
0x18: {  	s24 =	simm.s32 @!p0 $0x9800;
	s25 =	simm.s32 @!p0 $0x3;
	[sflag:s21] =	ssyncadd.s32 $0xFFFFC400  }
0x19: {  	[tilespmem:s24], [sflag:$0x3] =	stream.linear.gather @!p0 [hbm4b:s8+s23], $0x80, $0x38;
	[tilespmem:$0xC700] =	vst v63  }
0x1a: {  	_ =	swait.ge @!p0 [sflag:s25], $0x80  }
0x1b: {  	[sflag:s25] =	ssyncset.done @!p0 $0x0  }
0x1c: {  	s26 =	simm.s32 @!p0 $0x7800;
	[sflag:s25] =	ssyncadd.s32 @!p0 $0xFFFFFF80  }
0x1d: {  	[tilespmem:s26], [sflag:$0x3] =	stream.linear.gather @!p0 [hbm4b:s9+s23], $0x1000, $0x38;
	[tilespmem:$0xC700] =	vst v63  }
0x1e: {  	_ =	swait.ge @!p0 [sflag:s25], $0x1000  }
0x1f: {  	[sflag:s25] =	ssyncset.done @!p0 $0x0  }
0x20: {  	s23 =	simm.s32 @!p0 $0x20;
	[sflag:s25] =	ssyncadd.s32 @!p0 $0xFFFFF000  }
0x21: {  	[spmem:s2] =	stream.indirect.scatter.add.f32 @!p0 [tilespmem:s26], [sflag:$0x3], $0x80, s24, s23, $0xb8;
	[tilespmem:$0xC700] =	vst v63  }
0x22: {  	_ =	swait.ge @!p0 [sflag:s25], $0x1000  }
0x23: {  	[sflag:s25] =	ssyncset.done @!p0 $0x0  }
0x24: {  	[sflag:s25] =	ssyncadd.s32 @!p0 $0xFFFFF000  }
0x25: {  	[bflag:$0x0] =	sbarrier.arrive $0xFFFF  }
0x26: {  	[tilespmem:s3], [sflag:$0x3] =	stream.linear.gather [spmem:s4], $0x200, $0x38;
	[tilespmem:$0xC700] =	vst v63  }
0x27: {  	s22 =	sadd.s32 $0x1, s22;
	_ =	swait.ge [sflag:s13], $0x200  }
0x28: {  	p1 =	sne.s32 s22, s11;
	[sflag:s13] =	ssyncset.done $0x0  }
.Ltmp1:
0x29: {  	[sflag:s13] =	ssyncadd.s32 $0xFFFFFE00;
	(pc) =	sbr.rel @!p1 .LBB2_7-.Ltmp1, $4  }
0x2a: {  	[hbm4b:s10+s3] =	stream.linear.scatter [tilespmem:s3], [sflag:$0x3], $0x200, $0x38;
	[tilespmem:$0xC700] =	vst v63  }
0x2b: {  	_ =	swait.ge [sflag:s13], $0x200  }
0x2c: {  	[sflag:s13] =	ssyncset.done $0x0  }
0x2d: {  	[sflag:s13] =	ssyncadd.s32 $0xFFFFFE00  }
.LBB2_1:
0x2e: {  	[tilespmem:$0x0] =	vst v0  }
0x2f: {  	[tilespmem:$0x10] =	vst v0  }
0x30: {  	[tilespmem:$0x20] =	vst v0  }
0x31: {  	[tilespmem:$0x30] =	vst v0  }
0x32: {  	[tilespmem:$0x40] =	vst v0  }
0x33: {  	[tilespmem:$0x50] =	vst v0  }
0x34: {  	[tilespmem:$0x60] =	vst v0  }
0x35: {  	[tilespmem:$0x70] =	vst v0  }
0x36: {  	[tilespmem:$0x80] =	vst v0  }
0x37: {  	[tilespmem:$0x90] =	vst v0  }
0x38: {  	[tilespmem:$0xA0] =	vst v0  }
0x39: {  	[tilespmem:$0xB0] =	vst v0  }
0x3a: {  	[tilespmem:$0xC0] =	vst v0  }
0x3b: {  	[tilespmem:$0xD0] =	vst v0  }
0x3c: {  	[tilespmem:$0xE0] =	vst v0  }
0x3d: {  	[tilespmem:$0xF0] =	vst v0  }
0x3e: {  	[tilespmem:$0x100] =	vst v0  }
0x3f: {  	[tilespmem:$0x110] =	vst v0  }
0x40: {  	[tilespmem:$0x120] =	vst v0  }
0x41: {  	[tilespmem:$0x130] =	vst v0  }
0x42: {  	[tilespmem:$0x140] =	vst v0  }
0x43: {  	[tilespmem:$0x150] =	vst v0  }
0x44: {  	[tilespmem:$0x160] =	vst v0  }
0x45: {  	[tilespmem:$0x170] =	vst v0  }
0x46: {  	[tilespmem:$0x180] =	vst v0  }
0x47: {  	[tilespmem:$0x190] =	vst v0  }
0x48: {  	[tilespmem:$0x1A0] =	vst v0  }
0x49: {  	[tilespmem:$0x1B0] =	vst v0  }
0x4a: {  	[tilespmem:$0x1C0] =	vst v0  }
0x4b: {  	[tilespmem:$0x1D0] =	vst v0  }
0x4c: {  	[tilespmem:$0x1E0] =	vst v0  }
0x4d: {  	[tilespmem:$0x1F0] =	vst v0  }
0x4e: {  	[spmem:s4] =	stream.linear.scatter [tilespmem:s3], [sflag:$0x3], $0x200, $0x38;
	[tilespmem:$0xC700] =	vst v63  }
0x4f: {  	_ =	swait.ge [sflag:s13], $0x200  }
0x50: {  	[sflag:s13] =	ssyncset.done $0x0  }
0x51: {  	[sflag:s13] =	ssyncadd.s32 $0xFFFFFE00  }
0x52: {  	[tilespmem:s14], [sflag:$0x3] =	stream.linear.gather [hbm4b:s5+s3], $0xD00, $0x38;
	[tilespmem:$0xC700] =	vst v63  }
0x53: {  	_ =	swait.ge [sflag:s13], $0xD00  }
0x54: {  	[sflag:s13] =	ssyncset.done $0x0  }
0x55: {  	[sflag:s13] =	ssyncadd.s32 $0xFFFFF300  }
0x56: {  	[tilespmem:s17], [sflag:$0x3] =	stream.strided.gather [hbm4b:s6+s15], $0xC80, s16, s15, $0x38;
	[tilespmem:$0xC700] =	vst v63  }
0x57: {  	_ =	swait.ge [sflag:s13], $0xC80  }
0x58: {  	[sflag:s13] =	ssyncset.done $0x0  }
0x59: {  	[sflag:s13] =	ssyncadd.s32 $0xFFFFF380  }
0x5a: {  	v1 =	vld [tilespmem:$0x9880]  }
0x5b: {  	v2 =	vld [tilespmem:$0x9890];
	_ =	sdelay $0x1  }
0x5c: {  	v3 =	vld [tilespmem:$0x98A0];
	_ =	sdelay $0x1  }
0x5d: {  	v4 =	vld [tilespmem:$0x98B0]  }
0x5e: {  	vm0 =	veq.s32 v1, s3;
	vm1 =	veq.s32 v2, s3  }
0x5f: {  	v5 =	vld [tilespmem:$0x98C0];
	v1 =	vsel vm0, $0x3F800000, v0;
	v2 =	vsel vm1, $0x3F800000, v0  }
0x60: {  	vm14 =	veq.s32 v3, s3;
	v1 =	vadd.f32 v2, v1  }
0x61: {  	v3 =	vld [tilespmem:$0x98D0];
	v2 =	vsel vm14, $0x3F800000, v0  }
0x62: {  	vm15 =	veq.s32 v4, s3;
	v1 =	vadd.f32 v2, v1  }
0x63: {  	v49 =	vld [tilespmem:$0x98E0];
	v2 =	vsel vm15, $0x3F800000, v0  }
0x64: {  	vm4 =	veq.s32 v5, s3;
	v1 =	vadd.f32 v2, v1  }
0x65: {  	v50 =	vld [tilespmem:$0x98F0];
	v2 =	vsel vm4, $0x3F800000, v0  }
0x66: {  	vm5 =	veq.s32 v3, s3;
	v1 =	vadd.f32 v2, v1  }
0x67: {  	v3 =	vld [tilespmem:$0x9900];
	v2 =	vsel vm5, $0x3F800000, v0  }
0x68: {  	vm6 =	veq.s32 v49, s3;
	v1 =	vadd.f32 v2, v1  }
0x69: {  	v51 =	vld [tilespmem:$0x9910];
	v2 =	vsel vm6, $0x3F800000, v0  }
0x6a: {  	vm7 =	veq.s32 v50, s3;
	v1 =	vadd.f32 v2, v1  }
0x6b: {  	v52 =	vld [tilespmem:$0x9920];
	v2 =	vsel vm7, $0x3F800000, v0  }
0x6c: {  	vm8 =	veq.s32 v3, s3;
	v1 =	vadd.f32 v2, v1  }
0x6d: {  	v3 =	vld [tilespmem:$0x9930];
	v2 =	vsel vm8, $0x3F800000, v0  }
0x6e: {  	vm9 =	veq.s32 v51, s3;
	v1 =	vadd.f32 v2, v1  }
0x6f: {  	v53 =	vld [tilespmem:$0x9940];
	v2 =	vsel vm9, $0x3F800000, v0  }
0x70: {  	vm10 =	veq.s32 v52, s3;
	v1 =	vadd.f32 v2, v1  }
0x71: {  	v54 =	vld [tilespmem:$0x9950];
	v2 =	vsel vm10, $0x3F800000, v0  }
0x72: {  	vm11 =	veq.s32 v3, s3;
	v1 =	vadd.f32 v2, v1  }
0x73: {  	v3 =	vld [tilespmem:$0x9960];
	v2 =	vsel vm11, $0x3F800000, v0  }
0x74: {  	vm12 =	veq.s32 v53, s3;
	v1 =	vadd.f32 v2, v1  }
0x75: {  	v55 =	vld [tilespmem:$0x9970];
	v2 =	vsel vm12, $0x3F800000, v0  }
0x76: {  	vm13 =	veq.s32 v54, s3;
	v1 =	vadd.f32 v2, v1  }
0x77: {  	v56 =	vld [tilespmem:$0x9980];
	v2 =	vsel vm13, $0x3F800000, v0  }
0x78: {  	vm14 =	veq.s32 v3, s3;
	v1 =	vadd.f32 v2, v1  }
0x79: {  	v3 =	vld [tilespmem:$0x9990];
	v2 =	vsel vm14, $0x3F800000, v0  }
0x7a: {  	vm15 =	veq.s32 v55, s3;
	v1 =	vadd.f32 v2, v1  }
0x7b: {  	v57 =	vld [tilespmem:$0x99A0];
	v2 =	vsel vm15, $0x3F800000, v0  }
0x7c: {  	vm4 =	veq.s32 v56, s3;
	v1 =	vadd.f32 v2, v1  }
0x7d: {  	v58 =	vld [tilespmem:$0x99B0];
	v2 =	vsel vm4, $0x3F800000, v0  }
0x7e: {  	vm5 =	veq.s32 v3, s3;
	v1 =	vadd.f32 v2, v1  }
0x7f: {  	v3 =	vld [tilespmem:$0x99C0];
	v2 =	vsel vm5, $0x3F800000, v0  }
0x80: {  	vm6 =	veq.s32 v57, s3;
	v1 =	vadd.f32 v2, v1  }
0x81: {  	v59 =	vld [tilespmem:$0x99D0];
	v2 =	vsel vm6, $0x3F800000, v0  }
0x82: {  	vm7 =	veq.s32 v58, s3;
	v1 =	vadd.f32 v2, v1  }
0x83: {  	v60 =	vld [tilespmem:$0x99E0];
	v2 =	vsel vm7, $0x3F800000, v0  }
0x84: {  	vm8 =	veq.s32 v3, s3;
	v1 =	vadd.f32 v2, v1  }
0x85: {  	v3 =	vld [tilespmem:$0x99F0];
	v2 =	vsel vm8, $0x3F800000, v0  }
0x86: {  	vm9 =	veq.s32 v59, s3;
	v1 =	vadd.f32 v2, v1  }
0x87: {  	v61 =	vld [tilespmem:$0x9A00];
	v2 =	vsel vm9, $0x3F800000, v0  }
0x88: {  	vm10 =	veq.s32 v60, s3;
	v1 =	vadd.f32 v2, v1  }
0x89: {  	v62 =	vld [tilespmem:$0x9A10];
	v2 =	vsel vm10, $0x3F800000, v0  }
0x8a: {  	vm11 =	veq.s32 v3, s3;
	v1 =	vadd.f32 v2, v1  }
0x8b: {  	v3 =	vld [tilespmem:$0x9A20];
	v2 =	vsel vm11, $0x3F800000, v0  }
0x8c: {  	vm12 =	veq.s32 v61, s3;
	v1 =	vadd.f32 v2, v1  }
0x8d: {  	v63 =	vld [tilespmem:$0x9A30];
	v2 =	vsel vm12, $0x3F800000, v0  }
0x8e: {  	vm13 =	veq.s32 v62, s3;
	v1 =	vadd.f32 v2, v1  }
0x8f: {  	v8 =	vld [tilespmem:$0x9A40];
	v2 =	vsel vm13, $0x3F800000, v0  }
0x90: {  	vm14 =	veq.s32 v3, s3;
	v1 =	vadd.f32 v2, v1  }
0x91: {  	v3 =	vld [tilespmem:$0x9A50];
	v2 =	vsel vm14, $0x3F800000, v0  }
0x92: {  	vm15 =	veq.s32 v63, s3;
	v1 =	vadd.f32 v2, v1  }
0x93: {  	v9 =	vld [tilespmem:$0x9A60];
	v2 =	vsel vm15, $0x3F800000, v0  }
0x94: {  	vm4 =	veq.s32 v8, s3;
	v1 =	vadd.f32 v2, v1  }
0x95: {  	v10 =	vld [tilespmem:$0x9A70];
	v2 =	vsel vm4, $0x3F800000, v0  }
0x96: {  	vm5 =	veq.s32 v3, s3;
	v1 =	vadd.f32 v2, v1  }
0x97: {  	v3 =	vld [tilespmem:$0x9A80];
	v2 =	vsel vm5, $0x3F800000, v0  }
0x98: {  	vm6 =	veq.s32 v9, s3;
	v1 =	vadd.f32 v2, v1  }
0x99: {  	v11 =	vld [tilespmem:$0x9A90];
	v2 =	vsel vm6, $0x3F800000, v0  }
0x9a: {  	vm7 =	veq.s32 v10, s3;
	v1 =	vadd.f32 v2, v1  }
0x9b: {  	v12 =	vld [tilespmem:$0x9AA0];
	v2 =	vsel vm7, $0x3F800000, v0  }
0x9c: {  	vm8 =	veq.s32 v3, s3;
	v1 =	vadd.f32 v2, v1  }
0x9d: {  	v3 =	vld [tilespmem:$0x9AB0];
	v2 =	vsel vm8, $0x3F800000, v0  }
0x9e: {  	vm9 =	veq.s32 v11, s3;
	v1 =	vadd.f32 v2, v1  }
0x9f: {  	v13 =	vld [tilespmem:$0x9AC0];
	v2 =	vsel vm9, $0x3F800000, v0  }
0xa0: {  	vm10 =	veq.s32 v12, s3;
	v1 =	vadd.f32 v2, v1  }
0xa1: {  	v14 =	vld [tilespmem:$0x9AD0];
	v2 =	vsel vm10, $0x3F800000, v0  }
0xa2: {  	vm11 =	veq.s32 v3, s3;
	v1 =	vadd.f32 v2, v1  }
0xa3: {  	v3 =	vld [tilespmem:$0x9AE0];
	v2 =	vsel vm11, $0x3F800000, v0  }
0xa4: {  	vm12 =	veq.s32 v13, s3;
	v1 =	vadd.f32 v2, v1  }
0xa5: {  	v15 =	vld [tilespmem:$0x9AF0];
	v2 =	vsel vm12, $0x3F800000, v0  }
0xa6: {  	vm13 =	veq.s32 v14, s3;
	v1 =	vadd.f32 v2, v1  }
0xa7: {  	v16 =	vld [tilespmem:$0x9B00];
	v2 =	vsel vm13, $0x3F800000, v0  }
0xa8: {  	vm14 =	veq.s32 v3, s3;
	v1 =	vadd.f32 v2, v1  }
0xa9: {  	v3 =	vld [tilespmem:$0x9B10];
	v2 =	vsel vm14, $0x3F800000, v0  }
0xaa: {  	vm15 =	veq.s32 v15, s3;
	v1 =	vadd.f32 v2, v1  }
0xab: {  	v17 =	vld [tilespmem:$0x9B20];
	v2 =	vsel vm15, $0x3F800000, v0  }
0xac: {  	vm4 =	veq.s32 v16, s3;
	v1 =	vadd.f32 v2, v1  }
0xad: {  	v18 =	vld [tilespmem:$0x9B30];
	v2 =	vsel vm4, $0x3F800000, v0  }
0xae: {  	vm5 =	veq.s32 v3, s3;
	v1 =	vadd.f32 v2, v1  }
0xaf: {  	v3 =	vld [tilespmem:$0x9B40];
	v2 =	vsel vm5, $0x3F800000, v0  }
0xb0: {  	vm6 =	veq.s32 v17, s3;
	v1 =	vadd.f32 v2, v1  }
0xb1: {  	v19 =	vld [tilespmem:$0x9B50];
	v2 =	vsel vm6, $0x3F800000, v0  }
0xb2: {  	vm7 =	veq.s32 v18, s3;
	v1 =	vadd.f32 v2, v1  }
0xb3: {  	v20 =	vld [tilespmem:$0x9B60];
	v2 =	vsel vm7, $0x3F800000, v0  }
0xb4: {  	vm8 =	veq.s32 v3, s3;
	v1 =	vadd.f32 v2, v1  }
0xb5: {  	v3 =	vld [tilespmem:$0x9B70];
	v2 =	vsel vm8, $0x3F800000, v0  }
0xb6: {  	vm9 =	veq.s32 v19, s3;
	v1 =	vadd.f32 v2, v1  }
0xb7: {  	v21 =	vld [tilespmem:$0x9B80];
	v2 =	vsel vm9, $0x3F800000, v0  }
0xb8: {  	vm10 =	veq.s32 v20, s3;
	v1 =	vadd.f32 v2, v1  }
0xb9: {  	v22 =	vld [tilespmem:$0x9B90];
	v2 =	vsel vm10, $0x3F800000, v0  }
0xba: {  	vm11 =	veq.s32 v3, s3;
	v1 =	vadd.f32 v2, v1  }
0xbb: {  	v3 =	vld [tilespmem:$0x9BA0];
	v2 =	vsel vm11, $0x3F800000, v0  }
0xbc: {  	vm12 =	veq.s32 v21, s3;
	v1 =	vadd.f32 v2, v1  }
0xbd: {  	v23 =	vld [tilespmem:$0x9BB0];
	v2 =	vsel vm12, $0x3F800000, v0  }
0xbe: {  	vm13 =	veq.s32 v22, s3;
	v1 =	vadd.f32 v2, v1  }
0xbf: {  	v24 =	vld [tilespmem:$0x9BC0];
	v2 =	vsel vm13, $0x3F800000, v0  }
0xc0: {  	vm14 =	veq.s32 v3, s3;
	v1 =	vadd.f32 v2, v1  }
0xc1: {  	v3 =	vld [tilespmem:$0x9BD0];
	v2 =	vsel vm14, $0x3F800000, v0  }
0xc2: {  	vm15 =	veq.s32 v23, s3;
	v1 =	vadd.f32 v2, v1  }
0xc3: {  	v25 =	vld [tilespmem:$0x9BE0];
	v2 =	vsel vm15, $0x3F800000, v0  }
0xc4: {  	vm4 =	veq.s32 v24, s3;
	v1 =	vadd.f32 v2, v1  }
0xc5: {  	v26 =	vld [tilespmem:$0x9BF0];
	v2 =	vsel vm4, $0x3F800000, v0  }
0xc6: {  	vm5 =	veq.s32 v3, s3;
	v1 =	vadd.f32 v2, v1  }
0xc7: {  	v3 =	vld [tilespmem:$0x9C00];
	v2 =	vsel vm5, $0x3F800000, v0  }
0xc8: {  	vm6 =	veq.s32 v25, s3;
	v1 =	vadd.f32 v2, v1  }
0xc9: {  	v27 =	vld [tilespmem:$0x9C10];
	v2 =	vsel vm6, $0x3F800000, v0  }
0xca: {  	vm7 =	veq.s32 v26, s3;
	v1 =	vadd.f32 v2, v1  }
0xcb: {  	v28 =	vld [tilespmem:$0x9C20];
	v2 =	vsel vm7, $0x3F800000, v0  }
0xcc: {  	vm8 =	veq.s32 v3, s3;
	v1 =	vadd.f32 v2, v1  }
0xcd: {  	v3 =	vld [tilespmem:$0x9C30];
	v2 =	vsel vm8, $0x3F800000, v0  }
0xce: {  	vm9 =	veq.s32 v27, s3;
	v1 =	vadd.f32 v2, v1  }
0xcf: {  	v29 =	vld [tilespmem:$0x9C40];
	v2 =	vsel vm9, $0x3F800000, v0  }
0xd0: {  	vm10 =	veq.s32 v28, s3;
	v1 =	vadd.f32 v2, v1  }
0xd1: {  	v30 =	vld [tilespmem:$0x9C50];
	v2 =	vsel vm10, $0x3F800000, v0  }
0xd2: {  	vm11 =	veq.s32 v3, s3;
	v1 =	vadd.f32 v2, v1  }
0xd3: {  	v3 =	vld [tilespmem:$0x9C60];
	v2 =	vsel vm11, $0x3F800000, v0  }
0xd4: {  	vm12 =	veq.s32 v29, s3;
	v1 =	vadd.f32 v2, v1  }
0xd5: {  	v31 =	vld [tilespmem:$0x9C70];
	v2 =	vsel vm12, $0x3F800000, v0  }
0xd6: {  	vm13 =	veq.s32 v30, s3;
	v1 =	vadd.f32 v2, v1  }
0xd7: {  	v32 =	vld [tilespmem:$0x9C80];
	v2 =	vsel vm13, $0x3F800000, v0  }
0xd8: {  	vm14 =	veq.s32 v3, s3;
	v1 =	vadd.f32 v2, v1  }
0xd9: {  	v3 =	vld [tilespmem:$0x9C90];
	v2 =	vsel vm14, $0x3F800000, v0  }
0xda: {  	vm15 =	veq.s32 v31, s3;
	v1 =	vadd.f32 v2, v1  }
0xdb: {  	v33 =	vld [tilespmem:$0x9CA0];
	v2 =	vsel vm15, $0x3F800000, v0  }
0xdc: {  	vm4 =	veq.s32 v32, s3;
	v1 =	vadd.f32 v2, v1  }
0xdd: {  	v34 =	vld [tilespmem:$0x9CB0];
	v2 =	vsel vm4, $0x3F800000, v0  }
0xde: {  	vm5 =	veq.s32 v3, s3;
	v1 =	vadd.f32 v2, v1  }
0xdf: {  	v3 =	vld [tilespmem:$0x9CC0];
	v2 =	vsel vm5, $0x3F800000, v0  }
0xe0: {  	vm6 =	veq.s32 v33, s3;
	v1 =	vadd.f32 v2, v1  }
0xe1: {  	v35 =	vld [tilespmem:$0x9CD0];
	v2 =	vsel vm6, $0x3F800000, v0  }
0xe2: {  	vm7 =	veq.s32 v34, s3;
	v1 =	vadd.f32 v2, v1  }
0xe3: {  	v36 =	vld [tilespmem:$0x9CE0];
	v2 =	vsel vm7, $0x3F800000, v0  }
0xe4: {  	vm8 =	veq.s32 v3, s3;
	v1 =	vadd.f32 v2, v1  }
0xe5: {  	v3 =	vld [tilespmem:$0x9CF0];
	v2 =	vsel vm8, $0x3F800000, v0  }
0xe6: {  	vm9 =	veq.s32 v35, s3;
	v1 =	vadd.f32 v2, v1  }
0xe7: {  	v37 =	vld [tilespmem:$0x9D00];
	v2 =	vsel vm9, $0x3F800000, v0  }
0xe8: {  	vm10 =	veq.s32 v36, s3;
	v1 =	vadd.f32 v2, v1  }
0xe9: {  	v38 =	vld [tilespmem:$0x9D10];
	v2 =	vsel vm10, $0x3F800000, v0  }
0xea: {  	vm11 =	veq.s32 v3, s3;
	v1 =	vadd.f32 v2, v1  }
0xeb: {  	v3 =	vld [tilespmem:$0x9D20];
	v2 =	vsel vm11, $0x3F800000, v0  }
0xec: {  	vm12 =	veq.s32 v37, s3;
	v1 =	vadd.f32 v2, v1  }
0xed: {  	v39 =	vld [tilespmem:$0x9D30];
	v2 =	vsel vm12, $0x3F800000, v0  }
0xee: {  	vm13 =	veq.s32 v38, s3;
	v1 =	vadd.f32 v2, v1  }
0xef: {  	v40 =	vld [tilespmem:$0x9D40];
	v2 =	vsel vm13, $0x3F800000, v0  }
0xf0: {  	vm14 =	veq.s32 v3, s3;
	v1 =	vadd.f32 v2, v1  }
0xf1: {  	v3 =	vld [tilespmem:$0x9D50];
	v2 =	vsel vm14, $0x3F800000, v0  }
0xf2: {  	vm15 =	veq.s32 v39, s3;
	v1 =	vadd.f32 v2, v1  }
0xf3: {  	v41 =	vld [tilespmem:$0x9D60];
	v2 =	vsel vm15, $0x3F800000, v0  }
0xf4: {  	vm4 =	veq.s32 v40, s3;
	v1 =	vadd.f32 v2, v1  }
0xf5: {  	v42 =	vld [tilespmem:$0x9D70];
	v2 =	vsel vm4, $0x3F800000, v0  }
0xf6: {  	vm5 =	veq.s32 v3, s3;
	v1 =	vadd.f32 v2, v1  }
0xf7: {  	v3 =	vld [tilespmem:$0x9D80];
	v2 =	vsel vm5, $0x3F800000, v0  }
0xf8: {  	vm6 =	veq.s32 v41, s3;
	v1 =	vadd.f32 v2, v1  }
0xf9: {  	v43 =	vld [tilespmem:$0x9D90];
	v2 =	vsel vm6, $0x3F800000, v0  }
0xfa: {  	vm7 =	veq.s32 v42, s3;
	v1 =	vadd.f32 v2, v1  }
0xfb: {  	v44 =	vld [tilespmem:$0x9DA0];
	v2 =	vsel vm7, $0x3F800000, v0  }
0xfc: {  	vm8 =	veq.s32 v3, s3;
	v1 =	vadd.f32 v2, v1  }
0xfd: {  	v3 =	vld [tilespmem:$0x9DB0];
	v2 =	vsel vm8, $0x3F800000, v0  }
0xfe: {  	vm9 =	veq.s32 v43, s3;
	v1 =	vadd.f32 v2, v1  }
0xff: {  	v45 =	vld [tilespmem:$0x9DC0];
	v2 =	vsel vm9, $0x3F800000, v0  }
0x100: {  	vm10 =	veq.s32 v44, s3;
	v1 =	vadd.f32 v2, v1  }
0x101: {  	v46 =	vld [tilespmem:$0x9DD0];
	v2 =	vsel vm10, $0x3F800000, v0  }
0x102: {  	vm11 =	veq.s32 v3, s3;
	v1 =	vadd.f32 v2, v1  }
0x103: {  	v3 =	vld [tilespmem:$0x9DE0];
	v2 =	vsel vm11, $0x3F800000, v0  }
0x104: {  	vm12 =	veq.s32 v45, s3;
	v1 =	vadd.f32 v2, v1  }
0x105: {  	v47 =	vld [tilespmem:$0x9DF0];
	v2 =	vsel vm12, $0x3F800000, v0  }
0x106: {  	vm13 =	veq.s32 v46, s3;
	v1 =	vadd.f32 v2, v1  }
0x107: {  	v48 =	vld [tilespmem:$0x9E00];
	v2 =	vsel vm13, $0x3F800000, v0  }
0x108: {  	vm14 =	veq.s32 v3, s3;
	v1 =	vadd.f32 v2, v1  }
0x109: {  	v3 =	vld [tilespmem:$0x9E10];
	v2 =	vsel vm14, $0x3F800000, v0  }
0x10a: {  	vm15 =	veq.s32 v47, s3;
	v1 =	vadd.f32 v2, v1  }
0x10b: {  	v49 =	vld [tilespmem:$0x9E20];
	v2 =	vsel vm15, $0x3F800000, v0  }
0x10c: {  	vm4 =	veq.s32 v48, s3;
	v1 =	vadd.f32 v2, v1  }
0x10d: {  	v50 =	vld [tilespmem:$0x9E30];
	v2 =	vsel vm4, $0x3F800000, v0  }
0x10e: {  	vm5 =	veq.s32 v3, s3;
	v1 =	vadd.f32 v2, v1  }
0x10f: {  	v3 =	vld [tilespmem:$0x9E40];
	v2 =	vsel vm5, $0x3F800000, v0  }
0x110: {  	vm6 =	veq.s32 v49, s3;
	v1 =	vadd.f32 v2, v1  }
0x111: {  	v51 =	vld [tilespmem:$0x9E50];
	v2 =	vsel vm6, $0x3F800000, v0  }
0x112: {  	vm7 =	veq.s32 v50, s3;
	v1 =	vadd.f32 v2, v1  }
0x113: {  	v52 =	vld [tilespmem:$0x9E60];
	v2 =	vsel vm7, $0x3F800000, v0  }
0x114: {  	vm8 =	veq.s32 v3, s3;
	v1 =	vadd.f32 v2, v1  }
0x115: {  	v3 =	vld [tilespmem:$0x9E70];
	v2 =	vsel vm8, $0x3F800000, v0  }
0x116: {  	vm9 =	veq.s32 v51, s3;
	v1 =	vadd.f32 v2, v1  }
0x117: {  	v53 =	vld [tilespmem:$0x9E80];
	v2 =	vsel vm9, $0x3F800000, v0  }
0x118: {  	vm10 =	veq.s32 v52, s3;
	v1 =	vadd.f32 v2, v1  }
0x119: {  	v54 =	vld [tilespmem:$0x9E90];
	v2 =	vsel vm10, $0x3F800000, v0  }
0x11a: {  	vm11 =	veq.s32 v3, s3;
	v1 =	vadd.f32 v2, v1  }
0x11b: {  	v3 =	vld [tilespmem:$0x9EA0];
	v2 =	vsel vm11, $0x3F800000, v0  }
0x11c: {  	vm12 =	veq.s32 v53, s3;
	v1 =	vadd.f32 v2, v1  }
0x11d: {  	v55 =	vld [tilespmem:$0x9EB0];
	v2 =	vsel vm12, $0x3F800000, v0  }
0x11e: {  	vm13 =	veq.s32 v54, s3;
	v1 =	vadd.f32 v2, v1  }
0x11f: {  	v56 =	vld [tilespmem:$0x9EC0];
	v2 =	vsel vm13, $0x3F800000, v0  }
0x120: {  	vm14 =	veq.s32 v3, s3;
	v1 =	vadd.f32 v2, v1  }
0x121: {  	v3 =	vld [tilespmem:$0x9ED0];
	v2 =	vsel vm14, $0x3F800000, v0  }
0x122: {  	vm15 =	veq.s32 v55, s3;
	v1 =	vadd.f32 v2, v1  }
0x123: {  	v57 =	vld [tilespmem:$0x9EE0];
	v2 =	vsel vm15, $0x3F800000, v0  }
0x124: {  	vm4 =	veq.s32 v56, s3;
	v1 =	vadd.f32 v2, v1  }
0x125: {  	v58 =	vld [tilespmem:$0x9EF0];
	v2 =	vsel vm4, $0x3F800000, v0  }
0x126: {  	vm5 =	veq.s32 v3, s3;
	v1 =	vadd.f32 v2, v1  }
0x127: {  	v3 =	vld [tilespmem:$0x9F00];
	v2 =	vsel vm5, $0x3F800000, v0  }
0x128: {  	vm6 =	veq.s32 v57, s3;
	v1 =	vadd.f32 v2, v1  }
0x129: {  	v59 =	vld [tilespmem:$0x9F10];
	v2 =	vsel vm6, $0x3F800000, v0  }
0x12a: {  	vm7 =	veq.s32 v58, s3;
	v1 =	vadd.f32 v2, v1  }
0x12b: {  	v60 =	vld [tilespmem:$0x9F20];
	v2 =	vsel vm7, $0x3F800000, v0  }
0x12c: {  	vm8 =	veq.s32 v3, s3;
	v1 =	vadd.f32 v2, v1  }
0x12d: {  	v3 =	vld [tilespmem:$0x9F30];
	v2 =	vsel vm8, $0x3F800000, v0  }
0x12e: {  	vm9 =	veq.s32 v59, s3;
	v1 =	vadd.f32 v2, v1  }
0x12f: {  	v61 =	vld [tilespmem:$0x9F40];
	v2 =	vsel vm9, $0x3F800000, v0  }
0x130: {  	vm10 =	veq.s32 v60, s3;
	v1 =	vadd.f32 v2, v1  }
0x131: {  	v62 =	vld [tilespmem:$0x9F50];
	v2 =	vsel vm10, $0x3F800000, v0  }
0x132: {  	vm11 =	veq.s32 v3, s3;
	v1 =	vadd.f32 v2, v1  }
0x133: {  	v3 =	vld [tilespmem:$0x9F60];
	v2 =	vsel vm11, $0x3F800000, v0  }
0x134: {  	vm12 =	veq.s32 v61, s3;
	v1 =	vadd.f32 v2, v1  }
0x135: {  	v63 =	vld [tilespmem:$0x9F70];
	v2 =	vsel vm12, $0x3F800000, v0  }
0x136: {  	vm13 =	veq.s32 v62, s3;
	v1 =	vadd.f32 v2, v1  }
0x137: {  	v8 =	vld [tilespmem:$0x9F80];
	v2 =	vsel vm13, $0x3F800000, v0  }
0x138: {  	vm14 =	veq.s32 v3, s3;
	v1 =	vadd.f32 v2, v1  }
0x139: {  	v3 =	vld [tilespmem:$0x9F90];
	v2 =	vsel vm14, $0x3F800000, v0  }
0x13a: {  	vm15 =	veq.s32 v63, s3;
	v1 =	vadd.f32 v2, v1  }
0x13b: {  	v9 =	vld [tilespmem:$0x9FA0];
	v2 =	vsel vm15, $0x3F800000, v0  }
0x13c: {  	vm4 =	veq.s32 v8, s3;
	v1 =	vadd.f32 v2, v1  }
0x13d: {  	v10 =	vld [tilespmem:$0x9FB0];
	v2 =	vsel vm4, $0x3F800000, v0  }
0x13e: {  	vm5 =	veq.s32 v3, s3;
	v1 =	vadd.f32 v2, v1  }
0x13f: {  	v3 =	vld [tilespmem:$0x9FC0];
	v2 =	vsel vm5, $0x3F800000, v0  }
0x140: {  	vm6 =	veq.s32 v9, s3;
	v1 =	vadd.f32 v2, v1  }
0x141: {  	v11 =	vld [tilespmem:$0x9FD0];
	v2 =	vsel vm6, $0x3F800000, v0  }
0x142: {  	vm7 =	veq.s32 v10, s3;
	v1 =	vadd.f32 v2, v1  }
0x143: {  	v12 =	vld [tilespmem:$0x9FE0];
	v2 =	vsel vm7, $0x3F800000, v0  }
0x144: {  	vm8 =	veq.s32 v3, s3;
	v1 =	vadd.f32 v2, v1  }
0x145: {  	v3 =	vld [tilespmem:$0x9FF0];
	v2 =	vsel vm8, $0x3F800000, v0  }
0x146: {  	vm9 =	veq.s32 v11, s3;
	v1 =	vadd.f32 v2, v1  }
0x147: {  	v13 =	vld [tilespmem:$0xA000];
	v2 =	vsel vm9, $0x3F800000, v0  }
0x148: {  	vm10 =	veq.s32 v12, s3;
	v1 =	vadd.f32 v2, v1  }
0x149: {  	v14 =	vld [tilespmem:$0xA010];
	v2 =	vsel vm10, $0x3F800000, v0  }
0x14a: {  	vm11 =	veq.s32 v3, s3;
	v1 =	vadd.f32 v2, v1  }
0x14b: {  	v3 =	vld [tilespmem:$0xA020];
	v2 =	vsel vm11, $0x3F800000, v0  }
0x14c: {  	vm12 =	veq.s32 v13, s3;
	v1 =	vadd.f32 v2, v1  }
0x14d: {  	v15 =	vld [tilespmem:$0xA030];
	v2 =	vsel vm12, $0x3F800000, v0  }
0x14e: {  	vm13 =	veq.s32 v14, s3;
	v1 =	vadd.f32 v2, v1  }
0x14f: {  	v16 =	vld [tilespmem:$0xA040];
	v2 =	vsel vm13, $0x3F800000, v0  }
0x150: {  	vm14 =	veq.s32 v3, s3;
	v1 =	vadd.f32 v2, v1  }
0x151: {  	v3 =	vld [tilespmem:$0xA050];
	v2 =	vsel vm14, $0x3F800000, v0  }
0x152: {  	vm15 =	veq.s32 v15, s3;
	v1 =	vadd.f32 v2, v1  }
0x153: {  	v17 =	vld [tilespmem:$0xA060];
	v2 =	vsel vm15, $0x3F800000, v0  }
0x154: {  	vm4 =	veq.s32 v16, s3;
	v1 =	vadd.f32 v2, v1  }
0x155: {  	v18 =	vld [tilespmem:$0xA070];
	v2 =	vsel vm4, $0x3F800000, v0  }
0x156: {  	vm5 =	veq.s32 v3, s3;
	v1 =	vadd.f32 v2, v1  }
0x157: {  	v3 =	vld [tilespmem:$0xA080];
	v2 =	vsel vm5, $0x3F800000, v0  }
0x158: {  	vm6 =	veq.s32 v17, s3;
	v1 =	vadd.f32 v2, v1  }
0x159: {  	v19 =	vld [tilespmem:$0xA090];
	v2 =	vsel vm6, $0x3F800000, v0  }
0x15a: {  	vm7 =	veq.s32 v18, s3;
	v1 =	vadd.f32 v2, v1  }
0x15b: {  	v20 =	vld [tilespmem:$0xA0A0];
	v2 =	vsel vm7, $0x3F800000, v0  }
0x15c: {  	vm8 =	veq.s32 v3, s3;
	v1 =	vadd.f32 v2, v1  }
0x15d: {  	v3 =	vld [tilespmem:$0xA0B0];
	v2 =	vsel vm8, $0x3F800000, v0  }
0x15e: {  	vm9 =	veq.s32 v19, s3;
	v1 =	vadd.f32 v2, v1  }
0x15f: {  	v21 =	vld [tilespmem:$0xA0C0];
	v2 =	vsel vm9, $0x3F800000, v0  }
0x160: {  	vm10 =	veq.s32 v20, s3;
	v1 =	vadd.f32 v2, v1  }
0x161: {  	v22 =	vld [tilespmem:$0xA0D0];
	v2 =	vsel vm10, $0x3F800000, v0  }
0x162: {  	vm11 =	veq.s32 v3, s3;
	v1 =	vadd.f32 v2, v1  }
0x163: {  	v3 =	vld [tilespmem:$0xA0E0];
	v2 =	vsel vm11, $0x3F800000, v0  }
0x164: {  	vm12 =	veq.s32 v21, s3;
	v1 =	vadd.f32 v2, v1  }
0x165: {  	v23 =	vld [tilespmem:$0xA0F0];
	v2 =	vsel vm12, $0x3F800000, v0  }
0x166: {  	vm13 =	veq.s32 v22, s3;
	v1 =	vadd.f32 v2, v1  }
0x167: {  	v24 =	vld [tilespmem:$0xA100];
	v2 =	vsel vm13, $0x3F800000, v0  }
0x168: {  	vm14 =	veq.s32 v3, s3;
	v1 =	vadd.f32 v2, v1  }
0x169: {  	v3 =	vld [tilespmem:$0xA110];
	v2 =	vsel vm14, $0x3F800000, v0  }
0x16a: {  	vm15 =	veq.s32 v23, s3;
	v1 =	vadd.f32 v2, v1  }
0x16b: {  	v25 =	vld [tilespmem:$0xA120];
	v2 =	vsel vm15, $0x3F800000, v0  }
0x16c: {  	vm4 =	veq.s32 v24, s3;
	v1 =	vadd.f32 v2, v1  }
0x16d: {  	v26 =	vld [tilespmem:$0xA130];
	v2 =	vsel vm4, $0x3F800000, v0  }
0x16e: {  	vm5 =	veq.s32 v3, s3;
	v1 =	vadd.f32 v2, v1  }
0x16f: {  	v3 =	vld [tilespmem:$0xA140];
	v2 =	vsel vm5, $0x3F800000, v0  }
0x170: {  	vm6 =	veq.s32 v25, s3;
	v1 =	vadd.f32 v2, v1  }
0x171: {  	v27 =	vld [tilespmem:$0xA150];
	v2 =	vsel vm6, $0x3F800000, v0  }
0x172: {  	vm7 =	veq.s32 v26, s3;
	v1 =	vadd.f32 v2, v1  }
0x173: {  	v28 =	vld [tilespmem:$0xA160];
	v2 =	vsel vm7, $0x3F800000, v0  }
0x174: {  	vm8 =	veq.s32 v3, s3;
	v1 =	vadd.f32 v2, v1  }
0x175: {  	v3 =	vld [tilespmem:$0xA170];
	v2 =	vsel vm8, $0x3F800000, v0  }
0x176: {  	vm9 =	veq.s32 v27, s3;
	v1 =	vadd.f32 v2, v1  }
0x177: {  	v29 =	vld [tilespmem:$0xA180];
	v2 =	vsel vm9, $0x3F800000, v0  }
0x178: {  	vm10 =	veq.s32 v28, s3;
	v1 =	vadd.f32 v2, v1  }
0x179: {  	v30 =	vld [tilespmem:$0xA190];
	v2 =	vsel vm10, $0x3F800000, v0  }
0x17a: {  	vm11 =	veq.s32 v3, s3;
	v1 =	vadd.f32 v2, v1  }
0x17b: {  	v3 =	vld [tilespmem:$0xA1A0];
	v2 =	vsel vm11, $0x3F800000, v0  }
0x17c: {  	vm12 =	veq.s32 v29, s3;
	v1 =	vadd.f32 v2, v1  }
0x17d: {  	v31 =	vld [tilespmem:$0xA1B0];
	v2 =	vsel vm12, $0x3F800000, v0  }
0x17e: {  	vm13 =	veq.s32 v30, s3;
	v1 =	vadd.f32 v2, v1  }
0x17f: {  	v32 =	vld [tilespmem:$0xA1C0];
	v2 =	vsel vm13, $0x3F800000, v0  }
0x180: {  	vm14 =	veq.s32 v3, s3;
	v1 =	vadd.f32 v2, v1  }
0x181: {  	v3 =	vld [tilespmem:$0xA1D0];
	v2 =	vsel vm14, $0x3F800000, v0  }
0x182: {  	vm15 =	veq.s32 v31, s3;
	v1 =	vadd.f32 v2, v1  }
0x183: {  	v33 =	vld [tilespmem:$0xA1E0];
	v2 =	vsel vm15, $0x3F800000, v0  }
0x184: {  	vm4 =	veq.s32 v32, s3;
	v1 =	vadd.f32 v2, v1  }
0x185: {  	v34 =	vld [tilespmem:$0xA1F0];
	v2 =	vsel vm4, $0x3F800000, v0  }
0x186: {  	vm5 =	veq.s32 v3, s3;
	v1 =	vadd.f32 v2, v1  }
0x187: {  	v3 =	vld [tilespmem:$0xA200];
	v2 =	vsel vm5, $0x3F800000, v0  }
0x188: {  	vm6 =	veq.s32 v33, s3;
	v1 =	vadd.f32 v2, v1  }
0x189: {  	v35 =	vld [tilespmem:$0xA210];
	v2 =	vsel vm6, $0x3F800000, v0  }
0x18a: {  	vm7 =	veq.s32 v34, s3;
	v1 =	vadd.f32 v2, v1  }
0x18b: {  	v36 =	vld [tilespmem:$0xA220];
	v2 =	vsel vm7, $0x3F800000, v0  }
0x18c: {  	vm8 =	veq.s32 v3, s3;
	v1 =	vadd.f32 v2, v1  }
0x18d: {  	v3 =	vld [tilespmem:$0xA230];
	v2 =	vsel vm8, $0x3F800000, v0  }
0x18e: {  	vm9 =	veq.s32 v35, s3;
	v1 =	vadd.f32 v2, v1  }
0x18f: {  	v37 =	vld [tilespmem:$0xA240];
	v2 =	vsel vm9, $0x3F800000, v0  }
0x190: {  	vm10 =	veq.s32 v36, s3;
	v1 =	vadd.f32 v2, v1  }
0x191: {  	v38 =	vld [tilespmem:$0xA250];
	v2 =	vsel vm10, $0x3F800000, v0  }
0x192: {  	vm11 =	veq.s32 v3, s3;
	v1 =	vadd.f32 v2, v1  }
0x193: {  	v3 =	vld [tilespmem:$0xA260];
	v2 =	vsel vm11, $0x3F800000, v0  }
0x194: {  	vm12 =	veq.s32 v37, s3;
	v1 =	vadd.f32 v2, v1  }
0x195: {  	v39 =	vld [tilespmem:$0xA270];
	v2 =	vsel vm12, $0x3F800000, v0  }
0x196: {  	vm13 =	veq.s32 v38, s3;
	v1 =	vadd.f32 v2, v1  }
0x197: {  	v40 =	vld [tilespmem:$0xA280];
	v2 =	vsel vm13, $0x3F800000, v0  }
0x198: {  	vm14 =	veq.s32 v3, s3;
	v1 =	vadd.f32 v2, v1  }
0x199: {  	v3 =	vld [tilespmem:$0xA290];
	v2 =	vsel vm14, $0x3F800000, v0  }
0x19a: {  	vm15 =	veq.s32 v39, s3;
	v1 =	vadd.f32 v2, v1  }
0x19b: {  	v41 =	vld [tilespmem:$0xA2A0];
	v2 =	vsel vm15, $0x3F800000, v0  }
0x19c: {  	vm4 =	veq.s32 v40, s3;
	v1 =	vadd.f32 v2, v1  }
0x19d: {  	v42 =	vld [tilespmem:$0xA2B0];
	v2 =	vsel vm4, $0x3F800000, v0  }
0x19e: {  	vm5 =	veq.s32 v3, s3;
	v1 =	vadd.f32 v2, v1  }
0x19f: {  	v3 =	vld [tilespmem:$0xA2C0];
	v2 =	vsel vm5, $0x3F800000, v0  }
0x1a0: {  	vm6 =	veq.s32 v41, s3;
	v1 =	vadd.f32 v2, v1  }
0x1a1: {  	v43 =	vld [tilespmem:$0xA2D0];
	v2 =	vsel vm6, $0x3F800000, v0  }
0x1a2: {  	vm7 =	veq.s32 v42, s3;
	v1 =	vadd.f32 v2, v1  }
0x1a3: {  	v44 =	vld [tilespmem:$0xA2E0];
	v2 =	vsel vm7, $0x3F800000, v0  }
0x1a4: {  	vm8 =	veq.s32 v3, s3;
	v1 =	vadd.f32 v2, v1  }
0x1a5: {  	v3 =	vld [tilespmem:$0xA2F0];
	v2 =	vsel vm8, $0x3F800000, v0  }
0x1a6: {  	[tilespmem:$0xA500] =	vst v0;
	vm9 =	veq.s32 v43, s3;
	v1 =	vadd.f32 v2, v1  }
0x1a7: {  	[tilespmem:$0xA580] =	vst v0;
	v45 =	vld [tilespmem:$0xA300];
	v2 =	vsel vm9, $0x3F800000, v0  }
0x1a8: {  	[tilespmem:$0xA600] =	vst v0;
	vm10 =	veq.s32 v44, s3;
	v1 =	vadd.f32 v2, v1  }
0x1a9: {  	[tilespmem:$0xA680] =	vst v0;
	v46 =	vld [tilespmem:$0xA310];
	v2 =	vsel vm10, $0x3F800000, v0  }
0x1aa: {  	[tilespmem:$0xA700] =	vst v0;
	vm11 =	veq.s32 v3, s3;
	v1 =	vadd.f32 v2, v1  }
0x1ab: {  	[tilespmem:$0xA780] =	vst v0;
	v3 =	vld [tilespmem:$0xA320];
	v2 =	vsel vm11, $0x3F800000, v0  }
0x1ac: {  	[tilespmem:$0xA800] =	vst v0;
	vm12 =	veq.s32 v45, s3;
	v1 =	vadd.f32 v2, v1  }
0x1ad: {  	[tilespmem:$0xA880] =	vst v0;
	v47 =	vld [tilespmem:$0xA330];
	v2 =	vsel vm12, $0x3F800000, v0  }
0x1ae: {  	[tilespmem:$0xA900] =	vst v0;
	vm13 =	veq.s32 v46, s3;
	v1 =	vadd.f32 v2, v1  }
0x1af: {  	[tilespmem:$0xA980] =	vst v0;
	v48 =	vld [tilespmem:$0xA340];
	v2 =	vsel vm13, $0x3F800000, v0  }
0x1b0: {  	[tilespmem:$0xAA00] =	vst v0;
	vm14 =	veq.s32 v3, s3;
	v1 =	vadd.f32 v2, v1  }
0x1b1: {  	[tilespmem:$0xAA80] =	vst v0;
	v3 =	vld [tilespmem:$0xA350];
	v2 =	vsel vm14, $0x3F800000, v0  }
0x1b2: {  	[tilespmem:$0xAB00] =	vst v0;
	vm15 =	veq.s32 v47, s3;
	v1 =	vadd.f32 v2, v1  }
0x1b3: {  	[tilespmem:$0xAB80] =	vst v0;
	v49 =	vld [tilespmem:$0xA360];
	v2 =	vsel vm15, $0x3F800000, v0  }
0x1b4: {  	[tilespmem:$0xAC00] =	vst v0;
	vm4 =	veq.s32 v48, s3;
	v1 =	vadd.f32 v2, v1  }
0x1b5: {  	[tilespmem:$0xAC80] =	vst v0;
	v50 =	vld [tilespmem:$0xA370];
	v2 =	vsel vm4, $0x3F800000, v0  }
0x1b6: {  	[tilespmem:$0xAD00] =	vst v0;
	vm5 =	veq.s32 v3, s3;
	v1 =	vadd.f32 v2, v1  }
0x1b7: {  	[tilespmem:$0xAD80] =	vst v0;
	v3 =	vld [tilespmem:$0xA380];
	v2 =	vsel vm5, $0x3F800000, v0  }
0x1b8: {  	[tilespmem:$0xAE00] =	vst v0;
	vm6 =	veq.s32 v49, s3;
	v1 =	vadd.f32 v2, v1  }
0x1b9: {  	[tilespmem:$0xAE80] =	vst v0;
	v51 =	vld [tilespmem:$0xA390];
	v2 =	vsel vm6, $0x3F800000, v0  }
0x1ba: {  	[tilespmem:$0xAF00] =	vst v0;
	vm7 =	veq.s32 v50, s3;
	v1 =	vadd.f32 v2, v1  }
0x1bb: {  	[tilespmem:$0xAF80] =	vst v0;
	v52 =	vld [tilespmem:$0xA3A0];
	v2 =	vsel vm7, $0x3F800000, v0  }
0x1bc: {  	[tilespmem:$0xB000] =	vst v0;
	vm8 =	veq.s32 v3, s3;
	v1 =	vadd.f32 v2, v1  }
0x1bd: {  	[tilespmem:$0xB080] =	vst v0;
	v3 =	vld [tilespmem:$0xA3B0];
	v2 =	vsel vm8, $0x3F800000, v0  }
0x1be: {  	[tilespmem:$0xB100] =	vst v0;
	vm9 =	veq.s32 v51, s3;
	v1 =	vadd.f32 v2, v1  }
0x1bf: {  	[tilespmem:$0xB180] =	vst v0;
	v53 =	vld [tilespmem:$0xA3C0];
	v2 =	vsel vm9, $0x3F800000, v0  }
0x1c0: {  	[tilespmem:$0xB200] =	vst v0;
	vm10 =	veq.s32 v52, s3;
	v1 =	vadd.f32 v2, v1  }
0x1c1: {  	[tilespmem:$0xB280] =	vst v0;
	v54 =	vld [tilespmem:$0xA3D0];
	v2 =	vsel vm10, $0x3F800000, v0  }
0x1c2: {  	[tilespmem:$0xB300] =	vst v0;
	vm11 =	veq.s32 v3, s3;
	v1 =	vadd.f32 v2, v1  }
0x1c3: {  	[tilespmem:$0xB380] =	vst v0;
	v3 =	vld [tilespmem:$0xA3E0];
	v2 =	vsel vm11, $0x3F800000, v0  }
0x1c4: {  	[tilespmem:$0xB400] =	vst v0;
	vm12 =	veq.s32 v53, s3;
	v1 =	vadd.f32 v2, v1  }
0x1c5: {  	[tilespmem:$0xB480] =	vst v0;
	v55 =	vld [tilespmem:$0xA3F0];
	v2 =	vsel vm12, $0x3F800000, v0  }
0x1c6: {  	[tilespmem:$0xB500] =	vst v0;
	vm13 =	veq.s32 v54, s3;
	v1 =	vadd.f32 v2, v1  }
0x1c7: {  	[tilespmem:$0xB580] =	vst v0;
	v56 =	vld [tilespmem:$0xA400];
	v2 =	vsel vm13, $0x3F800000, v0  }
0x1c8: {  	[tilespmem:$0xB600] =	vst v0;
	vm14 =	veq.s32 v3, s3;
	v1 =	vadd.f32 v2, v1  }
0x1c9: {  	[tilespmem:$0xB680] =	vst v0;
	v3 =	vld [tilespmem:$0xA410];
	v2 =	vsel vm14, $0x3F800000, v0  }
0x1ca: {  	[tilespmem:$0xB700] =	vst v0;
	vm15 =	veq.s32 v55, s3;
	v1 =	vadd.f32 v2, v1  }
0x1cb: {  	[tilespmem:$0xB780] =	vst v0;
	v57 =	vld [tilespmem:$0xA420];
	v2 =	vsel vm15, $0x3F800000, v0  }
0x1cc: {  	[tilespmem:$0xB800] =	vst v0;
	vm4 =	veq.s32 v56, s3;
	v1 =	vadd.f32 v2, v1  }
0x1cd: {  	[tilespmem:$0xB880] =	vst v0;
	v58 =	vld [tilespmem:$0xA430];
	v2 =	vsel vm4, $0x3F800000, v0  }
0x1ce: {  	[tilespmem:$0xB900] =	vst v0;
	vm5 =	veq.s32 v3, s3;
	v1 =	vadd.f32 v2, v1  }
0x1cf: {  	[tilespmem:$0xB980] =	vst v0;
	v3 =	vld [tilespmem:$0xA440];
	v2 =	vsel vm5, $0x3F800000, v0  }
0x1d0: {  	[tilespmem:$0xBA00] =	vst v0;
	vm6 =	veq.s32 v57, s3;
	v1 =	vadd.f32 v2, v1  }
0x1d1: {  	[tilespmem:$0xBA80] =	vst v0;
	v59 =	vld [tilespmem:$0xA450];
	v2 =	vsel vm6, $0x3F800000, v0  }
0x1d2: {  	[tilespmem:$0xBB00] =	vst v0;
	vm7 =	veq.s32 v58, s3;
	v1 =	vadd.f32 v2, v1  }
0x1d3: {  	[tilespmem:$0xBB80] =	vst v0;
	v60 =	vld [tilespmem:$0xA460];
	v2 =	vsel vm7, $0x3F800000, v0  }
0x1d4: {  	[tilespmem:$0xBC00] =	vst v0;
	vm8 =	veq.s32 v3, s3;
	v1 =	vadd.f32 v2, v1  }
0x1d5: {  	[tilespmem:$0xBC80] =	vst v0;
	v3 =	vld [tilespmem:$0xA470];
	v2 =	vsel vm8, $0x3F800000, v0  }
0x1d6: {  	[tilespmem:$0xBD00] =	vst v0;
	vm9 =	veq.s32 v59, s3;
	v1 =	vadd.f32 v2, v1  }
0x1d7: {  	[tilespmem:$0xBD80] =	vst v0;
	v61 =	vld [tilespmem:$0xA480];
	v2 =	vsel vm9, $0x3F800000, v0  }
0x1d8: {  	[tilespmem:$0xBE00] =	vst v0;
	vm10 =	veq.s32 v60, s3;
	v1 =	vadd.f32 v2, v1  }
0x1d9: {  	[tilespmem:$0xBE80] =	vst v0;
	v62 =	vld [tilespmem:$0xA490];
	v2 =	vsel vm10, $0x3F800000, v0  }
0x1da: {  	[tilespmem:$0xBF00] =	vst v0;
	vm11 =	veq.s32 v3, s3;
	v1 =	vadd.f32 v2, v1  }
0x1db: {  	[tilespmem:$0xBF80] =	vst v0;
	v3 =	vld [tilespmem:$0xA4A0];
	v2 =	vsel vm11, $0x3F800000, v0  }
0x1dc: {  	[tilespmem:$0xC000] =	vst v0;
	vm12 =	veq.s32 v61, s3;
	v1 =	vadd.f32 v2, v1  }
0x1dd: {  	[tilespmem:$0xC080] =	vst v0;
	v63 =	vld [tilespmem:$0xA4B0];
	v2 =	vsel vm12, $0x3F800000, v0  }
0x1de: {  	[tilespmem:$0xC100] =	vst v0;
	vm13 =	veq.s32 v62, s3;
	v1 =	vadd.f32 v2, v1  }
0x1df: {  	[tilespmem:$0xC180] =	vst v0;
	v2 =	vsel vm13, $0x3F800000, v0  }
0x1e0: {  	[tilespmem:$0xC200] =	vst v0;
	vm14 =	veq.s32 v3, s3;
	v1 =	vadd.f32 v2, v1  }
0x1e1: {  	[tilespmem:$0xC280] =	vst v0;
	v2 =	vsel vm14, $0x3F800000, v0  }
0x1e2: {  	[tilespmem:$0xC300] =	vst v0;
	vm15 =	veq.s32 v63, s3;
	v1 =	vadd.f32 v2, v1  }
0x1e3: {  	[tilespmem:$0xC380] =	vst v0;
	v2 =	vsel vm15, $0x3F800000, v0  }
0x1e4: {  	[tilespmem:$0xC400] =	vst v0;
	v1 =	vadd.f32 v2, v1  }
0x1e5: {  	[tilespmem:$0xC480] =	vst v0  }
0x1e6: {  	[tilespmem:s18+$0x0] =	vst v1  }
0x1e7: {  	v1 =	vld [tilespmem:$0x9880]  }
0x1e8: {  	s24 =	simm.s32 $0x1;
	s25 =	simm.s32 $0x2;
	s23 =	simm.s32 $0xA500;
	v2 =	vld [tilespmem:$0x9890]  }
.LBB2_2:
0x1e9: {  	p1 =	sne.s32 s25, $0x3F  }
0x1ea: {  	v3 =	vld [tilespmem:$0x98A0];
	_ =	sdelay $0x1  }
0x1eb: {  	v4 =	vld [tilespmem:$0x98B0]  }
0x1ec: {  	vm0 =	veq.s32 v1, s24;
	vm1 =	veq.s32 v2, s24  }
0x1ed: {  	v1 =	vsel vm0, $0x3F800000, v0;
	v2 =	vsel vm1, $0x3F800000, v0;
	v5 =	vld [tilespmem:$0x98C0]  }
0x1ee: {  	v1 =	vadd.f32 v2, v1;
	vm0 =	veq.s32 v3, s24  }
0x1ef: {  	v2 =	vsel vm0, $0x3F800000, v0;
	v3 =	vld [tilespmem:$0x98D0]  }
0x1f0: {  	v1 =	vadd.f32 v2, v1;
	vm0 =	veq.s32 v4, s24  }
0x1f1: {  	v2 =	vsel vm0, $0x3F800000, v0;
	v4 =	vld [tilespmem:$0x98E0]  }
0x1f2: {  	v1 =	vadd.f32 v2, v1;
	vm0 =	veq.s32 v5, s24  }
0x1f3: {  	v2 =	vsel vm0, $0x3F800000, v0;
	v5 =	vld [tilespmem:$0x98F0]  }
0x1f4: {  	v1 =	vadd.f32 v2, v1;
	vm0 =	veq.s32 v3, s24  }
0x1f5: {  	v2 =	vsel vm0, $0x3F800000, v0;
	v3 =	vld [tilespmem:$0x9900]  }
0x1f6: {  	v1 =	vadd.f32 v2, v1;
	vm0 =	veq.s32 v4, s24  }
0x1f7: {  	v2 =	vsel vm0, $0x3F800000, v0;
	v4 =	vld [tilespmem:$0x9910]  }
0x1f8: {  	v1 =	vadd.f32 v2, v1;
	vm0 =	veq.s32 v5, s24  }
0x1f9: {  	v2 =	vsel vm0, $0x3F800000, v0;
	v5 =	vld [tilespmem:$0x9920]  }
0x1fa: {  	v1 =	vadd.f32 v2, v1;
	vm0 =	veq.s32 v3, s24  }
0x1fb: {  	v2 =	vsel vm0, $0x3F800000, v0;
	v3 =	vld [tilespmem:$0x9930]  }
0x1fc: {  	v1 =	vadd.f32 v2, v1;
	vm0 =	veq.s32 v4, s24  }
0x1fd: {  	v2 =	vsel vm0, $0x3F800000, v0;
	v4 =	vld [tilespmem:$0x9940]  }
0x1fe: {  	v1 =	vadd.f32 v2, v1;
	vm0 =	veq.s32 v5, s24  }
0x1ff: {  	v2 =	vsel vm0, $0x3F800000, v0;
	v5 =	vld [tilespmem:$0x9950]  }
0x200: {  	v1 =	vadd.f32 v2, v1;
	vm0 =	veq.s32 v3, s24  }
0x201: {  	v2 =	vsel vm0, $0x3F800000, v0;
	v3 =	vld [tilespmem:$0x9960]  }
0x202: {  	v1 =	vadd.f32 v2, v1;
	vm0 =	veq.s32 v4, s24  }
0x203: {  	v2 =	vsel vm0, $0x3F800000, v0;
	v4 =	vld [tilespmem:$0x9970]  }
0x204: {  	v1 =	vadd.f32 v2, v1;
	vm0 =	veq.s32 v5, s24  }
0x205: {  	v2 =	vsel vm0, $0x3F800000, v0;
	v5 =	vld [tilespmem:$0x9980]  }
0x206: {  	v1 =	vadd.f32 v2, v1;
	vm0 =	veq.s32 v3, s24  }
0x207: {  	v2 =	vsel vm0, $0x3F800000, v0;
	v3 =	vld [tilespmem:$0x9990]  }
0x208: {  	v1 =	vadd.f32 v2, v1;
	vm0 =	veq.s32 v4, s24  }
0x209: {  	v2 =	vsel vm0, $0x3F800000, v0;
	v4 =	vld [tilespmem:$0x99A0]  }
0x20a: {  	v1 =	vadd.f32 v2, v1;
	vm0 =	veq.s32 v5, s24  }
0x20b: {  	v2 =	vsel vm0, $0x3F800000, v0;
	v5 =	vld [tilespmem:$0x99B0]  }
0x20c: {  	v1 =	vadd.f32 v2, v1;
	vm0 =	veq.s32 v3, s24  }
0x20d: {  	v2 =	vsel vm0, $0x3F800000, v0;
	v3 =	vld [tilespmem:$0x99C0]  }
0x20e: {  	v1 =	vadd.f32 v2, v1;
	vm0 =	veq.s32 v4, s24  }
0x20f: {  	v2 =	vsel vm0, $0x3F800000, v0;
	v4 =	vld [tilespmem:$0x99D0]  }
0x210: {  	v1 =	vadd.f32 v2, v1;
	vm0 =	veq.s32 v5, s24  }
0x211: {  	v2 =	vsel vm0, $0x3F800000, v0;
	v5 =	vld [tilespmem:$0x99E0]  }
0x212: {  	v1 =	vadd.f32 v2, v1;
	vm0 =	veq.s32 v3, s24  }
0x213: {  	v2 =	vsel vm0, $0x3F800000, v0;
	v3 =	vld [tilespmem:$0x99F0]  }
0x214: {  	v1 =	vadd.f32 v2, v1;
	vm0 =	veq.s32 v4, s24  }
0x215: {  	v2 =	vsel vm0, $0x3F800000, v0;
	v4 =	vld [tilespmem:$0x9A00]  }
0x216: {  	v1 =	vadd.f32 v2, v1;
	vm0 =	veq.s32 v5, s24  }
0x217: {  	v2 =	vsel vm0, $0x3F800000, v0;
	v5 =	vld [tilespmem:$0x9A10]  }
0x218: {  	v1 =	vadd.f32 v2, v1;
	vm0 =	veq.s32 v3, s24  }
0x219: {  	v2 =	vsel vm0, $0x3F800000, v0;
	v3 =	vld [tilespmem:$0x9A20]  }
0x21a: {  	v1 =	vadd.f32 v2, v1;
	vm0 =	veq.s32 v4, s24  }
0x21b: {  	v2 =	vsel vm0, $0x3F800000, v0;
	v4 =	vld [tilespmem:$0x9A30]  }
0x21c: {  	v1 =	vadd.f32 v2, v1;
	vm0 =	veq.s32 v5, s24  }
0x21d: {  	v2 =	vsel vm0, $0x3F800000, v0;
	v5 =	vld [tilespmem:$0x9A40]  }
0x21e: {  	v1 =	vadd.f32 v2, v1;
	vm0 =	veq.s32 v3, s24  }
0x21f: {  	v2 =	vsel vm0, $0x3F800000, v0;
	v3 =	vld [tilespmem:$0x9A50]  }
0x220: {  	v1 =	vadd.f32 v2, v1;
	vm0 =	veq.s32 v4, s24  }
0x221: {  	v2 =	vsel vm0, $0x3F800000, v0;
	v4 =	vld [tilespmem:$0x9A60]  }
0x222: {  	v1 =	vadd.f32 v2, v1;
	vm0 =	veq.s32 v5, s24  }
0x223: {  	v2 =	vsel vm0, $0x3F800000, v0;
	v5 =	vld [tilespmem:$0x9A70]  }
0x224: {  	v1 =	vadd.f32 v2, v1;
	vm0 =	veq.s32 v3, s24  }
0x225: {  	v2 =	vsel vm0, $0x3F800000, v0;
	v3 =	vld [tilespmem:$0x9A80]  }
0x226: {  	v1 =	vadd.f32 v2, v1;
	vm0 =	veq.s32 v4, s24  }
0x227: {  	v2 =	vsel vm0, $0x3F800000, v0;
	v4 =	vld [tilespmem:$0x9A90]  }
0x228: {  	v1 =	vadd.f32 v2, v1;
	vm0 =	veq.s32 v5, s24  }
0x229: {  	v2 =	vsel vm0, $0x3F800000, v0;
	v5 =	vld [tilespmem:$0x9AA0]  }
0x22a: {  	v1 =	vadd.f32 v2, v1;
	vm0 =	veq.s32 v3, s24  }
0x22b: {  	v2 =	vsel vm0, $0x3F800000, v0;
	v3 =	vld [tilespmem:$0x9AB0]  }
0x22c: {  	v1 =	vadd.f32 v2, v1;
	vm0 =	veq.s32 v4, s24  }
0x22d: {  	v2 =	vsel vm0, $0x3F800000, v0;
	v4 =	vld [tilespmem:$0x9AC0]  }
0x22e: {  	v1 =	vadd.f32 v2, v1;
	vm0 =	veq.s32 v5, s24  }
0x22f: {  	v2 =	vsel vm0, $0x3F800000, v0;
	v5 =	vld [tilespmem:$0x9AD0]  }
0x230: {  	v1 =	vadd.f32 v2, v1;
	vm0 =	veq.s32 v3, s24  }
0x231: {  	v2 =	vsel vm0, $0x3F800000, v0;
	v3 =	vld [tilespmem:$0x9AE0]  }
0x232: {  	v1 =	vadd.f32 v2, v1;
	vm0 =	veq.s32 v4, s24  }
0x233: {  	v2 =	vsel vm0, $0x3F800000, v0;
	v4 =	vld [tilespmem:$0x9AF0]  }
0x234: {  	v1 =	vadd.f32 v2, v1;
	vm0 =	veq.s32 v5, s24  }
0x235: {  	v2 =	vsel vm0, $0x3F800000, v0;
	v5 =	vld [tilespmem:$0x9B00]  }
0x236: {  	v1 =	vadd.f32 v2, v1;
	vm0 =	veq.s32 v3, s24  }
0x237: {  	v2 =	vsel vm0, $0x3F800000, v0;
	v3 =	vld [tilespmem:$0x9B10]  }
0x238: {  	v1 =	vadd.f32 v2, v1;
	vm0 =	veq.s32 v4, s24  }
0x239: {  	v2 =	vsel vm0, $0x3F800000, v0;
	v4 =	vld [tilespmem:$0x9B20]  }
0x23a: {  	v1 =	vadd.f32 v2, v1;
	vm0 =	veq.s32 v5, s24  }
0x23b: {  	v2 =	vsel vm0, $0x3F800000, v0;
	v5 =	vld [tilespmem:$0x9B30]  }
0x23c: {  	v1 =	vadd.f32 v2, v1;
	vm0 =	veq.s32 v3, s24  }
0x23d: {  	v2 =	vsel vm0, $0x3F800000, v0;
	v3 =	vld [tilespmem:$0x9B40]  }
0x23e: {  	v1 =	vadd.f32 v2, v1;
	vm0 =	veq.s32 v4, s24  }
0x23f: {  	v2 =	vsel vm0, $0x3F800000, v0;
	v4 =	vld [tilespmem:$0x9B50]  }
0x240: {  	v1 =	vadd.f32 v2, v1;
	vm0 =	veq.s32 v5, s24  }
0x241: {  	v2 =	vsel vm0, $0x3F800000, v0;
	v5 =	vld [tilespmem:$0x9B60]  }
0x242: {  	v1 =	vadd.f32 v2, v1;
	vm0 =	veq.s32 v3, s24  }
0x243: {  	v2 =	vsel vm0, $0x3F800000, v0;
	v3 =	vld [tilespmem:$0x9B70]  }
0x244: {  	v1 =	vadd.f32 v2, v1;
	vm0 =	veq.s32 v4, s24  }
0x245: {  	v2 =	vsel vm0, $0x3F800000, v0;
	v4 =	vld [tilespmem:$0x9B80]  }
0x246: {  	v1 =	vadd.f32 v2, v1;
	vm0 =	veq.s32 v5, s24  }
0x247: {  	v2 =	vsel vm0, $0x3F800000, v0;
	v5 =	vld [tilespmem:$0x9B90]  }
0x248: {  	v1 =	vadd.f32 v2, v1;
	vm0 =	veq.s32 v3, s24  }
0x249: {  	v2 =	vsel vm0, $0x3F800000, v0;
	v3 =	vld [tilespmem:$0x9BA0]  }
0x24a: {  	v1 =	vadd.f32 v2, v1;
	vm0 =	veq.s32 v4, s24  }
0x24b: {  	v2 =	vsel vm0, $0x3F800000, v0;
	v4 =	vld [tilespmem:$0x9BB0]  }
0x24c: {  	v1 =	vadd.f32 v2, v1;
	vm0 =	veq.s32 v5, s24  }
0x24d: {  	v2 =	vsel vm0, $0x3F800000, v0;
	v5 =	vld [tilespmem:$0x9BC0]  }
0x24e: {  	v1 =	vadd.f32 v2, v1;
	vm0 =	veq.s32 v3, s24  }
0x24f: {  	v2 =	vsel vm0, $0x3F800000, v0;
	v3 =	vld [tilespmem:$0x9BD0]  }
0x250: {  	v1 =	vadd.f32 v2, v1;
	vm0 =	veq.s32 v4, s24  }
0x251: {  	v2 =	vsel vm0, $0x3F800000, v0;
	v4 =	vld [tilespmem:$0x9BE0]  }
0x252: {  	v1 =	vadd.f32 v2, v1;
	vm0 =	veq.s32 v5, s24  }
0x253: {  	v2 =	vsel vm0, $0x3F800000, v0;
	v5 =	vld [tilespmem:$0x9BF0]  }
0x254: {  	v1 =	vadd.f32 v2, v1;
	vm0 =	veq.s32 v3, s24  }
0x255: {  	v2 =	vsel vm0, $0x3F800000, v0;
	v3 =	vld [tilespmem:$0x9C00]  }
0x256: {  	v1 =	vadd.f32 v2, v1;
	vm0 =	veq.s32 v4, s24  }
0x257: {  	v2 =	vsel vm0, $0x3F800000, v0;
	v4 =	vld [tilespmem:$0x9C10]  }
0x258: {  	v1 =	vadd.f32 v2, v1;
	vm0 =	veq.s32 v5, s24  }
0x259: {  	v2 =	vsel vm0, $0x3F800000, v0;
	v5 =	vld [tilespmem:$0x9C20]  }
0x25a: {  	v1 =	vadd.f32 v2, v1;
	vm0 =	veq.s32 v3, s24  }
0x25b: {  	v2 =	vsel vm0, $0x3F800000, v0;
	v3 =	vld [tilespmem:$0x9C30]  }
0x25c: {  	v1 =	vadd.f32 v2, v1;
	vm0 =	veq.s32 v4, s24  }
0x25d: {  	v2 =	vsel vm0, $0x3F800000, v0;
	v4 =	vld [tilespmem:$0x9C40]  }
0x25e: {  	v1 =	vadd.f32 v2, v1;
	vm0 =	veq.s32 v5, s24  }
0x25f: {  	v2 =	vsel vm0, $0x3F800000, v0;
	v5 =	vld [tilespmem:$0x9C50]  }
0x260: {  	v1 =	vadd.f32 v2, v1;
	vm0 =	veq.s32 v3, s24  }
0x261: {  	v2 =	vsel vm0, $0x3F800000, v0;
	v3 =	vld [tilespmem:$0x9C60]  }
0x262: {  	v1 =	vadd.f32 v2, v1;
	vm0 =	veq.s32 v4, s24  }
0x263: {  	v2 =	vsel vm0, $0x3F800000, v0;
	v4 =	vld [tilespmem:$0x9C70]  }
0x264: {  	v1 =	vadd.f32 v2, v1;
	vm0 =	veq.s32 v5, s24  }
0x265: {  	v2 =	vsel vm0, $0x3F800000, v0;
	v5 =	vld [tilespmem:$0x9C80]  }
0x266: {  	v1 =	vadd.f32 v2, v1;
	vm0 =	veq.s32 v3, s24  }
0x267: {  	v2 =	vsel vm0, $0x3F800000, v0;
	v3 =	vld [tilespmem:$0x9C90]  }
0x268: {  	v1 =	vadd.f32 v2, v1;
	vm0 =	veq.s32 v4, s24  }
0x269: {  	v2 =	vsel vm0, $0x3F800000, v0;
	v4 =	vld [tilespmem:$0x9CA0]  }
0x26a: {  	v1 =	vadd.f32 v2, v1;
	vm0 =	veq.s32 v5, s24  }
0x26b: {  	v2 =	vsel vm0, $0x3F800000, v0;
	v5 =	vld [tilespmem:$0x9CB0]  }
0x26c: {  	v1 =	vadd.f32 v2, v1;
	vm0 =	veq.s32 v3, s24  }
0x26d: {  	v2 =	vsel vm0, $0x3F800000, v0;
	v3 =	vld [tilespmem:$0x9CC0]  }
0x26e: {  	v1 =	vadd.f32 v2, v1;
	vm0 =	veq.s32 v4, s24  }
0x26f: {  	v2 =	vsel vm0, $0x3F800000, v0;
	v4 =	vld [tilespmem:$0x9CD0]  }
0x270: {  	v1 =	vadd.f32 v2, v1;
	vm0 =	veq.s32 v5, s24  }
0x271: {  	v2 =	vsel vm0, $0x3F800000, v0;
	v5 =	vld [tilespmem:$0x9CE0]  }
0x272: {  	v1 =	vadd.f32 v2, v1;
	vm0 =	veq.s32 v3, s24  }
0x273: {  	v2 =	vsel vm0, $0x3F800000, v0;
	v3 =	vld [tilespmem:$0x9CF0]  }
0x274: {  	v1 =	vadd.f32 v2, v1;
	vm0 =	veq.s32 v4, s24  }
0x275: {  	v2 =	vsel vm0, $0x3F800000, v0;
	v4 =	vld [tilespmem:$0x9D00]  }
0x276: {  	v1 =	vadd.f32 v2, v1;
	vm0 =	veq.s32 v5, s24  }
0x277: {  	v2 =	vsel vm0, $0x3F800000, v0;
	v5 =	vld [tilespmem:$0x9D10]  }
0x278: {  	v1 =	vadd.f32 v2, v1;
	vm0 =	veq.s32 v3, s24  }
0x279: {  	v2 =	vsel vm0, $0x3F800000, v0;
	v3 =	vld [tilespmem:$0x9D20]  }
0x27a: {  	v1 =	vadd.f32 v2, v1;
	vm0 =	veq.s32 v4, s24  }
0x27b: {  	v2 =	vsel vm0, $0x3F800000, v0;
	v4 =	vld [tilespmem:$0x9D30]  }
0x27c: {  	v1 =	vadd.f32 v2, v1;
	vm0 =	veq.s32 v5, s24  }
0x27d: {  	v2 =	vsel vm0, $0x3F800000, v0;
	v5 =	vld [tilespmem:$0x9D40]  }
0x27e: {  	v1 =	vadd.f32 v2, v1;
	vm0 =	veq.s32 v3, s24  }
0x27f: {  	v2 =	vsel vm0, $0x3F800000, v0;
	v3 =	vld [tilespmem:$0x9D50]  }
0x280: {  	v1 =	vadd.f32 v2, v1;
	vm0 =	veq.s32 v4, s24  }
0x281: {  	v2 =	vsel vm0, $0x3F800000, v0;
	v4 =	vld [tilespmem:$0x9D60]  }
0x282: {  	v1 =	vadd.f32 v2, v1;
	vm0 =	veq.s32 v5, s24  }
0x283: {  	v2 =	vsel vm0, $0x3F800000, v0;
	v5 =	vld [tilespmem:$0x9D70]  }
0x284: {  	v1 =	vadd.f32 v2, v1;
	vm0 =	veq.s32 v3, s24  }
0x285: {  	v2 =	vsel vm0, $0x3F800000, v0;
	v3 =	vld [tilespmem:$0x9D80]  }
0x286: {  	v1 =	vadd.f32 v2, v1;
	vm0 =	veq.s32 v4, s24  }
0x287: {  	v2 =	vsel vm0, $0x3F800000, v0;
	v4 =	vld [tilespmem:$0x9D90]  }
0x288: {  	v1 =	vadd.f32 v2, v1;
	vm0 =	veq.s32 v5, s24  }
0x289: {  	v2 =	vsel vm0, $0x3F800000, v0;
	v5 =	vld [tilespmem:$0x9DA0]  }
0x28a: {  	v1 =	vadd.f32 v2, v1;
	vm0 =	veq.s32 v3, s24  }
0x28b: {  	v2 =	vsel vm0, $0x3F800000, v0;
	v3 =	vld [tilespmem:$0x9DB0]  }
0x28c: {  	v1 =	vadd.f32 v2, v1;
	vm0 =	veq.s32 v4, s24  }
0x28d: {  	v2 =	vsel vm0, $0x3F800000, v0;
	v4 =	vld [tilespmem:$0x9DC0]  }
0x28e: {  	v1 =	vadd.f32 v2, v1;
	vm0 =	veq.s32 v5, s24  }
0x28f: {  	v2 =	vsel vm0, $0x3F800000, v0;
	v5 =	vld [tilespmem:$0x9DD0]  }
0x290: {  	v1 =	vadd.f32 v2, v1;
	vm0 =	veq.s32 v3, s24  }
0x291: {  	v2 =	vsel vm0, $0x3F800000, v0;
	v3 =	vld [tilespmem:$0x9DE0]  }
0x292: {  	v1 =	vadd.f32 v2, v1;
	vm0 =	veq.s32 v4, s24  }
0x293: {  	v2 =	vsel vm0, $0x3F800000, v0;
	v4 =	vld [tilespmem:$0x9DF0]  }
0x294: {  	v1 =	vadd.f32 v2, v1;
	vm0 =	veq.s32 v5, s24  }
0x295: {  	v2 =	vsel vm0, $0x3F800000, v0;
	v5 =	vld [tilespmem:$0x9E00]  }
0x296: {  	v1 =	vadd.f32 v2, v1;
	vm0 =	veq.s32 v3, s24  }
0x297: {  	v2 =	vsel vm0, $0x3F800000, v0;
	v3 =	vld [tilespmem:$0x9E10]  }
0x298: {  	v1 =	vadd.f32 v2, v1;
	vm0 =	veq.s32 v4, s24  }
0x299: {  	v2 =	vsel vm0, $0x3F800000, v0;
	v4 =	vld [tilespmem:$0x9E20]  }
0x29a: {  	v1 =	vadd.f32 v2, v1;
	vm0 =	veq.s32 v5, s24  }
0x29b: {  	v2 =	vsel vm0, $0x3F800000, v0;
	v5 =	vld [tilespmem:$0x9E30]  }
0x29c: {  	v1 =	vadd.f32 v2, v1;
	vm0 =	veq.s32 v3, s24  }
0x29d: {  	v2 =	vsel vm0, $0x3F800000, v0;
	v3 =	vld [tilespmem:$0x9E40]  }
0x29e: {  	v1 =	vadd.f32 v2, v1;
	vm0 =	veq.s32 v4, s24  }
0x29f: {  	v2 =	vsel vm0, $0x3F800000, v0;
	v4 =	vld [tilespmem:$0x9E50]  }
0x2a0: {  	v1 =	vadd.f32 v2, v1;
	vm0 =	veq.s32 v5, s24  }
0x2a1: {  	v2 =	vsel vm0, $0x3F800000, v0;
	v5 =	vld [tilespmem:$0x9E60]  }
0x2a2: {  	v1 =	vadd.f32 v2, v1;
	vm0 =	veq.s32 v3, s24  }
0x2a3: {  	v2 =	vsel vm0, $0x3F800000, v0;
	v3 =	vld [tilespmem:$0x9E70]  }
0x2a4: {  	v1 =	vadd.f32 v2, v1;
	vm0 =	veq.s32 v4, s24  }
0x2a5: {  	v2 =	vsel vm0, $0x3F800000, v0;
	v4 =	vld [tilespmem:$0x9E80]  }
0x2a6: {  	v1 =	vadd.f32 v2, v1;
	vm0 =	veq.s32 v5, s24  }
0x2a7: {  	v2 =	vsel vm0, $0x3F800000, v0;
	v5 =	vld [tilespmem:$0x9E90]  }
0x2a8: {  	v1 =	vadd.f32 v2, v1;
	vm0 =	veq.s32 v3, s24  }
0x2a9: {  	v2 =	vsel vm0, $0x3F800000, v0;
	v3 =	vld [tilespmem:$0x9EA0]  }
0x2aa: {  	v1 =	vadd.f32 v2, v1;
	vm0 =	veq.s32 v4, s24  }
0x2ab: {  	v2 =	vsel vm0, $0x3F800000, v0;
	v4 =	vld [tilespmem:$0x9EB0]  }
0x2ac: {  	v1 =	vadd.f32 v2, v1;
	vm0 =	veq.s32 v5, s24  }
0x2ad: {  	v2 =	vsel vm0, $0x3F800000, v0;
	v5 =	vld [tilespmem:$0x9EC0]  }
0x2ae: {  	v1 =	vadd.f32 v2, v1;
	vm0 =	veq.s32 v3, s24  }
0x2af: {  	v2 =	vsel vm0, $0x3F800000, v0;
	v3 =	vld [tilespmem:$0x9ED0]  }
0x2b0: {  	v1 =	vadd.f32 v2, v1;
	vm0 =	veq.s32 v4, s24  }
0x2b1: {  	v2 =	vsel vm0, $0x3F800000, v0;
	v4 =	vld [tilespmem:$0x9EE0]  }
0x2b2: {  	v1 =	vadd.f32 v2, v1;
	vm0 =	veq.s32 v5, s24  }
0x2b3: {  	v2 =	vsel vm0, $0x3F800000, v0;
	v5 =	vld [tilespmem:$0x9EF0]  }
0x2b4: {  	v1 =	vadd.f32 v2, v1;
	vm0 =	veq.s32 v3, s24  }
0x2b5: {  	v2 =	vsel vm0, $0x3F800000, v0;
	v3 =	vld [tilespmem:$0x9F00]  }
0x2b6: {  	v1 =	vadd.f32 v2, v1;
	vm0 =	veq.s32 v4, s24  }
0x2b7: {  	v2 =	vsel vm0, $0x3F800000, v0;
	v4 =	vld [tilespmem:$0x9F10]  }
0x2b8: {  	v1 =	vadd.f32 v2, v1;
	vm0 =	veq.s32 v5, s24  }
0x2b9: {  	v2 =	vsel vm0, $0x3F800000, v0;
	v5 =	vld [tilespmem:$0x9F20]  }
0x2ba: {  	v1 =	vadd.f32 v2, v1;
	vm0 =	veq.s32 v3, s24  }
0x2bb: {  	v2 =	vsel vm0, $0x3F800000, v0;
	v3 =	vld [tilespmem:$0x9F30]  }
0x2bc: {  	v1 =	vadd.f32 v2, v1;
	vm0 =	veq.s32 v4, s24  }
0x2bd: {  	v2 =	vsel vm0, $0x3F800000, v0;
	v4 =	vld [tilespmem:$0x9F40]  }
0x2be: {  	v1 =	vadd.f32 v2, v1;
	vm0 =	veq.s32 v5, s24  }
0x2bf: {  	v2 =	vsel vm0, $0x3F800000, v0;
	v5 =	vld [tilespmem:$0x9F50]  }
0x2c0: {  	v1 =	vadd.f32 v2, v1;
	vm0 =	veq.s32 v3, s24  }
0x2c1: {  	v2 =	vsel vm0, $0x3F800000, v0;
	v3 =	vld [tilespmem:$0x9F60]  }
0x2c2: {  	v1 =	vadd.f32 v2, v1;
	vm0 =	veq.s32 v4, s24  }
0x2c3: {  	v2 =	vsel vm0, $0x3F800000, v0;
	v4 =	vld [tilespmem:$0x9F70]  }
0x2c4: {  	v1 =	vadd.f32 v2, v1;
	vm0 =	veq.s32 v5, s24  }
0x2c5: {  	v2 =	vsel vm0, $0x3F800000, v0;
	v5 =	vld [tilespmem:$0x9F80]  }
0x2c6: {  	v1 =	vadd.f32 v2, v1;
	vm0 =	veq.s32 v3, s24  }
0x2c7: {  	v2 =	vsel vm0, $0x3F800000, v0;
	v3 =	vld [tilespmem:$0x9F90]  }
0x2c8: {  	v1 =	vadd.f32 v2, v1;
	vm0 =	veq.s32 v4, s24  }
0x2c9: {  	v2 =	vsel vm0, $0x3F800000, v0;
	v4 =	vld [tilespmem:$0x9FA0]  }
0x2ca: {  	v1 =	vadd.f32 v2, v1;
	vm0 =	veq.s32 v5, s24  }
0x2cb: {  	v2 =	vsel vm0, $0x3F800000, v0;
	v5 =	vld [tilespmem:$0x9FB0]  }
0x2cc: {  	v1 =	vadd.f32 v2, v1;
	vm0 =	veq.s32 v3, s24  }
0x2cd: {  	v2 =	vsel vm0, $0x3F800000, v0;
	v3 =	vld [tilespmem:$0x9FC0]  }
0x2ce: {  	v1 =	vadd.f32 v2, v1;
	vm0 =	veq.s32 v4, s24  }
0x2cf: {  	v2 =	vsel vm0, $0x3F800000, v0;
	v4 =	vld [tilespmem:$0x9FD0]  }
0x2d0: {  	v1 =	vadd.f32 v2, v1;
	vm0 =	veq.s32 v5, s24  }
0x2d1: {  	v2 =	vsel vm0, $0x3F800000, v0;
	v5 =	vld [tilespmem:$0x9FE0]  }
0x2d2: {  	v1 =	vadd.f32 v2, v1;
	vm0 =	veq.s32 v3, s24  }
0x2d3: {  	v2 =	vsel vm0, $0x3F800000, v0;
	v3 =	vld [tilespmem:$0x9FF0]  }
0x2d4: {  	v1 =	vadd.f32 v2, v1;
	vm0 =	veq.s32 v4, s24  }
0x2d5: {  	v2 =	vsel vm0, $0x3F800000, v0;
	v4 =	vld [tilespmem:$0xA000]  }
0x2d6: {  	v1 =	vadd.f32 v2, v1;
	vm0 =	veq.s32 v5, s24  }
0x2d7: {  	v2 =	vsel vm0, $0x3F800000, v0;
	v5 =	vld [tilespmem:$0xA010]  }
0x2d8: {  	v1 =	vadd.f32 v2, v1;
	vm0 =	veq.s32 v3, s24  }
0x2d9: {  	v2 =	vsel vm0, $0x3F800000, v0;
	v3 =	vld [tilespmem:$0xA020]  }
0x2da: {  	v1 =	vadd.f32 v2, v1;
	vm0 =	veq.s32 v4, s24  }
0x2db: {  	v2 =	vsel vm0, $0x3F800000, v0;
	v4 =	vld [tilespmem:$0xA030]  }
0x2dc: {  	v1 =	vadd.f32 v2, v1;
	vm0 =	veq.s32 v5, s24  }
0x2dd: {  	v2 =	vsel vm0, $0x3F800000, v0;
	v5 =	vld [tilespmem:$0xA040]  }
0x2de: {  	v1 =	vadd.f32 v2, v1;
	vm0 =	veq.s32 v3, s24  }
0x2df: {  	v2 =	vsel vm0, $0x3F800000, v0;
	v3 =	vld [tilespmem:$0xA050]  }
0x2e0: {  	v1 =	vadd.f32 v2, v1;
	vm0 =	veq.s32 v4, s24  }
0x2e1: {  	v2 =	vsel vm0, $0x3F800000, v0;
	v4 =	vld [tilespmem:$0xA060]  }
0x2e2: {  	v1 =	vadd.f32 v2, v1;
	vm0 =	veq.s32 v5, s24  }
0x2e3: {  	v2 =	vsel vm0, $0x3F800000, v0;
	v5 =	vld [tilespmem:$0xA070]  }
0x2e4: {  	v1 =	vadd.f32 v2, v1;
	vm0 =	veq.s32 v3, s24  }
0x2e5: {  	v2 =	vsel vm0, $0x3F800000, v0;
	v3 =	vld [tilespmem:$0xA080]  }
0x2e6: {  	v1 =	vadd.f32 v2, v1;
	vm0 =	veq.s32 v4, s24  }
0x2e7: {  	v2 =	vsel vm0, $0x3F800000, v0;
	v4 =	vld [tilespmem:$0xA090]  }
0x2e8: {  	v1 =	vadd.f32 v2, v1;
	vm0 =	veq.s32 v5, s24  }
0x2e9: {  	v2 =	vsel vm0, $0x3F800000, v0;
	v5 =	vld [tilespmem:$0xA0A0]  }
0x2ea: {  	v1 =	vadd.f32 v2, v1;
	vm0 =	veq.s32 v3, s24  }
0x2eb: {  	v2 =	vsel vm0, $0x3F800000, v0;
	v3 =	vld [tilespmem:$0xA0B0]  }
0x2ec: {  	v1 =	vadd.f32 v2, v1;
	vm0 =	veq.s32 v4, s24  }
0x2ed: {  	v2 =	vsel vm0, $0x3F800000, v0;
	v4 =	vld [tilespmem:$0xA0C0]  }
0x2ee: {  	v1 =	vadd.f32 v2, v1;
	vm0 =	veq.s32 v5, s24  }
0x2ef: {  	v2 =	vsel vm0, $0x3F800000, v0;
	v5 =	vld [tilespmem:$0xA0D0]  }
0x2f0: {  	v1 =	vadd.f32 v2, v1;
	vm0 =	veq.s32 v3, s24  }
0x2f1: {  	v2 =	vsel vm0, $0x3F800000, v0;
	v3 =	vld [tilespmem:$0xA0E0]  }
0x2f2: {  	v1 =	vadd.f32 v2, v1;
	vm0 =	veq.s32 v4, s24  }
0x2f3: {  	v2 =	vsel vm0, $0x3F800000, v0;
	v4 =	vld [tilespmem:$0xA0F0]  }
0x2f4: {  	v1 =	vadd.f32 v2, v1;
	vm0 =	veq.s32 v5, s24  }
0x2f5: {  	v2 =	vsel vm0, $0x3F800000, v0;
	v5 =	vld [tilespmem:$0xA100]  }
0x2f6: {  	v1 =	vadd.f32 v2, v1;
	vm0 =	veq.s32 v3, s24  }
0x2f7: {  	v2 =	vsel vm0, $0x3F800000, v0;
	v3 =	vld [tilespmem:$0xA110]  }
0x2f8: {  	v1 =	vadd.f32 v2, v1;
	vm0 =	veq.s32 v4, s24  }
0x2f9: {  	v2 =	vsel vm0, $0x3F800000, v0;
	v4 =	vld [tilespmem:$0xA120]  }
0x2fa: {  	v1 =	vadd.f32 v2, v1;
	vm0 =	veq.s32 v5, s24  }
0x2fb: {  	v2 =	vsel vm0, $0x3F800000, v0;
	v5 =	vld [tilespmem:$0xA130]  }
0x2fc: {  	v1 =	vadd.f32 v2, v1;
	vm0 =	veq.s32 v3, s24  }
0x2fd: {  	v2 =	vsel vm0, $0x3F800000, v0;
	v3 =	vld [tilespmem:$0xA140]  }
0x2fe: {  	v1 =	vadd.f32 v2, v1;
	vm0 =	veq.s32 v4, s24  }
0x2ff: {  	v2 =	vsel vm0, $0x3F800000, v0;
	v4 =	vld [tilespmem:$0xA150]  }
0x300: {  	v1 =	vadd.f32 v2, v1;
	vm0 =	veq.s32 v5, s24  }
0x301: {  	v2 =	vsel vm0, $0x3F800000, v0;
	v5 =	vld [tilespmem:$0xA160]  }
0x302: {  	v1 =	vadd.f32 v2, v1;
	vm0 =	veq.s32 v3, s24  }
0x303: {  	v2 =	vsel vm0, $0x3F800000, v0;
	v3 =	vld [tilespmem:$0xA170]  }
0x304: {  	v1 =	vadd.f32 v2, v1;
	vm0 =	veq.s32 v4, s24  }
0x305: {  	v2 =	vsel vm0, $0x3F800000, v0;
	v4 =	vld [tilespmem:$0xA180]  }
0x306: {  	v1 =	vadd.f32 v2, v1;
	vm0 =	veq.s32 v5, s24  }
0x307: {  	v2 =	vsel vm0, $0x3F800000, v0;
	v5 =	vld [tilespmem:$0xA190]  }
0x308: {  	v1 =	vadd.f32 v2, v1;
	vm0 =	veq.s32 v3, s24  }
0x309: {  	v2 =	vsel vm0, $0x3F800000, v0;
	v3 =	vld [tilespmem:$0xA1A0]  }
0x30a: {  	v1 =	vadd.f32 v2, v1;
	vm0 =	veq.s32 v4, s24  }
0x30b: {  	v2 =	vsel vm0, $0x3F800000, v0;
	v4 =	vld [tilespmem:$0xA1B0]  }
0x30c: {  	v1 =	vadd.f32 v2, v1;
	vm0 =	veq.s32 v5, s24  }
0x30d: {  	v2 =	vsel vm0, $0x3F800000, v0;
	v5 =	vld [tilespmem:$0xA1C0]  }
0x30e: {  	v1 =	vadd.f32 v2, v1;
	vm0 =	veq.s32 v3, s24  }
0x30f: {  	v2 =	vsel vm0, $0x3F800000, v0;
	v3 =	vld [tilespmem:$0xA1D0]  }
0x310: {  	v1 =	vadd.f32 v2, v1;
	vm0 =	veq.s32 v4, s24  }
0x311: {  	v2 =	vsel vm0, $0x3F800000, v0;
	v4 =	vld [tilespmem:$0xA1E0]  }
0x312: {  	v1 =	vadd.f32 v2, v1;
	vm0 =	veq.s32 v5, s24  }
0x313: {  	v2 =	vsel vm0, $0x3F800000, v0;
	v5 =	vld [tilespmem:$0xA1F0]  }
0x314: {  	v1 =	vadd.f32 v2, v1;
	vm0 =	veq.s32 v3, s24  }
0x315: {  	v2 =	vsel vm0, $0x3F800000, v0;
	v3 =	vld [tilespmem:$0xA200]  }
0x316: {  	v1 =	vadd.f32 v2, v1;
	vm0 =	veq.s32 v4, s24  }
0x317: {  	v2 =	vsel vm0, $0x3F800000, v0;
	v4 =	vld [tilespmem:$0xA210]  }
0x318: {  	v1 =	vadd.f32 v2, v1;
	vm0 =	veq.s32 v5, s24  }
0x319: {  	v2 =	vsel vm0, $0x3F800000, v0;
	v5 =	vld [tilespmem:$0xA220]  }
0x31a: {  	v1 =	vadd.f32 v2, v1;
	vm0 =	veq.s32 v3, s24  }
0x31b: {  	v2 =	vsel vm0, $0x3F800000, v0;
	v3 =	vld [tilespmem:$0xA230]  }
0x31c: {  	v1 =	vadd.f32 v2, v1;
	vm0 =	veq.s32 v4, s24  }
0x31d: {  	v2 =	vsel vm0, $0x3F800000, v0;
	v4 =	vld [tilespmem:$0xA240]  }
0x31e: {  	v1 =	vadd.f32 v2, v1;
	vm0 =	veq.s32 v5, s24  }
0x31f: {  	v2 =	vsel vm0, $0x3F800000, v0;
	v5 =	vld [tilespmem:$0xA250]  }
0x320: {  	v1 =	vadd.f32 v2, v1;
	vm0 =	veq.s32 v3, s24  }
0x321: {  	v2 =	vsel vm0, $0x3F800000, v0;
	v3 =	vld [tilespmem:$0xA260]  }
0x322: {  	v1 =	vadd.f32 v2, v1;
	vm0 =	veq.s32 v4, s24  }
0x323: {  	v2 =	vsel vm0, $0x3F800000, v0;
	v4 =	vld [tilespmem:$0xA270]  }
0x324: {  	v1 =	vadd.f32 v2, v1;
	vm0 =	veq.s32 v5, s24  }
0x325: {  	v2 =	vsel vm0, $0x3F800000, v0;
	v5 =	vld [tilespmem:$0xA280]  }
0x326: {  	v1 =	vadd.f32 v2, v1;
	vm0 =	veq.s32 v3, s24  }
0x327: {  	v2 =	vsel vm0, $0x3F800000, v0;
	v3 =	vld [tilespmem:$0xA290]  }
0x328: {  	v1 =	vadd.f32 v2, v1;
	vm0 =	veq.s32 v4, s24  }
0x329: {  	v2 =	vsel vm0, $0x3F800000, v0;
	v4 =	vld [tilespmem:$0xA2A0]  }
0x32a: {  	v1 =	vadd.f32 v2, v1;
	vm0 =	veq.s32 v5, s24  }
0x32b: {  	v2 =	vsel vm0, $0x3F800000, v0;
	v5 =	vld [tilespmem:$0xA2B0]  }
0x32c: {  	v1 =	vadd.f32 v2, v1;
	vm0 =	veq.s32 v3, s24  }
0x32d: {  	v2 =	vsel vm0, $0x3F800000, v0;
	v3 =	vld [tilespmem:$0xA2C0]  }
0x32e: {  	v1 =	vadd.f32 v2, v1;
	vm0 =	veq.s32 v4, s24  }
0x32f: {  	v2 =	vsel vm0, $0x3F800000, v0;
	v4 =	vld [tilespmem:$0xA2D0]  }
0x330: {  	v1 =	vadd.f32 v2, v1;
	vm0 =	veq.s32 v5, s24  }
0x331: {  	v2 =	vsel vm0, $0x3F800000, v0;
	v5 =	vld [tilespmem:$0xA2E0]  }
0x332: {  	v1 =	vadd.f32 v2, v1;
	vm0 =	veq.s32 v3, s24  }
0x333: {  	v2 =	vsel vm0, $0x3F800000, v0;
	v3 =	vld [tilespmem:$0xA2F0]  }
0x334: {  	v1 =	vadd.f32 v2, v1;
	vm0 =	veq.s32 v4, s24  }
0x335: {  	v2 =	vsel vm0, $0x3F800000, v0;
	v4 =	vld [tilespmem:$0xA300]  }
0x336: {  	v1 =	vadd.f32 v2, v1;
	vm0 =	veq.s32 v5, s24  }
0x337: {  	v2 =	vsel vm0, $0x3F800000, v0;
	v5 =	vld [tilespmem:$0xA310]  }
0x338: {  	v1 =	vadd.f32 v2, v1;
	vm0 =	veq.s32 v3, s24  }
0x339: {  	v2 =	vsel vm0, $0x3F800000, v0;
	v3 =	vld [tilespmem:$0xA320]  }
0x33a: {  	v1 =	vadd.f32 v2, v1;
	vm0 =	veq.s32 v4, s24  }
0x33b: {  	v2 =	vsel vm0, $0x3F800000, v0;
	v4 =	vld [tilespmem:$0xA330]  }
0x33c: {  	v1 =	vadd.f32 v2, v1;
	vm0 =	veq.s32 v5, s24  }
0x33d: {  	v2 =	vsel vm0, $0x3F800000, v0;
	v5 =	vld [tilespmem:$0xA340]  }
0x33e: {  	v1 =	vadd.f32 v2, v1;
	vm0 =	veq.s32 v3, s24  }
0x33f: {  	v2 =	vsel vm0, $0x3F800000, v0;
	v3 =	vld [tilespmem:$0xA350]  }
0x340: {  	v1 =	vadd.f32 v2, v1;
	vm0 =	veq.s32 v4, s24  }
0x341: {  	v2 =	vsel vm0, $0x3F800000, v0;
	v4 =	vld [tilespmem:$0xA360]  }
0x342: {  	v1 =	vadd.f32 v2, v1;
	vm0 =	veq.s32 v5, s24  }
0x343: {  	v2 =	vsel vm0, $0x3F800000, v0;
	v5 =	vld [tilespmem:$0xA370]  }
0x344: {  	v1 =	vadd.f32 v2, v1;
	vm0 =	veq.s32 v3, s24  }
0x345: {  	v2 =	vsel vm0, $0x3F800000, v0;
	v3 =	vld [tilespmem:$0xA380]  }
0x346: {  	v1 =	vadd.f32 v2, v1;
	vm0 =	veq.s32 v4, s24  }
0x347: {  	v2 =	vsel vm0, $0x3F800000, v0;
	v4 =	vld [tilespmem:$0xA390]  }
0x348: {  	v1 =	vadd.f32 v2, v1;
	vm0 =	veq.s32 v5, s24  }
0x349: {  	v2 =	vsel vm0, $0x3F800000, v0;
	v5 =	vld [tilespmem:$0xA3A0]  }
0x34a: {  	v1 =	vadd.f32 v2, v1;
	vm0 =	veq.s32 v3, s24  }
0x34b: {  	v2 =	vsel vm0, $0x3F800000, v0;
	v3 =	vld [tilespmem:$0xA3B0]  }
0x34c: {  	v1 =	vadd.f32 v2, v1;
	vm0 =	veq.s32 v4, s24  }
0x34d: {  	v2 =	vsel vm0, $0x3F800000, v0;
	v4 =	vld [tilespmem:$0xA3C0]  }
0x34e: {  	v1 =	vadd.f32 v2, v1;
	vm0 =	veq.s32 v5, s24  }
0x34f: {  	v2 =	vsel vm0, $0x3F800000, v0;
	v5 =	vld [tilespmem:$0xA3D0]  }
0x350: {  	v1 =	vadd.f32 v2, v1;
	vm0 =	veq.s32 v3, s24  }
0x351: {  	v2 =	vsel vm0, $0x3F800000, v0;
	v3 =	vld [tilespmem:$0xA3E0]  }
0x352: {  	v1 =	vadd.f32 v2, v1;
	vm0 =	veq.s32 v4, s24  }
0x353: {  	v2 =	vsel vm0, $0x3F800000, v0;
	v4 =	vld [tilespmem:$0xA3F0]  }
0x354: {  	v1 =	vadd.f32 v2, v1;
	vm0 =	veq.s32 v5, s24  }
0x355: {  	v2 =	vsel vm0, $0x3F800000, v0;
	v5 =	vld [tilespmem:$0xA400]  }
0x356: {  	v1 =	vadd.f32 v2, v1;
	vm0 =	veq.s32 v3, s24  }
0x357: {  	v2 =	vsel vm0, $0x3F800000, v0;
	v3 =	vld [tilespmem:$0xA410]  }
0x358: {  	v1 =	vadd.f32 v2, v1;
	vm0 =	veq.s32 v4, s24  }
0x359: {  	v2 =	vsel vm0, $0x3F800000, v0;
	v4 =	vld [tilespmem:$0xA420]  }
0x35a: {  	v1 =	vadd.f32 v2, v1;
	vm0 =	veq.s32 v5, s24  }
0x35b: {  	v2 =	vsel vm0, $0x3F800000, v0;
	v5 =	vld [tilespmem:$0xA430]  }
0x35c: {  	v1 =	vadd.f32 v2, v1;
	vm0 =	veq.s32 v3, s24  }
0x35d: {  	v2 =	vsel vm0, $0x3F800000, v0;
	v3 =	vld [tilespmem:$0xA440]  }
0x35e: {  	v1 =	vadd.f32 v2, v1;
	vm0 =	veq.s32 v4, s24  }
0x35f: {  	v2 =	vsel vm0, $0x3F800000, v0;
	v4 =	vld [tilespmem:$0xA450]  }
0x360: {  	v1 =	vadd.f32 v2, v1;
	vm0 =	veq.s32 v5, s24  }
0x361: {  	v2 =	vsel vm0, $0x3F800000, v0;
	v5 =	vld [tilespmem:$0xA460]  }
0x362: {  	v1 =	vadd.f32 v2, v1;
	vm0 =	veq.s32 v3, s24  }
0x363: {  	v2 =	vsel vm0, $0x3F800000, v0;
	v3 =	vld [tilespmem:$0xA470]  }
0x364: {  	v1 =	vadd.f32 v2, v1;
	vm0 =	veq.s32 v4, s24  }
0x365: {  	v2 =	vsel vm0, $0x3F800000, v0;
	v4 =	vld [tilespmem:$0xA480]  }
0x366: {  	v1 =	vadd.f32 v2, v1;
	vm0 =	veq.s32 v5, s24  }
0x367: {  	v2 =	vsel vm0, $0x3F800000, v0;
	v5 =	vld [tilespmem:$0xA490]  }
0x368: {  	v1 =	vadd.f32 v2, v1;
	vm0 =	veq.s32 v3, s24  }
0x369: {  	v2 =	vsel vm0, $0x3F800000, v0;
	v3 =	vld [tilespmem:$0xA4A0]  }
0x36a: {  	v1 =	vadd.f32 v2, v1;
	vm0 =	veq.s32 v4, s24  }
0x36b: {  	v2 =	vsel vm0, $0x3F800000, v0;
	v4 =	vld [tilespmem:$0xA4B0]  }
0x36c: {  	v1 =	vadd.f32 v2, v1;
	vm0 =	veq.s32 v5, s24  }
0x36d: {  	v2 =	vsel vm0, $0x3F800000, v0  }
0x36e: {  	v1 =	vadd.f32 v2, v1;
	vm0 =	veq.s32 v3, s24  }
0x36f: {  	v2 =	vsel vm0, $0x3F800000, v0  }
0x370: {  	v1 =	vadd.f32 v2, v1;
	vm0 =	veq.s32 v4, s24;
	s24 =	smov.u32 s25  }
0x371: {  	v2 =	vsel vm0, $0x3F800000, v0  }
.Ltmp2:
0x372: {  	v1 =	vadd.f32 v2, v1;
	(pc) =	sbr.rel @p1 .LBB2_2-.Ltmp2, $4  }
0x373: {  	s23 =	sadd.s32 $0x80, s23  }
0x374: {  	[tilespmem:s23+$0x0] =	vst v1  }
0x375: {  	v1 =	vld [tilespmem:$0x9880]  }
0x376: {  	s25 =	sadd.s32 $0x1, s25;
	v2 =	vld [tilespmem:$0x9890]  }
0x377: {  	_ = 	snop  }
0x378: {  	v3 =	vld [tilespmem:$0x98A0];
	_ =	sdelay $0x1  }
0x379: {  	v4 =	vld [tilespmem:$0x98B0]  }
0x37a: {  	vm0 =	veq.s32 v1, s24;
	vm1 =	veq.s32 v2, s24  }
0x37b: {  	v5 =	vld [tilespmem:$0x98C0];
	v1 =	vsel vm0, $0x3F800000, v0;
	v2 =	vsel vm1, $0x3F800000, v0  }
0x37c: {  	vm14 =	veq.s32 v3, s24;
	v1 =	vadd.f32 v2, v1  }
0x37d: {  	v3 =	vld [tilespmem:$0x98D0];
	v2 =	vsel vm14, $0x3F800000, v0  }
0x37e: {  	vm15 =	veq.s32 v4, s24;
	v1 =	vadd.f32 v2, v1  }
0x37f: {  	v49 =	vld [tilespmem:$0x98E0];
	v2 =	vsel vm15, $0x3F800000, v0  }
0x380: {  	vm4 =	veq.s32 v5, s24;
	v1 =	vadd.f32 v2, v1  }
0x381: {  	v50 =	vld [tilespmem:$0x98F0];
	v2 =	vsel vm4, $0x3F800000, v0  }
0x382: {  	vm5 =	veq.s32 v3, s24;
	v1 =	vadd.f32 v2, v1  }
0x383: {  	v3 =	vld [tilespmem:$0x9900];
	v2 =	vsel vm5, $0x3F800000, v0  }
0x384: {  	vm6 =	veq.s32 v49, s24;
	v1 =	vadd.f32 v2, v1  }
0x385: {  	v51 =	vld [tilespmem:$0x9910];
	v2 =	vsel vm6, $0x3F800000, v0  }
0x386: {  	vm7 =	veq.s32 v50, s24;
	v1 =	vadd.f32 v2, v1  }
0x387: {  	v52 =	vld [tilespmem:$0x9920];
	v2 =	vsel vm7, $0x3F800000, v0  }
0x388: {  	vm8 =	veq.s32 v3, s24;
	v1 =	vadd.f32 v2, v1  }
0x389: {  	v3 =	vld [tilespmem:$0x9930];
	v2 =	vsel vm8, $0x3F800000, v0  }
0x38a: {  	vm9 =	veq.s32 v51, s24;
	v1 =	vadd.f32 v2, v1  }
0x38b: {  	v53 =	vld [tilespmem:$0x9940];
	v2 =	vsel vm9, $0x3F800000, v0  }
0x38c: {  	vm10 =	veq.s32 v52, s24;
	v1 =	vadd.f32 v2, v1  }
0x38d: {  	v54 =	vld [tilespmem:$0x9950];
	v2 =	vsel vm10, $0x3F800000, v0  }
0x38e: {  	vm11 =	veq.s32 v3, s24;
	v1 =	vadd.f32 v2, v1  }
0x38f: {  	v3 =	vld [tilespmem:$0x9960];
	v2 =	vsel vm11, $0x3F800000, v0  }
0x390: {  	vm12 =	veq.s32 v53, s24;
	v1 =	vadd.f32 v2, v1  }
0x391: {  	v55 =	vld [tilespmem:$0x9970];
	v2 =	vsel vm12, $0x3F800000, v0  }
0x392: {  	vm13 =	veq.s32 v54, s24;
	v1 =	vadd.f32 v2, v1  }
0x393: {  	v56 =	vld [tilespmem:$0x9980];
	v2 =	vsel vm13, $0x3F800000, v0  }
0x394: {  	vm14 =	veq.s32 v3, s24;
	v1 =	vadd.f32 v2, v1  }
0x395: {  	v3 =	vld [tilespmem:$0x9990];
	v2 =	vsel vm14, $0x3F800000, v0  }
0x396: {  	vm15 =	veq.s32 v55, s24;
	v1 =	vadd.f32 v2, v1  }
0x397: {  	v57 =	vld [tilespmem:$0x99A0];
	v2 =	vsel vm15, $0x3F800000, v0  }
0x398: {  	vm4 =	veq.s32 v56, s24;
	v1 =	vadd.f32 v2, v1  }
0x399: {  	v58 =	vld [tilespmem:$0x99B0];
	v2 =	vsel vm4, $0x3F800000, v0  }
0x39a: {  	vm5 =	veq.s32 v3, s24;
	v1 =	vadd.f32 v2, v1  }
0x39b: {  	v3 =	vld [tilespmem:$0x99C0];
	v2 =	vsel vm5, $0x3F800000, v0  }
0x39c: {  	vm6 =	veq.s32 v57, s24;
	v1 =	vadd.f32 v2, v1  }
0x39d: {  	v59 =	vld [tilespmem:$0x99D0];
	v2 =	vsel vm6, $0x3F800000, v0  }
0x39e: {  	vm7 =	veq.s32 v58, s24;
	v1 =	vadd.f32 v2, v1  }
0x39f: {  	v60 =	vld [tilespmem:$0x99E0];
	v2 =	vsel vm7, $0x3F800000, v0  }
0x3a0: {  	vm8 =	veq.s32 v3, s24;
	v1 =	vadd.f32 v2, v1  }
0x3a1: {  	v3 =	vld [tilespmem:$0x99F0];
	v2 =	vsel vm8, $0x3F800000, v0  }
0x3a2: {  	vm9 =	veq.s32 v59, s24;
	v1 =	vadd.f32 v2, v1  }
0x3a3: {  	v61 =	vld [tilespmem:$0x9A00];
	v2 =	vsel vm9, $0x3F800000, v0  }
0x3a4: {  	vm10 =	veq.s32 v60, s24;
	v1 =	vadd.f32 v2, v1  }
0x3a5: {  	v62 =	vld [tilespmem:$0x9A10];
	v2 =	vsel vm10, $0x3F800000, v0  }
0x3a6: {  	vm11 =	veq.s32 v3, s24;
	v1 =	vadd.f32 v2, v1  }
0x3a7: {  	v3 =	vld [tilespmem:$0x9A20];
	v2 =	vsel vm11, $0x3F800000, v0  }
0x3a8: {  	vm12 =	veq.s32 v61, s24;
	v1 =	vadd.f32 v2, v1  }
0x3a9: {  	v63 =	vld [tilespmem:$0x9A30];
	v2 =	vsel vm12, $0x3F800000, v0  }
0x3aa: {  	vm13 =	veq.s32 v62, s24;
	v1 =	vadd.f32 v2, v1  }
0x3ab: {  	v8 =	vld [tilespmem:$0x9A40];
	v2 =	vsel vm13, $0x3F800000, v0  }
0x3ac: {  	vm14 =	veq.s32 v3, s24;
	v1 =	vadd.f32 v2, v1  }
0x3ad: {  	v3 =	vld [tilespmem:$0x9A50];
	v2 =	vsel vm14, $0x3F800000, v0  }
0x3ae: {  	vm15 =	veq.s32 v63, s24;
	v1 =	vadd.f32 v2, v1  }
0x3af: {  	v9 =	vld [tilespmem:$0x9A60];
	v2 =	vsel vm15, $0x3F800000, v0  }
0x3b0: {  	vm4 =	veq.s32 v8, s24;
	v1 =	vadd.f32 v2, v1  }
0x3b1: {  	v10 =	vld [tilespmem:$0x9A70];
	v2 =	vsel vm4, $0x3F800000, v0  }
0x3b2: {  	vm5 =	veq.s32 v3, s24;
	v1 =	vadd.f32 v2, v1  }
0x3b3: {  	v3 =	vld [tilespmem:$0x9A80];
	v2 =	vsel vm5, $0x3F800000, v0  }
0x3b4: {  	vm6 =	veq.s32 v9, s24;
	v1 =	vadd.f32 v2, v1  }
0x3b5: {  	v11 =	vld [tilespmem:$0x9A90];
	v2 =	vsel vm6, $0x3F800000, v0  }
0x3b6: {  	vm7 =	veq.s32 v10, s24;
	v1 =	vadd.f32 v2, v1  }
0x3b7: {  	v12 =	vld [tilespmem:$0x9AA0];
	v2 =	vsel vm7, $0x3F800000, v0  }
0x3b8: {  	vm8 =	veq.s32 v3, s24;
	v1 =	vadd.f32 v2, v1  }
0x3b9: {  	v3 =	vld [tilespmem:$0x9AB0];
	v2 =	vsel vm8, $0x3F800000, v0  }
0x3ba: {  	vm9 =	veq.s32 v11, s24;
	v1 =	vadd.f32 v2, v1  }
0x3bb: {  	v13 =	vld [tilespmem:$0x9AC0];
	v2 =	vsel vm9, $0x3F800000, v0  }
0x3bc: {  	vm10 =	veq.s32 v12, s24;
	v1 =	vadd.f32 v2, v1  }
0x3bd: {  	v14 =	vld [tilespmem:$0x9AD0];
	v2 =	vsel vm10, $0x3F800000, v0  }
0x3be: {  	vm11 =	veq.s32 v3, s24;
	v1 =	vadd.f32 v2, v1  }
0x3bf: {  	v3 =	vld [tilespmem:$0x9AE0];
	v2 =	vsel vm11, $0x3F800000, v0  }
0x3c0: {  	vm12 =	veq.s32 v13, s24;
	v1 =	vadd.f32 v2, v1  }
0x3c1: {  	v15 =	vld [tilespmem:$0x9AF0];
	v2 =	vsel vm12, $0x3F800000, v0  }
0x3c2: {  	vm13 =	veq.s32 v14, s24;
	v1 =	vadd.f32 v2, v1  }
0x3c3: {  	v16 =	vld [tilespmem:$0x9B00];
	v2 =	vsel vm13, $0x3F800000, v0  }
0x3c4: {  	vm14 =	veq.s32 v3, s24;
	v1 =	vadd.f32 v2, v1  }
0x3c5: {  	v3 =	vld [tilespmem:$0x9B10];
	v2 =	vsel vm14, $0x3F800000, v0  }
0x3c6: {  	vm15 =	veq.s32 v15, s24;
	v1 =	vadd.f32 v2, v1  }
0x3c7: {  	v17 =	vld [tilespmem:$0x9B20];
	v2 =	vsel vm15, $0x3F800000, v0  }
0x3c8: {  	vm4 =	veq.s32 v16, s24;
	v1 =	vadd.f32 v2, v1  }
0x3c9: {  	v18 =	vld [tilespmem:$0x9B30];
	v2 =	vsel vm4, $0x3F800000, v0  }
0x3ca: {  	vm5 =	veq.s32 v3, s24;
	v1 =	vadd.f32 v2, v1  }
0x3cb: {  	v3 =	vld [tilespmem:$0x9B40];
	v2 =	vsel vm5, $0x3F800000, v0  }
0x3cc: {  	vm6 =	veq.s32 v17, s24;
	v1 =	vadd.f32 v2, v1  }
0x3cd: {  	v19 =	vld [tilespmem:$0x9B50];
	v2 =	vsel vm6, $0x3F800000, v0  }
0x3ce: {  	vm7 =	veq.s32 v18, s24;
	v1 =	vadd.f32 v2, v1  }
0x3cf: {  	v20 =	vld [tilespmem:$0x9B60];
	v2 =	vsel vm7, $0x3F800000, v0  }
0x3d0: {  	vm8 =	veq.s32 v3, s24;
	v1 =	vadd.f32 v2, v1  }
0x3d1: {  	v3 =	vld [tilespmem:$0x9B70];
	v2 =	vsel vm8, $0x3F800000, v0  }
0x3d2: {  	vm9 =	veq.s32 v19, s24;
	v1 =	vadd.f32 v2, v1  }
0x3d3: {  	v21 =	vld [tilespmem:$0x9B80];
	v2 =	vsel vm9, $0x3F800000, v0  }
0x3d4: {  	vm10 =	veq.s32 v20, s24;
	v1 =	vadd.f32 v2, v1  }
0x3d5: {  	v22 =	vld [tilespmem:$0x9B90];
	v2 =	vsel vm10, $0x3F800000, v0  }
0x3d6: {  	vm11 =	veq.s32 v3, s24;
	v1 =	vadd.f32 v2, v1  }
0x3d7: {  	v3 =	vld [tilespmem:$0x9BA0];
	v2 =	vsel vm11, $0x3F800000, v0  }
0x3d8: {  	vm12 =	veq.s32 v21, s24;
	v1 =	vadd.f32 v2, v1  }
0x3d9: {  	v23 =	vld [tilespmem:$0x9BB0];
	v2 =	vsel vm12, $0x3F800000, v0  }
0x3da: {  	vm13 =	veq.s32 v22, s24;
	v1 =	vadd.f32 v2, v1  }
0x3db: {  	v24 =	vld [tilespmem:$0x9BC0];
	v2 =	vsel vm13, $0x3F800000, v0  }
0x3dc: {  	vm14 =	veq.s32 v3, s24;
	v1 =	vadd.f32 v2, v1  }
0x3dd: {  	v3 =	vld [tilespmem:$0x9BD0];
	v2 =	vsel vm14, $0x3F800000, v0  }
0x3de: {  	vm15 =	veq.s32 v23, s24;
	v1 =	vadd.f32 v2, v1  }
0x3df: {  	v25 =	vld [tilespmem:$0x9BE0];
	v2 =	vsel vm15, $0x3F800000, v0  }
0x3e0: {  	vm4 =	veq.s32 v24, s24;
	v1 =	vadd.f32 v2, v1  }
0x3e1: {  	v26 =	vld [tilespmem:$0x9BF0];
	v2 =	vsel vm4, $0x3F800000, v0  }
0x3e2: {  	vm5 =	veq.s32 v3, s24;
	v1 =	vadd.f32 v2, v1  }
0x3e3: {  	v3 =	vld [tilespmem:$0x9C00];
	v2 =	vsel vm5, $0x3F800000, v0  }
0x3e4: {  	vm6 =	veq.s32 v25, s24;
	v1 =	vadd.f32 v2, v1  }
0x3e5: {  	v27 =	vld [tilespmem:$0x9C10];
	v2 =	vsel vm6, $0x3F800000, v0  }
0x3e6: {  	vm7 =	veq.s32 v26, s24;
	v1 =	vadd.f32 v2, v1  }
0x3e7: {  	v28 =	vld [tilespmem:$0x9C20];
	v2 =	vsel vm7, $0x3F800000, v0  }
0x3e8: {  	vm8 =	veq.s32 v3, s24;
	v1 =	vadd.f32 v2, v1  }
0x3e9: {  	v3 =	vld [tilespmem:$0x9C30];
	v2 =	vsel vm8, $0x3F800000, v0  }
0x3ea: {  	vm9 =	veq.s32 v27, s24;
	v1 =	vadd.f32 v2, v1  }
0x3eb: {  	v29 =	vld [tilespmem:$0x9C40];
	v2 =	vsel vm9, $0x3F800000, v0  }
0x3ec: {  	vm10 =	veq.s32 v28, s24;
	v1 =	vadd.f32 v2, v1  }
0x3ed: {  	v30 =	vld [tilespmem:$0x9C50];
	v2 =	vsel vm10, $0x3F800000, v0  }
0x3ee: {  	vm11 =	veq.s32 v3, s24;
	v1 =	vadd.f32 v2, v1  }
0x3ef: {  	v3 =	vld [tilespmem:$0x9C60];
	v2 =	vsel vm11, $0x3F800000, v0  }
0x3f0: {  	vm12 =	veq.s32 v29, s24;
	v1 =	vadd.f32 v2, v1  }
0x3f1: {  	v31 =	vld [tilespmem:$0x9C70];
	v2 =	vsel vm12, $0x3F800000, v0  }
0x3f2: {  	vm13 =	veq.s32 v30, s24;
	v1 =	vadd.f32 v2, v1  }
0x3f3: {  	v32 =	vld [tilespmem:$0x9C80];
	v2 =	vsel vm13, $0x3F800000, v0  }
0x3f4: {  	vm14 =	veq.s32 v3, s24;
	v1 =	vadd.f32 v2, v1  }
0x3f5: {  	v3 =	vld [tilespmem:$0x9C90];
	v2 =	vsel vm14, $0x3F800000, v0  }
0x3f6: {  	vm15 =	veq.s32 v31, s24;
	v1 =	vadd.f32 v2, v1  }
0x3f7: {  	v33 =	vld [tilespmem:$0x9CA0];
	v2 =	vsel vm15, $0x3F800000, v0  }
0x3f8: {  	vm4 =	veq.s32 v32, s24;
	v1 =	vadd.f32 v2, v1  }
0x3f9: {  	v34 =	vld [tilespmem:$0x9CB0];
	v2 =	vsel vm4, $0x3F800000, v0  }
0x3fa: {  	vm5 =	veq.s32 v3, s24;
	v1 =	vadd.f32 v2, v1  }
0x3fb: {  	v3 =	vld [tilespmem:$0x9CC0];
	v2 =	vsel vm5, $0x3F800000, v0  }
0x3fc: {  	vm6 =	veq.s32 v33, s24;
	v1 =	vadd.f32 v2, v1  }
0x3fd: {  	v35 =	vld [tilespmem:$0x9CD0];
	v2 =	vsel vm6, $0x3F800000, v0  }
0x3fe: {  	vm7 =	veq.s32 v34, s24;
	v1 =	vadd.f32 v2, v1  }
0x3ff: {  	v36 =	vld [tilespmem:$0x9CE0];
	v2 =	vsel vm7, $0x3F800000, v0  }
0x400: {  	vm8 =	veq.s32 v3, s24;
	v1 =	vadd.f32 v2, v1  }
0x401: {  	v3 =	vld [tilespmem:$0x9CF0];
	v2 =	vsel vm8, $0x3F800000, v0  }
0x402: {  	vm9 =	veq.s32 v35, s24;
	v1 =	vadd.f32 v2, v1  }
0x403: {  	v37 =	vld [tilespmem:$0x9D00];
	v2 =	vsel vm9, $0x3F800000, v0  }
0x404: {  	vm10 =	veq.s32 v36, s24;
	v1 =	vadd.f32 v2, v1  }
0x405: {  	v38 =	vld [tilespmem:$0x9D10];
	v2 =	vsel vm10, $0x3F800000, v0  }
0x406: {  	vm11 =	veq.s32 v3, s24;
	v1 =	vadd.f32 v2, v1  }
0x407: {  	v3 =	vld [tilespmem:$0x9D20];
	v2 =	vsel vm11, $0x3F800000, v0  }
0x408: {  	vm12 =	veq.s32 v37, s24;
	v1 =	vadd.f32 v2, v1  }
0x409: {  	v39 =	vld [tilespmem:$0x9D30];
	v2 =	vsel vm12, $0x3F800000, v0  }
0x40a: {  	vm13 =	veq.s32 v38, s24;
	v1 =	vadd.f32 v2, v1  }
0x40b: {  	v40 =	vld [tilespmem:$0x9D40];
	v2 =	vsel vm13, $0x3F800000, v0  }
0x40c: {  	vm14 =	veq.s32 v3, s24;
	v1 =	vadd.f32 v2, v1  }
0x40d: {  	v3 =	vld [tilespmem:$0x9D50];
	v2 =	vsel vm14, $0x3F800000, v0  }
0x40e: {  	vm15 =	veq.s32 v39, s24;
	v1 =	vadd.f32 v2, v1  }
0x40f: {  	v41 =	vld [tilespmem:$0x9D60];
	v2 =	vsel vm15, $0x3F800000, v0  }
0x410: {  	vm4 =	veq.s32 v40, s24;
	v1 =	vadd.f32 v2, v1  }
0x411: {  	v42 =	vld [tilespmem:$0x9D70];
	v2 =	vsel vm4, $0x3F800000, v0  }
0x412: {  	vm5 =	veq.s32 v3, s24;
	v1 =	vadd.f32 v2, v1  }
0x413: {  	v3 =	vld [tilespmem:$0x9D80];
	v2 =	vsel vm5, $0x3F800000, v0  }
0x414: {  	vm6 =	veq.s32 v41, s24;
	v1 =	vadd.f32 v2, v1  }
0x415: {  	v43 =	vld [tilespmem:$0x9D90];
	v2 =	vsel vm6, $0x3F800000, v0  }
0x416: {  	vm7 =	veq.s32 v42, s24;
	v1 =	vadd.f32 v2, v1  }
0x417: {  	v44 =	vld [tilespmem:$0x9DA0];
	v2 =	vsel vm7, $0x3F800000, v0  }
0x418: {  	vm8 =	veq.s32 v3, s24;
	v1 =	vadd.f32 v2, v1  }
0x419: {  	v3 =	vld [tilespmem:$0x9DB0];
	v2 =	vsel vm8, $0x3F800000, v0  }
0x41a: {  	vm9 =	veq.s32 v43, s24;
	v1 =	vadd.f32 v2, v1  }
0x41b: {  	v45 =	vld [tilespmem:$0x9DC0];
	v2 =	vsel vm9, $0x3F800000, v0  }
0x41c: {  	vm10 =	veq.s32 v44, s24;
	v1 =	vadd.f32 v2, v1  }
0x41d: {  	v46 =	vld [tilespmem:$0x9DD0];
	v2 =	vsel vm10, $0x3F800000, v0  }
0x41e: {  	vm11 =	veq.s32 v3, s24;
	v1 =	vadd.f32 v2, v1  }
0x41f: {  	v3 =	vld [tilespmem:$0x9DE0];
	v2 =	vsel vm11, $0x3F800000, v0  }
0x420: {  	vm12 =	veq.s32 v45, s24;
	v1 =	vadd.f32 v2, v1  }
0x421: {  	v47 =	vld [tilespmem:$0x9DF0];
	v2 =	vsel vm12, $0x3F800000, v0  }
0x422: {  	vm13 =	veq.s32 v46, s24;
	v1 =	vadd.f32 v2, v1  }
0x423: {  	v48 =	vld [tilespmem:$0x9E00];
	v2 =	vsel vm13, $0x3F800000, v0  }
0x424: {  	vm14 =	veq.s32 v3, s24;
	v1 =	vadd.f32 v2, v1  }
0x425: {  	v3 =	vld [tilespmem:$0x9E10];
	v2 =	vsel vm14, $0x3F800000, v0  }
0x426: {  	vm15 =	veq.s32 v47, s24;
	v1 =	vadd.f32 v2, v1  }
0x427: {  	v49 =	vld [tilespmem:$0x9E20];
	v2 =	vsel vm15, $0x3F800000, v0  }
0x428: {  	vm4 =	veq.s32 v48, s24;
	v1 =	vadd.f32 v2, v1  }
0x429: {  	v50 =	vld [tilespmem:$0x9E30];
	v2 =	vsel vm4, $0x3F800000, v0  }
0x42a: {  	vm5 =	veq.s32 v3, s24;
	v1 =	vadd.f32 v2, v1  }
0x42b: {  	v3 =	vld [tilespmem:$0x9E40];
	v2 =	vsel vm5, $0x3F800000, v0  }
0x42c: {  	vm6 =	veq.s32 v49, s24;
	v1 =	vadd.f32 v2, v1  }
0x42d: {  	v51 =	vld [tilespmem:$0x9E50];
	v2 =	vsel vm6, $0x3F800000, v0  }
0x42e: {  	vm7 =	veq.s32 v50, s24;
	v1 =	vadd.f32 v2, v1  }
0x42f: {  	v52 =	vld [tilespmem:$0x9E60];
	v2 =	vsel vm7, $0x3F800000, v0  }
0x430: {  	vm8 =	veq.s32 v3, s24;
	v1 =	vadd.f32 v2, v1  }
0x431: {  	v3 =	vld [tilespmem:$0x9E70];
	v2 =	vsel vm8, $0x3F800000, v0  }
0x432: {  	vm9 =	veq.s32 v51, s24;
	v1 =	vadd.f32 v2, v1  }
0x433: {  	v53 =	vld [tilespmem:$0x9E80];
	v2 =	vsel vm9, $0x3F800000, v0  }
0x434: {  	vm10 =	veq.s32 v52, s24;
	v1 =	vadd.f32 v2, v1  }
0x435: {  	v54 =	vld [tilespmem:$0x9E90];
	v2 =	vsel vm10, $0x3F800000, v0  }
0x436: {  	vm11 =	veq.s32 v3, s24;
	v1 =	vadd.f32 v2, v1  }
0x437: {  	v3 =	vld [tilespmem:$0x9EA0];
	v2 =	vsel vm11, $0x3F800000, v0  }
0x438: {  	vm12 =	veq.s32 v53, s24;
	v1 =	vadd.f32 v2, v1  }
0x439: {  	v55 =	vld [tilespmem:$0x9EB0];
	v2 =	vsel vm12, $0x3F800000, v0  }
0x43a: {  	vm13 =	veq.s32 v54, s24;
	v1 =	vadd.f32 v2, v1  }
0x43b: {  	v56 =	vld [tilespmem:$0x9EC0];
	v2 =	vsel vm13, $0x3F800000, v0  }
0x43c: {  	vm14 =	veq.s32 v3, s24;
	v1 =	vadd.f32 v2, v1  }
0x43d: {  	v3 =	vld [tilespmem:$0x9ED0];
	v2 =	vsel vm14, $0x3F800000, v0  }
0x43e: {  	vm15 =	veq.s32 v55, s24;
	v1 =	vadd.f32 v2, v1  }
0x43f: {  	v57 =	vld [tilespmem:$0x9EE0];
	v2 =	vsel vm15, $0x3F800000, v0  }
0x440: {  	vm4 =	veq.s32 v56, s24;
	v1 =	vadd.f32 v2, v1  }
0x441: {  	v58 =	vld [tilespmem:$0x9EF0];
	v2 =	vsel vm4, $0x3F800000, v0  }
0x442: {  	vm5 =	veq.s32 v3, s24;
	v1 =	vadd.f32 v2, v1  }
0x443: {  	v3 =	vld [tilespmem:$0x9F00];
	v2 =	vsel vm5, $0x3F800000, v0  }
0x444: {  	vm6 =	veq.s32 v57, s24;
	v1 =	vadd.f32 v2, v1  }
0x445: {  	v59 =	vld [tilespmem:$0x9F10];
	v2 =	vsel vm6, $0x3F800000, v0  }
0x446: {  	vm7 =	veq.s32 v58, s24;
	v1 =	vadd.f32 v2, v1  }
0x447: {  	v60 =	vld [tilespmem:$0x9F20];
	v2 =	vsel vm7, $0x3F800000, v0  }
0x448: {  	vm8 =	veq.s32 v3, s24;
	v1 =	vadd.f32 v2, v1  }
0x449: {  	v3 =	vld [tilespmem:$0x9F30];
	v2 =	vsel vm8, $0x3F800000, v0  }
0x44a: {  	vm9 =	veq.s32 v59, s24;
	v1 =	vadd.f32 v2, v1  }
0x44b: {  	v61 =	vld [tilespmem:$0x9F40];
	v2 =	vsel vm9, $0x3F800000, v0  }
0x44c: {  	vm10 =	veq.s32 v60, s24;
	v1 =	vadd.f32 v2, v1  }
0x44d: {  	v62 =	vld [tilespmem:$0x9F50];
	v2 =	vsel vm10, $0x3F800000, v0  }
0x44e: {  	vm11 =	veq.s32 v3, s24;
	v1 =	vadd.f32 v2, v1  }
0x44f: {  	v3 =	vld [tilespmem:$0x9F60];
	v2 =	vsel vm11, $0x3F800000, v0  }
0x450: {  	vm12 =	veq.s32 v61, s24;
	v1 =	vadd.f32 v2, v1  }
0x451: {  	v63 =	vld [tilespmem:$0x9F70];
	v2 =	vsel vm12, $0x3F800000, v0  }
0x452: {  	vm13 =	veq.s32 v62, s24;
	v1 =	vadd.f32 v2, v1  }
0x453: {  	v8 =	vld [tilespmem:$0x9F80];
	v2 =	vsel vm13, $0x3F800000, v0  }
0x454: {  	vm14 =	veq.s32 v3, s24;
	v1 =	vadd.f32 v2, v1  }
0x455: {  	v3 =	vld [tilespmem:$0x9F90];
	v2 =	vsel vm14, $0x3F800000, v0  }
0x456: {  	vm15 =	veq.s32 v63, s24;
	v1 =	vadd.f32 v2, v1  }
0x457: {  	v9 =	vld [tilespmem:$0x9FA0];
	v2 =	vsel vm15, $0x3F800000, v0  }
0x458: {  	vm4 =	veq.s32 v8, s24;
	v1 =	vadd.f32 v2, v1  }
0x459: {  	v10 =	vld [tilespmem:$0x9FB0];
	v2 =	vsel vm4, $0x3F800000, v0  }
0x45a: {  	vm5 =	veq.s32 v3, s24;
	v1 =	vadd.f32 v2, v1  }
0x45b: {  	v3 =	vld [tilespmem:$0x9FC0];
	v2 =	vsel vm5, $0x3F800000, v0  }
0x45c: {  	vm6 =	veq.s32 v9, s24;
	v1 =	vadd.f32 v2, v1  }
0x45d: {  	v11 =	vld [tilespmem:$0x9FD0];
	v2 =	vsel vm6, $0x3F800000, v0  }
0x45e: {  	vm7 =	veq.s32 v10, s24;
	v1 =	vadd.f32 v2, v1  }
0x45f: {  	v12 =	vld [tilespmem:$0x9FE0];
	v2 =	vsel vm7, $0x3F800000, v0  }
0x460: {  	vm8 =	veq.s32 v3, s24;
	v1 =	vadd.f32 v2, v1  }
0x461: {  	v3 =	vld [tilespmem:$0x9FF0];
	v2 =	vsel vm8, $0x3F800000, v0  }
0x462: {  	vm9 =	veq.s32 v11, s24;
	v1 =	vadd.f32 v2, v1  }
0x463: {  	v13 =	vld [tilespmem:$0xA000];
	v2 =	vsel vm9, $0x3F800000, v0  }
0x464: {  	vm10 =	veq.s32 v12, s24;
	v1 =	vadd.f32 v2, v1  }
0x465: {  	v14 =	vld [tilespmem:$0xA010];
	v2 =	vsel vm10, $0x3F800000, v0  }
0x466: {  	vm11 =	veq.s32 v3, s24;
	v1 =	vadd.f32 v2, v1  }
0x467: {  	v3 =	vld [tilespmem:$0xA020];
	v2 =	vsel vm11, $0x3F800000, v0  }
0x468: {  	vm12 =	veq.s32 v13, s24;
	v1 =	vadd.f32 v2, v1  }
0x469: {  	v15 =	vld [tilespmem:$0xA030];
	v2 =	vsel vm12, $0x3F800000, v0  }
0x46a: {  	vm13 =	veq.s32 v14, s24;
	v1 =	vadd.f32 v2, v1  }
0x46b: {  	v16 =	vld [tilespmem:$0xA040];
	v2 =	vsel vm13, $0x3F800000, v0  }
0x46c: {  	vm14 =	veq.s32 v3, s24;
	v1 =	vadd.f32 v2, v1  }
0x46d: {  	v3 =	vld [tilespmem:$0xA050];
	v2 =	vsel vm14, $0x3F800000, v0  }
0x46e: {  	vm15 =	veq.s32 v15, s24;
	v1 =	vadd.f32 v2, v1  }
0x46f: {  	v17 =	vld [tilespmem:$0xA060];
	v2 =	vsel vm15, $0x3F800000, v0  }
0x470: {  	vm4 =	veq.s32 v16, s24;
	v1 =	vadd.f32 v2, v1  }
0x471: {  	v18 =	vld [tilespmem:$0xA070];
	v2 =	vsel vm4, $0x3F800000, v0  }
0x472: {  	vm5 =	veq.s32 v3, s24;
	v1 =	vadd.f32 v2, v1  }
0x473: {  	v3 =	vld [tilespmem:$0xA080];
	v2 =	vsel vm5, $0x3F800000, v0  }
0x474: {  	vm6 =	veq.s32 v17, s24;
	v1 =	vadd.f32 v2, v1  }
0x475: {  	v19 =	vld [tilespmem:$0xA090];
	v2 =	vsel vm6, $0x3F800000, v0  }
0x476: {  	vm7 =	veq.s32 v18, s24;
	v1 =	vadd.f32 v2, v1  }
0x477: {  	v20 =	vld [tilespmem:$0xA0A0];
	v2 =	vsel vm7, $0x3F800000, v0  }
0x478: {  	vm8 =	veq.s32 v3, s24;
	v1 =	vadd.f32 v2, v1  }
0x479: {  	v3 =	vld [tilespmem:$0xA0B0];
	v2 =	vsel vm8, $0x3F800000, v0  }
0x47a: {  	vm9 =	veq.s32 v19, s24;
	v1 =	vadd.f32 v2, v1  }
0x47b: {  	v21 =	vld [tilespmem:$0xA0C0];
	v2 =	vsel vm9, $0x3F800000, v0  }
0x47c: {  	vm10 =	veq.s32 v20, s24;
	v1 =	vadd.f32 v2, v1  }
0x47d: {  	v22 =	vld [tilespmem:$0xA0D0];
	v2 =	vsel vm10, $0x3F800000, v0  }
0x47e: {  	vm11 =	veq.s32 v3, s24;
	v1 =	vadd.f32 v2, v1  }
0x47f: {  	v3 =	vld [tilespmem:$0xA0E0];
	v2 =	vsel vm11, $0x3F800000, v0  }
0x480: {  	vm12 =	veq.s32 v21, s24;
	v1 =	vadd.f32 v2, v1  }
0x481: {  	v23 =	vld [tilespmem:$0xA0F0];
	v2 =	vsel vm12, $0x3F800000, v0  }
0x482: {  	vm13 =	veq.s32 v22, s24;
	v1 =	vadd.f32 v2, v1  }
0x483: {  	v24 =	vld [tilespmem:$0xA100];
	v2 =	vsel vm13, $0x3F800000, v0  }
0x484: {  	vm14 =	veq.s32 v3, s24;
	v1 =	vadd.f32 v2, v1  }
0x485: {  	v3 =	vld [tilespmem:$0xA110];
	v2 =	vsel vm14, $0x3F800000, v0  }
0x486: {  	vm15 =	veq.s32 v23, s24;
	v1 =	vadd.f32 v2, v1  }
0x487: {  	v25 =	vld [tilespmem:$0xA120];
	v2 =	vsel vm15, $0x3F800000, v0  }
0x488: {  	vm4 =	veq.s32 v24, s24;
	v1 =	vadd.f32 v2, v1  }
0x489: {  	v26 =	vld [tilespmem:$0xA130];
	v2 =	vsel vm4, $0x3F800000, v0  }
0x48a: {  	vm5 =	veq.s32 v3, s24;
	v1 =	vadd.f32 v2, v1  }
0x48b: {  	v3 =	vld [tilespmem:$0xA140];
	v2 =	vsel vm5, $0x3F800000, v0  }
0x48c: {  	vm6 =	veq.s32 v25, s24;
	v1 =	vadd.f32 v2, v1  }
0x48d: {  	v27 =	vld [tilespmem:$0xA150];
	v2 =	vsel vm6, $0x3F800000, v0  }
0x48e: {  	vm7 =	veq.s32 v26, s24;
	v1 =	vadd.f32 v2, v1  }
0x48f: {  	v28 =	vld [tilespmem:$0xA160];
	v2 =	vsel vm7, $0x3F800000, v0  }
0x490: {  	vm8 =	veq.s32 v3, s24;
	v1 =	vadd.f32 v2, v1  }
0x491: {  	v3 =	vld [tilespmem:$0xA170];
	v2 =	vsel vm8, $0x3F800000, v0  }
0x492: {  	vm9 =	veq.s32 v27, s24;
	v1 =	vadd.f32 v2, v1  }
0x493: {  	v29 =	vld [tilespmem:$0xA180];
	v2 =	vsel vm9, $0x3F800000, v0  }
0x494: {  	vm10 =	veq.s32 v28, s24;
	v1 =	vadd.f32 v2, v1  }
0x495: {  	v30 =	vld [tilespmem:$0xA190];
	v2 =	vsel vm10, $0x3F800000, v0  }
0x496: {  	vm11 =	veq.s32 v3, s24;
	v1 =	vadd.f32 v2, v1  }
0x497: {  	v3 =	vld [tilespmem:$0xA1A0];
	v2 =	vsel vm11, $0x3F800000, v0  }
0x498: {  	vm12 =	veq.s32 v29, s24;
	v1 =	vadd.f32 v2, v1  }
0x499: {  	v31 =	vld [tilespmem:$0xA1B0];
	v2 =	vsel vm12, $0x3F800000, v0  }
0x49a: {  	vm13 =	veq.s32 v30, s24;
	v1 =	vadd.f32 v2, v1  }
0x49b: {  	v32 =	vld [tilespmem:$0xA1C0];
	v2 =	vsel vm13, $0x3F800000, v0  }
0x49c: {  	vm14 =	veq.s32 v3, s24;
	v1 =	vadd.f32 v2, v1  }
0x49d: {  	v3 =	vld [tilespmem:$0xA1D0];
	v2 =	vsel vm14, $0x3F800000, v0  }
0x49e: {  	vm15 =	veq.s32 v31, s24;
	v1 =	vadd.f32 v2, v1  }
0x49f: {  	v33 =	vld [tilespmem:$0xA1E0];
	v2 =	vsel vm15, $0x3F800000, v0  }
0x4a0: {  	vm4 =	veq.s32 v32, s24;
	v1 =	vadd.f32 v2, v1  }
0x4a1: {  	v34 =	vld [tilespmem:$0xA1F0];
	v2 =	vsel vm4, $0x3F800000, v0  }
0x4a2: {  	vm5 =	veq.s32 v3, s24;
	v1 =	vadd.f32 v2, v1  }
0x4a3: {  	v3 =	vld [tilespmem:$0xA200];
	v2 =	vsel vm5, $0x3F800000, v0  }
0x4a4: {  	vm6 =	veq.s32 v33, s24;
	v1 =	vadd.f32 v2, v1  }
0x4a5: {  	v35 =	vld [tilespmem:$0xA210];
	v2 =	vsel vm6, $0x3F800000, v0  }
0x4a6: {  	vm7 =	veq.s32 v34, s24;
	v1 =	vadd.f32 v2, v1  }
0x4a7: {  	v36 =	vld [tilespmem:$0xA220];
	v2 =	vsel vm7, $0x3F800000, v0  }
0x4a8: {  	vm8 =	veq.s32 v3, s24;
	v1 =	vadd.f32 v2, v1  }
0x4a9: {  	v3 =	vld [tilespmem:$0xA230];
	v2 =	vsel vm8, $0x3F800000, v0  }
0x4aa: {  	vm9 =	veq.s32 v35, s24;
	v1 =	vadd.f32 v2, v1  }
0x4ab: {  	v37 =	vld [tilespmem:$0xA240];
	v2 =	vsel vm9, $0x3F800000, v0  }
0x4ac: {  	vm10 =	veq.s32 v36, s24;
	v1 =	vadd.f32 v2, v1  }
0x4ad: {  	v38 =	vld [tilespmem:$0xA250];
	v2 =	vsel vm10, $0x3F800000, v0  }
0x4ae: {  	vm11 =	veq.s32 v3, s24;
	v1 =	vadd.f32 v2, v1  }
0x4af: {  	v3 =	vld [tilespmem:$0xA260];
	v2 =	vsel vm11, $0x3F800000, v0  }
0x4b0: {  	vm12 =	veq.s32 v37, s24;
	v1 =	vadd.f32 v2, v1  }
0x4b1: {  	v39 =	vld [tilespmem:$0xA270];
	v2 =	vsel vm12, $0x3F800000, v0  }
0x4b2: {  	vm13 =	veq.s32 v38, s24;
	v1 =	vadd.f32 v2, v1  }
0x4b3: {  	v40 =	vld [tilespmem:$0xA280];
	v2 =	vsel vm13, $0x3F800000, v0  }
0x4b4: {  	vm14 =	veq.s32 v3, s24;
	v1 =	vadd.f32 v2, v1  }
0x4b5: {  	v3 =	vld [tilespmem:$0xA290];
	v2 =	vsel vm14, $0x3F800000, v0  }
0x4b6: {  	vm15 =	veq.s32 v39, s24;
	v1 =	vadd.f32 v2, v1  }
0x4b7: {  	v41 =	vld [tilespmem:$0xA2A0];
	v2 =	vsel vm15, $0x3F800000, v0  }
0x4b8: {  	vm4 =	veq.s32 v40, s24;
	v1 =	vadd.f32 v2, v1  }
0x4b9: {  	v42 =	vld [tilespmem:$0xA2B0];
	v2 =	vsel vm4, $0x3F800000, v0  }
0x4ba: {  	vm5 =	veq.s32 v3, s24;
	v1 =	vadd.f32 v2, v1  }
0x4bb: {  	v3 =	vld [tilespmem:$0xA2C0];
	v2 =	vsel vm5, $0x3F800000, v0  }
0x4bc: {  	vm6 =	veq.s32 v41, s24;
	v1 =	vadd.f32 v2, v1  }
0x4bd: {  	v43 =	vld [tilespmem:$0xA2D0];
	v2 =	vsel vm6, $0x3F800000, v0  }
0x4be: {  	vm7 =	veq.s32 v42, s24;
	v1 =	vadd.f32 v2, v1  }
0x4bf: {  	v44 =	vld [tilespmem:$0xA2E0];
	v2 =	vsel vm7, $0x3F800000, v0  }
0x4c0: {  	vm8 =	veq.s32 v3, s24;
	v1 =	vadd.f32 v2, v1  }
0x4c1: {  	v3 =	vld [tilespmem:$0xA2F0];
	v2 =	vsel vm8, $0x3F800000, v0  }
0x4c2: {  	vm9 =	veq.s32 v43, s24;
	v1 =	vadd.f32 v2, v1  }
0x4c3: {  	v45 =	vld [tilespmem:$0xA300];
	v2 =	vsel vm9, $0x3F800000, v0  }
0x4c4: {  	vm10 =	veq.s32 v44, s24;
	v1 =	vadd.f32 v2, v1  }
0x4c5: {  	v46 =	vld [tilespmem:$0xA310];
	v2 =	vsel vm10, $0x3F800000, v0  }
0x4c6: {  	vm11 =	veq.s32 v3, s24;
	v1 =	vadd.f32 v2, v1  }
0x4c7: {  	v3 =	vld [tilespmem:$0xA320];
	v2 =	vsel vm11, $0x3F800000, v0  }
0x4c8: {  	vm12 =	veq.s32 v45, s24;
	v1 =	vadd.f32 v2, v1  }
0x4c9: {  	v47 =	vld [tilespmem:$0xA330];
	v2 =	vsel vm12, $0x3F800000, v0  }
0x4ca: {  	vm13 =	veq.s32 v46, s24;
	v1 =	vadd.f32 v2, v1  }
0x4cb: {  	v48 =	vld [tilespmem:$0xA340];
	v2 =	vsel vm13, $0x3F800000, v0  }
0x4cc: {  	vm14 =	veq.s32 v3, s24;
	v1 =	vadd.f32 v2, v1  }
0x4cd: {  	v3 =	vld [tilespmem:$0xA350];
	v2 =	vsel vm14, $0x3F800000, v0  }
0x4ce: {  	vm15 =	veq.s32 v47, s24;
	v1 =	vadd.f32 v2, v1  }
0x4cf: {  	v49 =	vld [tilespmem:$0xA360];
	v2 =	vsel vm15, $0x3F800000, v0  }
0x4d0: {  	vm4 =	veq.s32 v48, s24;
	v1 =	vadd.f32 v2, v1  }
0x4d1: {  	v50 =	vld [tilespmem:$0xA370];
	v2 =	vsel vm4, $0x3F800000, v0  }
0x4d2: {  	vm5 =	veq.s32 v3, s24;
	v1 =	vadd.f32 v2, v1  }
0x4d3: {  	v3 =	vld [tilespmem:$0xA380];
	v2 =	vsel vm5, $0x3F800000, v0  }
0x4d4: {  	vm6 =	veq.s32 v49, s24;
	v1 =	vadd.f32 v2, v1  }
0x4d5: {  	v51 =	vld [tilespmem:$0xA390];
	v2 =	vsel vm6, $0x3F800000, v0  }
0x4d6: {  	vm7 =	veq.s32 v50, s24;
	v1 =	vadd.f32 v2, v1  }
0x4d7: {  	v52 =	vld [tilespmem:$0xA3A0];
	v2 =	vsel vm7, $0x3F800000, v0  }
0x4d8: {  	vm8 =	veq.s32 v3, s24;
	v1 =	vadd.f32 v2, v1  }
0x4d9: {  	v3 =	vld [tilespmem:$0xA3B0];
	v2 =	vsel vm8, $0x3F800000, v0  }
0x4da: {  	vm9 =	veq.s32 v51, s24;
	v1 =	vadd.f32 v2, v1  }
0x4db: {  	v53 =	vld [tilespmem:$0xA3C0];
	v2 =	vsel vm9, $0x3F800000, v0  }
0x4dc: {  	vm10 =	veq.s32 v52, s24;
	v1 =	vadd.f32 v2, v1  }
0x4dd: {  	v54 =	vld [tilespmem:$0xA3D0];
	v2 =	vsel vm10, $0x3F800000, v0  }
0x4de: {  	vm11 =	veq.s32 v3, s24;
	v1 =	vadd.f32 v2, v1  }
0x4df: {  	v3 =	vld [tilespmem:$0xA3E0];
	v2 =	vsel vm11, $0x3F800000, v0  }
0x4e0: {  	vm12 =	veq.s32 v53, s24;
	v1 =	vadd.f32 v2, v1  }
0x4e1: {  	v55 =	vld [tilespmem:$0xA3F0];
	v2 =	vsel vm12, $0x3F800000, v0  }
0x4e2: {  	vm13 =	veq.s32 v54, s24;
	v1 =	vadd.f32 v2, v1  }
0x4e3: {  	v56 =	vld [tilespmem:$0xA400];
	v2 =	vsel vm13, $0x3F800000, v0  }
0x4e4: {  	vm14 =	veq.s32 v3, s24;
	v1 =	vadd.f32 v2, v1  }
0x4e5: {  	v3 =	vld [tilespmem:$0xA410];
	v2 =	vsel vm14, $0x3F800000, v0  }
0x4e6: {  	vm15 =	veq.s32 v55, s24;
	v1 =	vadd.f32 v2, v1  }
0x4e7: {  	v57 =	vld [tilespmem:$0xA420];
	v2 =	vsel vm15, $0x3F800000, v0  }
0x4e8: {  	vm4 =	veq.s32 v56, s24;
	v1 =	vadd.f32 v2, v1  }
0x4e9: {  	v58 =	vld [tilespmem:$0xA430];
	v2 =	vsel vm4, $0x3F800000, v0  }
0x4ea: {  	vm5 =	veq.s32 v3, s24;
	v1 =	vadd.f32 v2, v1  }
0x4eb: {  	v3 =	vld [tilespmem:$0xA440];
	v2 =	vsel vm5, $0x3F800000, v0  }
0x4ec: {  	vm6 =	veq.s32 v57, s24;
	v1 =	vadd.f32 v2, v1  }
0x4ed: {  	v59 =	vld [tilespmem:$0xA450];
	v2 =	vsel vm6, $0x3F800000, v0  }
0x4ee: {  	vm7 =	veq.s32 v58, s24;
	v1 =	vadd.f32 v2, v1  }
0x4ef: {  	v60 =	vld [tilespmem:$0xA460];
	v2 =	vsel vm7, $0x3F800000, v0  }
0x4f0: {  	vm8 =	veq.s32 v3, s24;
	v1 =	vadd.f32 v2, v1  }
0x4f1: {  	v3 =	vld [tilespmem:$0xA470];
	v2 =	vsel vm8, $0x3F800000, v0  }
0x4f2: {  	vm9 =	veq.s32 v59, s24;
	v1 =	vadd.f32 v2, v1  }
0x4f3: {  	v61 =	vld [tilespmem:$0xA480];
	v2 =	vsel vm9, $0x3F800000, v0  }
0x4f4: {  	vm10 =	veq.s32 v60, s24;
	v1 =	vadd.f32 v2, v1  }
0x4f5: {  	v62 =	vld [tilespmem:$0xA490];
	v2 =	vsel vm10, $0x3F800000, v0  }
0x4f6: {  	vm11 =	veq.s32 v3, s24;
	v1 =	vadd.f32 v2, v1  }
0x4f7: {  	v3 =	vld [tilespmem:$0xA4A0];
	v2 =	vsel vm11, $0x3F800000, v0  }
0x4f8: {  	vm12 =	veq.s32 v61, s24;
	v1 =	vadd.f32 v2, v1  }
0x4f9: {  	v63 =	vld [tilespmem:$0xA4B0];
	v2 =	vsel vm12, $0x3F800000, v0  }
0x4fa: {  	vm13 =	veq.s32 v62, s24;
	v1 =	vadd.f32 v2, v1  }
0x4fb: {  	v2 =	vsel vm13, $0x3F800000, v0  }
0x4fc: {  	vm14 =	veq.s32 v3, s24;
	v1 =	vadd.f32 v2, v1  }
0x4fd: {  	v2 =	vsel vm14, $0x3F800000, v0  }
0x4fe: {  	vm15 =	veq.s32 v63, s24;
	v1 =	vadd.f32 v2, v1  }
0x4ff: {  	v2 =	vsel vm15, $0x3F800000, v0  }
0x500: {  	v1 =	vadd.f32 v2, v1  }
0x501: {  	s23 =	sadd.s32 $0x80, s23  }
0x502: {  	[tilespmem:s23+$0x0] =	vst v1;
	s23 =	simm.s32 $0x0  }
0x503: {  	[hbm4b:s7+s23] =	stream.linear.scatter [tilespmem:s18], [sflag:$0x3], $0x2000, $0x38;
	[tilespmem:$0xC700] =	vst v63  }
0x504: {  	_ =	swait.ge [sflag:s13], $0x2000  }
0x505: {  	[sflag:s13] =	ssyncset.done $0x0  }
0x506: {  	s25 =	smov.u32 s12;
	[sflag:s13] =	ssyncadd.s32 $0xFFFFE000  }
0x507: {  	s26 =	simm.s32 $0x0;
	s24 =	simm.s32 $0x8800;
	[bflag:$0x0] =	sbarrier.arrive $0xFFFF  }
.LBB2_4:
0x508: {  	[tilespmem:s26], [sflag:$0x1] =	stream.linear.gather [hbm4b:s25+s3], $0x3C00, $0x38;
	[tilespmem:$0xC700] =	vst v63  }
0x509: {  	s31 =	sand.u32 $0x1, s23  }
0x50a: {  	s26 =	simm.s32 $0x3C00;
	_ =	swait.ge [sflag:s19], $0x3C00;
	p1 =	seq.s32 s31, $0x1  }
0x50b: {  	[sflag:s19] =	ssyncset.done $0x0;
	s26 =	simm.s32 @!p1 $0x0;
	p1 =	seq.s32 s23, $0x0  }
0x50c: {  	[sflag:s19] =	ssyncadd.s32 $0xFFFFC400;
	p2 =	seq.s32 @!p1 s23, $0x19  }
0x50d: {  	[spmem:s2] =	stream.indirect.scatter.add.f32 [tilespmem:s26], [sflag:$0x2], $0x80, s24, s20, $0xb8;
	[tilespmem:$0xC700] =	vst v63  }
0x50e: {  	p2 =	por p1, !p2  }
.Ltmp3:
0x50f: {  	_ = 	snop;
	(pc) =	sbr.rel @!p2 .LBB2_6-.Ltmp3, $4  }
0x510: {  	s26 =	simm.s32 @!p1 $0x2  }
0x511: {  	_ =	swait.ge @!p1 [sflag:s26], $0x3C00  }
0x512: {  	[sflag:s26] =	ssyncset.done @!p1 $0x0  }
0x513: {  	[sflag:s26] =	ssyncadd.s32 @!p1 $0xFFFFC400  }
.Ltmp4:
0x514: {  	(pc) =	sbr.rel .LBB2_4-.Ltmp4, $4  }
0x515: {  	s23 =	sadd.s32 $0x1, s23  }
0x516: {  	s26 =	sand.u32 $0x1, s23  }
0x517: {  	p1 =	seq.s32 s26, $0x1;
	s26 =	simm.s32 $0x3C00  }
0x518: {  	s25 =	sadd.s32 $0x780, s25;
	s24 =	sadd.s32 $0x80, s24;
	s26 =	simm.s32 @!p1 $0x0  }
.LBB2_7:
0x519: {  	_ =	sfence.sel $0x180000  }
0x51a: {  	[bflag:$0x0] =	sbarrier.arrive $0xFFFF  }
0x51b: {  	p0 =	sne.s32 s0, $0x0;
	_ =	strace $0x90000047  }
0x51c: {  	s0 =	sadd.s32 @!p0 $0x100000, s1;
	[bflag:$0x2] =	sbarrier.arrive $0xFFFF  }
0x51d: {  	[sflag:s0] =	ssyncadd.tile.s32 @!p0 $0x1;
	_ =	shalt  }
.Lfunc_end2:
_tile_overlayer_lowered:
.L_overlay_start_2:
0x51e: {  	(tag) =	ssettag $0x2  }
0x51f: {  	s0 =	rddreg [dreg:$0x0];
	s2 =	stileid.u32  }
0x520: {  	s1 =	rddreg [dreg:$0x1];
	p0 =	sne.s32 s2, $0x0  }
0x521: {  	s3 =	rddreg [dreg:$0x2];
	[bflag:$0x3] =	sbarrier.arrive $0xFFFF;
	s2 =	simm.s32 @!p0 $0x1C03  }
0x522: {  	[timem:s3], [sflag:s2] =	dma.local @!p0 [hbm:s0], s1  }
0x523: {  	s0 =	simm.s32 @!p0 $0x3  }
0x524: {  	_ =	swait.ge @!p0 [sflag:s0], s1  }
0x525: {  	s1 =	ssub.s32 @!p0 $0x0, s1;
	[sflag:s0] =	ssyncset.done @!p0 $0x0  }
0x526: {  	[sflag:s0] =	ssyncadd.s32 @!p0 s1  }
0x527: {  	[bflag:$0x3] =	sbarrier.arrive $0xFFFF  }
0x528: {  	_ =	shalt  }

</sc_bundles>
